<compile_context>
chip_gen: v7x
topology: tpu7x:2x2x1
jax: 0.10.2.dev20260603
libtpu: 0.0.44.dev20260713+nightly
codegen_flags: <defaults>
</compile_context>

<pallas_src>
import functools

import jax
import jax.numpy as jnp
from jax import lax
from jax.experimental import pallas as pl
from jax.experimental.pallas import tpu as pltpu
from jax.experimental.pallas import tpu_sc as plsc

PI = 3.141592653589793
GAMMA = 24.0
EPS = 2.0
CEN = 0.02
DIM = 64
ER = (GAMMA + EPS) / DIM
SCALE = PI / ER

_NC = 2
_NS = 16
_NW = _NC * _NS
_C = 64


def _sc_gather(eidx, tidx, ent):
    B = eidx.shape[0]
    D = ent.shape[1]
    bpw = B // _NW
    nch = bpw // _C
    mesh = plsc.VectorSubcoreMesh(
        core_axis_name="c", subcore_axis_name="s",
        num_cores=_NC, num_subcores=_NS)
    out_t = (jax.ShapeDtypeStruct((B, D), jnp.float32),
             jax.ShapeDtypeStruct((B, D), jnp.float32))

    @functools.partial(
        pl.kernel,
        out_type=out_t,
        mesh=mesh,
        scratch_types=[
            pltpu.VMEM((_C,), jnp.int32),
            pltpu.VMEM((_C, 8, D), jnp.float32),
            pltpu.VMEM((_C, D), jnp.float32),
            pltpu.SemaphoreType.DMA,
        ],
        compiler_params=pltpu.CompilerParams(
            use_tc_tiling_on_sc=True, needs_layout_passes=False),
    )
    def k(eidx_h, tidx_h, ent_h, head_o, tail_o,
          idx_v, grp_v, out_v, sem):
        wid = lax.axis_index("s") * _NC + lax.axis_index("c")
        base = wid * bpw
        lanes = lax.iota(jnp.int32, 16)

        for idx_h, out_h in ((eidx_h, head_o), (tidx_h, tail_o)):
            for ch in range(nch):
                off = base + ch * _C
                pltpu.sync_copy(idx_h.at[pl.ds(off, _C)], idx_v)

                def enq(j, carry):
                    c16 = pl.multiple_of((j >> 4) * 16, 16)
                    grpvec = idx_v[pl.ds(c16, 16)]
                    scalar_idx = jnp.max(
                        jnp.where(lanes == (j & 15), grpvec, 0))
                    g8 = pl.multiple_of(scalar_idx & ~7, 8)
                    pltpu.async_copy(
                        ent_h.at[pl.ds(g8, 8), :], grp_v.at[j], sem)
                    return carry

                lax.fori_loop(0, _C, enq, 0)

                def drain(j, carry):
                    pltpu.make_async_copy(
                        ent_h.at[pl.ds(0, 8), :], grp_v.at[j], sem).wait()
                    return carry

                lax.fori_loop(0, _C, drain, 0)

                def extract(j, carry):
                    c16 = pl.multiple_of((j >> 4) * 16, 16)
                    grpvec = idx_v[pl.ds(c16, 16)]
                    svec = jnp.take(grpvec, jnp.full((16,), j & 15,
                                                     jnp.int32)) & 7
                    rowvec = jnp.full((16,), j, jnp.int32)
                    for c in range(D // 16):
                        v = plsc.load_gather(
                            grp_v, [rowvec, svec, lanes + c * 16])
                        out_v[j, pl.ds(c * 16, 16)] = v
                    return carry

                lax.fori_loop(0, _C, extract, 0)
                pltpu.sync_copy(out_v, out_h.at[pl.ds(off, _C), :])

    return k(eidx, tidx, ent)


def _tc_table_prep(rax, rarg, tax, targ):

    def body(rax_ref, rarg_ref, tax_ref, targ_ref,
             rax_o, rarg_o, tax_o, targ_o):
        rax_o[...] = jnp.tanh(rax_ref[...] * SCALE) * PI
        tax_o[...] = jnp.tanh(tax_ref[...] * SCALE) * PI
        rarg_o[...] = jnp.tanh(rarg_ref[...] * (2.0 * SCALE)) * (PI / 2) + PI / 2
        targ_o[...] = jnp.tanh(targ_ref[...] * (2.0 * SCALE)) * (PI / 2) + PI / 2

    shapes = tuple(jax.ShapeDtypeStruct(t.shape, jnp.float32)
                   for t in (rax, rarg, tax, targ))
    return pl.pallas_call(body, out_shape=shapes)(rax, rarg, tax, targ)


def _abs_sin(x):
    a1 = 3.141592653589793
    a3 = -5.16771278004997
    a5 = 2.550164039877345
    a7 = -0.5992645293207921
    a9 = 0.08214588661112822
    a11 = -0.00737043094571435
    y = x * (1.0 / PI)
    y = y - jnp.round(y)
    y2 = y * y
    p = a9 + y2 * a11
    p = a7 + y2 * p
    p = a5 + y2 * p
    p = a3 + y2 * p
    s = y * (a1 + y2 * p)
    return jnp.abs(s)


def _tc_body(head_ref, tail_ref, ridx_ref, xidx_ref,
             rax_ref, rarg_ref, tax_ref, targ_ref,
             w1a_ref, w1b_ref, w2_ref, w0a_ref, w0b_ref,
             b1_ref, b2_ref, b0a_ref, b0b_ref, mod_ref, out_ref):
    f32 = jnp.float32
    mmT = (((1,), (1,)), ((), ()))
    mmL = (((0,), (0,)), ((), ()))

    nrel = rax_ref.shape[0]
    ntime = tax_ref.shape[0]
    blk = head_ref.shape[0]

    head_axis = jnp.tanh(head_ref[...] * SCALE) * PI
    tail_axis = jnp.tanh(tail_ref[...] * SCALE) * PI

    ridx = ridx_ref[0]
    xidx = xidx_ref[0]
    ohr = (lax.broadcasted_iota(jnp.int32, (nrel, blk), 0) == ridx).astype(f32)
    ohx = (lax.broadcasted_iota(jnp.int32, (ntime, blk), 0) == xidx).astype(f32)

    r_axis = lax.dot_general(ohr, rax_ref[...], mmL, preferred_element_type=f32)
    r_arg = lax.dot_general(ohr, rarg_ref[...], mmL, preferred_element_type=f32)
    t_axis = lax.dot_general(ohx, tax_ref[...], mmL, preferred_element_type=f32)
    t_arg = lax.dot_general(ohx, targ_ref[...], mmL, preferred_element_type=f32)

    xa = head_axis + r_axis + t_axis
    xb = r_arg + t_arg

    h = (lax.dot_general(xa, w1a_ref[...], mmT, preferred_element_type=f32)
         + lax.dot_general(xb, w1b_ref[...], mmT, preferred_element_type=f32)
         + b1_ref[...])
    h = jnp.maximum(h, 0.0)
    h = lax.dot_general(h, w2_ref[...], mmT, preferred_element_type=f32) + b2_ref[...]
    h = jnp.maximum(h, 0.0)
    qa_raw = lax.dot_general(h, w0a_ref[...], mmT, preferred_element_type=f32) + b0a_ref[...]
    qb_raw = lax.dot_general(h, w0b_ref[...], mmT, preferred_element_type=f32) + b0b_ref[...]

    q_axis = jnp.tanh(qa_raw) * PI
    q_arg = jnp.tanh(2.0 * qb_raw) * (PI / 2) + PI / 2

    dqa = tail_axis - q_axis
    half = q_arg * 0.5
    d2a = _abs_sin(dqa * 0.5)
    dbase = _abs_sin(half)
    s1 = _abs_sin((dqa + half) * 0.5)
    s2 = _abs_sin((dqa - half) * 0.5)
    dout = jnp.where(d2a < dbase, 0.0, jnp.minimum(s1, s2))
    din = jnp.minimum(d2a, dbase)
    comb = dout + CEN * din
    ones = jnp.ones((1, DIM), f32)
    red = lax.dot_general(ones, comb, mmT, preferred_element_type=f32)
    out_ref[0] = GAMMA - red * mod_ref[0]


def _tc_score(head, tail, ridx, xidx, rax_t, rarg_t, tax_t, targ_t,
              W1, b1, W2, b2, W0, b0, modulus):
    B = head.shape[0]
    D = DIM
    HID = W1.shape[0]
    NREL = rax_t.shape[0]
    NTIME = tax_t.shape[0]
    blk = 1024
    nblk = B // blk

    row_spec = pl.BlockSpec((blk, D), lambda i: (i, 0))
    idx_spec = pl.BlockSpec((1, 1, blk), lambda i: (i, 0, 0))
    full = lambda shape: pl.BlockSpec(shape, lambda i: tuple(0 for _ in shape))

    out3 = pl.pallas_call(
        _tc_body,
        grid=(nblk,),
        in_specs=[
            row_spec, row_spec, idx_spec, idx_spec,
            full((NREL, D)), full((NREL, D)), full((NTIME, D)), full((NTIME, D)),
            full((HID, D)), full((HID, D)), full((HID, HID)),
            full((D, HID)), full((D, HID)),
            full((1, HID)), full((1, HID)), full((1, D)), full((1, D)),
            pl.BlockSpec(memory_space=pltpu.SMEM),
        ],
        out_specs=pl.BlockSpec((1, 1, blk), lambda i: (i, 0, 0)),
        out_shape=jax.ShapeDtypeStruct((nblk, 1, blk), jnp.float32),
        compiler_params=pltpu.CompilerParams(
            fuse_transposed_lhs_in_matmul=True),
    )(head, tail,
      ridx.reshape(nblk, 1, blk), xidx.reshape(nblk, 1, blk),
      rax_t, rarg_t, tax_t, targ_t,
      W1[:, :D], W1[:, D:], W2, W0[:D], W0[D:],
      b1.reshape(1, HID), b2.reshape(1, HID),
      b0[:D].reshape(1, D), b0[D:].reshape(1, D),
      modulus.reshape(1))
    return out3.reshape(B)


def kernel(entity_idx, relation_idx, time_idx, tail_idx,
           entity_embedding, axis_embedding, arg_embedding,
           axis_time_embedding, arg_time_embedding,
           W1, b1, W2, b2, W0, b0, modulus):
    B = entity_idx.shape[0]
    rax_t, rarg_t, tax_t, targ_t = _tc_table_prep(
        axis_embedding, arg_embedding, axis_time_embedding,
        arg_time_embedding)
    halves = []
    nh = 4
    hb = B // nh
    for h in range(nh):
        sl = slice(h * hb, (h + 1) * hb)
        head, tail = _sc_gather(entity_idx[sl], tail_idx[sl],
                                entity_embedding)
        halves.append(_tc_score(head, tail, relation_idx[sl], time_idx[sl],
                                rax_t, rarg_t, tax_t, targ_t,
                                W1, b1, W2, b2, W0, b0, modulus))
    return jnp.concatenate(halves)

# --- scband reference (transcript-rebuilt; emitter-appended) ---
"""Pipeline reference for scband-log-qfstkg-4303557230637 (READ-ONLY COPY).

The authoritative reference and input builder live on the scoring server;
editing this copy changes nothing except your own understanding.
"""

import jax, jax.numpy as jnp
import numpy as np

PI = 3.141592653589793
NENT = 1000000
NREL = 500
NTIME = 365
DIM = 64
HID = 128
GAMMA = 24.0
EPS = 2.0
CEN = 0.02
ER = (GAMMA + EPS) / DIM  # embedding_range
B = 16384


def convert_to_arg(x):
    return jnp.tanh(2.0 * x) * PI / 2.0 + PI / 2.0


def convert_to_axis(x):
    return jnp.tanh(x) * PI


def angle_scale(x, scale=PI):
    return x / ER * scale


def setup_inputs(seed: int = 0) -> dict:
    key = jax.random.key(seed)
    ks = jax.random.split(key, 20)
    u = lambda k, shape: jax.random.uniform(k, shape, jnp.float32, -ER, ER)
    inp = {}
    inp["entity_idx"] = jax.random.randint(ks[0], (B,), 0, NENT)
    inp["relation_idx"] = jax.random.randint(ks[1], (B,), 0, NREL)
    inp["time_idx"] = jax.random.randint(ks[2], (B,), 0, NTIME)
    inp["tail_idx"] = jax.random.randint(ks[3], (B,), 0, NENT)
    inp["entity_embedding"] = u(ks[4], (NENT, DIM))
    inp["axis_embedding"] = u(ks[5], (NREL, DIM))
    inp["arg_embedding"] = u(ks[6], (NREL, DIM))
    inp["axis_time_embedding"] = u(ks[7], (NTIME, DIM))
    inp["arg_time_embedding"] = u(ks[8], (NTIME, DIM))
    # ConeProjection MLP params (layer1: 2*DIM->HID, layer2: HID->HID, layer0: HID->2*DIM)
    inp["W1"] = jax.random.normal(ks[9], (HID, 2 * DIM), jnp.float32) * (1.0 / np.sqrt(2 * DIM))
    inp["b1"] = jnp.zeros((HID,), jnp.float32)
    inp["W2"] = jax.random.normal(ks[10], (HID, HID), jnp.float32) * (1.0 / np.sqrt(HID))
    inp["b2"] = jnp.zeros((HID,), jnp.float32)
    inp["W0"] = jax.random.normal(ks[11], (2 * DIM, HID), jnp.float32) * (1.0 / np.sqrt(HID))
    inp["b0"] = jnp.zeros((2 * DIM,), jnp.float32)
    inp["modulus"] = jnp.array(0.5 * ER, jnp.float32)
    return inp


def reference(entity_idx, relation_idx, time_idx, tail_idx,
              entity_embedding, axis_embedding, arg_embedding,
              axis_time_embedding, arg_time_embedding,
              W1, b1, W2, b2, W0, b0, modulus):
    # embedding lookups (SparseCore gathers)
    head = jnp.take(entity_embedding, entity_idx, axis=0)
    head_axis = convert_to_axis(angle_scale(head))
    head_arg = jnp.zeros_like(head_axis)
    r_axis = convert_to_axis(angle_scale(jnp.take(axis_embedding, relation_idx, axis=0)))
    r_arg = convert_to_arg(angle_scale(jnp.take(arg_embedding, relation_idx, axis=0)))
    t_axis = convert_to_axis(angle_scale(jnp.take(axis_time_embedding, time_idx, axis=0)))
    t_arg = convert_to_arg(angle_scale(jnp.take(arg_time_embedding, time_idx, axis=0)))
    # cone projection
    x = jnp.concatenate([head_axis + r_axis + t_axis, head_arg + r_arg + t_arg], axis=-1)
    h = jax.nn.relu(x @ W1.T + b1)
    h = jax.nn.relu(h @ W2.T + b2)
    h = h @ W0.T + b0
    q_axis_raw, q_arg_raw = jnp.split(h, 2, axis=-1)
    q_axis = convert_to_axis(q_axis_raw)
    q_arg = convert_to_arg(q_arg_raw)
    # score against tail entities (second big gather)
    tail_axis = convert_to_axis(angle_scale(jnp.take(entity_embedding, tail_idx, axis=0)))
    delta1 = tail_axis - (q_axis - q_arg / 2.0)
    delta2 = tail_axis - (q_axis + q_arg / 2.0)
    distance2axis = jnp.abs(jnp.sin((tail_axis - q_axis) / 2.0))
    distance_base = jnp.abs(jnp.sin(q_arg / 2.0))
    indicator_in = distance2axis < distance_base
    distance_out = jnp.minimum(jnp.abs(jnp.sin(delta1 / 2.0)), jnp.abs(jnp.sin(delta2 / 2.0)))
    distance_out = jnp.where(indicator_in, 0.0, distance_out)
    distance_in = jnp.minimum(distance2axis, distance_base)
    distance = jnp.sum(distance_out, axis=-1) * modulus + CEN * jnp.sum(distance_in, axis=-1) * modulus
    logit = GAMMA - distance
    return logit

if __name__ == "__main__":
    import jax
    _d = setup_inputs()
    print(jax.jit(kernel)(*tuple(_d.values())))

</pallas_src>

<mosaic_0001>
#map = affine_map<(d0, d1) -> (0)>
#map1 = affine_map<(d0, d1) -> (0, 0)>
module attributes {stable_mosaic.version = 14 : i64} {
  func.func @k(%arg0: i32, %arg1: i32, %arg2: memref<4096xi32, #tpu.memory_space<hbm>>, %arg3: memref<4096xi32, #tpu.memory_space<hbm>>, %arg4: memref<1000000x64xf32, #tpu.memory_space<hbm>>, %arg5: memref<4096x64xf32, #tpu.memory_space<hbm>>, %arg6: memref<4096x64xf32, #tpu.memory_space<hbm>>, %arg7: memref<64xi32, #tpu.memory_space<vmem>>, %arg8: memref<64x8x64xf32, #tpu.memory_space<vmem>>, %arg9: memref<64x64xf32, #tpu.memory_space<vmem>>, %arg10: memref<!tpu.dma_semaphore, #tpu.memory_space<semaphore_mem>>) attributes {dimension_semantics = [#tpu.dimension_semantics<core_parallel>, #tpu.dimension_semantics<subcore_parallel>], iteration_bounds = array<i64: 2, 16>, scalar_prefetch = 0 : i64, scratch_operands = 4 : i64, tpu.core_type = #tpu.core_type<sc_vector_subcore>, window_params = [{transform_indices = #map}, {transform_indices = #map}, {transform_indices = #map1}, {transform_indices = #map1}, {transform_indices = #map1}]} {
    %mul3A = arith.constant 2 : i32
    %mul3A_0 = arith.muli %arg1, %mul3A : i32
    %add3A = arith.addi %mul3A_0, %arg0 : i32
    %mul3A_1 = arith.constant 128 : i32
    %mul3A_2 = arith.muli %add3A, %mul3A_1 : i32
    %iota3A = tpu.iota {dimensions = array<i32: 0>} : vector<16xi32>
    %add3A_3 = arith.constant 0 : i32
    %add3A_4 = arith.addi %mul3A_2, %add3A_3 : i32
    "tpu.region"() ({
      %run_scoped3A = tpu.sem_alloc : memref<!tpu.dma_semaphore, #tpu.memory_space<semaphore_mem>>
      %dma_start3A = tpu.memref_slice %arg2[%add3A_4] : memref<4096xi32, #tpu.memory_space<hbm>> -> memref<64xi32, #tpu.memory_space<hbm>>
      %dma_start3A_82 = tpu.memref_slice %arg2[%add3A_4] : memref<4096xi32, #tpu.memory_space<hbm>> -> memref<64xi32, #tpu.memory_space<hbm>>
      tpu.enqueue_dma source(%dma_start3A_82 : memref<64xi32, #tpu.memory_space<hbm>>) target(%arg7 : memref<64xi32, #tpu.memory_space<vmem>>) target_semaphore(%run_scoped3A : memref<!tpu.dma_semaphore, #tpu.memory_space<semaphore_mem>>)
      %dma_wait3A = tpu.memref_slice %arg2[%add3A_4] : memref<4096xi32, #tpu.memory_space<hbm>> -> memref<64xi32, #tpu.memory_space<hbm>>
      %dma_wait3A_83 = tpu.memref_slice %arg2[%add3A_4] : memref<4096xi32, #tpu.memory_space<hbm>> -> memref<64xi32, #tpu.memory_space<hbm>>
      tpu.wait_dma2 semaphore(%run_scoped3A : memref<!tpu.dma_semaphore, #tpu.memory_space<semaphore_mem>>) src(%dma_wait3A_83 : memref<64xi32, #tpu.memory_space<hbm>>) dst(%arg7 : memref<64xi32, #tpu.memory_space<vmem>>)
      tpu.yield
    }) : () -> ()
    %scan3A = arith.constant 0 : i32
    %scan3A_5 = arith.constant 0 : i32
    %scan3A_6 = arith.constant 64 : i32
    %scan3A_7 = arith.addi %scan3A_5, %scan3A_6 : i32
    %scan3A_8 = arith.constant 1 : i32
    scf.for %scan3A_82 = %scan3A_5 to %scan3A_7 step %scan3A_8  : i32 {
      %shift_right_arithmetic3A = arith.constant 4 : i32
      %shift_right_arithmetic3A_83 = arith.shrsi %scan3A_82, %shift_right_arithmetic3A : i32
      %mul3A_84 = arith.constant 16 : i32
      %mul3A_85 = arith.muli %shift_right_arithmetic3A_83, %mul3A_84 : i32
      %multiple_of3A = tpu.assume_multiple %mul3A_85, 16 : i32
      %get3A = arith.index_cast %multiple_of3A : i32 to index
      %get3A_86 = tpu.vector_load %arg7[%get3A] {strides = array<i32>} : memref<64xi32, #tpu.memory_space<vmem>>, vector<16xi32>,
      %and3A = arith.constant 15 : i32
      %and3A_87 = arith.andi %scan3A_82, %and3A : i32
      %eq3A = vector.broadcast %and3A_87 : i32 to vector<16xi32>
      %eq3A_88 = arith.cmpi eq, %iota3A, %eq3A : vector<16xi32>
      %jit3A = arith.constant 0 : i32
      %broadcast_in_dim3A = vector.broadcast %jit3A : i32 to vector<16xi32>
      %select_n3A = arith.select %eq3A_88, %get3A_86, %broadcast_in_dim3A : vector<16xi1>, vector<16xi32>
      %reduce_max3A = arith.constant true
      %reduce_max3A_89 = vector.broadcast %reduce_max3A : i1 to vector<16xi1>
      %reduce_max3A_90 = arith.constant -2147483648 : i32
      %reduce_max3A_91 = vector.broadcast %reduce_max3A_90 : i32 to vector<16xi32>
      %reduce_max3A_92 = arith.xori %select_n3A, %reduce_max3A_91 : vector<16xi32>
      %reduce_max3A_93 = tpu.scan <max>, %reduce_max3A_92 masked %reduce_max3A_89 : vector<16xi32>, vector<16xi1> -> vector<16xi32>
      %reduce_max3A_94 = arith.xori %reduce_max3A_93, %reduce_max3A_91 : vector<16xi32>
      %reduce_max3A_95 = vector.extract %reduce_max3A_94[15] : i32 from vector<16xi32>
      %and3A_96 = arith.constant -8 : i32
      %and3A_97 = arith.andi %reduce_max3A_95, %and3A_96 : i32
      %multiple_of3A_98 = tpu.assume_multiple %and3A_97, 8 : i32
      %dma_start3A = arith.constant 0 : i32
      %dma_start3A_99 = arith.constant 0 : i32
      %dma_start3A_100 = tpu.memref_slice %arg8[%scan3A_82, %dma_start3A, %dma_start3A_99] : memref<64x8x64xf32, #tpu.memory_space<vmem>> -> memref<1x8x64xf32, #tpu.memory_space<vmem>>
      %dma_start3A_101 = tpu.memref_squeeze %dma_start3A_100 : memref<1x8x64xf32, #tpu.memory_space<vmem>> -> memref<8x64xf32, #tpu.memory_space<vmem>>
      %dma_start3A_102 = arith.constant 0 : i32
      %dma_start3A_103 = tpu.memref_slice %arg4[%multiple_of3A_98, %dma_start3A_102] : memref<1000000x64xf32, #tpu.memory_space<hbm>> -> memref<8x64xf32, #tpu.memory_space<hbm>>
      %dma_start3A_104 = arith.constant 0 : i32
      %dma_start3A_105 = arith.constant 0 : i32
      %dma_start3A_106 = tpu.memref_slice %arg8[%scan3A_82, %dma_start3A_104, %dma_start3A_105] : memref<64x8x64xf32, #tpu.memory_space<vmem>> -> memref<1x8x64xf32, #tpu.memory_space<vmem>>
      %dma_start3A_107 = tpu.memref_squeeze %dma_start3A_106 : memref<1x8x64xf32, #tpu.memory_space<vmem>> -> memref<8x64xf32, #tpu.memory_space<vmem>>
      %dma_start3A_108 = arith.constant 0 : i32
      %dma_start3A_109 = tpu.memref_slice %arg4[%multiple_of3A_98, %dma_start3A_108] : memref<1000000x64xf32, #tpu.memory_space<hbm>> -> memref<8x64xf32, #tpu.memory_space<hbm>>
      tpu.enqueue_dma source(%dma_start3A_109 : memref<8x64xf32, #tpu.memory_space<hbm>>) target(%dma_start3A_107 : memref<8x64xf32, #tpu.memory_space<vmem>>) target_semaphore(%arg10 : memref<!tpu.dma_semaphore, #tpu.memory_space<semaphore_mem>>)
    }
    %scan3A_9 = arith.constant 64 : i32
    %scan3A_10 = arith.constant 0 : i32
    %scan3A_11 = arith.constant 0 : i32
    %scan3A_12 = arith.constant 64 : i32
    %scan3A_13 = arith.addi %scan3A_11, %scan3A_12 : i32
    %scan3A_14 = arith.constant 1 : i32
    scf.for %scan3A_82 = %scan3A_11 to %scan3A_13 step %scan3A_14  : i32 {
      %dma_wait3A = arith.constant 0 : i32
      %dma_wait3A_83 = arith.constant 0 : i32
      %dma_wait3A_84 = tpu.memref_slice %arg8[%scan3A_82, %dma_wait3A, %dma_wait3A_83] : memref<64x8x64xf32, #tpu.memory_space<vmem>> -> memref<1x8x64xf32, #tpu.memory_space<vmem>>
      %dma_wait3A_85 = tpu.memref_squeeze %dma_wait3A_84 : memref<1x8x64xf32, #tpu.memory_space<vmem>> -> memref<8x64xf32, #tpu.memory_space<vmem>>
      %dma_wait3A_86 = arith.constant 0 : i32
      %dma_wait3A_87 = arith.constant 0 : i32
      %dma_wait3A_88 = tpu.memref_slice %arg4[%dma_wait3A_86, %dma_wait3A_87] : memref<1000000x64xf32, #tpu.memory_space<hbm>> -> memref<8x64xf32, #tpu.memory_space<hbm>>
      %dma_wait3A_89 = arith.constant 0 : i32
      %dma_wait3A_90 = arith.constant 0 : i32
      %dma_wait3A_91 = tpu.memref_slice %arg8[%scan3A_82, %dma_wait3A_89, %dma_wait3A_90] : memref<64x8x64xf32, #tpu.memory_space<vmem>> -> memref<1x8x64xf32, #tpu.memory_space<vmem>>
      %dma_wait3A_92 = tpu.memref_squeeze %dma_wait3A_91 : memref<1x8x64xf32, #tpu.memory_space<vmem>> -> memref<8x64xf32, #tpu.memory_space<vmem>>
      %dma_wait3A_93 = arith.constant 0 : i32
      %dma_wait3A_94 = arith.constant 0 : i32
      %dma_wait3A_95 = tpu.memref_slice %arg4[%dma_wait3A_93, %dma_wait3A_94] : memref<1000000x64xf32, #tpu.memory_space<hbm>> -> memref<8x64xf32, #tpu.memory_space<hbm>>
      tpu.wait_dma2 semaphore(%arg10 : memref<!tpu.dma_semaphore, #tpu.memory_space<semaphore_mem>>) src(%dma_wait3A_95 : memref<8x64xf32, #tpu.memory_space<hbm>>) dst(%dma_wait3A_92 : memref<8x64xf32, #tpu.memory_space<vmem>>)
    }
    %scan3A_15 = arith.constant 64 : i32
    %scan3A_16 = arith.constant 0 : i32
    %scan3A_17 = arith.constant 0 : i32
    %scan3A_18 = arith.constant 64 : i32
    %scan3A_19 = arith.addi %scan3A_17, %scan3A_18 : i32
    %scan3A_20 = arith.constant 1 : i32
    scf.for %scan3A_82 = %scan3A_17 to %scan3A_19 step %scan3A_20  : i32 {
      %shift_right_arithmetic3A = arith.constant 4 : i32
      %shift_right_arithmetic3A_83 = arith.shrsi %scan3A_82, %shift_right_arithmetic3A : i32
      %mul3A_84 = arith.constant 16 : i32
      %mul3A_85 = arith.muli %shift_right_arithmetic3A_83, %mul3A_84 : i32
      %multiple_of3A = tpu.assume_multiple %mul3A_85, 16 : i32
      %get3A = arith.index_cast %multiple_of3A : i32 to index
      %get3A_86 = tpu.vector_load %arg7[%get3A] {strides = array<i32>} : memref<64xi32, #tpu.memory_space<vmem>>, vector<16xi32>,
      %and3A = arith.constant 15 : i32
      %and3A_87 = arith.andi %scan3A_82, %and3A : i32
      %broadcast_in_dim3A = vector.broadcast %and3A_87 : i32 to vector<16xi32>
      %lt3A = arith.constant 0 : i32
      %lt3A_88 = vector.broadcast %lt3A : i32 to vector<16xi32>
      %lt3A_89 = arith.cmpi slt, %broadcast_in_dim3A, %lt3A_88 : vector<16xi32>
      %add3A_90 = arith.constant 16 : i32
      %add3A_91 = vector.broadcast %add3A_90 : i32 to vector<16xi32>
      %add3A_92 = arith.addi %broadcast_in_dim3A, %add3A_91 : vector<16xi32>
      %select_n3A = arith.select %lt3A_89, %add3A_92, %broadcast_in_dim3A : vector<16xi1>, vector<16xi32>
      %broadcast_in_dim3A_93 = vector.shape_cast %select_n3A : vector<16xi32> to vector<16x1xi32>
      %gather3A = vector.shape_cast %broadcast_in_dim3A_93 : vector<16x1xi32> to vector<16xi32>
      %gather3A_94 = tpu.dynamic_gather %get3A_86[%gather3A] in [0] : vector<16xi32>, vector<16xi32> -> vector<16xi32>
      %and3A_95 = arith.constant 7 : i32
      %and3A_96 = vector.broadcast %and3A_95 : i32 to vector<16xi32>
      %and3A_97 = arith.andi %gather3A_94, %and3A_96 : vector<16xi32>
      %broadcast_in_dim3A_98 = vector.broadcast %scan3A_82 : i32 to vector<16xi32>
      %add3A_99 = arith.constant 0 : i32
      %add3A_100 = vector.broadcast %add3A_99 : i32 to vector<16xi32>
      %add3A_101 = arith.addi %iota3A, %add3A_100 : vector<16xi32>
      %gather3A_102 = tpu.vector_load_idx %arg8[%broadcast_in_dim3A_98, %and3A_97, %add3A_101] : memref<64x8x64xf32, #tpu.memory_space<vmem>>[vector<16xi32>, vector<16xi32>, vector<16xi32>], vector<16xf32>,
      %swap3A = arith.index_cast %scan3A_82 : i32 to index
      %swap3A_103 = arith.constant 0 : index
      %swap3A_104 = tpu.vector_load %arg9[%swap3A, %swap3A_103] {strides = array<i32>} : memref<64x64xf32, #tpu.memory_space<vmem>>, vector<16xf32>,
      tpu.vector_store %arg9[%swap3A, %swap3A_103], %gather3A_102 {strides = array<i32>} : memref<64x64xf32, #tpu.memory_space<vmem>>, vector<16xf32>,
      %add3A_105 = arith.constant 16 : i32
      %add3A_106 = vector.broadcast %add3A_105 : i32 to vector<16xi32>
      %add3A_107 = arith.addi %iota3A, %add3A_106 : vector<16xi32>
      %gather3A_108 = tpu.vector_load_idx %arg8[%broadcast_in_dim3A_98, %and3A_97, %add3A_107] : memref<64x8x64xf32, #tpu.memory_space<vmem>>[vector<16xi32>, vector<16xi32>, vector<16xi32>], vector<16xf32>,
      %swap3A_109 = arith.index_cast %scan3A_82 : i32 to index
      %swap3A_110 = arith.constant 16 : index
      %swap3A_111 = tpu.vector_load %arg9[%swap3A_109, %swap3A_110] {strides = array<i32>} : memref<64x64xf32, #tpu.memory_space<vmem>>, vector<16xf32>,
      tpu.vector_store %arg9[%swap3A_109, %swap3A_110], %gather3A_108 {strides = array<i32>} : memref<64x64xf32, #tpu.memory_space<vmem>>, vector<16xf32>,
      %add3A_112 = arith.constant 32 : i32
      %add3A_113 = vector.broadcast %add3A_112 : i32 to vector<16xi32>
      %add3A_114 = arith.addi %iota3A, %add3A_113 : vector<16xi32>
      %gather3A_115 = tpu.vector_load_idx %arg8[%broadcast_in_dim3A_98, %and3A_97, %add3A_114] : memref<64x8x64xf32, #tpu.memory_space<vmem>>[vector<16xi32>, vector<16xi32>, vector<16xi32>], vector<16xf32>,
      %swap3A_116 = arith.index_cast %scan3A_82 : i32 to index
      %swap3A_117 = arith.constant 32 : index
      %swap3A_118 = tpu.vector_load %arg9[%swap3A_116, %swap3A_117] {strides = array<i32>} : memref<64x64xf32, #tpu.memory_space<vmem>>, vector<16xf32>,
      tpu.vector_store %arg9[%swap3A_116, %swap3A_117], %gather3A_115 {strides = array<i32>} : memref<64x64xf32, #tpu.memory_space<vmem>>, vector<16xf32>,
      %add3A_119 = arith.constant 48 : i32
      %add3A_120 = vector.broadcast %add3A_119 : i32 to vector<16xi32>
      %add3A_121 = arith.addi %iota3A, %add3A_120 : vector<16xi32>
      %gather3A_122 = tpu.vector_load_idx %arg8[%broadcast_in_dim3A_98, %and3A_97, %add3A_121] : memref<64x8x64xf32, #tpu.memory_space<vmem>>[vector<16xi32>, vector<16xi32>, vector<16xi32>], vector<16xf32>,
      %swap3A_123 = arith.index_cast %scan3A_82 : i32 to index
      %swap3A_124 = arith.constant 48 : index
      %swap3A_125 = tpu.vector_load %arg9[%swap3A_123, %swap3A_124] {strides = array<i32>} : memref<64x64xf32, #tpu.memory_space<vmem>>, vector<16xf32>,
      tpu.vector_store %arg9[%swap3A_123, %swap3A_124], %gather3A_122 {strides = array<i32>} : memref<64x64xf32, #tpu.memory_space<vmem>>, vector<16xf32>,
    }
    %scan3A_21 = arith.constant 64 : i32
    "tpu.region"() ({
      %run_scoped3A = tpu.sem_alloc : memref<!tpu.dma_semaphore, #tpu.memory_space<semaphore_mem>>
      %dma_start3A = arith.constant 0 : i32
      %dma_start3A_82 = tpu.memref_slice %arg5[%add3A_4, %dma_start3A] : memref<4096x64xf32, #tpu.memory_space<hbm>> -> memref<64x64xf32, #tpu.memory_space<hbm>>
      %dma_start3A_83 = arith.constant 0 : i32
      %dma_start3A_84 = tpu.memref_slice %arg5[%add3A_4, %dma_start3A_83] : memref<4096x64xf32, #tpu.memory_space<hbm>> -> memref<64x64xf32, #tpu.memory_space<hbm>>
      tpu.enqueue_dma source(%arg9 : memref<64x64xf32, #tpu.memory_space<vmem>>) target(%dma_start3A_84 : memref<64x64xf32, #tpu.memory_space<hbm>>) target_semaphore(%run_scoped3A : memref<!tpu.dma_semaphore, #tpu.memory_space<semaphore_mem>>)
      %dma_wait3A = arith.constant 0 : i32
      %dma_wait3A_85 = tpu.memref_slice %arg5[%add3A_4, %dma_wait3A] : memref<4096x64xf32, #tpu.memory_space<hbm>> -> memref<64x64xf32, #tpu.memory_space<hbm>>
      %dma_wait3A_86 = arith.constant 0 : i32
      %dma_wait3A_87 = tpu.memref_slice %arg5[%add3A_4, %dma_wait3A_86] : memref<4096x64xf32, #tpu.memory_space<hbm>> -> memref<64x64xf32, #tpu.memory_space<hbm>>
      tpu.wait_dma2 semaphore(%run_scoped3A : memref<!tpu.dma_semaphore, #tpu.memory_space<semaphore_mem>>) src(%arg9 : memref<64x64xf32, #tpu.memory_space<vmem>>) dst(%dma_wait3A_87 : memref<64x64xf32, #tpu.memory_space<hbm>>)
      tpu.yield
    }) : () -> ()
    %add3A_22 = arith.constant 64 : i32
    %add3A_23 = arith.addi %mul3A_2, %add3A_22 : i32
    "tpu.region"() ({
      %run_scoped3A = tpu.sem_alloc : memref<!tpu.dma_semaphore, #tpu.memory_space<semaphore_mem>>
      %dma_start3A = tpu.memref_slice %arg2[%add3A_23] : memref<4096xi32, #tpu.memory_space<hbm>> -> memref<64xi32, #tpu.memory_space<hbm>>
      %dma_start3A_82 = tpu.memref_slice %arg2[%add3A_23] : memref<4096xi32, #tpu.memory_space<hbm>> -> memref<64xi32, #tpu.memory_space<hbm>>
      tpu.enqueue_dma source(%dma_start3A_82 : memref<64xi32, #tpu.memory_space<hbm>>) target(%arg7 : memref<64xi32, #tpu.memory_space<vmem>>) target_semaphore(%run_scoped3A : memref<!tpu.dma_semaphore, #tpu.memory_space<semaphore_mem>>)
      %dma_wait3A = tpu.memref_slice %arg2[%add3A_23] : memref<4096xi32, #tpu.memory_space<hbm>> -> memref<64xi32, #tpu.memory_space<hbm>>
      %dma_wait3A_83 = tpu.memref_slice %arg2[%add3A_23] : memref<4096xi32, #tpu.memory_space<hbm>> -> memref<64xi32, #tpu.memory_space<hbm>>
      tpu.wait_dma2 semaphore(%run_scoped3A : memref<!tpu.dma_semaphore, #tpu.memory_space<semaphore_mem>>) src(%dma_wait3A_83 : memref<64xi32, #tpu.memory_space<hbm>>) dst(%arg7 : memref<64xi32, #tpu.memory_space<vmem>>)
      tpu.yield
    }) : () -> ()
    %scan3A_24 = arith.constant 0 : i32
    %scan3A_25 = arith.constant 0 : i32
    %scan3A_26 = arith.constant 64 : i32
    %scan3A_27 = arith.addi %scan3A_25, %scan3A_26 : i32
    %scan3A_28 = arith.constant 1 : i32
    scf.for %scan3A_82 = %scan3A_25 to %scan3A_27 step %scan3A_28  : i32 {
      %shift_right_arithmetic3A = arith.constant 4 : i32
      %shift_right_arithmetic3A_83 = arith.shrsi %scan3A_82, %shift_right_arithmetic3A : i32
      %mul3A_84 = arith.constant 16 : i32
      %mul3A_85 = arith.muli %shift_right_arithmetic3A_83, %mul3A_84 : i32
      %multiple_of3A = tpu.assume_multiple %mul3A_85, 16 : i32
      %get3A = arith.index_cast %multiple_of3A : i32 to index
      %get3A_86 = tpu.vector_load %arg7[%get3A] {strides = array<i32>} : memref<64xi32, #tpu.memory_space<vmem>>, vector<16xi32>,
      %and3A = arith.constant 15 : i32
      %and3A_87 = arith.andi %scan3A_82, %and3A : i32
      %eq3A = vector.broadcast %and3A_87 : i32 to vector<16xi32>
      %eq3A_88 = arith.cmpi eq, %iota3A, %eq3A : vector<16xi32>
      %jit3A = arith.constant 0 : i32
      %broadcast_in_dim3A = vector.broadcast %jit3A : i32 to vector<16xi32>
      %select_n3A = arith.select %eq3A_88, %get3A_86, %broadcast_in_dim3A : vector<16xi1>, vector<16xi32>
      %reduce_max3A = arith.constant true
      %reduce_max3A_89 = vector.broadcast %reduce_max3A : i1 to vector<16xi1>
      %reduce_max3A_90 = arith.constant -2147483648 : i32
      %reduce_max3A_91 = vector.broadcast %reduce_max3A_90 : i32 to vector<16xi32>
      %reduce_max3A_92 = arith.xori %select_n3A, %reduce_max3A_91 : vector<16xi32>
      %reduce_max3A_93 = tpu.scan <max>, %reduce_max3A_92 masked %reduce_max3A_89 : vector<16xi32>, vector<16xi1> -> vector<16xi32>
      %reduce_max3A_94 = arith.xori %reduce_max3A_93, %reduce_max3A_91 : vector<16xi32>
      %reduce_max3A_95 = vector.extract %reduce_max3A_94[15] : i32 from vector<16xi32>
      %and3A_96 = arith.constant -8 : i32
      %and3A_97 = arith.andi %reduce_max3A_95, %and3A_96 : i32
      %multiple_of3A_98 = tpu.assume_multiple %and3A_97, 8 : i32
      %dma_start3A = arith.constant 0 : i32
      %dma_start3A_99 = arith.constant 0 : i32
      %dma_start3A_100 = tpu.memref_slice %arg8[%scan3A_82, %dma_start3A, %dma_start3A_99] : memref<64x8x64xf32, #tpu.memory_space<vmem>> -> memref<1x8x64xf32, #tpu.memory_space<vmem>>
      %dma_start3A_101 = tpu.memref_squeeze %dma_start3A_100 : memref<1x8x64xf32, #tpu.memory_space<vmem>> -> memref<8x64xf32, #tpu.memory_space<vmem>>
      %dma_start3A_102 = arith.constant 0 : i32
      %dma_start3A_103 = tpu.memref_slice %arg4[%multiple_of3A_98, %dma_start3A_102] : memref<1000000x64xf32, #tpu.memory_space<hbm>> -> memref<8x64xf32, #tpu.memory_space<hbm>>
      %dma_start3A_104 = arith.constant 0 : i32
      %dma_start3A_105 = arith.constant 0 : i32
      %dma_start3A_106 = tpu.memref_slice %arg8[%scan3A_82, %dma_start3A_104, %dma_start3A_105] : memref<64x8x64xf32, #tpu.memory_space<vmem>> -> memref<1x8x64xf32, #tpu.memory_space<vmem>>
      %dma_start3A_107 = tpu.memref_squeeze %dma_start3A_106 : memref<1x8x64xf32, #tpu.memory_space<vmem>> -> memref<8x64xf32, #tpu.memory_space<vmem>>
      %dma_start3A_108 = arith.constant 0 : i32
      %dma_start3A_109 = tpu.memref_slice %arg4[%multiple_of3A_98, %dma_start3A_108] : memref<1000000x64xf32, #tpu.memory_space<hbm>> -> memref<8x64xf32, #tpu.memory_space<hbm>>
      tpu.enqueue_dma source(%dma_start3A_109 : memref<8x64xf32, #tpu.memory_space<hbm>>) target(%dma_start3A_107 : memref<8x64xf32, #tpu.memory_space<vmem>>) target_semaphore(%arg10 : memref<!tpu.dma_semaphore, #tpu.memory_space<semaphore_mem>>)
    }
    %scan3A_29 = arith.constant 64 : i32
    %scan3A_30 = arith.constant 0 : i32
    %scan3A_31 = arith.constant 0 : i32
    %scan3A_32 = arith.constant 64 : i32
    %scan3A_33 = arith.addi %scan3A_31, %scan3A_32 : i32
    %scan3A_34 = arith.constant 1 : i32
    scf.for %scan3A_82 = %scan3A_31 to %scan3A_33 step %scan3A_34  : i32 {
      %dma_wait3A = arith.constant 0 : i32
      %dma_wait3A_83 = arith.constant 0 : i32
      %dma_wait3A_84 = tpu.memref_slice %arg8[%scan3A_82, %dma_wait3A, %dma_wait3A_83] : memref<64x8x64xf32, #tpu.memory_space<vmem>> -> memref<1x8x64xf32, #tpu.memory_space<vmem>>
      %dma_wait3A_85 = tpu.memref_squeeze %dma_wait3A_84 : memref<1x8x64xf32, #tpu.memory_space<vmem>> -> memref<8x64xf32, #tpu.memory_space<vmem>>
      %dma_wait3A_86 = arith.constant 0 : i32
      %dma_wait3A_87 = arith.constant 0 : i32
      %dma_wait3A_88 = tpu.memref_slice %arg4[%dma_wait3A_86, %dma_wait3A_87] : memref<1000000x64xf32, #tpu.memory_space<hbm>> -> memref<8x64xf32, #tpu.memory_space<hbm>>
      %dma_wait3A_89 = arith.constant 0 : i32
      %dma_wait3A_90 = arith.constant 0 : i32
      %dma_wait3A_91 = tpu.memref_slice %arg8[%scan3A_82, %dma_wait3A_89, %dma_wait3A_90] : memref<64x8x64xf32, #tpu.memory_space<vmem>> -> memref<1x8x64xf32, #tpu.memory_space<vmem>>
      %dma_wait3A_92 = tpu.memref_squeeze %dma_wait3A_91 : memref<1x8x64xf32, #tpu.memory_space<vmem>> -> memref<8x64xf32, #tpu.memory_space<vmem>>
      %dma_wait3A_93 = arith.constant 0 : i32
      %dma_wait3A_94 = arith.constant 0 : i32
      %dma_wait3A_95 = tpu.memref_slice %arg4[%dma_wait3A_93, %dma_wait3A_94] : memref<1000000x64xf32, #tpu.memory_space<hbm>> -> memref<8x64xf32, #tpu.memory_space<hbm>>
      tpu.wait_dma2 semaphore(%arg10 : memref<!tpu.dma_semaphore, #tpu.memory_space<semaphore_mem>>) src(%dma_wait3A_95 : memref<8x64xf32, #tpu.memory_space<hbm>>) dst(%dma_wait3A_92 : memref<8x64xf32, #tpu.memory_space<vmem>>)
    }
    %scan3A_35 = arith.constant 64 : i32
    %scan3A_36 = arith.constant 0 : i32
    %scan3A_37 = arith.constant 0 : i32
    %scan3A_38 = arith.constant 64 : i32
    %scan3A_39 = arith.addi %scan3A_37, %scan3A_38 : i32
    %scan3A_40 = arith.constant 1 : i32
    scf.for %scan3A_82 = %scan3A_37 to %scan3A_39 step %scan3A_40  : i32 {
      %shift_right_arithmetic3A = arith.constant 4 : i32
      %shift_right_arithmetic3A_83 = arith.shrsi %scan3A_82, %shift_right_arithmetic3A : i32
      %mul3A_84 = arith.constant 16 : i32
      %mul3A_85 = arith.muli %shift_right_arithmetic3A_83, %mul3A_84 : i32
      %multiple_of3A = tpu.assume_multiple %mul3A_85, 16 : i32
      %get3A = arith.index_cast %multiple_of3A : i32 to index
      %get3A_86 = tpu.vector_load %arg7[%get3A] {strides = array<i32>} : memref<64xi32, #tpu.memory_space<vmem>>, vector<16xi32>,
      %and3A = arith.constant 15 : i32
      %and3A_87 = arith.andi %scan3A_82, %and3A : i32
      %broadcast_in_dim3A = vector.broadcast %and3A_87 : i32 to vector<16xi32>
      %lt3A = arith.constant 0 : i32
      %lt3A_88 = vector.broadcast %lt3A : i32 to vector<16xi32>
      %lt3A_89 = arith.cmpi slt, %broadcast_in_dim3A, %lt3A_88 : vector<16xi32>
      %add3A_90 = arith.constant 16 : i32
      %add3A_91 = vector.broadcast %add3A_90 : i32 to vector<16xi32>
      %add3A_92 = arith.addi %broadcast_in_dim3A, %add3A_91 : vector<16xi32>
      %select_n3A = arith.select %lt3A_89, %add3A_92, %broadcast_in_dim3A : vector<16xi1>, vector<16xi32>
      %broadcast_in_dim3A_93 = vector.shape_cast %select_n3A : vector<16xi32> to vector<16x1xi32>
      %gather3A = vector.shape_cast %broadcast_in_dim3A_93 : vector<16x1xi32> to vector<16xi32>
      %gather3A_94 = tpu.dynamic_gather %get3A_86[%gather3A] in [0] : vector<16xi32>, vector<16xi32> -> vector<16xi32>
      %and3A_95 = arith.constant 7 : i32
      %and3A_96 = vector.broadcast %and3A_95 : i32 to vector<16xi32>
      %and3A_97 = arith.andi %gather3A_94, %and3A_96 : vector<16xi32>
      %broadcast_in_dim3A_98 = vector.broadcast %scan3A_82 : i32 to vector<16xi32>
      %add3A_99 = arith.constant 0 : i32
      %add3A_100 = vector.broadcast %add3A_99 : i32 to vector<16xi32>
      %add3A_101 = arith.addi %iota3A, %add3A_100 : vector<16xi32>
      %gather3A_102 = tpu.vector_load_idx %arg8[%broadcast_in_dim3A_98, %and3A_97, %add3A_101] : memref<64x8x64xf32, #tpu.memory_space<vmem>>[vector<16xi32>, vector<16xi32>, vector<16xi32>], vector<16xf32>,
      %swap3A = arith.index_cast %scan3A_82 : i32 to index
      %swap3A_103 = arith.constant 0 : index
      %swap3A_104 = tpu.vector_load %arg9[%swap3A, %swap3A_103] {strides = array<i32>} : memref<64x64xf32, #tpu.memory_space<vmem>>, vector<16xf32>,
      tpu.vector_store %arg9[%swap3A, %swap3A_103], %gather3A_102 {strides = array<i32>} : memref<64x64xf32, #tpu.memory_space<vmem>>, vector<16xf32>,
      %add3A_105 = arith.constant 16 : i32
      %add3A_106 = vector.broadcast %add3A_105 : i32 to vector<16xi32>
      %add3A_107 = arith.addi %iota3A, %add3A_106 : vector<16xi32>
      %gather3A_108 = tpu.vector_load_idx %arg8[%broadcast_in_dim3A_98, %and3A_97, %add3A_107] : memref<64x8x64xf32, #tpu.memory_space<vmem>>[vector<16xi32>, vector<16xi32>, vector<16xi32>], vector<16xf32>,
      %swap3A_109 = arith.index_cast %scan3A_82 : i32 to index
      %swap3A_110 = arith.constant 16 : index
      %swap3A_111 = tpu.vector_load %arg9[%swap3A_109, %swap3A_110] {strides = array<i32>} : memref<64x64xf32, #tpu.memory_space<vmem>>, vector<16xf32>,
      tpu.vector_store %arg9[%swap3A_109, %swap3A_110], %gather3A_108 {strides = array<i32>} : memref<64x64xf32, #tpu.memory_space<vmem>>, vector<16xf32>,
      %add3A_112 = arith.constant 32 : i32
      %add3A_113 = vector.broadcast %add3A_112 : i32 to vector<16xi32>
      %add3A_114 = arith.addi %iota3A, %add3A_113 : vector<16xi32>
      %gather3A_115 = tpu.vector_load_idx %arg8[%broadcast_in_dim3A_98, %and3A_97, %add3A_114] : memref<64x8x64xf32, #tpu.memory_space<vmem>>[vector<16xi32>, vector<16xi32>, vector<16xi32>], vector<16xf32>,
      %swap3A_116 = arith.index_cast %scan3A_82 : i32 to index
      %swap3A_117 = arith.constant 32 : index
      %swap3A_118 = tpu.vector_load %arg9[%swap3A_116, %swap3A_117] {strides = array<i32>} : memref<64x64xf32, #tpu.memory_space<vmem>>, vector<16xf32>,
      tpu.vector_store %arg9[%swap3A_116, %swap3A_117], %gather3A_115 {strides = array<i32>} : memref<64x64xf32, #tpu.memory_space<vmem>>, vector<16xf32>,
      %add3A_119 = arith.constant 48 : i32
      %add3A_120 = vector.broadcast %add3A_119 : i32 to vector<16xi32>
      %add3A_121 = arith.addi %iota3A, %add3A_120 : vector<16xi32>
      %gather3A_122 = tpu.vector_load_idx %arg8[%broadcast_in_dim3A_98, %and3A_97, %add3A_121] : memref<64x8x64xf32, #tpu.memory_space<vmem>>[vector<16xi32>, vector<16xi32>, vector<16xi32>], vector<16xf32>,
      %swap3A_123 = arith.index_cast %scan3A_82 : i32 to index
      %swap3A_124 = arith.constant 48 : index
      %swap3A_125 = tpu.vector_load %arg9[%swap3A_123, %swap3A_124] {strides = array<i32>} : memref<64x64xf32, #tpu.memory_space<vmem>>, vector<16xf32>,
      tpu.vector_store %arg9[%swap3A_123, %swap3A_124], %gather3A_122 {strides = array<i32>} : memref<64x64xf32, #tpu.memory_space<vmem>>, vector<16xf32>,
    }
    %scan3A_41 = arith.constant 64 : i32
    "tpu.region"() ({
      %run_scoped3A = tpu.sem_alloc : memref<!tpu.dma_semaphore, #tpu.memory_space<semaphore_mem>>
      %dma_start3A = arith.constant 0 : i32
      %dma_start3A_82 = tpu.memref_slice %arg5[%add3A_23, %dma_start3A] : memref<4096x64xf32, #tpu.memory_space<hbm>> -> memref<64x64xf32, #tpu.memory_space<hbm>>
      %dma_start3A_83 = arith.constant 0 : i32
      %dma_start3A_84 = tpu.memref_slice %arg5[%add3A_23, %dma_start3A_83] : memref<4096x64xf32, #tpu.memory_space<hbm>> -> memref<64x64xf32, #tpu.memory_space<hbm>>
      tpu.enqueue_dma source(%arg9 : memref<64x64xf32, #tpu.memory_space<vmem>>) target(%dma_start3A_84 : memref<64x64xf32, #tpu.memory_space<hbm>>) target_semaphore(%run_scoped3A : memref<!tpu.dma_semaphore, #tpu.memory_space<semaphore_mem>>)
      %dma_wait3A = arith.constant 0 : i32
      %dma_wait3A_85 = tpu.memref_slice %arg5[%add3A_23, %dma_wait3A] : memref<4096x64xf32, #tpu.memory_space<hbm>> -> memref<64x64xf32, #tpu.memory_space<hbm>>
      %dma_wait3A_86 = arith.constant 0 : i32
      %dma_wait3A_87 = tpu.memref_slice %arg5[%add3A_23, %dma_wait3A_86] : memref<4096x64xf32, #tpu.memory_space<hbm>> -> memref<64x64xf32, #tpu.memory_space<hbm>>
      tpu.wait_dma2 semaphore(%run_scoped3A : memref<!tpu.dma_semaphore, #tpu.memory_space<semaphore_mem>>) src(%arg9 : memref<64x64xf32, #tpu.memory_space<vmem>>) dst(%dma_wait3A_87 : memref<64x64xf32, #tpu.memory_space<hbm>>)
      tpu.yield
    }) : () -> ()
    %add3A_42 = arith.constant 0 : i32
    %add3A_43 = arith.addi %mul3A_2, %add3A_42 : i32
    "tpu.region"() ({
      %run_scoped3A = tpu.sem_alloc : memref<!tpu.dma_semaphore, #tpu.memory_space<semaphore_mem>>
      %dma_start3A = tpu.memref_slice %arg3[%add3A_43] : memref<4096xi32, #tpu.memory_space<hbm>> -> memref<64xi32, #tpu.memory_space<hbm>>
      %dma_start3A_82 = tpu.memref_slice %arg3[%add3A_43] : memref<4096xi32, #tpu.memory_space<hbm>> -> memref<64xi32, #tpu.memory_space<hbm>>
      tpu.enqueue_dma source(%dma_start3A_82 : memref<64xi32, #tpu.memory_space<hbm>>) target(%arg7 : memref<64xi32, #tpu.memory_space<vmem>>) target_semaphore(%run_scoped3A : memref<!tpu.dma_semaphore, #tpu.memory_space<semaphore_mem>>)
      %dma_wait3A = tpu.memref_slice %arg3[%add3A_43] : memref<4096xi32, #tpu.memory_space<hbm>> -> memref<64xi32, #tpu.memory_space<hbm>>
      %dma_wait3A_83 = tpu.memref_slice %arg3[%add3A_43] : memref<4096xi32, #tpu.memory_space<hbm>> -> memref<64xi32, #tpu.memory_space<hbm>>
      tpu.wait_dma2 semaphore(%run_scoped3A : memref<!tpu.dma_semaphore, #tpu.memory_space<semaphore_mem>>) src(%dma_wait3A_83 : memref<64xi32, #tpu.memory_space<hbm>>) dst(%arg7 : memref<64xi32, #tpu.memory_space<vmem>>)
      tpu.yield
    }) : () -> ()
    %scan3A_44 = arith.constant 0 : i32
    %scan3A_45 = arith.constant 0 : i32
    %scan3A_46 = arith.constant 64 : i32
    %scan3A_47 = arith.addi %scan3A_45, %scan3A_46 : i32
    %scan3A_48 = arith.constant 1 : i32
    scf.for %scan3A_82 = %scan3A_45 to %scan3A_47 step %scan3A_48  : i32 {
      %shift_right_arithmetic3A = arith.constant 4 : i32
      %shift_right_arithmetic3A_83 = arith.shrsi %scan3A_82, %shift_right_arithmetic3A : i32
      %mul3A_84 = arith.constant 16 : i32
      %mul3A_85 = arith.muli %shift_right_arithmetic3A_83, %mul3A_84 : i32
      %multiple_of3A = tpu.assume_multiple %mul3A_85, 16 : i32
      %get3A = arith.index_cast %multiple_of3A : i32 to index
      %get3A_86 = tpu.vector_load %arg7[%get3A] {strides = array<i32>} : memref<64xi32, #tpu.memory_space<vmem>>, vector<16xi32>,
      %and3A = arith.constant 15 : i32
      %and3A_87 = arith.andi %scan3A_82, %and3A : i32
      %eq3A = vector.broadcast %and3A_87 : i32 to vector<16xi32>
      %eq3A_88 = arith.cmpi eq, %iota3A, %eq3A : vector<16xi32>
      %jit3A = arith.constant 0 : i32
      %broadcast_in_dim3A = vector.broadcast %jit3A : i32 to vector<16xi32>
      %select_n3A = arith.select %eq3A_88, %get3A_86, %broadcast_in_dim3A : vector<16xi1>, vector<16xi32>
      %reduce_max3A = arith.constant true
      %reduce_max3A_89 = vector.broadcast %reduce_max3A : i1 to vector<16xi1>
      %reduce_max3A_90 = arith.constant -2147483648 : i32
      %reduce_max3A_91 = vector.broadcast %reduce_max3A_90 : i32 to vector<16xi32>
      %reduce_max3A_92 = arith.xori %select_n3A, %reduce_max3A_91 : vector<16xi32>
      %reduce_max3A_93 = tpu.scan <max>, %reduce_max3A_92 masked %reduce_max3A_89 : vector<16xi32>, vector<16xi1> -> vector<16xi32>
      %reduce_max3A_94 = arith.xori %reduce_max3A_93, %reduce_max3A_91 : vector<16xi32>
      %reduce_max3A_95 = vector.extract %reduce_max3A_94[15] : i32 from vector<16xi32>
      %and3A_96 = arith.constant -8 : i32
      %and3A_97 = arith.andi %reduce_max3A_95, %and3A_96 : i32
      %multiple_of3A_98 = tpu.assume_multiple %and3A_97, 8 : i32
      %dma_start3A = arith.constant 0 : i32
      %dma_start3A_99 = arith.constant 0 : i32
      %dma_start3A_100 = tpu.memref_slice %arg8[%scan3A_82, %dma_start3A, %dma_start3A_99] : memref<64x8x64xf32, #tpu.memory_space<vmem>> -> memref<1x8x64xf32, #tpu.memory_space<vmem>>
      %dma_start3A_101 = tpu.memref_squeeze %dma_start3A_100 : memref<1x8x64xf32, #tpu.memory_space<vmem>> -> memref<8x64xf32, #tpu.memory_space<vmem>>
      %dma_start3A_102 = arith.constant 0 : i32
      %dma_start3A_103 = tpu.memref_slice %arg4[%multiple_of3A_98, %dma_start3A_102] : memref<1000000x64xf32, #tpu.memory_space<hbm>> -> memref<8x64xf32, #tpu.memory_space<hbm>>
      %dma_start3A_104 = arith.constant 0 : i32
      %dma_start3A_105 = arith.constant 0 : i32
      %dma_start3A_106 = tpu.memref_slice %arg8[%scan3A_82, %dma_start3A_104, %dma_start3A_105] : memref<64x8x64xf32, #tpu.memory_space<vmem>> -> memref<1x8x64xf32, #tpu.memory_space<vmem>>
      %dma_start3A_107 = tpu.memref_squeeze %dma_start3A_106 : memref<1x8x64xf32, #tpu.memory_space<vmem>> -> memref<8x64xf32, #tpu.memory_space<vmem>>
      %dma_start3A_108 = arith.constant 0 : i32
      %dma_start3A_109 = tpu.memref_slice %arg4[%multiple_of3A_98, %dma_start3A_108] : memref<1000000x64xf32, #tpu.memory_space<hbm>> -> memref<8x64xf32, #tpu.memory_space<hbm>>
      tpu.enqueue_dma source(%dma_start3A_109 : memref<8x64xf32, #tpu.memory_space<hbm>>) target(%dma_start3A_107 : memref<8x64xf32, #tpu.memory_space<vmem>>) target_semaphore(%arg10 : memref<!tpu.dma_semaphore, #tpu.memory_space<semaphore_mem>>)
    }
    %scan3A_49 = arith.constant 64 : i32
    %scan3A_50 = arith.constant 0 : i32
    %scan3A_51 = arith.constant 0 : i32
    %scan3A_52 = arith.constant 64 : i32
    %scan3A_53 = arith.addi %scan3A_51, %scan3A_52 : i32
    %scan3A_54 = arith.constant 1 : i32
    scf.for %scan3A_82 = %scan3A_51 to %scan3A_53 step %scan3A_54  : i32 {
      %dma_wait3A = arith.constant 0 : i32
      %dma_wait3A_83 = arith.constant 0 : i32
      %dma_wait3A_84 = tpu.memref_slice %arg8[%scan3A_82, %dma_wait3A, %dma_wait3A_83] : memref<64x8x64xf32, #tpu.memory_space<vmem>> -> memref<1x8x64xf32, #tpu.memory_space<vmem>>
      %dma_wait3A_85 = tpu.memref_squeeze %dma_wait3A_84 : memref<1x8x64xf32, #tpu.memory_space<vmem>> -> memref<8x64xf32, #tpu.memory_space<vmem>>
      %dma_wait3A_86 = arith.constant 0 : i32
      %dma_wait3A_87 = arith.constant 0 : i32
      %dma_wait3A_88 = tpu.memref_slice %arg4[%dma_wait3A_86, %dma_wait3A_87] : memref<1000000x64xf32, #tpu.memory_space<hbm>> -> memref<8x64xf32, #tpu.memory_space<hbm>>
      %dma_wait3A_89 = arith.constant 0 : i32
      %dma_wait3A_90 = arith.constant 0 : i32
      %dma_wait3A_91 = tpu.memref_slice %arg8[%scan3A_82, %dma_wait3A_89, %dma_wait3A_90] : memref<64x8x64xf32, #tpu.memory_space<vmem>> -> memref<1x8x64xf32, #tpu.memory_space<vmem>>
      %dma_wait3A_92 = tpu.memref_squeeze %dma_wait3A_91 : memref<1x8x64xf32, #tpu.memory_space<vmem>> -> memref<8x64xf32, #tpu.memory_space<vmem>>
      %dma_wait3A_93 = arith.constant 0 : i32
      %dma_wait3A_94 = arith.constant 0 : i32
      %dma_wait3A_95 = tpu.memref_slice %arg4[%dma_wait3A_93, %dma_wait3A_94] : memref<1000000x64xf32, #tpu.memory_space<hbm>> -> memref<8x64xf32, #tpu.memory_space<hbm>>
      tpu.wait_dma2 semaphore(%arg10 : memref<!tpu.dma_semaphore, #tpu.memory_space<semaphore_mem>>) src(%dma_wait3A_95 : memref<8x64xf32, #tpu.memory_space<hbm>>) dst(%dma_wait3A_92 : memref<8x64xf32, #tpu.memory_space<vmem>>)
    }
    %scan3A_55 = arith.constant 64 : i32
    %scan3A_56 = arith.constant 0 : i32
    %scan3A_57 = arith.constant 0 : i32
    %scan3A_58 = arith.constant 64 : i32
    %scan3A_59 = arith.addi %scan3A_57, %scan3A_58 : i32
    %scan3A_60 = arith.constant 1 : i32
    scf.for %scan3A_82 = %scan3A_57 to %scan3A_59 step %scan3A_60  : i32 {
      %shift_right_arithmetic3A = arith.constant 4 : i32
      %shift_right_arithmetic3A_83 = arith.shrsi %scan3A_82, %shift_right_arithmetic3A : i32
      %mul3A_84 = arith.constant 16 : i32
      %mul3A_85 = arith.muli %shift_right_arithmetic3A_83, %mul3A_84 : i32
      %multiple_of3A = tpu.assume_multiple %mul3A_85, 16 : i32
      %get3A = arith.index_cast %multiple_of3A : i32 to index
      %get3A_86 = tpu.vector_load %arg7[%get3A] {strides = array<i32>} : memref<64xi32, #tpu.memory_space<vmem>>, vector<16xi32>,
      %and3A = arith.constant 15 : i32
      %and3A_87 = arith.andi %scan3A_82, %and3A : i32
      %broadcast_in_dim3A = vector.broadcast %and3A_87 : i32 to vector<16xi32>
      %lt3A = arith.constant 0 : i32
      %lt3A_88 = vector.broadcast %lt3A : i32 to vector<16xi32>
      %lt3A_89 = arith.cmpi slt, %broadcast_in_dim3A, %lt3A_88 : vector<16xi32>
      %add3A_90 = arith.constant 16 : i32
      %add3A_91 = vector.broadcast %add3A_90 : i32 to vector<16xi32>
      %add3A_92 = arith.addi %broadcast_in_dim3A, %add3A_91 : vector<16xi32>
      %select_n3A = arith.select %lt3A_89, %add3A_92, %broadcast_in_dim3A : vector<16xi1>, vector<16xi32>
      %broadcast_in_dim3A_93 = vector.shape_cast %select_n3A : vector<16xi32> to vector<16x1xi32>
      %gather3A = vector.shape_cast %broadcast_in_dim3A_93 : vector<16x1xi32> to vector<16xi32>
      %gather3A_94 = tpu.dynamic_gather %get3A_86[%gather3A] in [0] : vector<16xi32>, vector<16xi32> -> vector<16xi32>
      %and3A_95 = arith.constant 7 : i32
      %and3A_96 = vector.broadcast %and3A_95 : i32 to vector<16xi32>
      %and3A_97 = arith.andi %gather3A_94, %and3A_96 : vector<16xi32>
      %broadcast_in_dim3A_98 = vector.broadcast %scan3A_82 : i32 to vector<16xi32>
      %add3A_99 = arith.constant 0 : i32
      %add3A_100 = vector.broadcast %add3A_99 : i32 to vector<16xi32>
      %add3A_101 = arith.addi %iota3A, %add3A_100 : vector<16xi32>
      %gather3A_102 = tpu.vector_load_idx %arg8[%broadcast_in_dim3A_98, %and3A_97, %add3A_101] : memref<64x8x64xf32, #tpu.memory_space<vmem>>[vector<16xi32>, vector<16xi32>, vector<16xi32>], vector<16xf32>,
      %swap3A = arith.index_cast %scan3A_82 : i32 to index
      %swap3A_103 = arith.constant 0 : index
      %swap3A_104 = tpu.vector_load %arg9[%swap3A, %swap3A_103] {strides = array<i32>} : memref<64x64xf32, #tpu.memory_space<vmem>>, vector<16xf32>,
      tpu.vector_store %arg9[%swap3A, %swap3A_103], %gather3A_102 {strides = array<i32>} : memref<64x64xf32, #tpu.memory_space<vmem>>, vector<16xf32>,
      %add3A_105 = arith.constant 16 : i32
      %add3A_106 = vector.broadcast %add3A_105 : i32 to vector<16xi32>
      %add3A_107 = arith.addi %iota3A, %add3A_106 : vector<16xi32>
      %gather3A_108 = tpu.vector_load_idx %arg8[%broadcast_in_dim3A_98, %and3A_97, %add3A_107] : memref<64x8x64xf32, #tpu.memory_space<vmem>>[vector<16xi32>, vector<16xi32>, vector<16xi32>], vector<16xf32>,
      %swap3A_109 = arith.index_cast %scan3A_82 : i32 to index
      %swap3A_110 = arith.constant 16 : index
      %swap3A_111 = tpu.vector_load %arg9[%swap3A_109, %swap3A_110] {strides = array<i32>} : memref<64x64xf32, #tpu.memory_space<vmem>>, vector<16xf32>,
      tpu.vector_store %arg9[%swap3A_109, %swap3A_110], %gather3A_108 {strides = array<i32>} : memref<64x64xf32, #tpu.memory_space<vmem>>, vector<16xf32>,
      %add3A_112 = arith.constant 32 : i32
      %add3A_113 = vector.broadcast %add3A_112 : i32 to vector<16xi32>
      %add3A_114 = arith.addi %iota3A, %add3A_113 : vector<16xi32>
      %gather3A_115 = tpu.vector_load_idx %arg8[%broadcast_in_dim3A_98, %and3A_97, %add3A_114] : memref<64x8x64xf32, #tpu.memory_space<vmem>>[vector<16xi32>, vector<16xi32>, vector<16xi32>], vector<16xf32>,
      %swap3A_116 = arith.index_cast %scan3A_82 : i32 to index
      %swap3A_117 = arith.constant 32 : index
      %swap3A_118 = tpu.vector_load %arg9[%swap3A_116, %swap3A_117] {strides = array<i32>} : memref<64x64xf32, #tpu.memory_space<vmem>>, vector<16xf32>,
      tpu.vector_store %arg9[%swap3A_116, %swap3A_117], %gather3A_115 {strides = array<i32>} : memref<64x64xf32, #tpu.memory_space<vmem>>, vector<16xf32>,
      %add3A_119 = arith.constant 48 : i32
      %add3A_120 = vector.broadcast %add3A_119 : i32 to vector<16xi32>
      %add3A_121 = arith.addi %iota3A, %add3A_120 : vector<16xi32>
      %gather3A_122 = tpu.vector_load_idx %arg8[%broadcast_in_dim3A_98, %and3A_97, %add3A_121] : memref<64x8x64xf32, #tpu.memory_space<vmem>>[vector<16xi32>, vector<16xi32>, vector<16xi32>], vector<16xf32>,
      %swap3A_123 = arith.index_cast %scan3A_82 : i32 to index
      %swap3A_124 = arith.constant 48 : index
      %swap3A_125 = tpu.vector_load %arg9[%swap3A_123, %swap3A_124] {strides = array<i32>} : memref<64x64xf32, #tpu.memory_space<vmem>>, vector<16xf32>,
      tpu.vector_store %arg9[%swap3A_123, %swap3A_124], %gather3A_122 {strides = array<i32>} : memref<64x64xf32, #tpu.memory_space<vmem>>, vector<16xf32>,
    }
    %scan3A_61 = arith.constant 64 : i32
    "tpu.region"() ({
      %run_scoped3A = tpu.sem_alloc : memref<!tpu.dma_semaphore, #tpu.memory_space<semaphore_mem>>
      %dma_start3A = arith.constant 0 : i32
      %dma_start3A_82 = tpu.memref_slice %arg6[%add3A_43, %dma_start3A] : memref<4096x64xf32, #tpu.memory_space<hbm>> -> memref<64x64xf32, #tpu.memory_space<hbm>>
      %dma_start3A_83 = arith.constant 0 : i32
      %dma_start3A_84 = tpu.memref_slice %arg6[%add3A_43, %dma_start3A_83] : memref<4096x64xf32, #tpu.memory_space<hbm>> -> memref<64x64xf32, #tpu.memory_space<hbm>>
      tpu.enqueue_dma source(%arg9 : memref<64x64xf32, #tpu.memory_space<vmem>>) target(%dma_start3A_84 : memref<64x64xf32, #tpu.memory_space<hbm>>) target_semaphore(%run_scoped3A : memref<!tpu.dma_semaphore, #tpu.memory_space<semaphore_mem>>)
      %dma_wait3A = arith.constant 0 : i32
      %dma_wait3A_85 = tpu.memref_slice %arg6[%add3A_43, %dma_wait3A] : memref<4096x64xf32, #tpu.memory_space<hbm>> -> memref<64x64xf32, #tpu.memory_space<hbm>>
      %dma_wait3A_86 = arith.constant 0 : i32
      %dma_wait3A_87 = tpu.memref_slice %arg6[%add3A_43, %dma_wait3A_86] : memref<4096x64xf32, #tpu.memory_space<hbm>> -> memref<64x64xf32, #tpu.memory_space<hbm>>
      tpu.wait_dma2 semaphore(%run_scoped3A : memref<!tpu.dma_semaphore, #tpu.memory_space<semaphore_mem>>) src(%arg9 : memref<64x64xf32, #tpu.memory_space<vmem>>) dst(%dma_wait3A_87 : memref<64x64xf32, #tpu.memory_space<hbm>>)
      tpu.yield
    }) : () -> ()
    %add3A_62 = arith.constant 64 : i32
    %add3A_63 = arith.addi %mul3A_2, %add3A_62 : i32
    "tpu.region"() ({
      %run_scoped3A = tpu.sem_alloc : memref<!tpu.dma_semaphore, #tpu.memory_space<semaphore_mem>>
      %dma_start3A = tpu.memref_slice %arg3[%add3A_63] : memref<4096xi32, #tpu.memory_space<hbm>> -> memref<64xi32, #tpu.memory_space<hbm>>
      %dma_start3A_82 = tpu.memref_slice %arg3[%add3A_63] : memref<4096xi32, #tpu.memory_space<hbm>> -> memref<64xi32, #tpu.memory_space<hbm>>
      tpu.enqueue_dma source(%dma_start3A_82 : memref<64xi32, #tpu.memory_space<hbm>>) target(%arg7 : memref<64xi32, #tpu.memory_space<vmem>>) target_semaphore(%run_scoped3A : memref<!tpu.dma_semaphore, #tpu.memory_space<semaphore_mem>>)
      %dma_wait3A = tpu.memref_slice %arg3[%add3A_63] : memref<4096xi32, #tpu.memory_space<hbm>> -> memref<64xi32, #tpu.memory_space<hbm>>
      %dma_wait3A_83 = tpu.memref_slice %arg3[%add3A_63] : memref<4096xi32, #tpu.memory_space<hbm>> -> memref<64xi32, #tpu.memory_space<hbm>>
      tpu.wait_dma2 semaphore(%run_scoped3A : memref<!tpu.dma_semaphore, #tpu.memory_space<semaphore_mem>>) src(%dma_wait3A_83 : memref<64xi32, #tpu.memory_space<hbm>>) dst(%arg7 : memref<64xi32, #tpu.memory_space<vmem>>)
      tpu.yield
    }) : () -> ()
    %scan3A_64 = arith.constant 0 : i32
    %scan3A_65 = arith.constant 0 : i32
    %scan3A_66 = arith.constant 64 : i32
    %scan3A_67 = arith.addi %scan3A_65, %scan3A_66 : i32
    %scan3A_68 = arith.constant 1 : i32
    scf.for %scan3A_82 = %scan3A_65 to %scan3A_67 step %scan3A_68  : i32 {
      %shift_right_arithmetic3A = arith.constant 4 : i32
      %shift_right_arithmetic3A_83 = arith.shrsi %scan3A_82, %shift_right_arithmetic3A : i32
      %mul3A_84 = arith.constant 16 : i32
      %mul3A_85 = arith.muli %shift_right_arithmetic3A_83, %mul3A_84 : i32
      %multiple_of3A = tpu.assume_multiple %mul3A_85, 16 : i32
      %get3A = arith.index_cast %multiple_of3A : i32 to index
      %get3A_86 = tpu.vector_load %arg7[%get3A] {strides = array<i32>} : memref<64xi32, #tpu.memory_space<vmem>>, vector<16xi32>,
      %and3A = arith.constant 15 : i32
      %and3A_87 = arith.andi %scan3A_82, %and3A : i32
      %eq3A = vector.broadcast %and3A_87 : i32 to vector<16xi32>
      %eq3A_88 = arith.cmpi eq, %iota3A, %eq3A : vector<16xi32>
      %jit3A = arith.constant 0 : i32
      %broadcast_in_dim3A = vector.broadcast %jit3A : i32 to vector<16xi32>
      %select_n3A = arith.select %eq3A_88, %get3A_86, %broadcast_in_dim3A : vector<16xi1>, vector<16xi32>
      %reduce_max3A = arith.constant true
      %reduce_max3A_89 = vector.broadcast %reduce_max3A : i1 to vector<16xi1>
      %reduce_max3A_90 = arith.constant -2147483648 : i32
      %reduce_max3A_91 = vector.broadcast %reduce_max3A_90 : i32 to vector<16xi32>
      %reduce_max3A_92 = arith.xori %select_n3A, %reduce_max3A_91 : vector<16xi32>
      %reduce_max3A_93 = tpu.scan <max>, %reduce_max3A_92 masked %reduce_max3A_89 : vector<16xi32>, vector<16xi1> -> vector<16xi32>
      %reduce_max3A_94 = arith.xori %reduce_max3A_93, %reduce_max3A_91 : vector<16xi32>
      %reduce_max3A_95 = vector.extract %reduce_max3A_94[15] : i32 from vector<16xi32>
      %and3A_96 = arith.constant -8 : i32
      %and3A_97 = arith.andi %reduce_max3A_95, %and3A_96 : i32
      %multiple_of3A_98 = tpu.assume_multiple %and3A_97, 8 : i32
      %dma_start3A = arith.constant 0 : i32
      %dma_start3A_99 = arith.constant 0 : i32
      %dma_start3A_100 = tpu.memref_slice %arg8[%scan3A_82, %dma_start3A, %dma_start3A_99] : memref<64x8x64xf32, #tpu.memory_space<vmem>> -> memref<1x8x64xf32, #tpu.memory_space<vmem>>
      %dma_start3A_101 = tpu.memref_squeeze %dma_start3A_100 : memref<1x8x64xf32, #tpu.memory_space<vmem>> -> memref<8x64xf32, #tpu.memory_space<vmem>>
      %dma_start3A_102 = arith.constant 0 : i32
      %dma_start3A_103 = tpu.memref_slice %arg4[%multiple_of3A_98, %dma_start3A_102] : memref<1000000x64xf32, #tpu.memory_space<hbm>> -> memref<8x64xf32, #tpu.memory_space<hbm>>
      %dma_start3A_104 = arith.constant 0 : i32
      %dma_start3A_105 = arith.constant 0 : i32
      %dma_start3A_106 = tpu.memref_slice %arg8[%scan3A_82, %dma_start3A_104, %dma_start3A_105] : memref<64x8x64xf32, #tpu.memory_space<vmem>> -> memref<1x8x64xf32, #tpu.memory_space<vmem>>
      %dma_start3A_107 = tpu.memref_squeeze %dma_start3A_106 : memref<1x8x64xf32, #tpu.memory_space<vmem>> -> memref<8x64xf32, #tpu.memory_space<vmem>>
      %dma_start3A_108 = arith.constant 0 : i32
      %dma_start3A_109 = tpu.memref_slice %arg4[%multiple_of3A_98, %dma_start3A_108] : memref<1000000x64xf32, #tpu.memory_space<hbm>> -> memref<8x64xf32, #tpu.memory_space<hbm>>
      tpu.enqueue_dma source(%dma_start3A_109 : memref<8x64xf32, #tpu.memory_space<hbm>>) target(%dma_start3A_107 : memref<8x64xf32, #tpu.memory_space<vmem>>) target_semaphore(%arg10 : memref<!tpu.dma_semaphore, #tpu.memory_space<semaphore_mem>>)
    }
    %scan3A_69 = arith.constant 64 : i32
    %scan3A_70 = arith.constant 0 : i32
    %scan3A_71 = arith.constant 0 : i32
    %scan3A_72 = arith.constant 64 : i32
    %scan3A_73 = arith.addi %scan3A_71, %scan3A_72 : i32
    %scan3A_74 = arith.constant 1 : i32
    scf.for %scan3A_82 = %scan3A_71 to %scan3A_73 step %scan3A_74  : i32 {
      %dma_wait3A = arith.constant 0 : i32
      %dma_wait3A_83 = arith.constant 0 : i32
      %dma_wait3A_84 = tpu.memref_slice %arg8[%scan3A_82, %dma_wait3A, %dma_wait3A_83] : memref<64x8x64xf32, #tpu.memory_space<vmem>> -> memref<1x8x64xf32, #tpu.memory_space<vmem>>
      %dma_wait3A_85 = tpu.memref_squeeze %dma_wait3A_84 : memref<1x8x64xf32, #tpu.memory_space<vmem>> -> memref<8x64xf32, #tpu.memory_space<vmem>>
      %dma_wait3A_86 = arith.constant 0 : i32
      %dma_wait3A_87 = arith.constant 0 : i32
      %dma_wait3A_88 = tpu.memref_slice %arg4[%dma_wait3A_86, %dma_wait3A_87] : memref<1000000x64xf32, #tpu.memory_space<hbm>> -> memref<8x64xf32, #tpu.memory_space<hbm>>
      %dma_wait3A_89 = arith.constant 0 : i32
      %dma_wait3A_90 = arith.constant 0 : i32
      %dma_wait3A_91 = tpu.memref_slice %arg8[%scan3A_82, %dma_wait3A_89, %dma_wait3A_90] : memref<64x8x64xf32, #tpu.memory_space<vmem>> -> memref<1x8x64xf32, #tpu.memory_space<vmem>>
      %dma_wait3A_92 = tpu.memref_squeeze %dma_wait3A_91 : memref<1x8x64xf32, #tpu.memory_space<vmem>> -> memref<8x64xf32, #tpu.memory_space<vmem>>
      %dma_wait3A_93 = arith.constant 0 : i32
      %dma_wait3A_94 = arith.constant 0 : i32
      %dma_wait3A_95 = tpu.memref_slice %arg4[%dma_wait3A_93, %dma_wait3A_94] : memref<1000000x64xf32, #tpu.memory_space<hbm>> -> memref<8x64xf32, #tpu.memory_space<hbm>>
      tpu.wait_dma2 semaphore(%arg10 : memref<!tpu.dma_semaphore, #tpu.memory_space<semaphore_mem>>) src(%dma_wait3A_95 : memref<8x64xf32, #tpu.memory_space<hbm>>) dst(%dma_wait3A_92 : memref<8x64xf32, #tpu.memory_space<vmem>>)
    }
    %scan3A_75 = arith.constant 64 : i32
    %scan3A_76 = arith.constant 0 : i32
    %scan3A_77 = arith.constant 0 : i32
    %scan3A_78 = arith.constant 64 : i32
    %scan3A_79 = arith.addi %scan3A_77, %scan3A_78 : i32
    %scan3A_80 = arith.constant 1 : i32
    scf.for %scan3A_82 = %scan3A_77 to %scan3A_79 step %scan3A_80  : i32 {
      %shift_right_arithmetic3A = arith.constant 4 : i32
      %shift_right_arithmetic3A_83 = arith.shrsi %scan3A_82, %shift_right_arithmetic3A : i32
      %mul3A_84 = arith.constant 16 : i32
      %mul3A_85 = arith.muli %shift_right_arithmetic3A_83, %mul3A_84 : i32
      %multiple_of3A = tpu.assume_multiple %mul3A_85, 16 : i32
      %get3A = arith.index_cast %multiple_of3A : i32 to index
      %get3A_86 = tpu.vector_load %arg7[%get3A] {strides = array<i32>} : memref<64xi32, #tpu.memory_space<vmem>>, vector<16xi32>,
      %and3A = arith.constant 15 : i32
      %and3A_87 = arith.andi %scan3A_82, %and3A : i32
      %broadcast_in_dim3A = vector.broadcast %and3A_87 : i32 to vector<16xi32>
      %lt3A = arith.constant 0 : i32
      %lt3A_88 = vector.broadcast %lt3A : i32 to vector<16xi32>
      %lt3A_89 = arith.cmpi slt, %broadcast_in_dim3A, %lt3A_88 : vector<16xi32>
      %add3A_90 = arith.constant 16 : i32
      %add3A_91 = vector.broadcast %add3A_90 : i32 to vector<16xi32>
      %add3A_92 = arith.addi %broadcast_in_dim3A, %add3A_91 : vector<16xi32>
      %select_n3A = arith.select %lt3A_89, %add3A_92, %broadcast_in_dim3A : vector<16xi1>, vector<16xi32>
      %broadcast_in_dim3A_93 = vector.shape_cast %select_n3A : vector<16xi32> to vector<16x1xi32>
      %gather3A = vector.shape_cast %broadcast_in_dim3A_93 : vector<16x1xi32> to vector<16xi32>
      %gather3A_94 = tpu.dynamic_gather %get3A_86[%gather3A] in [0] : vector<16xi32>, vector<16xi32> -> vector<16xi32>
      %and3A_95 = arith.constant 7 : i32
      %and3A_96 = vector.broadcast %and3A_95 : i32 to vector<16xi32>
      %and3A_97 = arith.andi %gather3A_94, %and3A_96 : vector<16xi32>
      %broadcast_in_dim3A_98 = vector.broadcast %scan3A_82 : i32 to vector<16xi32>
      %add3A_99 = arith.constant 0 : i32
      %add3A_100 = vector.broadcast %add3A_99 : i32 to vector<16xi32>
      %add3A_101 = arith.addi %iota3A, %add3A_100 : vector<16xi32>
      %gather3A_102 = tpu.vector_load_idx %arg8[%broadcast_in_dim3A_98, %and3A_97, %add3A_101] : memref<64x8x64xf32, #tpu.memory_space<vmem>>[vector<16xi32>, vector<16xi32>, vector<16xi32>], vector<16xf32>,
      %swap3A = arith.index_cast %scan3A_82 : i32 to index
      %swap3A_103 = arith.constant 0 : index
      %swap3A_104 = tpu.vector_load %arg9[%swap3A, %swap3A_103] {strides = array<i32>} : memref<64x64xf32, #tpu.memory_space<vmem>>, vector<16xf32>,
      tpu.vector_store %arg9[%swap3A, %swap3A_103], %gather3A_102 {strides = array<i32>} : memref<64x64xf32, #tpu.memory_space<vmem>>, vector<16xf32>,
      %add3A_105 = arith.constant 16 : i32
      %add3A_106 = vector.broadcast %add3A_105 : i32 to vector<16xi32>
      %add3A_107 = arith.addi %iota3A, %add3A_106 : vector<16xi32>
      %gather3A_108 = tpu.vector_load_idx %arg8[%broadcast_in_dim3A_98, %and3A_97, %add3A_107] : memref<64x8x64xf32, #tpu.memory_space<vmem>>[vector<16xi32>, vector<16xi32>, vector<16xi32>], vector<16xf32>,
      %swap3A_109 = arith.index_cast %scan3A_82 : i32 to index
      %swap3A_110 = arith.constant 16 : index
      %swap3A_111 = tpu.vector_load %arg9[%swap3A_109, %swap3A_110] {strides = array<i32>} : memref<64x64xf32, #tpu.memory_space<vmem>>, vector<16xf32>,
      tpu.vector_store %arg9[%swap3A_109, %swap3A_110], %gather3A_108 {strides = array<i32>} : memref<64x64xf32, #tpu.memory_space<vmem>>, vector<16xf32>,
      %add3A_112 = arith.constant 32 : i32
      %add3A_113 = vector.broadcast %add3A_112 : i32 to vector<16xi32>
      %add3A_114 = arith.addi %iota3A, %add3A_113 : vector<16xi32>
      %gather3A_115 = tpu.vector_load_idx %arg8[%broadcast_in_dim3A_98, %and3A_97, %add3A_114] : memref<64x8x64xf32, #tpu.memory_space<vmem>>[vector<16xi32>, vector<16xi32>, vector<16xi32>], vector<16xf32>,
      %swap3A_116 = arith.index_cast %scan3A_82 : i32 to index
      %swap3A_117 = arith.constant 32 : index
      %swap3A_118 = tpu.vector_load %arg9[%swap3A_116, %swap3A_117] {strides = array<i32>} : memref<64x64xf32, #tpu.memory_space<vmem>>, vector<16xf32>,
      tpu.vector_store %arg9[%swap3A_116, %swap3A_117], %gather3A_115 {strides = array<i32>} : memref<64x64xf32, #tpu.memory_space<vmem>>, vector<16xf32>,
      %add3A_119 = arith.constant 48 : i32
      %add3A_120 = vector.broadcast %add3A_119 : i32 to vector<16xi32>
      %add3A_121 = arith.addi %iota3A, %add3A_120 : vector<16xi32>
      %gather3A_122 = tpu.vector_load_idx %arg8[%broadcast_in_dim3A_98, %and3A_97, %add3A_121] : memref<64x8x64xf32, #tpu.memory_space<vmem>>[vector<16xi32>, vector<16xi32>, vector<16xi32>], vector<16xf32>,
      %swap3A_123 = arith.index_cast %scan3A_82 : i32 to index
      %swap3A_124 = arith.constant 48 : index
      %swap3A_125 = tpu.vector_load %arg9[%swap3A_123, %swap3A_124] {strides = array<i32>} : memref<64x64xf32, #tpu.memory_space<vmem>>, vector<16xf32>,
      tpu.vector_store %arg9[%swap3A_123, %swap3A_124], %gather3A_122 {strides = array<i32>} : memref<64x64xf32, #tpu.memory_space<vmem>>, vector<16xf32>,
    }
    %scan3A_81 = arith.constant 64 : i32
    "tpu.region"() ({
      %run_scoped3A = tpu.sem_alloc : memref<!tpu.dma_semaphore, #tpu.memory_space<semaphore_mem>>
      %dma_start3A = arith.constant 0 : i32
      %dma_start3A_82 = tpu.memref_slice %arg6[%add3A_63, %dma_start3A] : memref<4096x64xf32, #tpu.memory_space<hbm>> -> memref<64x64xf32, #tpu.memory_space<hbm>>
      %dma_start3A_83 = arith.constant 0 : i32
      %dma_start3A_84 = tpu.memref_slice %arg6[%add3A_63, %dma_start3A_83] : memref<4096x64xf32, #tpu.memory_space<hbm>> -> memref<64x64xf32, #tpu.memory_space<hbm>>
      tpu.enqueue_dma source(%arg9 : memref<64x64xf32, #tpu.memory_space<vmem>>) target(%dma_start3A_84 : memref<64x64xf32, #tpu.memory_space<hbm>>) target_semaphore(%run_scoped3A : memref<!tpu.dma_semaphore, #tpu.memory_space<semaphore_mem>>)
      %dma_wait3A = arith.constant 0 : i32
      %dma_wait3A_85 = tpu.memref_slice %arg6[%add3A_63, %dma_wait3A] : memref<4096x64xf32, #tpu.memory_space<hbm>> -> memref<64x64xf32, #tpu.memory_space<hbm>>
      %dma_wait3A_86 = arith.constant 0 : i32
      %dma_wait3A_87 = tpu.memref_slice %arg6[%add3A_63, %dma_wait3A_86] : memref<4096x64xf32, #tpu.memory_space<hbm>> -> memref<64x64xf32, #tpu.memory_space<hbm>>
      tpu.wait_dma2 semaphore(%run_scoped3A : memref<!tpu.dma_semaphore, #tpu.memory_space<semaphore_mem>>) src(%arg9 : memref<64x64xf32, #tpu.memory_space<vmem>>) dst(%dma_wait3A_87 : memref<64x64xf32, #tpu.memory_space<hbm>>)
      tpu.yield
    }) : () -> ()
    return
  }
}

#map = affine_map<(d0, d1) -> (0)>
#map1 = affine_map<(d0, d1) -> (0, 0)>
module attributes {stable_mosaic.version = 14 : i64} {
  func.func @k(%arg0: i32, %arg1: i32, %arg2: memref<4096xi32, #tpu.memory_space<hbm>>, %arg3: memref<4096xi32, #tpu.memory_space<hbm>>, %arg4: memref<1000000x64xf32, #tpu.memory_space<hbm>>, %arg5: memref<4096x64xf32, #tpu.memory_space<hbm>>, %arg6: memref<4096x64xf32, #tpu.memory_space<hbm>>, %arg7: memref<64xi32, #tpu.memory_space<vmem>>, %arg8: memref<64x8x64xf32, #tpu.memory_space<vmem>>, %arg9: memref<64x64xf32, #tpu.memory_space<vmem>>, %arg10: memref<!tpu.dma_semaphore, #tpu.memory_space<semaphore_mem>>) attributes {dimension_semantics = [#tpu.dimension_semantics<core_parallel>, #tpu.dimension_semantics<subcore_parallel>], iteration_bounds = array<i64: 2, 16>, scalar_prefetch = 0 : i64, scratch_operands = 4 : i64, tpu.core_type = #tpu.core_type<sc_vector_subcore>, window_params = [{transform_indices = #map}, {transform_indices = #map}, {transform_indices = #map1}, {transform_indices = #map1}, {transform_indices = #map1}]} {
    %mul3A = arith.constant 2 : i32
    %mul3A_0 = arith.muli %arg1, %mul3A : i32
    %add3A = arith.addi %mul3A_0, %arg0 : i32
    %mul3A_1 = arith.constant 128 : i32
    %mul3A_2 = arith.muli %add3A, %mul3A_1 : i32
    %iota3A = tpu.iota {dimensions = array<i32: 0>} : vector<16xi32>
    %add3A_3 = arith.constant 0 : i32
    %add3A_4 = arith.addi %mul3A_2, %add3A_3 : i32
    "tpu.region"() ({
      %run_scoped3A = tpu.sem_alloc : memref<!tpu.dma_semaphore, #tpu.memory_space<semaphore_mem>>
      %dma_start3A = tpu.memref_slice %arg2[%add3A_4] : memref<4096xi32, #tpu.memory_space<hbm>> -> memref<64xi32, #tpu.memory_space<hbm>>
      %dma_start3A_82 = tpu.memref_slice %arg2[%add3A_4] : memref<4096xi32, #tpu.memory_space<hbm>> -> memref<64xi32, #tpu.memory_space<hbm>>
      tpu.enqueue_dma source(%dma_start3A_82 : memref<64xi32, #tpu.memory_space<hbm>>) target(%arg7 : memref<64xi32, #tpu.memory_space<vmem>>) target_semaphore(%run_scoped3A : memref<!tpu.dma_semaphore, #tpu.memory_space<semaphore_mem>>)
      %dma_wait3A = tpu.memref_slice %arg2[%add3A_4] : memref<4096xi32, #tpu.memory_space<hbm>> -> memref<64xi32, #tpu.memory_space<hbm>>
      %dma_wait3A_83 = tpu.memref_slice %arg2[%add3A_4] : memref<4096xi32, #tpu.memory_space<hbm>> -> memref<64xi32, #tpu.memory_space<hbm>>
      tpu.wait_dma2 semaphore(%run_scoped3A : memref<!tpu.dma_semaphore, #tpu.memory_space<semaphore_mem>>) src(%dma_wait3A_83 : memref<64xi32, #tpu.memory_space<hbm>>) dst(%arg7 : memref<64xi32, #tpu.memory_space<vmem>>)
      tpu.yield
    }) : () -> ()
    %scan3A = arith.constant 0 : i32
    %scan3A_5 = arith.constant 0 : i32
    %scan3A_6 = arith.constant 64 : i32
    %scan3A_7 = arith.addi %scan3A_5, %scan3A_6 : i32
    %scan3A_8 = arith.constant 1 : i32
    scf.for %scan3A_82 = %scan3A_5 to %scan3A_7 step %scan3A_8  : i32 {
      %shift_right_arithmetic3A = arith.constant 4 : i32
      %shift_right_arithmetic3A_83 = arith.shrsi %scan3A_82, %shift_right_arithmetic3A : i32
      %mul3A_84 = arith.constant 16 : i32
      %mul3A_85 = arith.muli %shift_right_arithmetic3A_83, %mul3A_84 : i32
      %multiple_of3A = tpu.assume_multiple %mul3A_85, 16 : i32
      %get3A = arith.index_cast %multiple_of3A : i32 to index
      %get3A_86 = tpu.vector_load %arg7[%get3A] {strides = array<i32>} : memref<64xi32, #tpu.memory_space<vmem>>, vector<16xi32>,
      %and3A = arith.constant 15 : i32
      %and3A_87 = arith.andi %scan3A_82, %and3A : i32
      %eq3A = vector.broadcast %and3A_87 : i32 to vector<16xi32>
      %eq3A_88 = arith.cmpi eq, %iota3A, %eq3A : vector<16xi32>
      %jit3A = arith.constant 0 : i32
      %broadcast_in_dim3A = vector.broadcast %jit3A : i32 to vector<16xi32>
      %select_n3A = arith.select %eq3A_88, %get3A_86, %broadcast_in_dim3A : vector<16xi1>, vector<16xi32>
      %reduce_max3A = arith.constant true
      %reduce_max3A_89 = vector.broadcast %reduce_max3A : i1 to vector<16xi1>
      %reduce_max3A_90 = arith.constant -2147483648 : i32
      %reduce_max3A_91 = vector.broadcast %reduce_max3A_90 : i32 to vector<16xi32>
      %reduce_max3A_92 = arith.xori %select_n3A, %reduce_max3A_91 : vector<16xi32>
      %reduce_max3A_93 = tpu.scan <max>, %reduce_max3A_92 masked %reduce_max3A_89 : vector<16xi32>, vector<16xi1> -> vector<16xi32>
      %reduce_max3A_94 = arith.xori %reduce_max3A_93, %reduce_max3A_91 : vector<16xi32>
      %reduce_max3A_95 = vector.extract %reduce_max3A_94[15] : i32 from vector<16xi32>
      %and3A_96 = arith.constant -8 : i32
      %and3A_97 = arith.andi %reduce_max3A_95, %and3A_96 : i32
      %multiple_of3A_98 = tpu.assume_multiple %and3A_97, 8 : i32
      %dma_start3A = arith.constant 0 : i32
      %dma_start3A_99 = arith.constant 0 : i32
      %dma_start3A_100 = tpu.memref_slice %arg8[%scan3A_82, %dma_start3A, %dma_start3A_99] : memref<64x8x64xf32, #tpu.memory_space<vmem>> -> memref<1x8x64xf32, #tpu.memory_space<vmem>>
      %dma_start3A_101 = tpu.memref_squeeze %dma_start3A_100 : memref<1x8x64xf32, #tpu.memory_space<vmem>> -> memref<8x64xf32, #tpu.memory_space<vmem>>
      %dma_start3A_102 = arith.constant 0 : i32
      %dma_start3A_103 = tpu.memref_slice %arg4[%multiple_of3A_98, %dma_start3A_102] : memref<1000000x64xf32, #tpu.memory_space<hbm>> -> memref<8x64xf32, #tpu.memory_space<hbm>>
      %dma_start3A_104 = arith.constant 0 : i32
      %dma_start3A_105 = arith.constant 0 : i32
      %dma_start3A_106 = tpu.memref_slice %arg8[%scan3A_82, %dma_start3A_104, %dma_start3A_105] : memref<64x8x64xf32, #tpu.memory_space<vmem>> -> memref<1x8x64xf32, #tpu.memory_space<vmem>>
      %dma_start3A_107 = tpu.memref_squeeze %dma_start3A_106 : memref<1x8x64xf32, #tpu.memory_space<vmem>> -> memref<8x64xf32, #tpu.memory_space<vmem>>
      %dma_start3A_108 = arith.constant 0 : i32
      %dma_start3A_109 = tpu.memref_slice %arg4[%multiple_of3A_98, %dma_start3A_108] : memref<1000000x64xf32, #tpu.memory_space<hbm>> -> memref<8x64xf32, #tpu.memory_space<hbm>>
      tpu.enqueue_dma source(%dma_start3A_109 : memref<8x64xf32, #tpu.memory_space<hbm>>) target(%dma_start3A_107 : memref<8x64xf32, #tpu.memory_space<vmem>>) target_semaphore(%arg10 : memref<!tpu.dma_semaphore, #tpu.memory_space<semaphore_mem>>)
    }
    %scan3A_9 = arith.constant 64 : i32
    %scan3A_10 = arith.constant 0 : i32
    %scan3A_11 = arith.constant 0 : i32
    %scan3A_12 = arith.constant 64 : i32
    %scan3A_13 = arith.addi %scan3A_11, %scan3A_12 : i32
    %scan3A_14 = arith.constant 1 : i32
    scf.for %scan3A_82 = %scan3A_11 to %scan3A_13 step %scan3A_14  : i32 {
      %dma_wait3A = arith.constant 0 : i32
      %dma_wait3A_83 = arith.constant 0 : i32
      %dma_wait3A_84 = tpu.memref_slice %arg8[%scan3A_82, %dma_wait3A, %dma_wait3A_83] : memref<64x8x64xf32, #tpu.memory_space<vmem>> -> memref<1x8x64xf32, #tpu.memory_space<vmem>>
      %dma_wait3A_85 = tpu.memref_squeeze %dma_wait3A_84 : memref<1x8x64xf32, #tpu.memory_space<vmem>> -> memref<8x64xf32, #tpu.memory_space<vmem>>
      %dma_wait3A_86 = arith.constant 0 : i32
      %dma_wait3A_87 = arith.constant 0 : i32
      %dma_wait3A_88 = tpu.memref_slice %arg4[%dma_wait3A_86, %dma_wait3A_87] : memref<1000000x64xf32, #tpu.memory_space<hbm>> -> memref<8x64xf32, #tpu.memory_space<hbm>>
      %dma_wait3A_89 = arith.constant 0 : i32
      %dma_wait3A_90 = arith.constant 0 : i32
      %dma_wait3A_91 = tpu.memref_slice %arg8[%scan3A_82, %dma_wait3A_89, %dma_wait3A_90] : memref<64x8x64xf32, #tpu.memory_space<vmem>> -> memref<1x8x64xf32, #tpu.memory_space<vmem>>
      %dma_wait3A_92 = tpu.memref_squeeze %dma_wait3A_91 : memref<1x8x64xf32, #tpu.memory_space<vmem>> -> memref<8x64xf32, #tpu.memory_space<vmem>>
      %dma_wait3A_93 = arith.constant 0 : i32
      %dma_wait3A_94 = arith.constant 0 : i32
      %dma_wait3A_95 = tpu.memref_slice %arg4[%dma_wait3A_93, %dma_wait3A_94] : memref<1000000x64xf32, #tpu.memory_space<hbm>> -> memref<8x64xf32, #tpu.memory_space<hbm>>
      tpu.wait_dma2 semaphore(%arg10 : memref<!tpu.dma_semaphore, #tpu.memory_space<semaphore_mem>>) src(%dma_wait3A_95 : memref<8x64xf32, #tpu.memory_space<hbm>>) dst(%dma_wait3A_92 : memref<8x64xf32, #tpu.memory_space<vmem>>)
    }
    %scan3A_15 = arith.constant 64 : i32
    %scan3A_16 = arith.constant 0 : i32
    %scan3A_17 = arith.constant 0 : i32
    %scan3A_18 = arith.constant 64 : i32
    %scan3A_19 = arith.addi %scan3A_17, %scan3A_18 : i32
    %scan3A_20 = arith.constant 1 : i32
    scf.for %scan3A_82 = %scan3A_17 to %scan3A_19 step %scan3A_20  : i32 {
      %shift_right_arithmetic3A = arith.constant 4 : i32
      %shift_right_arithmetic3A_83 = arith.shrsi %scan3A_82, %shift_right_arithmetic3A : i32
      %mul3A_84 = arith.constant 16 : i32
      %mul3A_85 = arith.muli %shift_right_arithmetic3A_83, %mul3A_84 : i32
      %multiple_of3A = tpu.assume_multiple %mul3A_85, 16 : i32
      %get3A = arith.index_cast %multiple_of3A : i32 to index
      %get3A_86 = tpu.vector_load %arg7[%get3A] {strides = array<i32>} : memref<64xi32, #tpu.memory_space<vmem>>, vector<16xi32>,
      %and3A = arith.constant 15 : i32
      %and3A_87 = arith.andi %scan3A_82, %and3A : i32
      %broadcast_in_dim3A = vector.broadcast %and3A_87 : i32 to vector<16xi32>
      %lt3A = arith.constant 0 : i32
      %lt3A_88 = vector.broadcast %lt3A : i32 to vector<16xi32>
      %lt3A_89 = arith.cmpi slt, %broadcast_in_dim3A, %lt3A_88 : vector<16xi32>
      %add3A_90 = arith.constant 16 : i32
      %add3A_91 = vector.broadcast %add3A_90 : i32 to vector<16xi32>
      %add3A_92 = arith.addi %broadcast_in_dim3A, %add3A_91 : vector<16xi32>
      %select_n3A = arith.select %lt3A_89, %add3A_92, %broadcast_in_dim3A : vector<16xi1>, vector<16xi32>
      %broadcast_in_dim3A_93 = vector.shape_cast %select_n3A : vector<16xi32> to vector<16x1xi32>
      %gather3A = vector.shape_cast %broadcast_in_dim3A_93 : vector<16x1xi32> to vector<16xi32>
      %gather3A_94 = tpu.dynamic_gather %get3A_86[%gather3A] in [0] : vector<16xi32>, vector<16xi32> -> vector<16xi32>
      %and3A_95 = arith.constant 7 : i32
      %and3A_96 = vector.broadcast %and3A_95 : i32 to vector<16xi32>
      %and3A_97 = arith.andi %gather3A_94, %and3A_96 : vector<16xi32>
      %broadcast_in_dim3A_98 = vector.broadcast %scan3A_82 : i32 to vector<16xi32>
      %add3A_99 = arith.constant 0 : i32
      %add3A_100 = vector.broadcast %add3A_99 : i32 to vector<16xi32>
      %add3A_101 = arith.addi %iota3A, %add3A_100 : vector<16xi32>
      %gather3A_102 = tpu.vector_load_idx %arg8[%broadcast_in_dim3A_98, %and3A_97, %add3A_101] : memref<64x8x64xf32, #tpu.memory_space<vmem>>[vector<16xi32>, vector<16xi32>, vector<16xi32>], vector<16xf32>,
      %swap3A = arith.index_cast %scan3A_82 : i32 to index
      %swap3A_103 = arith.constant 0 : index
      %swap3A_104 = tpu.vector_load %arg9[%swap3A, %swap3A_103] {strides = array<i32>} : memref<64x64xf32, #tpu.memory_space<vmem>>, vector<16xf32>,
      tpu.vector_store %arg9[%swap3A, %swap3A_103], %gather3A_102 {strides = array<i32>} : memref<64x64xf32, #tpu.memory_space<vmem>>, vector<16xf32>,
      %add3A_105 = arith.constant 16 : i32
      %add3A_106 = vector.broadcast %add3A_105 : i32 to vector<16xi32>
      %add3A_107 = arith.addi %iota3A, %add3A_106 : vector<16xi32>
      %gather3A_108 = tpu.vector_load_idx %arg8[%broadcast_in_dim3A_98, %and3A_97, %add3A_107] : memref<64x8x64xf32, #tpu.memory_space<vmem>>[vector<16xi32>, vector<16xi32>, vector<16xi32>], vector<16xf32>,
      %swap3A_109 = arith.index_cast %scan3A_82 : i32 to index
      %swap3A_110 = arith.constant 16 : index
      %swap3A_111 = tpu.vector_load %arg9[%swap3A_109, %swap3A_110] {strides = array<i32>} : memref<64x64xf32, #tpu.memory_space<vmem>>, vector<16xf32>,
      tpu.vector_store %arg9[%swap3A_109, %swap3A_110], %gather3A_108 {strides = array<i32>} : memref<64x64xf32, #tpu.memory_space<vmem>>, vector<16xf32>,
      %add3A_112 = arith.constant 32 : i32
      %add3A_113 = vector.broadcast %add3A_112 : i32 to vector<16xi32>
      %add3A_114 = arith.addi %iota3A, %add3A_113 : vector<16xi32>
      %gather3A_115 = tpu.vector_load_idx %arg8[%broadcast_in_dim3A_98, %and3A_97, %add3A_114] : memref<64x8x64xf32, #tpu.memory_space<vmem>>[vector<16xi32>, vector<16xi32>, vector<16xi32>], vector<16xf32>,
      %swap3A_116 = arith.index_cast %scan3A_82 : i32 to index
      %swap3A_117 = arith.constant 32 : index
      %swap3A_118 = tpu.vector_load %arg9[%swap3A_116, %swap3A_117] {strides = array<i32>} : memref<64x64xf32, #tpu.memory_space<vmem>>, vector<16xf32>,
      tpu.vector_store %arg9[%swap3A_116, %swap3A_117], %gather3A_115 {strides = array<i32>} : memref<64x64xf32, #tpu.memory_space<vmem>>, vector<16xf32>,
      %add3A_119 = arith.constant 48 : i32
      %add3A_120 = vector.broadcast %add3A_119 : i32 to vector<16xi32>
      %add3A_121 = arith.addi %iota3A, %add3A_120 : vector<16xi32>
      %gather3A_122 = tpu.vector_load_idx %arg8[%broadcast_in_dim3A_98, %and3A_97, %add3A_121] : memref<64x8x64xf32, #tpu.memory_space<vmem>>[vector<16xi32>, vector<16xi32>, vector<16xi32>], vector<16xf32>,
      %swap3A_123 = arith.index_cast %scan3A_82 : i32 to index
      %swap3A_124 = arith.constant 48 : index
      %swap3A_125 = tpu.vector_load %arg9[%swap3A_123, %swap3A_124] {strides = array<i32>} : memref<64x64xf32, #tpu.memory_space<vmem>>, vector<16xf32>,
      tpu.vector_store %arg9[%swap3A_123, %swap3A_124], %gather3A_122 {strides = array<i32>} : memref<64x64xf32, #tpu.memory_space<vmem>>, vector<16xf32>,
    }
    %scan3A_21 = arith.constant 64 : i32
    "tpu.region"() ({
      %run_scoped3A = tpu.sem_alloc : memref<!tpu.dma_semaphore, #tpu.memory_space<semaphore_mem>>
      %dma_start3A = arith.constant 0 : i32
      %dma_start3A_82 = tpu.memref_slice %arg5[%add3A_4, %dma_start3A] : memref<4096x64xf32, #tpu.memory_space<hbm>> -> memref<64x64xf32, #tpu.memory_space<hbm>>
      %dma_start3A_83 = arith.constant 0 : i32
      %dma_start3A_84 = tpu.memref_slice %arg5[%add3A_4, %dma_start3A_83] : memref<4096x64xf32, #tpu.memory_space<hbm>> -> memref<64x64xf32, #tpu.memory_space<hbm>>
      tpu.enqueue_dma source(%arg9 : memref<64x64xf32, #tpu.memory_space<vmem>>) target(%dma_start3A_84 : memref<64x64xf32, #tpu.memory_space<hbm>>) target_semaphore(%run_scoped3A : memref<!tpu.dma_semaphore, #tpu.memory_space<semaphore_mem>>)
      %dma_wait3A = arith.constant 0 : i32
      %dma_wait3A_85 = tpu.memref_slice %arg5[%add3A_4, %dma_wait3A] : memref<4096x64xf32, #tpu.memory_space<hbm>> -> memref<64x64xf32, #tpu.memory_space<hbm>>
      %dma_wait3A_86 = arith.constant 0 : i32
      %dma_wait3A_87 = tpu.memref_slice %arg5[%add3A_4, %dma_wait3A_86] : memref<4096x64xf32, #tpu.memory_space<hbm>> -> memref<64x64xf32, #tpu.memory_space<hbm>>
      tpu.wait_dma2 semaphore(%run_scoped3A : memref<!tpu.dma_semaphore, #tpu.memory_space<semaphore_mem>>) src(%arg9 : memref<64x64xf32, #tpu.memory_space<vmem>>) dst(%dma_wait3A_87 : memref<64x64xf32, #tpu.memory_space<hbm>>)
      tpu.yield
    }) : () -> ()
    %add3A_22 = arith.constant 64 : i32
    %add3A_23 = arith.addi %mul3A_2, %add3A_22 : i32
    "tpu.region"() ({
      %run_scoped3A = tpu.sem_alloc : memref<!tpu.dma_semaphore, #tpu.memory_space<semaphore_mem>>
      %dma_start3A = tpu.memref_slice %arg2[%add3A_23] : memref<4096xi32, #tpu.memory_space<hbm>> -> memref<64xi32, #tpu.memory_space<hbm>>
      %dma_start3A_82 = tpu.memref_slice %arg2[%add3A_23] : memref<4096xi32, #tpu.memory_space<hbm>> -> memref<64xi32, #tpu.memory_space<hbm>>
      tpu.enqueue_dma source(%dma_start3A_82 : memref<64xi32, #tpu.memory_space<hbm>>) target(%arg7 : memref<64xi32, #tpu.memory_space<vmem>>) target_semaphore(%run_scoped3A : memref<!tpu.dma_semaphore, #tpu.memory_space<semaphore_mem>>)
      %dma_wait3A = tpu.memref_slice %arg2[%add3A_23] : memref<4096xi32, #tpu.memory_space<hbm>> -> memref<64xi32, #tpu.memory_space<hbm>>
      %dma_wait3A_83 = tpu.memref_slice %arg2[%add3A_23] : memref<4096xi32, #tpu.memory_space<hbm>> -> memref<64xi32, #tpu.memory_space<hbm>>
      tpu.wait_dma2 semaphore(%run_scoped3A : memref<!tpu.dma_semaphore, #tpu.memory_space<semaphore_mem>>) src(%dma_wait3A_83 : memref<64xi32, #tpu.memory_space<hbm>>) dst(%arg7 : memref<64xi32, #tpu.memory_space<vmem>>)
      tpu.yield
    }) : () -> ()
    %scan3A_24 = arith.constant 0 : i32
    %scan3A_25 = arith.constant 0 : i32
    %scan3A_26 = arith.constant 64 : i32
    %scan3A_27 = arith.addi %scan3A_25, %scan3A_26 : i32
    %scan3A_28 = arith.constant 1 : i32
    scf.for %scan3A_82 = %scan3A_25 to %scan3A_27 step %scan3A_28  : i32 {
      %shift_right_arithmetic3A = arith.constant 4 : i32
      %shift_right_arithmetic3A_83 = arith.shrsi %scan3A_82, %shift_right_arithmetic3A : i32
      %mul3A_84 = arith.constant 16 : i32
      %mul3A_85 = arith.muli %shift_right_arithmetic3A_83, %mul3A_84 : i32
      %multiple_of3A = tpu.assume_multiple %mul3A_85, 16 : i32
      %get3A = arith.index_cast %multiple_of3A : i32 to index
      %get3A_86 = tpu.vector_load %arg7[%get3A] {strides = array<i32>} : memref<64xi32, #tpu.memory_space<vmem>>, vector<16xi32>,
      %and3A = arith.constant 15 : i32
      %and3A_87 = arith.andi %scan3A_82, %and3A : i32
      %eq3A = vector.broadcast %and3A_87 : i32 to vector<16xi32>
      %eq3A_88 = arith.cmpi eq, %iota3A, %eq3A : vector<16xi32>
      %jit3A = arith.constant 0 : i32
      %broadcast_in_dim3A = vector.broadcast %jit3A : i32 to vector<16xi32>
      %select_n3A = arith.select %eq3A_88, %get3A_86, %broadcast_in_dim3A : vector<16xi1>, vector<16xi32>
      %reduce_max3A = arith.constant true
      %reduce_max3A_89 = vector.broadcast %reduce_max3A : i1 to vector<16xi1>
      %reduce_max3A_90 = arith.constant -2147483648 : i32
      %reduce_max3A_91 = vector.broadcast %reduce_max3A_90 : i32 to vector<16xi32>
      %reduce_max3A_92 = arith.xori %select_n3A, %reduce_max3A_91 : vector<16xi32>
      %reduce_max3A_93 = tpu.scan <max>, %reduce_max3A_92 masked %reduce_max3A_89 : vector<16xi32>, vector<16xi1> -> vector<16xi32>
      %reduce_max3A_94 = arith.xori %reduce_max3A_93, %reduce_max3A_91 : vector<16xi32>
      %reduce_max3A_95 = vector.extract %reduce_max3A_94[15] : i32 from vector<16xi32>
      %and3A_96 = arith.constant -8 : i32
      %and3A_97 = arith.andi %reduce_max3A_95, %and3A_96 : i32
      %multiple_of3A_98 = tpu.assume_multiple %and3A_97, 8 : i32
      %dma_start3A = arith.constant 0 : i32
      %dma_start3A_99 = arith.constant 0 : i32
      %dma_start3A_100 = tpu.memref_slice %arg8[%scan3A_82, %dma_start3A, %dma_start3A_99] : memref<64x8x64xf32, #tpu.memory_space<vmem>> -> memref<1x8x64xf32, #tpu.memory_space<vmem>>
      %dma_start3A_101 = tpu.memref_squeeze %dma_start3A_100 : memref<1x8x64xf32, #tpu.memory_space<vmem>> -> memref<8x64xf32, #tpu.memory_space<vmem>>
      %dma_start3A_102 = arith.constant 0 : i32
      %dma_start3A_103 = tpu.memref_slice %arg4[%multiple_of3A_98, %dma_start3A_102] : memref<1000000x64xf32, #tpu.memory_space<hbm>> -> memref<8x64xf32, #tpu.memory_space<hbm>>
      %dma_start3A_104 = arith.constant 0 : i32
      %dma_start3A_105 = arith.constant 0 : i32
      %dma_start3A_106 = tpu.memref_slice %arg8[%scan3A_82, %dma_start3A_104, %dma_start3A_105] : memref<64x8x64xf32, #tpu.memory_space<vmem>> -> memref<1x8x64xf32, #tpu.memory_space<vmem>>
      %dma_start3A_107 = tpu.memref_squeeze %dma_start3A_106 : memref<1x8x64xf32, #tpu.memory_space<vmem>> -> memref<8x64xf32, #tpu.memory_space<vmem>>
      %dma_start3A_108 = arith.constant 0 : i32
      %dma_start3A_109 = tpu.memref_slice %arg4[%multiple_of3A_98, %dma_start3A_108] : memref<1000000x64xf32, #tpu.memory_space<hbm>> -> memref<8x64xf32, #tpu.memory_space<hbm>>
      tpu.enqueue_dma source(%dma_start3A_109 : memref<8x64xf32, #tpu.memory_space<hbm>>) target(%dma_start3A_107 : memref<8x64xf32, #tpu.memory_space<vmem>>) target_semaphore(%arg10 : memref<!tpu.dma_semaphore, #tpu.memory_space<semaphore_mem>>)
    }
    %scan3A_29 = arith.constant 64 : i32
    %scan3A_30 = arith.constant 0 : i32
    %scan3A_31 = arith.constant 0 : i32
    %scan3A_32 = arith.constant 64 : i32
    %scan3A_33 = arith.addi %scan3A_31, %scan3A_32 : i32
    %scan3A_34 = arith.constant 1 : i32
    scf.for %scan3A_82 = %scan3A_31 to %scan3A_33 step %scan3A_34  : i32 {
      %dma_wait3A = arith.constant 0 : i32
      %dma_wait3A_83 = arith.constant 0 : i32
      %dma_wait3A_84 = tpu.memref_slice %arg8[%scan3A_82, %dma_wait3A, %dma_wait3A_83] : memref<64x8x64xf32, #tpu.memory_space<vmem>> -> memref<1x8x64xf32, #tpu.memory_space<vmem>>
      %dma_wait3A_85 = tpu.memref_squeeze %dma_wait3A_84 : memref<1x8x64xf32, #tpu.memory_space<vmem>> -> memref<8x64xf32, #tpu.memory_space<vmem>>
      %dma_wait3A_86 = arith.constant 0 : i32
      %dma_wait3A_87 = arith.constant 0 : i32
      %dma_wait3A_88 = tpu.memref_slice %arg4[%dma_wait3A_86, %dma_wait3A_87] : memref<1000000x64xf32, #tpu.memory_space<hbm>> -> memref<8x64xf32, #tpu.memory_space<hbm>>
      %dma_wait3A_89 = arith.constant 0 : i32
      %dma_wait3A_90 = arith.constant 0 : i32
      %dma_wait3A_91 = tpu.memref_slice %arg8[%scan3A_82, %dma_wait3A_89, %dma_wait3A_90] : memref<64x8x64xf32, #tpu.memory_space<vmem>> -> memref<1x8x64xf32, #tpu.memory_space<vmem>>
      %dma_wait3A_92 = tpu.memref_squeeze %dma_wait3A_91 : memref<1x8x64xf32, #tpu.memory_space<vmem>> -> memref<8x64xf32, #tpu.memory_space<vmem>>
      %dma_wait3A_93 = arith.constant 0 : i32
      %dma_wait3A_94 = arith.constant 0 : i32
      %dma_wait3A_95 = tpu.memref_slice %arg4[%dma_wait3A_93, %dma_wait3A_94] : memref<1000000x64xf32, #tpu.memory_space<hbm>> -> memref<8x64xf32, #tpu.memory_space<hbm>>
      tpu.wait_dma2 semaphore(%arg10 : memref<!tpu.dma_semaphore, #tpu.memory_space<semaphore_mem>>) src(%dma_wait3A_95 : memref<8x64xf32, #tpu.memory_space<hbm>>) dst(%dma_wait3A_92 : memref<8x64xf32, #tpu.memory_space<vmem>>)
    }
    %scan3A_35 = arith.constant 64 : i32
    %scan3A_36 = arith.constant 0 : i32
    %scan3A_37 = arith.constant 0 : i32
    %scan3A_38 = arith.constant 64 : i32
    %scan3A_39 = arith.addi %scan3A_37, %scan3A_38 : i32
    %scan3A_40 = arith.constant 1 : i32
    scf.for %scan3A_82 = %scan3A_37 to %scan3A_39 step %scan3A_40  : i32 {
      %shift_right_arithmetic3A = arith.constant 4 : i32
      %shift_right_arithmetic3A_83 = arith.shrsi %scan3A_82, %shift_right_arithmetic3A : i32
      %mul3A_84 = arith.constant 16 : i32
      %mul3A_85 = arith.muli %shift_right_arithmetic3A_83, %mul3A_84 : i32
      %multiple_of3A = tpu.assume_multiple %mul3A_85, 16 : i32
      %get3A = arith.index_cast %multiple_of3A : i32 to index
      %get3A_86 = tpu.vector_load %arg7[%get3A] {strides = array<i32>} : memref<64xi32, #tpu.memory_space<vmem>>, vector<16xi32>,
      %and3A = arith.constant 15 : i32
      %and3A_87 = arith.andi %scan3A_82, %and3A : i32
      %broadcast_in_dim3A = vector.broadcast %and3A_87 : i32 to vector<16xi32>
      %lt3A = arith.constant 0 : i32
      %lt3A_88 = vector.broadcast %lt3A : i32 to vector<16xi32>
      %lt3A_89 = arith.cmpi slt, %broadcast_in_dim3A, %lt3A_88 : vector<16xi32>
      %add3A_90 = arith.constant 16 : i32
      %add3A_91 = vector.broadcast %add3A_90 : i32 to vector<16xi32>
      %add3A_92 = arith.addi %broadcast_in_dim3A, %add3A_91 : vector<16xi32>
      %select_n3A = arith.select %lt3A_89, %add3A_92, %broadcast_in_dim3A : vector<16xi1>, vector<16xi32>
      %broadcast_in_dim3A_93 = vector.shape_cast %select_n3A : vector<16xi32> to vector<16x1xi32>
      %gather3A = vector.shape_cast %broadcast_in_dim3A_93 : vector<16x1xi32> to vector<16xi32>
      %gather3A_94 = tpu.dynamic_gather %get3A_86[%gather3A] in [0] : vector<16xi32>, vector<16xi32> -> vector<16xi32>
      %and3A_95 = arith.constant 7 : i32
      %and3A_96 = vector.broadcast %and3A_95 : i32 to vector<16xi32>
      %and3A_97 = arith.andi %gather3A_94, %and3A_96 : vector<16xi32>
      %broadcast_in_dim3A_98 = vector.broadcast %scan3A_82 : i32 to vector<16xi32>
      %add3A_99 = arith.constant 0 : i32
      %add3A_100 = vector.broadcast %add3A_99 : i32 to vector<16xi32>
      %add3A_101 = arith.addi %iota3A, %add3A_100 : vector<16xi32>
      %gather3A_102 = tpu.vector_load_idx %arg8[%broadcast_in_dim3A_98, %and3A_97, %add3A_101] : memref<64x8x64xf32, #tpu.memory_space<vmem>>[vector<16xi32>, vector<16xi32>, vector<16xi32>], vector<16xf32>,
      %swap3A = arith.index_cast %scan3A_82 : i32 to index
      %swap3A_103 = arith.constant 0 : index
      %swap3A_104 = tpu.vector_load %arg9[%swap3A, %swap3A_103] {strides = array<i32>} : memref<64x64xf32, #tpu.memory_space<vmem>>, vector<16xf32>,
      tpu.vector_store %arg9[%swap3A, %swap3A_103], %gather3A_102 {strides = array<i32>} : memref<64x64xf32, #tpu.memory_space<vmem>>, vector<16xf32>,
      %add3A_105 = arith.constant 16 : i32
      %add3A_106 = vector.broadcast %add3A_105 : i32 to vector<16xi32>
      %add3A_107 = arith.addi %iota3A, %add3A_106 : vector<16xi32>
      %gather3A_108 = tpu.vector_load_idx %arg8[%broadcast_in_dim3A_98, %and3A_97, %add3A_107] : memref<64x8x64xf32, #tpu.memory_space<vmem>>[vector<16xi32>, vector<16xi32>, vector<16xi32>], vector<16xf32>,
      %swap3A_109 = arith.index_cast %scan3A_82 : i32 to index
      %swap3A_110 = arith.constant 16 : index
      %swap3A_111 = tpu.vector_load %arg9[%swap3A_109, %swap3A_110] {strides = array<i32>} : memref<64x64xf32, #tpu.memory_space<vmem>>, vector<16xf32>,
      tpu.vector_store %arg9[%swap3A_109, %swap3A_110], %gather3A_108 {strides = array<i32>} : memref<64x64xf32, #tpu.memory_space<vmem>>, vector<16xf32>,
      %add3A_112 = arith.constant 32 : i32
      %add3A_113 = vector.broadcast %add3A_112 : i32 to vector<16xi32>
      %add3A_114 = arith.addi %iota3A, %add3A_113 : vector<16xi32>
      %gather3A_115 = tpu.vector_load_idx %arg8[%broadcast_in_dim3A_98, %and3A_97, %add3A_114] : memref<64x8x64xf32, #tpu.memory_space<vmem>>[vector<16xi32>, vector<16xi32>, vector<16xi32>], vector<16xf32>,
      %swap3A_116 = arith.index_cast %scan3A_82 : i32 to index
      %swap3A_117 = arith.constant 32 : index
      %swap3A_118 = tpu.vector_load %arg9[%swap3A_116, %swap3A_117] {strides = array<i32>} : memref<64x64xf32, #tpu.memory_space<vmem>>, vector<16xf32>,
      tpu.vector_store %arg9[%swap3A_116, %swap3A_117], %gather3A_115 {strides = array<i32>} : memref<64x64xf32, #tpu.memory_space<vmem>>, vector<16xf32>,
      %add3A_119 = arith.constant 48 : i32
      %add3A_120 = vector.broadcast %add3A_119 : i32 to vector<16xi32>
      %add3A_121 = arith.addi %iota3A, %add3A_120 : vector<16xi32>
      %gather3A_122 = tpu.vector_load_idx %arg8[%broadcast_in_dim3A_98, %and3A_97, %add3A_121] : memref<64x8x64xf32, #tpu.memory_space<vmem>>[vector<16xi32>, vector<16xi32>, vector<16xi32>], vector<16xf32>,
      %swap3A_123 = arith.index_cast %scan3A_82 : i32 to index
      %swap3A_124 = arith.constant 48 : index
      %swap3A_125 = tpu.vector_load %arg9[%swap3A_123, %swap3A_124] {strides = array<i32>} : memref<64x64xf32, #tpu.memory_space<vmem>>, vector<16xf32>,
      tpu.vector_store %arg9[%swap3A_123, %swap3A_124], %gather3A_122 {strides = array<i32>} : memref<64x64xf32, #tpu.memory_space<vmem>>, vector<16xf32>,
    }
    %scan3A_41 = arith.constant 64 : i32
    "tpu.region"() ({
      %run_scoped3A = tpu.sem_alloc : memref<!tpu.dma_semaphore, #tpu.memory_space<semaphore_mem>>
      %dma_start3A = arith.constant 0 : i32
      %dma_start3A_82 = tpu.memref_slice %arg5[%add3A_23, %dma_start3A] : memref<4096x64xf32, #tpu.memory_space<hbm>> -> memref<64x64xf32, #tpu.memory_space<hbm>>
      %dma_start3A_83 = arith.constant 0 : i32
      %dma_start3A_84 = tpu.memref_slice %arg5[%add3A_23, %dma_start3A_83] : memref<4096x64xf32, #tpu.memory_space<hbm>> -> memref<64x64xf32, #tpu.memory_space<hbm>>
      tpu.enqueue_dma source(%arg9 : memref<64x64xf32, #tpu.memory_space<vmem>>) target(%dma_start3A_84 : memref<64x64xf32, #tpu.memory_space<hbm>>) target_semaphore(%run_scoped3A : memref<!tpu.dma_semaphore, #tpu.memory_space<semaphore_mem>>)
      %dma_wait3A = arith.constant 0 : i32
      %dma_wait3A_85 = tpu.memref_slice %arg5[%add3A_23, %dma_wait3A] : memref<4096x64xf32, #tpu.memory_space<hbm>> -> memref<64x64xf32, #tpu.memory_space<hbm>>
      %dma_wait3A_86 = arith.constant 0 : i32
      %dma_wait3A_87 = tpu.memref_slice %arg5[%add3A_23, %dma_wait3A_86] : memref<4096x64xf32, #tpu.memory_space<hbm>> -> memref<64x64xf32, #tpu.memory_space<hbm>>
      tpu.wait_dma2 semaphore(%run_scoped3A : memref<!tpu.dma_semaphore, #tpu.memory_space<semaphore_mem>>) src(%arg9 : memref<64x64xf32, #tpu.memory_space<vmem>>) dst(%dma_wait3A_87 : memref<64x64xf32, #tpu.memory_space<hbm>>)
      tpu.yield
    }) : () -> ()
    %add3A_42 = arith.constant 0 : i32
    %add3A_43 = arith.addi %mul3A_2, %add3A_42 : i32
    "tpu.region"() ({
      %run_scoped3A = tpu.sem_alloc : memref<!tpu.dma_semaphore, #tpu.memory_space<semaphore_mem>>
      %dma_start3A = tpu.memref_slice %arg3[%add3A_43] : memref<4096xi32, #tpu.memory_space<hbm>> -> memref<64xi32, #tpu.memory_space<hbm>>
      %dma_start3A_82 = tpu.memref_slice %arg3[%add3A_43] : memref<4096xi32, #tpu.memory_space<hbm>> -> memref<64xi32, #tpu.memory_space<hbm>>
      tpu.enqueue_dma source(%dma_start3A_82 : memref<64xi32, #tpu.memory_space<hbm>>) target(%arg7 : memref<64xi32, #tpu.memory_space<vmem>>) target_semaphore(%run_scoped3A : memref<!tpu.dma_semaphore, #tpu.memory_space<semaphore_mem>>)
      %dma_wait3A = tpu.memref_slice %arg3[%add3A_43] : memref<4096xi32, #tpu.memory_space<hbm>> -> memref<64xi32, #tpu.memory_space<hbm>>
      %dma_wait3A_83 = tpu.memref_slice %arg3[%add3A_43] : memref<4096xi32, #tpu.memory_space<hbm>> -> memref<64xi32, #tpu.memory_space<hbm>>
      tpu.wait_dma2 semaphore(%run_scoped3A : memref<!tpu.dma_semaphore, #tpu.memory_space<semaphore_mem>>) src(%dma_wait3A_83 : memref<64xi32, #tpu.memory_space<hbm>>) dst(%arg7 : memref<64xi32, #tpu.memory_space<vmem>>)
      tpu.yield
    }) : () -> ()
    %scan3A_44 = arith.constant 0 : i32
    %scan3A_45 = arith.constant 0 : i32
    %scan3A_46 = arith.constant 64 : i32
    %scan3A_47 = arith.addi %scan3A_45, %scan3A_46 : i32
    %scan3A_48 = arith.constant 1 : i32
    scf.for %scan3A_82 = %scan3A_45 to %scan3A_47 step %scan3A_48  : i32 {
      %shift_right_arithmetic3A = arith.constant 4 : i32
      %shift_right_arithmetic3A_83 = arith.shrsi %scan3A_82, %shift_right_arithmetic3A : i32
      %mul3A_84 = arith.constant 16 : i32
      %mul3A_85 = arith.muli %shift_right_arithmetic3A_83, %mul3A_84 : i32
      %multiple_of3A = tpu.assume_multiple %mul3A_85, 16 : i32
      %get3A = arith.index_cast %multiple_of3A : i32 to index
      %get3A_86 = tpu.vector_load %arg7[%get3A] {strides = array<i32>} : memref<64xi32, #tpu.memory_space<vmem>>, vector<16xi32>,
      %and3A = arith.constant 15 : i32
      %and3A_87 = arith.andi %scan3A_82, %and3A : i32
      %eq3A = vector.broadcast %and3A_87 : i32 to vector<16xi32>
      %eq3A_88 = arith.cmpi eq, %iota3A, %eq3A : vector<16xi32>
      %jit3A = arith.constant 0 : i32
      %broadcast_in_dim3A = vector.broadcast %jit3A : i32 to vector<16xi32>
      %select_n3A = arith.select %eq3A_88, %get3A_86, %broadcast_in_dim3A : vector<16xi1>, vector<16xi32>
      %reduce_max3A = arith.constant true
      %reduce_max3A_89 = vector.broadcast %reduce_max3A : i1 to vector<16xi1>
      %reduce_max3A_90 = arith.constant -2147483648 : i32
      %reduce_max3A_91 = vector.broadcast %reduce_max3A_90 : i32 to vector<16xi32>
      %reduce_max3A_92 = arith.xori %select_n3A, %reduce_max3A_91 : vector<16xi32>
      %reduce_max3A_93 = tpu.scan <max>, %reduce_max3A_92 masked %reduce_max3A_89 : vector<16xi32>, vector<16xi1> -> vector<16xi32>
      %reduce_max3A_94 = arith.xori %reduce_max3A_93, %reduce_max3A_91 : vector<16xi32>
      %reduce_max3A_95 = vector.extract %reduce_max3A_94[15] : i32 from vector<16xi32>
      %and3A_96 = arith.constant -8 : i32
      %and3A_97 = arith.andi %reduce_max3A_95, %and3A_96 : i32
      %multiple_of3A_98 = tpu.assume_multiple %and3A_97, 8 : i32
      %dma_start3A = arith.constant 0 : i32
      %dma_start3A_99 = arith.constant 0 : i32
      %dma_start3A_100 = tpu.memref_slice %arg8[%scan3A_82, %dma_start3A, %dma_start3A_99] : memref<64x8x64xf32, #tpu.memory_space<vmem>> -> memref<1x8x64xf32, #tpu.memory_space<vmem>>
      %dma_start3A_101 = tpu.memref_squeeze %dma_start3A_100 : memref<1x8x64xf32, #tpu.memory_space<vmem>> -> memref<8x64xf32, #tpu.memory_space<vmem>>
      %dma_start3A_102 = arith.constant 0 : i32
      %dma_start3A_103 = tpu.memref_slice %arg4[%multiple_of3A_98, %dma_start3A_102] : memref<1000000x64xf32, #tpu.memory_space<hbm>> -> memref<8x64xf32, #tpu.memory_space<hbm>>
      %dma_start3A_104 = arith.constant 0 : i32
      %dma_start3A_105 = arith.constant 0 : i32
      %dma_start3A_106 = tpu.memref_slice %arg8[%scan3A_82, %dma_start3A_104, %dma_start3A_105] : memref<64x8x64xf32, #tpu.memory_space<vmem>> -> memref<1x8x64xf32, #tpu.memory_space<vmem>>
      %dma_start3A_107 = tpu.memref_squeeze %dma_start3A_106 : memref<1x8x64xf32, #tpu.memory_space<vmem>> -> memref<8x64xf32, #tpu.memory_space<vmem>>
      %dma_start3A_108 = arith.constant 0 : i32
      %dma_start3A_109 = tpu.memref_slice %arg4[%multiple_of3A_98, %dma_start3A_108] : memref<1000000x64xf32, #tpu.memory_space<hbm>> -> memref<8x64xf32, #tpu.memory_space<hbm>>
      tpu.enqueue_dma source(%dma_start3A_109 : memref<8x64xf32, #tpu.memory_space<hbm>>) target(%dma_start3A_107 : memref<8x64xf32, #tpu.memory_space<vmem>>) target_semaphore(%arg10 : memref<!tpu.dma_semaphore, #tpu.memory_space<semaphore_mem>>)
    }
    %scan3A_49 = arith.constant 64 : i32
    %scan3A_50 = arith.constant 0 : i32
    %scan3A_51 = arith.constant 0 : i32
    %scan3A_52 = arith.constant 64 : i32
    %scan3A_53 = arith.addi %scan3A_51, %scan3A_52 : i32
    %scan3A_54 = arith.constant 1 : i32
    scf.for %scan3A_82 = %scan3A_51 to %scan3A_53 step %scan3A_54  : i32 {
      %dma_wait3A = arith.constant 0 : i32
      %dma_wait3A_83 = arith.constant 0 : i32
      %dma_wait3A_84 = tpu.memref_slice %arg8[%scan3A_82, %dma_wait3A, %dma_wait3A_83] : memref<64x8x64xf32, #tpu.memory_space<vmem>> -> memref<1x8x64xf32, #tpu.memory_space<vmem>>
      %dma_wait3A_85 = tpu.memref_squeeze %dma_wait3A_84 : memref<1x8x64xf32, #tpu.memory_space<vmem>> -> memref<8x64xf32, #tpu.memory_space<vmem>>
      %dma_wait3A_86 = arith.constant 0 : i32
      %dma_wait3A_87 = arith.constant 0 : i32
      %dma_wait3A_88 = tpu.memref_slice %arg4[%dma_wait3A_86, %dma_wait3A_87] : memref<1000000x64xf32, #tpu.memory_space<hbm>> -> memref<8x64xf32, #tpu.memory_space<hbm>>
      %dma_wait3A_89 = arith.constant 0 : i32
      %dma_wait3A_90 = arith.constant 0 : i32
      %dma_wait3A_91 = tpu.memref_slice %arg8[%scan3A_82, %dma_wait3A_89, %dma_wait3A_90] : memref<64x8x64xf32, #tpu.memory_space<vmem>> -> memref<1x8x64xf32, #tpu.memory_space<vmem>>
      %dma_wait3A_92 = tpu.memref_squeeze %dma_wait3A_91 : memref<1x8x64xf32, #tpu.memory_space<vmem>> -> memref<8x64xf32, #tpu.memory_space<vmem>>
      %dma_wait3A_93 = arith.constant 0 : i32
      %dma_wait3A_94 = arith.constant 0 : i32
      %dma_wait3A_95 = tpu.memref_slice %arg4[%dma_wait3A_93, %dma_wait3A_94] : memref<1000000x64xf32, #tpu.memory_space<hbm>> -> memref<8x64xf32, #tpu.memory_space<hbm>>
      tpu.wait_dma2 semaphore(%arg10 : memref<!tpu.dma_semaphore, #tpu.memory_space<semaphore_mem>>) src(%dma_wait3A_95 : memref<8x64xf32, #tpu.memory_space<hbm>>) dst(%dma_wait3A_92 : memref<8x64xf32, #tpu.memory_space<vmem>>)
    }
    %scan3A_55 = arith.constant 64 : i32
    %scan3A_56 = arith.constant 0 : i32
    %scan3A_57 = arith.constant 0 : i32
    %scan3A_58 = arith.constant 64 : i32
    %scan3A_59 = arith.addi %scan3A_57, %scan3A_58 : i32
    %scan3A_60 = arith.constant 1 : i32
    scf.for %scan3A_82 = %scan3A_57 to %scan3A_59 step %scan3A_60  : i32 {
      %shift_right_arithmetic3A = arith.constant 4 : i32
      %shift_right_arithmetic3A_83 = arith.shrsi %scan3A_82, %shift_right_arithmetic3A : i32
      %mul3A_84 = arith.constant 16 : i32
      %mul3A_85 = arith.muli %shift_right_arithmetic3A_83, %mul3A_84 : i32
      %multiple_of3A = tpu.assume_multiple %mul3A_85, 16 : i32
      %get3A = arith.index_cast %multiple_of3A : i32 to index
      %get3A_86 = tpu.vector_load %arg7[%get3A] {strides = array<i32>} : memref<64xi32, #tpu.memory_space<vmem>>, vector<16xi32>,
      %and3A = arith.constant 15 : i32
      %and3A_87 = arith.andi %scan3A_82, %and3A : i32
      %broadcast_in_dim3A = vector.broadcast %and3A_87 : i32 to vector<16xi32>
      %lt3A = arith.constant 0 : i32
      %lt3A_88 = vector.broadcast %lt3A : i32 to vector<16xi32>
      %lt3A_89 = arith.cmpi slt, %broadcast_in_dim3A, %lt3A_88 : vector<16xi32>
      %add3A_90 = arith.constant 16 : i32
      %add3A_91 = vector.broadcast %add3A_90 : i32 to vector<16xi32>
      %add3A_92 = arith.addi %broadcast_in_dim3A, %add3A_91 : vector<16xi32>
      %select_n3A = arith.select %lt3A_89, %add3A_92, %broadcast_in_dim3A : vector<16xi1>, vector<16xi32>
      %broadcast_in_dim3A_93 = vector.shape_cast %select_n3A : vector<16xi32> to vector<16x1xi32>
      %gather3A = vector.shape_cast %broadcast_in_dim3A_93 : vector<16x1xi32> to vector<16xi32>
      %gather3A_94 = tpu.dynamic_gather %get3A_86[%gather3A] in [0] : vector<16xi32>, vector<16xi32> -> vector<16xi32>
      %and3A_95 = arith.constant 7 : i32
      %and3A_96 = vector.broadcast %and3A_95 : i32 to vector<16xi32>
      %and3A_97 = arith.andi %gather3A_94, %and3A_96 : vector<16xi32>
      %broadcast_in_dim3A_98 = vector.broadcast %scan3A_82 : i32 to vector<16xi32>
      %add3A_99 = arith.constant 0 : i32
      %add3A_100 = vector.broadcast %add3A_99 : i32 to vector<16xi32>
      %add3A_101 = arith.addi %iota3A, %add3A_100 : vector<16xi32>
      %gather3A_102 = tpu.vector_load_idx %arg8[%broadcast_in_dim3A_98, %and3A_97, %add3A_101] : memref<64x8x64xf32, #tpu.memory_space<vmem>>[vector<16xi32>, vector<16xi32>, vector<16xi32>], vector<16xf32>,
      %swap3A = arith.index_cast %scan3A_82 : i32 to index
      %swap3A_103 = arith.constant 0 : index
      %swap3A_104 = tpu.vector_load %arg9[%swap3A, %swap3A_103] {strides = array<i32>} : memref<64x64xf32, #tpu.memory_space<vmem>>, vector<16xf32>,
      tpu.vector_store %arg9[%swap3A, %swap3A_103], %gather3A_102 {strides = array<i32>} : memref<64x64xf32, #tpu.memory_space<vmem>>, vector<16xf32>,
      %add3A_105 = arith.constant 16 : i32
      %add3A_106 = vector.broadcast %add3A_105 : i32 to vector<16xi32>
      %add3A_107 = arith.addi %iota3A, %add3A_106 : vector<16xi32>
      %gather3A_108 = tpu.vector_load_idx %arg8[%broadcast_in_dim3A_98, %and3A_97, %add3A_107] : memref<64x8x64xf32, #tpu.memory_space<vmem>>[vector<16xi32>, vector<16xi32>, vector<16xi32>], vector<16xf32>,
      %swap3A_109 = arith.index_cast %scan3A_82 : i32 to index
      %swap3A_110 = arith.constant 16 : index
      %swap3A_111 = tpu.vector_load %arg9[%swap3A_109, %swap3A_110] {strides = array<i32>} : memref<64x64xf32, #tpu.memory_space<vmem>>, vector<16xf32>,
      tpu.vector_store %arg9[%swap3A_109, %swap3A_110], %gather3A_108 {strides = array<i32>} : memref<64x64xf32, #tpu.memory_space<vmem>>, vector<16xf32>,
      %add3A_112 = arith.constant 32 : i32
      %add3A_113 = vector.broadcast %add3A_112 : i32 to vector<16xi32>
      %add3A_114 = arith.addi %iota3A, %add3A_113 : vector<16xi32>
      %gather3A_115 = tpu.vector_load_idx %arg8[%broadcast_in_dim3A_98, %and3A_97, %add3A_114] : memref<64x8x64xf32, #tpu.memory_space<vmem>>[vector<16xi32>, vector<16xi32>, vector<16xi32>], vector<16xf32>,
      %swap3A_116 = arith.index_cast %scan3A_82 : i32 to index
      %swap3A_117 = arith.constant 32 : index
      %swap3A_118 = tpu.vector_load %arg9[%swap3A_116, %swap3A_117] {strides = array<i32>} : memref<64x64xf32, #tpu.memory_space<vmem>>, vector<16xf32>,
      tpu.vector_store %arg9[%swap3A_116, %swap3A_117], %gather3A_115 {strides = array<i32>} : memref<64x64xf32, #tpu.memory_space<vmem>>, vector<16xf32>,
      %add3A_119 = arith.constant 48 : i32
      %add3A_120 = vector.broadcast %add3A_119 : i32 to vector<16xi32>
      %add3A_121 = arith.addi %iota3A, %add3A_120 : vector<16xi32>
      %gather3A_122 = tpu.vector_load_idx %arg8[%broadcast_in_dim3A_98, %and3A_97, %add3A_121] : memref<64x8x64xf32, #tpu.memory_space<vmem>>[vector<16xi32>, vector<16xi32>, vector<16xi32>], vector<16xf32>,
      %swap3A_123 = arith.index_cast %scan3A_82 : i32 to index
      %swap3A_124 = arith.constant 48 : index
      %swap3A_125 = tpu.vector_load %arg9[%swap3A_123, %swap3A_124] {strides = array<i32>} : memref<64x64xf32, #tpu.memory_space<vmem>>, vector<16xf32>,
      tpu.vector_store %arg9[%swap3A_123, %swap3A_124], %gather3A_122 {strides = array<i32>} : memref<64x64xf32, #tpu.memory_space<vmem>>, vector<16xf32>,
    }
    %scan3A_61 = arith.constant 64 : i32
    "tpu.region"() ({
      %run_scoped3A = tpu.sem_alloc : memref<!tpu.dma_semaphore, #tpu.memory_space<semaphore_mem>>
      %dma_start3A = arith.constant 0 : i32
      %dma_start3A_82 = tpu.memref_slice %arg6[%add3A_43, %dma_start3A] : memref<4096x64xf32, #tpu.memory_space<hbm>> -> memref<64x64xf32, #tpu.memory_space<hbm>>
      %dma_start3A_83 = arith.constant 0 : i32
      %dma_start3A_84 = tpu.memref_slice %arg6[%add3A_43, %dma_start3A_83] : memref<4096x64xf32, #tpu.memory_space<hbm>> -> memref<64x64xf32, #tpu.memory_space<hbm>>
      tpu.enqueue_dma source(%arg9 : memref<64x64xf32, #tpu.memory_space<vmem>>) target(%dma_start3A_84 : memref<64x64xf32, #tpu.memory_space<hbm>>) target_semaphore(%run_scoped3A : memref<!tpu.dma_semaphore, #tpu.memory_space<semaphore_mem>>)
      %dma_wait3A = arith.constant 0 : i32
      %dma_wait3A_85 = tpu.memref_slice %arg6[%add3A_43, %dma_wait3A] : memref<4096x64xf32, #tpu.memory_space<hbm>> -> memref<64x64xf32, #tpu.memory_space<hbm>>
      %dma_wait3A_86 = arith.constant 0 : i32
      %dma_wait3A_87 = tpu.memref_slice %arg6[%add3A_43, %dma_wait3A_86] : memref<4096x64xf32, #tpu.memory_space<hbm>> -> memref<64x64xf32, #tpu.memory_space<hbm>>
      tpu.wait_dma2 semaphore(%run_scoped3A : memref<!tpu.dma_semaphore, #tpu.memory_space<semaphore_mem>>) src(%arg9 : memref<64x64xf32, #tpu.memory_space<vmem>>) dst(%dma_wait3A_87 : memref<64x64xf32, #tpu.memory_space<hbm>>)
      tpu.yield
    }) : () -> ()
    %add3A_62 = arith.constant 64 : i32
    %add3A_63 = arith.addi %mul3A_2, %add3A_62 : i32
    "tpu.region"() ({
      %run_scoped3A = tpu.sem_alloc : memref<!tpu.dma_semaphore, #tpu.memory_space<semaphore_mem>>
      %dma_start3A = tpu.memref_slice %arg3[%add3A_63] : memref<4096xi32, #tpu.memory_space<hbm>> -> memref<64xi32, #tpu.memory_space<hbm>>
      %dma_start3A_82 = tpu.memref_slice %arg3[%add3A_63] : memref<4096xi32, #tpu.memory_space<hbm>> -> memref<64xi32, #tpu.memory_space<hbm>>
      tpu.enqueue_dma source(%dma_start3A_82 : memref<64xi32, #tpu.memory_space<hbm>>) target(%arg7 : memref<64xi32, #tpu.memory_space<vmem>>) target_semaphore(%run_scoped3A : memref<!tpu.dma_semaphore, #tpu.memory_space<semaphore_mem>>)
      %dma_wait3A = tpu.memref_slice %arg3[%add3A_63] : memref<4096xi32, #tpu.memory_space<hbm>> -> memref<64xi32, #tpu.memory_space<hbm>>
      %dma_wait3A_83 = tpu.memref_slice %arg3[%add3A_63] : memref<4096xi32, #tpu.memory_space<hbm>> -> memref<64xi32, #tpu.memory_space<hbm>>
      tpu.wait_dma2 semaphore(%run_scoped3A : memref<!tpu.dma_semaphore, #tpu.memory_space<semaphore_mem>>) src(%dma_wait3A_83 : memref<64xi32, #tpu.memory_space<hbm>>) dst(%arg7 : memref<64xi32, #tpu.memory_space<vmem>>)
      tpu.yield
    }) : () -> ()
    %scan3A_64 = arith.constant 0 : i32
    %scan3A_65 = arith.constant 0 : i32
    %scan3A_66 = arith.constant 64 : i32
    %scan3A_67 = arith.addi %scan3A_65, %scan3A_66 : i32
    %scan3A_68 = arith.constant 1 : i32
    scf.for %scan3A_82 = %scan3A_65 to %scan3A_67 step %scan3A_68  : i32 {
      %shift_right_arithmetic3A = arith.constant 4 : i32
      %shift_right_arithmetic3A_83 = arith.shrsi %scan3A_82, %shift_right_arithmetic3A : i32
      %mul3A_84 = arith.constant 16 : i32
      %mul3A_85 = arith.muli %shift_right_arithmetic3A_83, %mul3A_84 : i32
      %multiple_of3A = tpu.assume_multiple %mul3A_85, 16 : i32
      %get3A = arith.index_cast %multiple_of3A : i32 to index
      %get3A_86 = tpu.vector_load %arg7[%get3A] {strides = array<i32>} : memref<64xi32, #tpu.memory_space<vmem>>, vector<16xi32>,
      %and3A = arith.constant 15 : i32
      %and3A_87 = arith.andi %scan3A_82, %and3A : i32
      %eq3A = vector.broadcast %and3A_87 : i32 to vector<16xi32>
      %eq3A_88 = arith.cmpi eq, %iota3A, %eq3A : vector<16xi32>
      %jit3A = arith.constant 0 : i32
      %broadcast_in_dim3A = vector.broadcast %jit3A : i32 to vector<16xi32>
      %select_n3A = arith.select %eq3A_88, %get3A_86, %broadcast_in_dim3A : vector<16xi1>, vector<16xi32>
      %reduce_max3A = arith.constant true
      %reduce_max3A_89 = vector.broadcast %reduce_max3A : i1 to vector<16xi1>
      %reduce_max3A_90 = arith.constant -2147483648 : i32
      %reduce_max3A_91 = vector.broadcast %reduce_max3A_90 : i32 to vector<16xi32>
      %reduce_max3A_92 = arith.xori %select_n3A, %reduce_max3A_91 : vector<16xi32>
      %reduce_max3A_93 = tpu.scan <max>, %reduce_max3A_92 masked %reduce_max3A_89 : vector<16xi32>, vector<16xi1> -> vector<16xi32>
      %reduce_max3A_94 = arith.xori %reduce_max3A_93, %reduce_max3A_91 : vector<16xi32>
      %reduce_max3A_95 = vector.extract %reduce_max3A_94[15] : i32 from vector<16xi32>
      %and3A_96 = arith.constant -8 : i32
      %and3A_97 = arith.andi %reduce_max3A_95, %and3A_96 : i32
      %multiple_of3A_98 = tpu.assume_multiple %and3A_97, 8 : i32
      %dma_start3A = arith.constant 0 : i32
      %dma_start3A_99 = arith.constant 0 : i32
      %dma_start3A_100 = tpu.memref_slice %arg8[%scan3A_82, %dma_start3A, %dma_start3A_99] : memref<64x8x64xf32, #tpu.memory_space<vmem>> -> memref<1x8x64xf32, #tpu.memory_space<vmem>>
      %dma_start3A_101 = tpu.memref_squeeze %dma_start3A_100 : memref<1x8x64xf32, #tpu.memory_space<vmem>> -> memref<8x64xf32, #tpu.memory_space<vmem>>
      %dma_start3A_102 = arith.constant 0 : i32
      %dma_start3A_103 = tpu.memref_slice %arg4[%multiple_of3A_98, %dma_start3A_102] : memref<1000000x64xf32, #tpu.memory_space<hbm>> -> memref<8x64xf32, #tpu.memory_space<hbm>>
      %dma_start3A_104 = arith.constant 0 : i32
      %dma_start3A_105 = arith.constant 0 : i32
      %dma_start3A_106 = tpu.memref_slice %arg8[%scan3A_82, %dma_start3A_104, %dma_start3A_105] : memref<64x8x64xf32, #tpu.memory_space<vmem>> -> memref<1x8x64xf32, #tpu.memory_space<vmem>>
      %dma_start3A_107 = tpu.memref_squeeze %dma_start3A_106 : memref<1x8x64xf32, #tpu.memory_space<vmem>> -> memref<8x64xf32, #tpu.memory_space<vmem>>
      %dma_start3A_108 = arith.constant 0 : i32
      %dma_start3A_109 = tpu.memref_slice %arg4[%multiple_of3A_98, %dma_start3A_108] : memref<1000000x64xf32, #tpu.memory_space<hbm>> -> memref<8x64xf32, #tpu.memory_space<hbm>>
      tpu.enqueue_dma source(%dma_start3A_109 : memref<8x64xf32, #tpu.memory_space<hbm>>) target(%dma_start3A_107 : memref<8x64xf32, #tpu.memory_space<vmem>>) target_semaphore(%arg10 : memref<!tpu.dma_semaphore, #tpu.memory_space<semaphore_mem>>)
    }
    %scan3A_69 = arith.constant 64 : i32
    %scan3A_70 = arith.constant 0 : i32
    %scan3A_71 = arith.constant 0 : i32
    %scan3A_72 = arith.constant 64 : i32
    %scan3A_73 = arith.addi %scan3A_71, %scan3A_72 : i32
    %scan3A_74 = arith.constant 1 : i32
    scf.for %scan3A_82 = %scan3A_71 to %scan3A_73 step %scan3A_74  : i32 {
      %dma_wait3A = arith.constant 0 : i32
      %dma_wait3A_83 = arith.constant 0 : i32
      %dma_wait3A_84 = tpu.memref_slice %arg8[%scan3A_82, %dma_wait3A, %dma_wait3A_83] : memref<64x8x64xf32, #tpu.memory_space<vmem>> -> memref<1x8x64xf32, #tpu.memory_space<vmem>>
      %dma_wait3A_85 = tpu.memref_squeeze %dma_wait3A_84 : memref<1x8x64xf32, #tpu.memory_space<vmem>> -> memref<8x64xf32, #tpu.memory_space<vmem>>
      %dma_wait3A_86 = arith.constant 0 : i32
      %dma_wait3A_87 = arith.constant 0 : i32
      %dma_wait3A_88 = tpu.memref_slice %arg4[%dma_wait3A_86, %dma_wait3A_87] : memref<1000000x64xf32, #tpu.memory_space<hbm>> -> memref<8x64xf32, #tpu.memory_space<hbm>>
      %dma_wait3A_89 = arith.constant 0 : i32
      %dma_wait3A_90 = arith.constant 0 : i32
      %dma_wait3A_91 = tpu.memref_slice %arg8[%scan3A_82, %dma_wait3A_89, %dma_wait3A_90] : memref<64x8x64xf32, #tpu.memory_space<vmem>> -> memref<1x8x64xf32, #tpu.memory_space<vmem>>
      %dma_wait3A_92 = tpu.memref_squeeze %dma_wait3A_91 : memref<1x8x64xf32, #tpu.memory_space<vmem>> -> memref<8x64xf32, #tpu.memory_space<vmem>>
      %dma_wait3A_93 = arith.constant 0 : i32
      %dma_wait3A_94 = arith.constant 0 : i32
      %dma_wait3A_95 = tpu.memref_slice %arg4[%dma_wait3A_93, %dma_wait3A_94] : memref<1000000x64xf32, #tpu.memory_space<hbm>> -> memref<8x64xf32, #tpu.memory_space<hbm>>
      tpu.wait_dma2 semaphore(%arg10 : memref<!tpu.dma_semaphore, #tpu.memory_space<semaphore_mem>>) src(%dma_wait3A_95 : memref<8x64xf32, #tpu.memory_space<hbm>>) dst(%dma_wait3A_92 : memref<8x64xf32, #tpu.memory_space<vmem>>)
    }
    %scan3A_75 = arith.constant 64 : i32
    %scan3A_76 = arith.constant 0 : i32
    %scan3A_77 = arith.constant 0 : i32
    %scan3A_78 = arith.constant 64 : i32
    %scan3A_79 = arith.addi %scan3A_77, %scan3A_78 : i32
    %scan3A_80 = arith.constant 1 : i32
    scf.for %scan3A_82 = %scan3A_77 to %scan3A_79 step %scan3A_80  : i32 {
      %shift_right_arithmetic3A = arith.constant 4 : i32
      %shift_right_arithmetic3A_83 = arith.shrsi %scan3A_82, %shift_right_arithmetic3A : i32
      %mul3A_84 = arith.constant 16 : i32
      %mul3A_85 = arith.muli %shift_right_arithmetic3A_83, %mul3A_84 : i32
      %multiple_of3A = tpu.assume_multiple %mul3A_85, 16 : i32
      %get3A = arith.index_cast %multiple_of3A : i32 to index
      %get3A_86 = tpu.vector_load %arg7[%get3A] {strides = array<i32>} : memref<64xi32, #tpu.memory_space<vmem>>, vector<16xi32>,
      %and3A = arith.constant 15 : i32
      %and3A_87 = arith.andi %scan3A_82, %and3A : i32
      %broadcast_in_dim3A = vector.broadcast %and3A_87 : i32 to vector<16xi32>
      %lt3A = arith.constant 0 : i32
      %lt3A_88 = vector.broadcast %lt3A : i32 to vector<16xi32>
      %lt3A_89 = arith.cmpi slt, %broadcast_in_dim3A, %lt3A_88 : vector<16xi32>
      %add3A_90 = arith.constant 16 : i32
      %add3A_91 = vector.broadcast %add3A_90 : i32 to vector<16xi32>
      %add3A_92 = arith.addi %broadcast_in_dim3A, %add3A_91 : vector<16xi32>
      %select_n3A = arith.select %lt3A_89, %add3A_92, %broadcast_in_dim3A : vector<16xi1>, vector<16xi32>
      %broadcast_in_dim3A_93 = vector.shape_cast %select_n3A : vector<16xi32> to vector<16x1xi32>
      %gather3A = vector.shape_cast %broadcast_in_dim3A_93 : vector<16x1xi32> to vector<16xi32>
      %gather3A_94 = tpu.dynamic_gather %get3A_86[%gather3A] in [0] : vector<16xi32>, vector<16xi32> -> vector<16xi32>
      %and3A_95 = arith.constant 7 : i32
      %and3A_96 = vector.broadcast %and3A_95 : i32 to vector<16xi32>
      %and3A_97 = arith.andi %gather3A_94, %and3A_96 : vector<16xi32>
      %broadcast_in_dim3A_98 = vector.broadcast %scan3A_82 : i32 to vector<16xi32>
      %add3A_99 = arith.constant 0 : i32
      %add3A_100 = vector.broadcast %add3A_99 : i32 to vector<16xi32>
      %add3A_101 = arith.addi %iota3A, %add3A_100 : vector<16xi32>
      %gather3A_102 = tpu.vector_load_idx %arg8[%broadcast_in_dim3A_98, %and3A_97, %add3A_101] : memref<64x8x64xf32, #tpu.memory_space<vmem>>[vector<16xi32>, vector<16xi32>, vector<16xi32>], vector<16xf32>,
      %swap3A = arith.index_cast %scan3A_82 : i32 to index
      %swap3A_103 = arith.constant 0 : index
      %swap3A_104 = tpu.vector_load %arg9[%swap3A, %swap3A_103] {strides = array<i32>} : memref<64x64xf32, #tpu.memory_space<vmem>>, vector<16xf32>,
      tpu.vector_store %arg9[%swap3A, %swap3A_103], %gather3A_102 {strides = array<i32>} : memref<64x64xf32, #tpu.memory_space<vmem>>, vector<16xf32>,
      %add3A_105 = arith.constant 16 : i32
      %add3A_106 = vector.broadcast %add3A_105 : i32 to vector<16xi32>
      %add3A_107 = arith.addi %iota3A, %add3A_106 : vector<16xi32>
      %gather3A_108 = tpu.vector_load_idx %arg8[%broadcast_in_dim3A_98, %and3A_97, %add3A_107] : memref<64x8x64xf32, #tpu.memory_space<vmem>>[vector<16xi32>, vector<16xi32>, vector<16xi32>], vector<16xf32>,
      %swap3A_109 = arith.index_cast %scan3A_82 : i32 to index
      %swap3A_110 = arith.constant 16 : index
      %swap3A_111 = tpu.vector_load %arg9[%swap3A_109, %swap3A_110] {strides = array<i32>} : memref<64x64xf32, #tpu.memory_space<vmem>>, vector<16xf32>,
      tpu.vector_store %arg9[%swap3A_109, %swap3A_110], %gather3A_108 {strides = array<i32>} : memref<64x64xf32, #tpu.memory_space<vmem>>, vector<16xf32>,
      %add3A_112 = arith.constant 32 : i32
      %add3A_113 = vector.broadcast %add3A_112 : i32 to vector<16xi32>
      %add3A_114 = arith.addi %iota3A, %add3A_113 : vector<16xi32>
      %gather3A_115 = tpu.vector_load_idx %arg8[%broadcast_in_dim3A_98, %and3A_97, %add3A_114] : memref<64x8x64xf32, #tpu.memory_space<vmem>>[vector<16xi32>, vector<16xi32>, vector<16xi32>], vector<16xf32>,
      %swap3A_116 = arith.index_cast %scan3A_82 : i32 to index
      %swap3A_117 = arith.constant 32 : index
      %swap3A_118 = tpu.vector_load %arg9[%swap3A_116, %swap3A_117] {strides = array<i32>} : memref<64x64xf32, #tpu.memory_space<vmem>>, vector<16xf32>,
      tpu.vector_store %arg9[%swap3A_116, %swap3A_117], %gather3A_115 {strides = array<i32>} : memref<64x64xf32, #tpu.memory_space<vmem>>, vector<16xf32>,
      %add3A_119 = arith.constant 48 : i32
      %add3A_120 = vector.broadcast %add3A_119 : i32 to vector<16xi32>
      %add3A_121 = arith.addi %iota3A, %add3A_120 : vector<16xi32>
      %gather3A_122 = tpu.vector_load_idx %arg8[%broadcast_in_dim3A_98, %and3A_97, %add3A_121] : memref<64x8x64xf32, #tpu.memory_space<vmem>>[vector<16xi32>, vector<16xi32>, vector<16xi32>], vector<16xf32>,
      %swap3A_123 = arith.index_cast %scan3A_82 : i32 to index
      %swap3A_124 = arith.constant 48 : index
      %swap3A_125 = tpu.vector_load %arg9[%swap3A_123, %swap3A_124] {strides = array<i32>} : memref<64x64xf32, #tpu.memory_space<vmem>>, vector<16xf32>,
      tpu.vector_store %arg9[%swap3A_123, %swap3A_124], %gather3A_122 {strides = array<i32>} : memref<64x64xf32, #tpu.memory_space<vmem>>, vector<16xf32>,
    }
    %scan3A_81 = arith.constant 64 : i32
    "tpu.region"() ({
      %run_scoped3A = tpu.sem_alloc : memref<!tpu.dma_semaphore, #tpu.memory_space<semaphore_mem>>
      %dma_start3A = arith.constant 0 : i32
      %dma_start3A_82 = tpu.memref_slice %arg6[%add3A_63, %dma_start3A] : memref<4096x64xf32, #tpu.memory_space<hbm>> -> memref<64x64xf32, #tpu.memory_space<hbm>>
      %dma_start3A_83 = arith.constant 0 : i32
      %dma_start3A_84 = tpu.memref_slice %arg6[%add3A_63, %dma_start3A_83] : memref<4096x64xf32, #tpu.memory_space<hbm>> -> memref<64x64xf32, #tpu.memory_space<hbm>>
      tpu.enqueue_dma source(%arg9 : memref<64x64xf32, #tpu.memory_space<vmem>>) target(%dma_start3A_84 : memref<64x64xf32, #tpu.memory_space<hbm>>) target_semaphore(%run_scoped3A : memref<!tpu.dma_semaphore, #tpu.memory_space<semaphore_mem>>)
      %dma_wait3A = arith.constant 0 : i32
      %dma_wait3A_85 = tpu.memref_slice %arg6[%add3A_63, %dma_wait3A] : memref<4096x64xf32, #tpu.memory_space<hbm>> -> memref<64x64xf32, #tpu.memory_space<hbm>>
      %dma_wait3A_86 = arith.constant 0 : i32
      %dma_wait3A_87 = tpu.memref_slice %arg6[%add3A_63, %dma_wait3A_86] : memref<4096x64xf32, #tpu.memory_space<hbm>> -> memref<64x64xf32, #tpu.memory_space<hbm>>
      tpu.wait_dma2 semaphore(%run_scoped3A : memref<!tpu.dma_semaphore, #tpu.memory_space<semaphore_mem>>) src(%arg9 : memref<64x64xf32, #tpu.memory_space<vmem>>) dst(%dma_wait3A_87 : memref<64x64xf32, #tpu.memory_space<hbm>>)
      tpu.yield
    }) : () -> ()
    return
  }
}

#map = affine_map<(d0, d1) -> (0)>
#map1 = affine_map<(d0, d1) -> (0, 0)>
module attributes {stable_mosaic.version = 14 : i64} {
  func.func @k(%arg0: i32, %arg1: i32, %arg2: memref<4096xi32, #tpu.memory_space<hbm>>, %arg3: memref<4096xi32, #tpu.memory_space<hbm>>, %arg4: memref<1000000x64xf32, #tpu.memory_space<hbm>>, %arg5: memref<4096x64xf32, #tpu.memory_space<hbm>>, %arg6: memref<4096x64xf32, #tpu.memory_space<hbm>>, %arg7: memref<64xi32, #tpu.memory_space<vmem>>, %arg8: memref<64x8x64xf32, #tpu.memory_space<vmem>>, %arg9: memref<64x64xf32, #tpu.memory_space<vmem>>, %arg10: memref<!tpu.dma_semaphore, #tpu.memory_space<semaphore_mem>>) attributes {dimension_semantics = [#tpu.dimension_semantics<core_parallel>, #tpu.dimension_semantics<subcore_parallel>], iteration_bounds = array<i64: 2, 16>, scalar_prefetch = 0 : i64, scratch_operands = 4 : i64, tpu.core_type = #tpu.core_type<sc_vector_subcore>, window_params = [{transform_indices = #map}, {transform_indices = #map}, {transform_indices = #map1}, {transform_indices = #map1}, {transform_indices = #map1}]} {
    %mul3A = arith.constant 2 : i32
    %mul3A_0 = arith.muli %arg1, %mul3A : i32
    %add3A = arith.addi %mul3A_0, %arg0 : i32
    %mul3A_1 = arith.constant 128 : i32
    %mul3A_2 = arith.muli %add3A, %mul3A_1 : i32
    %iota3A = tpu.iota {dimensions = array<i32: 0>} : vector<16xi32>
    %add3A_3 = arith.constant 0 : i32
    %add3A_4 = arith.addi %mul3A_2, %add3A_3 : i32
    "tpu.region"() ({
      %run_scoped3A = tpu.sem_alloc : memref<!tpu.dma_semaphore, #tpu.memory_space<semaphore_mem>>
      %dma_start3A = tpu.memref_slice %arg2[%add3A_4] : memref<4096xi32, #tpu.memory_space<hbm>> -> memref<64xi32, #tpu.memory_space<hbm>>
      %dma_start3A_82 = tpu.memref_slice %arg2[%add3A_4] : memref<4096xi32, #tpu.memory_space<hbm>> -> memref<64xi32, #tpu.memory_space<hbm>>
      tpu.enqueue_dma source(%dma_start3A_82 : memref<64xi32, #tpu.memory_space<hbm>>) target(%arg7 : memref<64xi32, #tpu.memory_space<vmem>>) target_semaphore(%run_scoped3A : memref<!tpu.dma_semaphore, #tpu.memory_space<semaphore_mem>>)
      %dma_wait3A = tpu.memref_slice %arg2[%add3A_4] : memref<4096xi32, #tpu.memory_space<hbm>> -> memref<64xi32, #tpu.memory_space<hbm>>
      %dma_wait3A_83 = tpu.memref_slice %arg2[%add3A_4] : memref<4096xi32, #tpu.memory_space<hbm>> -> memref<64xi32, #tpu.memory_space<hbm>>
      tpu.wait_dma2 semaphore(%run_scoped3A : memref<!tpu.dma_semaphore, #tpu.memory_space<semaphore_mem>>) src(%dma_wait3A_83 : memref<64xi32, #tpu.memory_space<hbm>>) dst(%arg7 : memref<64xi32, #tpu.memory_space<vmem>>)
      tpu.yield
    }) : () -> ()
    %scan3A = arith.constant 0 : i32
    %scan3A_5 = arith.constant 0 : i32
    %scan3A_6 = arith.constant 64 : i32
    %scan3A_7 = arith.addi %scan3A_5, %scan3A_6 : i32
    %scan3A_8 = arith.constant 1 : i32
    scf.for %scan3A_82 = %scan3A_5 to %scan3A_7 step %scan3A_8  : i32 {
      %shift_right_arithmetic3A = arith.constant 4 : i32
      %shift_right_arithmetic3A_83 = arith.shrsi %scan3A_82, %shift_right_arithmetic3A : i32
      %mul3A_84 = arith.constant 16 : i32
      %mul3A_85 = arith.muli %shift_right_arithmetic3A_83, %mul3A_84 : i32
      %multiple_of3A = tpu.assume_multiple %mul3A_85, 16 : i32
      %get3A = arith.index_cast %multiple_of3A : i32 to index
      %get3A_86 = tpu.vector_load %arg7[%get3A] {strides = array<i32>} : memref<64xi32, #tpu.memory_space<vmem>>, vector<16xi32>,
      %and3A = arith.constant 15 : i32
      %and3A_87 = arith.andi %scan3A_82, %and3A : i32
      %eq3A = vector.broadcast %and3A_87 : i32 to vector<16xi32>
      %eq3A_88 = arith.cmpi eq, %iota3A, %eq3A : vector<16xi32>
      %jit3A = arith.constant 0 : i32
      %broadcast_in_dim3A = vector.broadcast %jit3A : i32 to vector<16xi32>
      %select_n3A = arith.select %eq3A_88, %get3A_86, %broadcast_in_dim3A : vector<16xi1>, vector<16xi32>
      %reduce_max3A = arith.constant true
      %reduce_max3A_89 = vector.broadcast %reduce_max3A : i1 to vector<16xi1>
      %reduce_max3A_90 = arith.constant -2147483648 : i32
      %reduce_max3A_91 = vector.broadcast %reduce_max3A_90 : i32 to vector<16xi32>
      %reduce_max3A_92 = arith.xori %select_n3A, %reduce_max3A_91 : vector<16xi32>
      %reduce_max3A_93 = tpu.scan <max>, %reduce_max3A_92 masked %reduce_max3A_89 : vector<16xi32>, vector<16xi1> -> vector<16xi32>
      %reduce_max3A_94 = arith.xori %reduce_max3A_93, %reduce_max3A_91 : vector<16xi32>
      %reduce_max3A_95 = vector.extract %reduce_max3A_94[15] : i32 from vector<16xi32>
      %and3A_96 = arith.constant -8 : i32
      %and3A_97 = arith.andi %reduce_max3A_95, %and3A_96 : i32
      %multiple_of3A_98 = tpu.assume_multiple %and3A_97, 8 : i32
      %dma_start3A = arith.constant 0 : i32
      %dma_start3A_99 = arith.constant 0 : i32
      %dma_start3A_100 = tpu.memref_slice %arg8[%scan3A_82, %dma_start3A, %dma_start3A_99] : memref<64x8x64xf32, #tpu.memory_space<vmem>> -> memref<1x8x64xf32, #tpu.memory_space<vmem>>
      %dma_start3A_101 = tpu.memref_squeeze %dma_start3A_100 : memref<1x8x64xf32, #tpu.memory_space<vmem>> -> memref<8x64xf32, #tpu.memory_space<vmem>>
      %dma_start3A_102 = arith.constant 0 : i32
      %dma_start3A_103 = tpu.memref_slice %arg4[%multiple_of3A_98, %dma_start3A_102] : memref<1000000x64xf32, #tpu.memory_space<hbm>> -> memref<8x64xf32, #tpu.memory_space<hbm>>
      %dma_start3A_104 = arith.constant 0 : i32
      %dma_start3A_105 = arith.constant 0 : i32
      %dma_start3A_106 = tpu.memref_slice %arg8[%scan3A_82, %dma_start3A_104, %dma_start3A_105] : memref<64x8x64xf32, #tpu.memory_space<vmem>> -> memref<1x8x64xf32, #tpu.memory_space<vmem>>
      %dma_start3A_107 = tpu.memref_squeeze %dma_start3A_106 : memref<1x8x64xf32, #tpu.memory_space<vmem>> -> memref<8x64xf32, #tpu.memory_space<vmem>>
      %dma_start3A_108 = arith.constant 0 : i32
      %dma_start3A_109 = tpu.memref_slice %arg4[%multiple_of3A_98, %dma_start3A_108] : memref<1000000x64xf32, #tpu.memory_space<hbm>> -> memref<8x64xf32, #tpu.memory_space<hbm>>
      tpu.enqueue_dma source(%dma_start3A_109 : memref<8x64xf32, #tpu.memory_space<hbm>>) target(%dma_start3A_107 : memref<8x64xf32, #tpu.memory_space<vmem>>) target_semaphore(%arg10 : memref<!tpu.dma_semaphore, #tpu.memory_space<semaphore_mem>>)
    }
    %scan3A_9 = arith.constant 64 : i32
    %scan3A_10 = arith.constant 0 : i32
    %scan3A_11 = arith.constant 0 : i32
    %scan3A_12 = arith.constant 64 : i32
    %scan3A_13 = arith.addi %scan3A_11, %scan3A_12 : i32
    %scan3A_14 = arith.constant 1 : i32
    scf.for %scan3A_82 = %scan3A_11 to %scan3A_13 step %scan3A_14  : i32 {
      %dma_wait3A = arith.constant 0 : i32
      %dma_wait3A_83 = arith.constant 0 : i32
      %dma_wait3A_84 = tpu.memref_slice %arg8[%scan3A_82, %dma_wait3A, %dma_wait3A_83] : memref<64x8x64xf32, #tpu.memory_space<vmem>> -> memref<1x8x64xf32, #tpu.memory_space<vmem>>
      %dma_wait3A_85 = tpu.memref_squeeze %dma_wait3A_84 : memref<1x8x64xf32, #tpu.memory_space<vmem>> -> memref<8x64xf32, #tpu.memory_space<vmem>>
      %dma_wait3A_86 = arith.constant 0 : i32
      %dma_wait3A_87 = arith.constant 0 : i32
      %dma_wait3A_88 = tpu.memref_slice %arg4[%dma_wait3A_86, %dma_wait3A_87] : memref<1000000x64xf32, #tpu.memory_space<hbm>> -> memref<8x64xf32, #tpu.memory_space<hbm>>
      %dma_wait3A_89 = arith.constant 0 : i32
      %dma_wait3A_90 = arith.constant 0 : i32
      %dma_wait3A_91 = tpu.memref_slice %arg8[%scan3A_82, %dma_wait3A_89, %dma_wait3A_90] : memref<64x8x64xf32, #tpu.memory_space<vmem>> -> memref<1x8x64xf32, #tpu.memory_space<vmem>>
      %dma_wait3A_92 = tpu.memref_squeeze %dma_wait3A_91 : memref<1x8x64xf32, #tpu.memory_space<vmem>> -> memref<8x64xf32, #tpu.memory_space<vmem>>
      %dma_wait3A_93 = arith.constant 0 : i32
      %dma_wait3A_94 = arith.constant 0 : i32
      %dma_wait3A_95 = tpu.memref_slice %arg4[%dma_wait3A_93, %dma_wait3A_94] : memref<1000000x64xf32, #tpu.memory_space<hbm>> -> memref<8x64xf32, #tpu.memory_space<hbm>>
      tpu.wait_dma2 semaphore(%arg10 : memref<!tpu.dma_semaphore, #tpu.memory_space<semaphore_mem>>) src(%dma_wait3A_95 : memref<8x64xf32, #tpu.memory_space<hbm>>) dst(%dma_wait3A_92 : memref<8x64xf32, #tpu.memory_space<vmem>>)
    }
    %scan3A_15 = arith.constant 64 : i32
    %scan3A_16 = arith.constant 0 : i32
    %scan3A_17 = arith.constant 0 : i32
    %scan3A_18 = arith.constant 64 : i32
    %scan3A_19 = arith.addi %scan3A_17, %scan3A_18 : i32
    %scan3A_20 = arith.constant 1 : i32
    scf.for %scan3A_82 = %scan3A_17 to %scan3A_19 step %scan3A_20  : i32 {
      %shift_right_arithmetic3A = arith.constant 4 : i32
      %shift_right_arithmetic3A_83 = arith.shrsi %scan3A_82, %shift_right_arithmetic3A : i32
      %mul3A_84 = arith.constant 16 : i32
      %mul3A_85 = arith.muli %shift_right_arithmetic3A_83, %mul3A_84 : i32
      %multiple_of3A = tpu.assume_multiple %mul3A_85, 16 : i32
      %get3A = arith.index_cast %multiple_of3A : i32 to index
      %get3A_86 = tpu.vector_load %arg7[%get3A] {strides = array<i32>} : memref<64xi32, #tpu.memory_space<vmem>>, vector<16xi32>,
      %and3A = arith.constant 15 : i32
      %and3A_87 = arith.andi %scan3A_82, %and3A : i32
      %broadcast_in_dim3A = vector.broadcast %and3A_87 : i32 to vector<16xi32>
      %lt3A = arith.constant 0 : i32
      %lt3A_88 = vector.broadcast %lt3A : i32 to vector<16xi32>
      %lt3A_89 = arith.cmpi slt, %broadcast_in_dim3A, %lt3A_88 : vector<16xi32>
      %add3A_90 = arith.constant 16 : i32
      %add3A_91 = vector.broadcast %add3A_90 : i32 to vector<16xi32>
      %add3A_92 = arith.addi %broadcast_in_dim3A, %add3A_91 : vector<16xi32>
      %select_n3A = arith.select %lt3A_89, %add3A_92, %broadcast_in_dim3A : vector<16xi1>, vector<16xi32>
      %broadcast_in_dim3A_93 = vector.shape_cast %select_n3A : vector<16xi32> to vector<16x1xi32>
      %gather3A = vector.shape_cast %broadcast_in_dim3A_93 : vector<16x1xi32> to vector<16xi32>
      %gather3A_94 = tpu.dynamic_gather %get3A_86[%gather3A] in [0] : vector<16xi32>, vector<16xi32> -> vector<16xi32>
      %and3A_95 = arith.constant 7 : i32
      %and3A_96 = vector.broadcast %and3A_95 : i32 to vector<16xi32>
      %and3A_97 = arith.andi %gather3A_94, %and3A_96 : vector<16xi32>
      %broadcast_in_dim3A_98 = vector.broadcast %scan3A_82 : i32 to vector<16xi32>
      %add3A_99 = arith.constant 0 : i32
      %add3A_100 = vector.broadcast %add3A_99 : i32 to vector<16xi32>
      %add3A_101 = arith.addi %iota3A, %add3A_100 : vector<16xi32>
      %gather3A_102 = tpu.vector_load_idx %arg8[%broadcast_in_dim3A_98, %and3A_97, %add3A_101] : memref<64x8x64xf32, #tpu.memory_space<vmem>>[vector<16xi32>, vector<16xi32>, vector<16xi32>], vector<16xf32>,
      %swap3A = arith.index_cast %scan3A_82 : i32 to index
      %swap3A_103 = arith.constant 0 : index
      %swap3A_104 = tpu.vector_load %arg9[%swap3A, %swap3A_103] {strides = array<i32>} : memref<64x64xf32, #tpu.memory_space<vmem>>, vector<16xf32>,
      tpu.vector_store %arg9[%swap3A, %swap3A_103], %gather3A_102 {strides = array<i32>} : memref<64x64xf32, #tpu.memory_space<vmem>>, vector<16xf32>,
      %add3A_105 = arith.constant 16 : i32
      %add3A_106 = vector.broadcast %add3A_105 : i32 to vector<16xi32>
      %add3A_107 = arith.addi %iota3A, %add3A_106 : vector<16xi32>
      %gather3A_108 = tpu.vector_load_idx %arg8[%broadcast_in_dim3A_98, %and3A_97, %add3A_107] : memref<64x8x64xf32, #tpu.memory_space<vmem>>[vector<16xi32>, vector<16xi32>, vector<16xi32>], vector<16xf32>,
      %swap3A_109 = arith.index_cast %scan3A_82 : i32 to index
      %swap3A_110 = arith.constant 16 : index
      %swap3A_111 = tpu.vector_load %arg9[%swap3A_109, %swap3A_110] {strides = array<i32>} : memref<64x64xf32, #tpu.memory_space<vmem>>, vector<16xf32>,
      tpu.vector_store %arg9[%swap3A_109, %swap3A_110], %gather3A_108 {strides = array<i32>} : memref<64x64xf32, #tpu.memory_space<vmem>>, vector<16xf32>,
      %add3A_112 = arith.constant 32 : i32
      %add3A_113 = vector.broadcast %add3A_112 : i32 to vector<16xi32>
      %add3A_114 = arith.addi %iota3A, %add3A_113 : vector<16xi32>
      %gather3A_115 = tpu.vector_load_idx %arg8[%broadcast_in_dim3A_98, %and3A_97, %add3A_114] : memref<64x8x64xf32, #tpu.memory_space<vmem>>[vector<16xi32>, vector<16xi32>, vector<16xi32>], vector<16xf32>,
      %swap3A_116 = arith.index_cast %scan3A_82 : i32 to index
      %swap3A_117 = arith.constant 32 : index
      %swap3A_118 = tpu.vector_load %arg9[%swap3A_116, %swap3A_117] {strides = array<i32>} : memref<64x64xf32, #tpu.memory_space<vmem>>, vector<16xf32>,
      tpu.vector_store %arg9[%swap3A_116, %swap3A_117], %gather3A_115 {strides = array<i32>} : memref<64x64xf32, #tpu.memory_space<vmem>>, vector<16xf32>,
      %add3A_119 = arith.constant 48 : i32
      %add3A_120 = vector.broadcast %add3A_119 : i32 to vector<16xi32>
      %add3A_121 = arith.addi %iota3A, %add3A_120 : vector<16xi32>
      %gather3A_122 = tpu.vector_load_idx %arg8[%broadcast_in_dim3A_98, %and3A_97, %add3A_121] : memref<64x8x64xf32, #tpu.memory_space<vmem>>[vector<16xi32>, vector<16xi32>, vector<16xi32>], vector<16xf32>,
      %swap3A_123 = arith.index_cast %scan3A_82 : i32 to index
      %swap3A_124 = arith.constant 48 : index
      %swap3A_125 = tpu.vector_load %arg9[%swap3A_123, %swap3A_124] {strides = array<i32>} : memref<64x64xf32, #tpu.memory_space<vmem>>, vector<16xf32>,
      tpu.vector_store %arg9[%swap3A_123, %swap3A_124], %gather3A_122 {strides = array<i32>} : memref<64x64xf32, #tpu.memory_space<vmem>>, vector<16xf32>,
    }
    %scan3A_21 = arith.constant 64 : i32
    "tpu.region"() ({
      %run_scoped3A = tpu.sem_alloc : memref<!tpu.dma_semaphore, #tpu.memory_space<semaphore_mem>>
      %dma_start3A = arith.constant 0 : i32
      %dma_start3A_82 = tpu.memref_slice %arg5[%add3A_4, %dma_start3A] : memref<4096x64xf32, #tpu.memory_space<hbm>> -> memref<64x64xf32, #tpu.memory_space<hbm>>
      %dma_start3A_83 = arith.constant 0 : i32
      %dma_start3A_84 = tpu.memref_slice %arg5[%add3A_4, %dma_start3A_83] : memref<4096x64xf32, #tpu.memory_space<hbm>> -> memref<64x64xf32, #tpu.memory_space<hbm>>
      tpu.enqueue_dma source(%arg9 : memref<64x64xf32, #tpu.memory_space<vmem>>) target(%dma_start3A_84 : memref<64x64xf32, #tpu.memory_space<hbm>>) target_semaphore(%run_scoped3A : memref<!tpu.dma_semaphore, #tpu.memory_space<semaphore_mem>>)
      %dma_wait3A = arith.constant 0 : i32
      %dma_wait3A_85 = tpu.memref_slice %arg5[%add3A_4, %dma_wait3A] : memref<4096x64xf32, #tpu.memory_space<hbm>> -> memref<64x64xf32, #tpu.memory_space<hbm>>
      %dma_wait3A_86 = arith.constant 0 : i32
      %dma_wait3A_87 = tpu.memref_slice %arg5[%add3A_4, %dma_wait3A_86] : memref<4096x64xf32, #tpu.memory_space<hbm>> -> memref<64x64xf32, #tpu.memory_space<hbm>>
      tpu.wait_dma2 semaphore(%run_scoped3A : memref<!tpu.dma_semaphore, #tpu.memory_space<semaphore_mem>>) src(%arg9 : memref<64x64xf32, #tpu.memory_space<vmem>>) dst(%dma_wait3A_87 : memref<64x64xf32, #tpu.memory_space<hbm>>)
      tpu.yield
    }) : () -> ()
    %add3A_22 = arith.constant 64 : i32
    %add3A_23 = arith.addi %mul3A_2, %add3A_22 : i32
    "tpu.region"() ({
      %run_scoped3A = tpu.sem_alloc : memref<!tpu.dma_semaphore, #tpu.memory_space<semaphore_mem>>
      %dma_start3A = tpu.memref_slice %arg2[%add3A_23] : memref<4096xi32, #tpu.memory_space<hbm>> -> memref<64xi32, #tpu.memory_space<hbm>>
      %dma_start3A_82 = tpu.memref_slice %arg2[%add3A_23] : memref<4096xi32, #tpu.memory_space<hbm>> -> memref<64xi32, #tpu.memory_space<hbm>>
      tpu.enqueue_dma source(%dma_start3A_82 : memref<64xi32, #tpu.memory_space<hbm>>) target(%arg7 : memref<64xi32, #tpu.memory_space<vmem>>) target_semaphore(%run_scoped3A : memref<!tpu.dma_semaphore, #tpu.memory_space<semaphore_mem>>)
      %dma_wait3A = tpu.memref_slice %arg2[%add3A_23] : memref<4096xi32, #tpu.memory_space<hbm>> -> memref<64xi32, #tpu.memory_space<hbm>>
      %dma_wait3A_83 = tpu.memref_slice %arg2[%add3A_23] : memref<4096xi32, #tpu.memory_space<hbm>> -> memref<64xi32, #tpu.memory_space<hbm>>
      tpu.wait_dma2 semaphore(%run_scoped3A : memref<!tpu.dma_semaphore, #tpu.memory_space<semaphore_mem>>) src(%dma_wait3A_83 : memref<64xi32, #tpu.memory_space<hbm>>) dst(%arg7 : memref<64xi32, #tpu.memory_space<vmem>>)
      tpu.yield
    }) : () -> ()
    %scan3A_24 = arith.constant 0 : i32
    %scan3A_25 = arith.constant 0 : i32
    %scan3A_26 = arith.constant 64 : i32
    %scan3A_27 = arith.addi %scan3A_25, %scan3A_26 : i32
    %scan3A_28 = arith.constant 1 : i32
    scf.for %scan3A_82 = %scan3A_25 to %scan3A_27 step %scan3A_28  : i32 {
      %shift_right_arithmetic3A = arith.constant 4 : i32
      %shift_right_arithmetic3A_83 = arith.shrsi %scan3A_82, %shift_right_arithmetic3A : i32
      %mul3A_84 = arith.constant 16 : i32
      %mul3A_85 = arith.muli %shift_right_arithmetic3A_83, %mul3A_84 : i32
      %multiple_of3A = tpu.assume_multiple %mul3A_85, 16 : i32
      %get3A = arith.index_cast %multiple_of3A : i32 to index
      %get3A_86 = tpu.vector_load %arg7[%get3A] {strides = array<i32>} : memref<64xi32, #tpu.memory_space<vmem>>, vector<16xi32>,
      %and3A = arith.constant 15 : i32
      %and3A_87 = arith.andi %scan3A_82, %and3A : i32
      %eq3A = vector.broadcast %and3A_87 : i32 to vector<16xi32>
      %eq3A_88 = arith.cmpi eq, %iota3A, %eq3A : vector<16xi32>
      %jit3A = arith.constant 0 : i32
      %broadcast_in_dim3A = vector.broadcast %jit3A : i32 to vector<16xi32>
      %select_n3A = arith.select %eq3A_88, %get3A_86, %broadcast_in_dim3A : vector<16xi1>, vector<16xi32>
      %reduce_max3A = arith.constant true
      %reduce_max3A_89 = vector.broadcast %reduce_max3A : i1 to vector<16xi1>
      %reduce_max3A_90 = arith.constant -2147483648 : i32
      %reduce_max3A_91 = vector.broadcast %reduce_max3A_90 : i32 to vector<16xi32>
      %reduce_max3A_92 = arith.xori %select_n3A, %reduce_max3A_91 : vector<16xi32>
      %reduce_max3A_93 = tpu.scan <max>, %reduce_max3A_92 masked %reduce_max3A_89 : vector<16xi32>, vector<16xi1> -> vector<16xi32>
      %reduce_max3A_94 = arith.xori %reduce_max3A_93, %reduce_max3A_91 : vector<16xi32>
      %reduce_max3A_95 = vector.extract %reduce_max3A_94[15] : i32 from vector<16xi32>
      %and3A_96 = arith.constant -8 : i32
      %and3A_97 = arith.andi %reduce_max3A_95, %and3A_96 : i32
      %multiple_of3A_98 = tpu.assume_multiple %and3A_97, 8 : i32
      %dma_start3A = arith.constant 0 : i32
      %dma_start3A_99 = arith.constant 0 : i32
      %dma_start3A_100 = tpu.memref_slice %arg8[%scan3A_82, %dma_start3A, %dma_start3A_99] : memref<64x8x64xf32, #tpu.memory_space<vmem>> -> memref<1x8x64xf32, #tpu.memory_space<vmem>>
      %dma_start3A_101 = tpu.memref_squeeze %dma_start3A_100 : memref<1x8x64xf32, #tpu.memory_space<vmem>> -> memref<8x64xf32, #tpu.memory_space<vmem>>
      %dma_start3A_102 = arith.constant 0 : i32
      %dma_start3A_103 = tpu.memref_slice %arg4[%multiple_of3A_98, %dma_start3A_102] : memref<1000000x64xf32, #tpu.memory_space<hbm>> -> memref<8x64xf32, #tpu.memory_space<hbm>>
      %dma_start3A_104 = arith.constant 0 : i32
      %dma_start3A_105 = arith.constant 0 : i32
      %dma_start3A_106 = tpu.memref_slice %arg8[%scan3A_82, %dma_start3A_104, %dma_start3A_105] : memref<64x8x64xf32, #tpu.memory_space<vmem>> -> memref<1x8x64xf32, #tpu.memory_space<vmem>>
      %dma_start3A_107 = tpu.memref_squeeze %dma_start3A_106 : memref<1x8x64xf32, #tpu.memory_space<vmem>> -> memref<8x64xf32, #tpu.memory_space<vmem>>
      %dma_start3A_108 = arith.constant 0 : i32
      %dma_start3A_109 = tpu.memref_slice %arg4[%multiple_of3A_98, %dma_start3A_108] : memref<1000000x64xf32, #tpu.memory_space<hbm>> -> memref<8x64xf32, #tpu.memory_space<hbm>>
      tpu.enqueue_dma source(%dma_start3A_109 : memref<8x64xf32, #tpu.memory_space<hbm>>) target(%dma_start3A_107 : memref<8x64xf32, #tpu.memory_space<vmem>>) target_semaphore(%arg10 : memref<!tpu.dma_semaphore, #tpu.memory_space<semaphore_mem>>)
    }
    %scan3A_29 = arith.constant 64 : i32
    %scan3A_30 = arith.constant 0 : i32
    %scan3A_31 = arith.constant 0 : i32
    %scan3A_32 = arith.constant 64 : i32
    %scan3A_33 = arith.addi %scan3A_31, %scan3A_32 : i32
    %scan3A_34 = arith.constant 1 : i32
    scf.for %scan3A_82 = %scan3A_31 to %scan3A_33 step %scan3A_34  : i32 {
      %dma_wait3A = arith.constant 0 : i32
      %dma_wait3A_83 = arith.constant 0 : i32
      %dma_wait3A_84 = tpu.memref_slice %arg8[%scan3A_82, %dma_wait3A, %dma_wait3A_83] : memref<64x8x64xf32, #tpu.memory_space<vmem>> -> memref<1x8x64xf32, #tpu.memory_space<vmem>>
      %dma_wait3A_85 = tpu.memref_squeeze %dma_wait3A_84 : memref<1x8x64xf32, #tpu.memory_space<vmem>> -> memref<8x64xf32, #tpu.memory_space<vmem>>
      %dma_wait3A_86 = arith.constant 0 : i32
      %dma_wait3A_87 = arith.constant 0 : i32
      %dma_wait3A_88 = tpu.memref_slice %arg4[%dma_wait3A_86, %dma_wait3A_87] : memref<1000000x64xf32, #tpu.memory_space<hbm>> -> memref<8x64xf32, #tpu.memory_space<hbm>>
      %dma_wait3A_89 = arith.constant 0 : i32
      %dma_wait3A_90 = arith.constant 0 : i32
      %dma_wait3A_91 = tpu.memref_slice %arg8[%scan3A_82, %dma_wait3A_89, %dma_wait3A_90] : memref<64x8x64xf32, #tpu.memory_space<vmem>> -> memref<1x8x64xf32, #tpu.memory_space<vmem>>
      %dma_wait3A_92 = tpu.memref_squeeze %dma_wait3A_91 : memref<1x8x64xf32, #tpu.memory_space<vmem>> -> memref<8x64xf32, #tpu.memory_space<vmem>>
      %dma_wait3A_93 = arith.constant 0 : i32
      %dma_wait3A_94 = arith.constant 0 : i32
      %dma_wait3A_95 = tpu.memref_slice %arg4[%dma_wait3A_93, %dma_wait3A_94] : memref<1000000x64xf32, #tpu.memory_space<hbm>> -> memref<8x64xf32, #tpu.memory_space<hbm>>
      tpu.wait_dma2 semaphore(%arg10 : memref<!tpu.dma_semaphore, #tpu.memory_space<semaphore_mem>>) src(%dma_wait3A_95 : memref<8x64xf32, #tpu.memory_space<hbm>>) dst(%dma_wait3A_92 : memref<8x64xf32, #tpu.memory_space<vmem>>)
    }
    %scan3A_35 = arith.constant 64 : i32
    %scan3A_36 = arith.constant 0 : i32
    %scan3A_37 = arith.constant 0 : i32
    %scan3A_38 = arith.constant 64 : i32
    %scan3A_39 = arith.addi %scan3A_37, %scan3A_38 : i32
    %scan3A_40 = arith.constant 1 : i32
    scf.for %scan3A_82 = %scan3A_37 to %scan3A_39 step %scan3A_40  : i32 {
      %shift_right_arithmetic3A = arith.constant 4 : i32
      %shift_right_arithmetic3A_83 = arith.shrsi %scan3A_82, %shift_right_arithmetic3A : i32
      %mul3A_84 = arith.constant 16 : i32
      %mul3A_85 = arith.muli %shift_right_arithmetic3A_83, %mul3A_84 : i32
      %multiple_of3A = tpu.assume_multiple %mul3A_85, 16 : i32
      %get3A = arith.index_cast %multiple_of3A : i32 to index
      %get3A_86 = tpu.vector_load %arg7[%get3A] {strides = array<i32>} : memref<64xi32, #tpu.memory_space<vmem>>, vector<16xi32>,
      %and3A = arith.constant 15 : i32
      %and3A_87 = arith.andi %scan3A_82, %and3A : i32
      %broadcast_in_dim3A = vector.broadcast %and3A_87 : i32 to vector<16xi32>
      %lt3A = arith.constant 0 : i32
      %lt3A_88 = vector.broadcast %lt3A : i32 to vector<16xi32>
      %lt3A_89 = arith.cmpi slt, %broadcast_in_dim3A, %lt3A_88 : vector<16xi32>
      %add3A_90 = arith.constant 16 : i32
      %add3A_91 = vector.broadcast %add3A_90 : i32 to vector<16xi32>
      %add3A_92 = arith.addi %broadcast_in_dim3A, %add3A_91 : vector<16xi32>
      %select_n3A = arith.select %lt3A_89, %add3A_92, %broadcast_in_dim3A : vector<16xi1>, vector<16xi32>
      %broadcast_in_dim3A_93 = vector.shape_cast %select_n3A : vector<16xi32> to vector<16x1xi32>
      %gather3A = vector.shape_cast %broadcast_in_dim3A_93 : vector<16x1xi32> to vector<16xi32>
      %gather3A_94 = tpu.dynamic_gather %get3A_86[%gather3A] in [0] : vector<16xi32>, vector<16xi32> -> vector<16xi32>
      %and3A_95 = arith.constant 7 : i32
      %and3A_96 = vector.broadcast %and3A_95 : i32 to vector<16xi32>
      %and3A_97 = arith.andi %gather3A_94, %and3A_96 : vector<16xi32>
      %broadcast_in_dim3A_98 = vector.broadcast %scan3A_82 : i32 to vector<16xi32>
      %add3A_99 = arith.constant 0 : i32
      %add3A_100 = vector.broadcast %add3A_99 : i32 to vector<16xi32>
      %add3A_101 = arith.addi %iota3A, %add3A_100 : vector<16xi32>
      %gather3A_102 = tpu.vector_load_idx %arg8[%broadcast_in_dim3A_98, %and3A_97, %add3A_101] : memref<64x8x64xf32, #tpu.memory_space<vmem>>[vector<16xi32>, vector<16xi32>, vector<16xi32>], vector<16xf32>,
      %swap3A = arith.index_cast %scan3A_82 : i32 to index
      %swap3A_103 = arith.constant 0 : index
      %swap3A_104 = tpu.vector_load %arg9[%swap3A, %swap3A_103] {strides = array<i32>} : memref<64x64xf32, #tpu.memory_space<vmem>>, vector<16xf32>,
      tpu.vector_store %arg9[%swap3A, %swap3A_103], %gather3A_102 {strides = array<i32>} : memref<64x64xf32, #tpu.memory_space<vmem>>, vector<16xf32>,
      %add3A_105 = arith.constant 16 : i32
      %add3A_106 = vector.broadcast %add3A_105 : i32 to vector<16xi32>
      %add3A_107 = arith.addi %iota3A, %add3A_106 : vector<16xi32>
      %gather3A_108 = tpu.vector_load_idx %arg8[%broadcast_in_dim3A_98, %and3A_97, %add3A_107] : memref<64x8x64xf32, #tpu.memory_space<vmem>>[vector<16xi32>, vector<16xi32>, vector<16xi32>], vector<16xf32>,
      %swap3A_109 = arith.index_cast %scan3A_82 : i32 to index
      %swap3A_110 = arith.constant 16 : index
      %swap3A_111 = tpu.vector_load %arg9[%swap3A_109, %swap3A_110] {strides = array<i32>} : memref<64x64xf32, #tpu.memory_space<vmem>>, vector<16xf32>,
      tpu.vector_store %arg9[%swap3A_109, %swap3A_110], %gather3A_108 {strides = array<i32>} : memref<64x64xf32, #tpu.memory_space<vmem>>, vector<16xf32>,
      %add3A_112 = arith.constant 32 : i32
      %add3A_113 = vector.broadcast %add3A_112 : i32 to vector<16xi32>
      %add3A_114 = arith.addi %iota3A, %add3A_113 : vector<16xi32>
      %gather3A_115 = tpu.vector_load_idx %arg8[%broadcast_in_dim3A_98, %and3A_97, %add3A_114] : memref<64x8x64xf32, #tpu.memory_space<vmem>>[vector<16xi32>, vector<16xi32>, vector<16xi32>], vector<16xf32>,
      %swap3A_116 = arith.index_cast %scan3A_82 : i32 to index
      %swap3A_117 = arith.constant 32 : index
      %swap3A_118 = tpu.vector_load %arg9[%swap3A_116, %swap3A_117] {strides = array<i32>} : memref<64x64xf32, #tpu.memory_space<vmem>>, vector<16xf32>,
      tpu.vector_store %arg9[%swap3A_116, %swap3A_117], %gather3A_115 {strides = array<i32>} : memref<64x64xf32, #tpu.memory_space<vmem>>, vector<16xf32>,
      %add3A_119 = arith.constant 48 : i32
      %add3A_120 = vector.broadcast %add3A_119 : i32 to vector<16xi32>
      %add3A_121 = arith.addi %iota3A, %add3A_120 : vector<16xi32>
      %gather3A_122 = tpu.vector_load_idx %arg8[%broadcast_in_dim3A_98, %and3A_97, %add3A_121] : memref<64x8x64xf32, #tpu.memory_space<vmem>>[vector<16xi32>, vector<16xi32>, vector<16xi32>], vector<16xf32>,
      %swap3A_123 = arith.index_cast %scan3A_82 : i32 to index
      %swap3A_124 = arith.constant 48 : index
      %swap3A_125 = tpu.vector_load %arg9[%swap3A_123, %swap3A_124] {strides = array<i32>} : memref<64x64xf32, #tpu.memory_space<vmem>>, vector<16xf32>,
      tpu.vector_store %arg9[%swap3A_123, %swap3A_124], %gather3A_122 {strides = array<i32>} : memref<64x64xf32, #tpu.memory_space<vmem>>, vector<16xf32>,
    }
    %scan3A_41 = arith.constant 64 : i32
    "tpu.region"() ({
      %run_scoped3A = tpu.sem_alloc : memref<!tpu.dma_semaphore, #tpu.memory_space<semaphore_mem>>
      %dma_start3A = arith.constant 0 : i32
      %dma_start3A_82 = tpu.memref_slice %arg5[%add3A_23, %dma_start3A] : memref<4096x64xf32, #tpu.memory_space<hbm>> -> memref<64x64xf32, #tpu.memory_space<hbm>>
      %dma_start3A_83 = arith.constant 0 : i32
      %dma_start3A_84 = tpu.memref_slice %arg5[%add3A_23, %dma_start3A_83] : memref<4096x64xf32, #tpu.memory_space<hbm>> -> memref<64x64xf32, #tpu.memory_space<hbm>>
      tpu.enqueue_dma source(%arg9 : memref<64x64xf32, #tpu.memory_space<vmem>>) target(%dma_start3A_84 : memref<64x64xf32, #tpu.memory_space<hbm>>) target_semaphore(%run_scoped3A : memref<!tpu.dma_semaphore, #tpu.memory_space<semaphore_mem>>)
      %dma_wait3A = arith.constant 0 : i32
      %dma_wait3A_85 = tpu.memref_slice %arg5[%add3A_23, %dma_wait3A] : memref<4096x64xf32, #tpu.memory_space<hbm>> -> memref<64x64xf32, #tpu.memory_space<hbm>>
      %dma_wait3A_86 = arith.constant 0 : i32
      %dma_wait3A_87 = tpu.memref_slice %arg5[%add3A_23, %dma_wait3A_86] : memref<4096x64xf32, #tpu.memory_space<hbm>> -> memref<64x64xf32, #tpu.memory_space<hbm>>
      tpu.wait_dma2 semaphore(%run_scoped3A : memref<!tpu.dma_semaphore, #tpu.memory_space<semaphore_mem>>) src(%arg9 : memref<64x64xf32, #tpu.memory_space<vmem>>) dst(%dma_wait3A_87 : memref<64x64xf32, #tpu.memory_space<hbm>>)
      tpu.yield
    }) : () -> ()
    %add3A_42 = arith.constant 0 : i32
    %add3A_43 = arith.addi %mul3A_2, %add3A_42 : i32
    "tpu.region"() ({
      %run_scoped3A = tpu.sem_alloc : memref<!tpu.dma_semaphore, #tpu.memory_space<semaphore_mem>>
      %dma_start3A = tpu.memref_slice %arg3[%add3A_43] : memref<4096xi32, #tpu.memory_space<hbm>> -> memref<64xi32, #tpu.memory_space<hbm>>
      %dma_start3A_82 = tpu.memref_slice %arg3[%add3A_43] : memref<4096xi32, #tpu.memory_space<hbm>> -> memref<64xi32, #tpu.memory_space<hbm>>
      tpu.enqueue_dma source(%dma_start3A_82 : memref<64xi32, #tpu.memory_space<hbm>>) target(%arg7 : memref<64xi32, #tpu.memory_space<vmem>>) target_semaphore(%run_scoped3A : memref<!tpu.dma_semaphore, #tpu.memory_space<semaphore_mem>>)
      %dma_wait3A = tpu.memref_slice %arg3[%add3A_43] : memref<4096xi32, #tpu.memory_space<hbm>> -> memref<64xi32, #tpu.memory_space<hbm>>
      %dma_wait3A_83 = tpu.memref_slice %arg3[%add3A_43] : memref<4096xi32, #tpu.memory_space<hbm>> -> memref<64xi32, #tpu.memory_space<hbm>>
      tpu.wait_dma2 semaphore(%run_scoped3A : memref<!tpu.dma_semaphore, #tpu.memory_space<semaphore_mem>>) src(%dma_wait3A_83 : memref<64xi32, #tpu.memory_space<hbm>>) dst(%arg7 : memref<64xi32, #tpu.memory_space<vmem>>)
      tpu.yield
    }) : () -> ()
    %scan3A_44 = arith.constant 0 : i32
    %scan3A_45 = arith.constant 0 : i32
    %scan3A_46 = arith.constant 64 : i32
    %scan3A_47 = arith.addi %scan3A_45, %scan3A_46 : i32
    %scan3A_48 = arith.constant 1 : i32
    scf.for %scan3A_82 = %scan3A_45 to %scan3A_47 step %scan3A_48  : i32 {
      %shift_right_arithmetic3A = arith.constant 4 : i32
      %shift_right_arithmetic3A_83 = arith.shrsi %scan3A_82, %shift_right_arithmetic3A : i32
      %mul3A_84 = arith.constant 16 : i32
      %mul3A_85 = arith.muli %shift_right_arithmetic3A_83, %mul3A_84 : i32
      %multiple_of3A = tpu.assume_multiple %mul3A_85, 16 : i32
      %get3A = arith.index_cast %multiple_of3A : i32 to index
      %get3A_86 = tpu.vector_load %arg7[%get3A] {strides = array<i32>} : memref<64xi32, #tpu.memory_space<vmem>>, vector<16xi32>,
      %and3A = arith.constant 15 : i32
      %and3A_87 = arith.andi %scan3A_82, %and3A : i32
      %eq3A = vector.broadcast %and3A_87 : i32 to vector<16xi32>
      %eq3A_88 = arith.cmpi eq, %iota3A, %eq3A : vector<16xi32>
      %jit3A = arith.constant 0 : i32
      %broadcast_in_dim3A = vector.broadcast %jit3A : i32 to vector<16xi32>
      %select_n3A = arith.select %eq3A_88, %get3A_86, %broadcast_in_dim3A : vector<16xi1>, vector<16xi32>
      %reduce_max3A = arith.constant true
      %reduce_max3A_89 = vector.broadcast %reduce_max3A : i1 to vector<16xi1>
      %reduce_max3A_90 = arith.constant -2147483648 : i32
      %reduce_max3A_91 = vector.broadcast %reduce_max3A_90 : i32 to vector<16xi32>
      %reduce_max3A_92 = arith.xori %select_n3A, %reduce_max3A_91 : vector<16xi32>
      %reduce_max3A_93 = tpu.scan <max>, %reduce_max3A_92 masked %reduce_max3A_89 : vector<16xi32>, vector<16xi1> -> vector<16xi32>
      %reduce_max3A_94 = arith.xori %reduce_max3A_93, %reduce_max3A_91 : vector<16xi32>
      %reduce_max3A_95 = vector.extract %reduce_max3A_94[15] : i32 from vector<16xi32>
      %and3A_96 = arith.constant -8 : i32
      %and3A_97 = arith.andi %reduce_max3A_95, %and3A_96 : i32
      %multiple_of3A_98 = tpu.assume_multiple %and3A_97, 8 : i32
      %dma_start3A = arith.constant 0 : i32
      %dma_start3A_99 = arith.constant 0 : i32
      %dma_start3A_100 = tpu.memref_slice %arg8[%scan3A_82, %dma_start3A, %dma_start3A_99] : memref<64x8x64xf32, #tpu.memory_space<vmem>> -> memref<1x8x64xf32, #tpu.memory_space<vmem>>
      %dma_start3A_101 = tpu.memref_squeeze %dma_start3A_100 : memref<1x8x64xf32, #tpu.memory_space<vmem>> -> memref<8x64xf32, #tpu.memory_space<vmem>>
      %dma_start3A_102 = arith.constant 0 : i32
      %dma_start3A_103 = tpu.memref_slice %arg4[%multiple_of3A_98, %dma_start3A_102] : memref<1000000x64xf32, #tpu.memory_space<hbm>> -> memref<8x64xf32, #tpu.memory_space<hbm>>
      %dma_start3A_104 = arith.constant 0 : i32
      %dma_start3A_105 = arith.constant 0 : i32
      %dma_start3A_106 = tpu.memref_slice %arg8[%scan3A_82, %dma_start3A_104, %dma_start3A_105] : memref<64x8x64xf32, #tpu.memory_space<vmem>> -> memref<1x8x64xf32, #tpu.memory_space<vmem>>
      %dma_start3A_107 = tpu.memref_squeeze %dma_start3A_106 : memref<1x8x64xf32, #tpu.memory_space<vmem>> -> memref<8x64xf32, #tpu.memory_space<vmem>>
      %dma_start3A_108 = arith.constant 0 : i32
      %dma_start3A_109 = tpu.memref_slice %arg4[%multiple_of3A_98, %dma_start3A_108] : memref<1000000x64xf32, #tpu.memory_space<hbm>> -> memref<8x64xf32, #tpu.memory_space<hbm>>
      tpu.enqueue_dma source(%dma_start3A_109 : memref<8x64xf32, #tpu.memory_space<hbm>>) target(%dma_start3A_107 : memref<8x64xf32, #tpu.memory_space<vmem>>) target_semaphore(%arg10 : memref<!tpu.dma_semaphore, #tpu.memory_space<semaphore_mem>>)
    }
    %scan3A_49 = arith.constant 64 : i32
    %scan3A_50 = arith.constant 0 : i32
    %scan3A_51 = arith.constant 0 : i32
    %scan3A_52 = arith.constant 64 : i32
    %scan3A_53 = arith.addi %scan3A_51, %scan3A_52 : i32
    %scan3A_54 = arith.constant 1 : i32
    scf.for %scan3A_82 = %scan3A_51 to %scan3A_53 step %scan3A_54  : i32 {
      %dma_wait3A = arith.constant 0 : i32
      %dma_wait3A_83 = arith.constant 0 : i32
      %dma_wait3A_84 = tpu.memref_slice %arg8[%scan3A_82, %dma_wait3A, %dma_wait3A_83] : memref<64x8x64xf32, #tpu.memory_space<vmem>> -> memref<1x8x64xf32, #tpu.memory_space<vmem>>
      %dma_wait3A_85 = tpu.memref_squeeze %dma_wait3A_84 : memref<1x8x64xf32, #tpu.memory_space<vmem>> -> memref<8x64xf32, #tpu.memory_space<vmem>>
      %dma_wait3A_86 = arith.constant 0 : i32
      %dma_wait3A_87 = arith.constant 0 : i32
      %dma_wait3A_88 = tpu.memref_slice %arg4[%dma_wait3A_86, %dma_wait3A_87] : memref<1000000x64xf32, #tpu.memory_space<hbm>> -> memref<8x64xf32, #tpu.memory_space<hbm>>
      %dma_wait3A_89 = arith.constant 0 : i32
      %dma_wait3A_90 = arith.constant 0 : i32
      %dma_wait3A_91 = tpu.memref_slice %arg8[%scan3A_82, %dma_wait3A_89, %dma_wait3A_90] : memref<64x8x64xf32, #tpu.memory_space<vmem>> -> memref<1x8x64xf32, #tpu.memory_space<vmem>>
      %dma_wait3A_92 = tpu.memref_squeeze %dma_wait3A_91 : memref<1x8x64xf32, #tpu.memory_space<vmem>> -> memref<8x64xf32, #tpu.memory_space<vmem>>
      %dma_wait3A_93 = arith.constant 0 : i32
      %dma_wait3A_94 = arith.constant 0 : i32
      %dma_wait3A_95 = tpu.memref_slice %arg4[%dma_wait3A_93, %dma_wait3A_94] : memref<1000000x64xf32, #tpu.memory_space<hbm>> -> memref<8x64xf32, #tpu.memory_space<hbm>>
      tpu.wait_dma2 semaphore(%arg10 : memref<!tpu.dma_semaphore, #tpu.memory_space<semaphore_mem>>) src(%dma_wait3A_95 : memref<8x64xf32, #tpu.memory_space<hbm>>) dst(%dma_wait3A_92 : memref<8x64xf32, #tpu.memory_space<vmem>>)
    }
    %scan3A_55 = arith.constant 64 : i32
    %scan3A_56 = arith.constant 0 : i32
    %scan3A_57 = arith.constant 0 : i32
    %scan3A_58 = arith.constant 64 : i32
    %scan3A_59 = arith.addi %scan3A_57, %scan3A_58 : i32
    %scan3A_60 = arith.constant 1 : i32
    scf.for %scan3A_82 = %scan3A_57 to %scan3A_59 step %scan3A_60  : i32 {
      %shift_right_arithmetic3A = arith.constant 4 : i32
      %shift_right_arithmetic3A_83 = arith.shrsi %scan3A_82, %shift_right_arithmetic3A : i32
      %mul3A_84 = arith.constant 16 : i32
      %mul3A_85 = arith.muli %shift_right_arithmetic3A_83, %mul3A_84 : i32
      %multiple_of3A = tpu.assume_multiple %mul3A_85, 16 : i32
      %get3A = arith.index_cast %multiple_of3A : i32 to index
      %get3A_86 = tpu.vector_load %arg7[%get3A] {strides = array<i32>} : memref<64xi32, #tpu.memory_space<vmem>>, vector<16xi32>,
      %and3A = arith.constant 15 : i32
      %and3A_87 = arith.andi %scan3A_82, %and3A : i32
      %broadcast_in_dim3A = vector.broadcast %and3A_87 : i32 to vector<16xi32>
      %lt3A = arith.constant 0 : i32
      %lt3A_88 = vector.broadcast %lt3A : i32 to vector<16xi32>
      %lt3A_89 = arith.cmpi slt, %broadcast_in_dim3A, %lt3A_88 : vector<16xi32>
      %add3A_90 = arith.constant 16 : i32
      %add3A_91 = vector.broadcast %add3A_90 : i32 to vector<16xi32>
      %add3A_92 = arith.addi %broadcast_in_dim3A, %add3A_91 : vector<16xi32>
      %select_n3A = arith.select %lt3A_89, %add3A_92, %broadcast_in_dim3A : vector<16xi1>, vector<16xi32>
      %broadcast_in_dim3A_93 = vector.shape_cast %select_n3A : vector<16xi32> to vector<16x1xi32>
      %gather3A = vector.shape_cast %broadcast_in_dim3A_93 : vector<16x1xi32> to vector<16xi32>
      %gather3A_94 = tpu.dynamic_gather %get3A_86[%gather3A] in [0] : vector<16xi32>, vector<16xi32> -> vector<16xi32>
      %and3A_95 = arith.constant 7 : i32
      %and3A_96 = vector.broadcast %and3A_95 : i32 to vector<16xi32>
      %and3A_97 = arith.andi %gather3A_94, %and3A_96 : vector<16xi32>
      %broadcast_in_dim3A_98 = vector.broadcast %scan3A_82 : i32 to vector<16xi32>
      %add3A_99 = arith.constant 0 : i32
      %add3A_100 = vector.broadcast %add3A_99 : i32 to vector<16xi32>
      %add3A_101 = arith.addi %iota3A, %add3A_100 : vector<16xi32>
      %gather3A_102 = tpu.vector_load_idx %arg8[%broadcast_in_dim3A_98, %and3A_97, %add3A_101] : memref<64x8x64xf32, #tpu.memory_space<vmem>>[vector<16xi32>, vector<16xi32>, vector<16xi32>], vector<16xf32>,
      %swap3A = arith.index_cast %scan3A_82 : i32 to index
      %swap3A_103 = arith.constant 0 : index
      %swap3A_104 = tpu.vector_load %arg9[%swap3A, %swap3A_103] {strides = array<i32>} : memref<64x64xf32, #tpu.memory_space<vmem>>, vector<16xf32>,
      tpu.vector_store %arg9[%swap3A, %swap3A_103], %gather3A_102 {strides = array<i32>} : memref<64x64xf32, #tpu.memory_space<vmem>>, vector<16xf32>,
      %add3A_105 = arith.constant 16 : i32
      %add3A_106 = vector.broadcast %add3A_105 : i32 to vector<16xi32>
      %add3A_107 = arith.addi %iota3A, %add3A_106 : vector<16xi32>
      %gather3A_108 = tpu.vector_load_idx %arg8[%broadcast_in_dim3A_98, %and3A_97, %add3A_107] : memref<64x8x64xf32, #tpu.memory_space<vmem>>[vector<16xi32>, vector<16xi32>, vector<16xi32>], vector<16xf32>,
      %swap3A_109 = arith.index_cast %scan3A_82 : i32 to index
      %swap3A_110 = arith.constant 16 : index
      %swap3A_111 = tpu.vector_load %arg9[%swap3A_109, %swap3A_110] {strides = array<i32>} : memref<64x64xf32, #tpu.memory_space<vmem>>, vector<16xf32>,
      tpu.vector_store %arg9[%swap3A_109, %swap3A_110], %gather3A_108 {strides = array<i32>} : memref<64x64xf32, #tpu.memory_space<vmem>>, vector<16xf32>,
      %add3A_112 = arith.constant 32 : i32
      %add3A_113 = vector.broadcast %add3A_112 : i32 to vector<16xi32>
      %add3A_114 = arith.addi %iota3A, %add3A_113 : vector<16xi32>
      %gather3A_115 = tpu.vector_load_idx %arg8[%broadcast_in_dim3A_98, %and3A_97, %add3A_114] : memref<64x8x64xf32, #tpu.memory_space<vmem>>[vector<16xi32>, vector<16xi32>, vector<16xi32>], vector<16xf32>,
      %swap3A_116 = arith.index_cast %scan3A_82 : i32 to index
      %swap3A_117 = arith.constant 32 : index
      %swap3A_118 = tpu.vector_load %arg9[%swap3A_116, %swap3A_117] {strides = array<i32>} : memref<64x64xf32, #tpu.memory_space<vmem>>, vector<16xf32>,
      tpu.vector_store %arg9[%swap3A_116, %swap3A_117], %gather3A_115 {strides = array<i32>} : memref<64x64xf32, #tpu.memory_space<vmem>>, vector<16xf32>,
      %add3A_119 = arith.constant 48 : i32
      %add3A_120 = vector.broadcast %add3A_119 : i32 to vector<16xi32>
      %add3A_121 = arith.addi %iota3A, %add3A_120 : vector<16xi32>
      %gather3A_122 = tpu.vector_load_idx %arg8[%broadcast_in_dim3A_98, %and3A_97, %add3A_121] : memref<64x8x64xf32, #tpu.memory_space<vmem>>[vector<16xi32>, vector<16xi32>, vector<16xi32>], vector<16xf32>,
      %swap3A_123 = arith.index_cast %scan3A_82 : i32 to index
      %swap3A_124 = arith.constant 48 : index
      %swap3A_125 = tpu.vector_load %arg9[%swap3A_123, %swap3A_124] {strides = array<i32>} : memref<64x64xf32, #tpu.memory_space<vmem>>, vector<16xf32>,
      tpu.vector_store %arg9[%swap3A_123, %swap3A_124], %gather3A_122 {strides = array<i32>} : memref<64x64xf32, #tpu.memory_space<vmem>>, vector<16xf32>,
    }
    %scan3A_61 = arith.constant 64 : i32
    "tpu.region"() ({
      %run_scoped3A = tpu.sem_alloc : memref<!tpu.dma_semaphore, #tpu.memory_space<semaphore_mem>>
      %dma_start3A = arith.constant 0 : i32
      %dma_start3A_82 = tpu.memref_slice %arg6[%add3A_43, %dma_start3A] : memref<4096x64xf32, #tpu.memory_space<hbm>> -> memref<64x64xf32, #tpu.memory_space<hbm>>
      %dma_start3A_83 = arith.constant 0 : i32
      %dma_start3A_84 = tpu.memref_slice %arg6[%add3A_43, %dma_start3A_83] : memref<4096x64xf32, #tpu.memory_space<hbm>> -> memref<64x64xf32, #tpu.memory_space<hbm>>
      tpu.enqueue_dma source(%arg9 : memref<64x64xf32, #tpu.memory_space<vmem>>) target(%dma_start3A_84 : memref<64x64xf32, #tpu.memory_space<hbm>>) target_semaphore(%run_scoped3A : memref<!tpu.dma_semaphore, #tpu.memory_space<semaphore_mem>>)
      %dma_wait3A = arith.constant 0 : i32
      %dma_wait3A_85 = tpu.memref_slice %arg6[%add3A_43, %dma_wait3A] : memref<4096x64xf32, #tpu.memory_space<hbm>> -> memref<64x64xf32, #tpu.memory_space<hbm>>
      %dma_wait3A_86 = arith.constant 0 : i32
      %dma_wait3A_87 = tpu.memref_slice %arg6[%add3A_43, %dma_wait3A_86] : memref<4096x64xf32, #tpu.memory_space<hbm>> -> memref<64x64xf32, #tpu.memory_space<hbm>>
      tpu.wait_dma2 semaphore(%run_scoped3A : memref<!tpu.dma_semaphore, #tpu.memory_space<semaphore_mem>>) src(%arg9 : memref<64x64xf32, #tpu.memory_space<vmem>>) dst(%dma_wait3A_87 : memref<64x64xf32, #tpu.memory_space<hbm>>)
      tpu.yield
    }) : () -> ()
    %add3A_62 = arith.constant 64 : i32
    %add3A_63 = arith.addi %mul3A_2, %add3A_62 : i32
    "tpu.region"() ({
      %run_scoped3A = tpu.sem_alloc : memref<!tpu.dma_semaphore, #tpu.memory_space<semaphore_mem>>
      %dma_start3A = tpu.memref_slice %arg3[%add3A_63] : memref<4096xi32, #tpu.memory_space<hbm>> -> memref<64xi32, #tpu.memory_space<hbm>>
      %dma_start3A_82 = tpu.memref_slice %arg3[%add3A_63] : memref<4096xi32, #tpu.memory_space<hbm>> -> memref<64xi32, #tpu.memory_space<hbm>>
      tpu.enqueue_dma source(%dma_start3A_82 : memref<64xi32, #tpu.memory_space<hbm>>) target(%arg7 : memref<64xi32, #tpu.memory_space<vmem>>) target_semaphore(%run_scoped3A : memref<!tpu.dma_semaphore, #tpu.memory_space<semaphore_mem>>)
      %dma_wait3A = tpu.memref_slice %arg3[%add3A_63] : memref<4096xi32, #tpu.memory_space<hbm>> -> memref<64xi32, #tpu.memory_space<hbm>>
      %dma_wait3A_83 = tpu.memref_slice %arg3[%add3A_63] : memref<4096xi32, #tpu.memory_space<hbm>> -> memref<64xi32, #tpu.memory_space<hbm>>
      tpu.wait_dma2 semaphore(%run_scoped3A : memref<!tpu.dma_semaphore, #tpu.memory_space<semaphore_mem>>) src(%dma_wait3A_83 : memref<64xi32, #tpu.memory_space<hbm>>) dst(%arg7 : memref<64xi32, #tpu.memory_space<vmem>>)
      tpu.yield
    }) : () -> ()
    %scan3A_64 = arith.constant 0 : i32
    %scan3A_65 = arith.constant 0 : i32
    %scan3A_66 = arith.constant 64 : i32
    %scan3A_67 = arith.addi %scan3A_65, %scan3A_66 : i32
    %scan3A_68 = arith.constant 1 : i32
    scf.for %scan3A_82 = %scan3A_65 to %scan3A_67 step %scan3A_68  : i32 {
      %shift_right_arithmetic3A = arith.constant 4 : i32
      %shift_right_arithmetic3A_83 = arith.shrsi %scan3A_82, %shift_right_arithmetic3A : i32
      %mul3A_84 = arith.constant 16 : i32
      %mul3A_85 = arith.muli %shift_right_arithmetic3A_83, %mul3A_84 : i32
      %multiple_of3A = tpu.assume_multiple %mul3A_85, 16 : i32
      %get3A = arith.index_cast %multiple_of3A : i32 to index
      %get3A_86 = tpu.vector_load %arg7[%get3A] {strides = array<i32>} : memref<64xi32, #tpu.memory_space<vmem>>, vector<16xi32>,
      %and3A = arith.constant 15 : i32
      %and3A_87 = arith.andi %scan3A_82, %and3A : i32
      %eq3A = vector.broadcast %and3A_87 : i32 to vector<16xi32>
      %eq3A_88 = arith.cmpi eq, %iota3A, %eq3A : vector<16xi32>
      %jit3A = arith.constant 0 : i32
      %broadcast_in_dim3A = vector.broadcast %jit3A : i32 to vector<16xi32>
      %select_n3A = arith.select %eq3A_88, %get3A_86, %broadcast_in_dim3A : vector<16xi1>, vector<16xi32>
      %reduce_max3A = arith.constant true
      %reduce_max3A_89 = vector.broadcast %reduce_max3A : i1 to vector<16xi1>
      %reduce_max3A_90 = arith.constant -2147483648 : i32
      %reduce_max3A_91 = vector.broadcast %reduce_max3A_90 : i32 to vector<16xi32>
      %reduce_max3A_92 = arith.xori %select_n3A, %reduce_max3A_91 : vector<16xi32>
      %reduce_max3A_93 = tpu.scan <max>, %reduce_max3A_92 masked %reduce_max3A_89 : vector<16xi32>, vector<16xi1> -> vector<16xi32>
      %reduce_max3A_94 = arith.xori %reduce_max3A_93, %reduce_max3A_91 : vector<16xi32>
      %reduce_max3A_95 = vector.extract %reduce_max3A_94[15] : i32 from vector<16xi32>
      %and3A_96 = arith.constant -8 : i32
      %and3A_97 = arith.andi %reduce_max3A_95, %and3A_96 : i32
      %multiple_of3A_98 = tpu.assume_multiple %and3A_97, 8 : i32
      %dma_start3A = arith.constant 0 : i32
      %dma_start3A_99 = arith.constant 0 : i32
      %dma_start3A_100 = tpu.memref_slice %arg8[%scan3A_82, %dma_start3A, %dma_start3A_99] : memref<64x8x64xf32, #tpu.memory_space<vmem>> -> memref<1x8x64xf32, #tpu.memory_space<vmem>>
      %dma_start3A_101 = tpu.memref_squeeze %dma_start3A_100 : memref<1x8x64xf32, #tpu.memory_space<vmem>> -> memref<8x64xf32, #tpu.memory_space<vmem>>
      %dma_start3A_102 = arith.constant 0 : i32
      %dma_start3A_103 = tpu.memref_slice %arg4[%multiple_of3A_98, %dma_start3A_102] : memref<1000000x64xf32, #tpu.memory_space<hbm>> -> memref<8x64xf32, #tpu.memory_space<hbm>>
      %dma_start3A_104 = arith.constant 0 : i32
      %dma_start3A_105 = arith.constant 0 : i32
      %dma_start3A_106 = tpu.memref_slice %arg8[%scan3A_82, %dma_start3A_104, %dma_start3A_105] : memref<64x8x64xf32, #tpu.memory_space<vmem>> -> memref<1x8x64xf32, #tpu.memory_space<vmem>>
      %dma_start3A_107 = tpu.memref_squeeze %dma_start3A_106 : memref<1x8x64xf32, #tpu.memory_space<vmem>> -> memref<8x64xf32, #tpu.memory_space<vmem>>
      %dma_start3A_108 = arith.constant 0 : i32
      %dma_start3A_109 = tpu.memref_slice %arg4[%multiple_of3A_98, %dma_start3A_108] : memref<1000000x64xf32, #tpu.memory_space<hbm>> -> memref<8x64xf32, #tpu.memory_space<hbm>>
      tpu.enqueue_dma source(%dma_start3A_109 : memref<8x64xf32, #tpu.memory_space<hbm>>) target(%dma_start3A_107 : memref<8x64xf32, #tpu.memory_space<vmem>>) target_semaphore(%arg10 : memref<!tpu.dma_semaphore, #tpu.memory_space<semaphore_mem>>)
    }
    %scan3A_69 = arith.constant 64 : i32
    %scan3A_70 = arith.constant 0 : i32
    %scan3A_71 = arith.constant 0 : i32
    %scan3A_72 = arith.constant 64 : i32
    %scan3A_73 = arith.addi %scan3A_71, %scan3A_72 : i32
    %scan3A_74 = arith.constant 1 : i32
    scf.for %scan3A_82 = %scan3A_71 to %scan3A_73 step %scan3A_74  : i32 {
      %dma_wait3A = arith.constant 0 : i32
      %dma_wait3A_83 = arith.constant 0 : i32
      %dma_wait3A_84 = tpu.memref_slice %arg8[%scan3A_82, %dma_wait3A, %dma_wait3A_83] : memref<64x8x64xf32, #tpu.memory_space<vmem>> -> memref<1x8x64xf32, #tpu.memory_space<vmem>>
      %dma_wait3A_85 = tpu.memref_squeeze %dma_wait3A_84 : memref<1x8x64xf32, #tpu.memory_space<vmem>> -> memref<8x64xf32, #tpu.memory_space<vmem>>
      %dma_wait3A_86 = arith.constant 0 : i32
      %dma_wait3A_87 = arith.constant 0 : i32
      %dma_wait3A_88 = tpu.memref_slice %arg4[%dma_wait3A_86, %dma_wait3A_87] : memref<1000000x64xf32, #tpu.memory_space<hbm>> -> memref<8x64xf32, #tpu.memory_space<hbm>>
      %dma_wait3A_89 = arith.constant 0 : i32
      %dma_wait3A_90 = arith.constant 0 : i32
      %dma_wait3A_91 = tpu.memref_slice %arg8[%scan3A_82, %dma_wait3A_89, %dma_wait3A_90] : memref<64x8x64xf32, #tpu.memory_space<vmem>> -> memref<1x8x64xf32, #tpu.memory_space<vmem>>
      %dma_wait3A_92 = tpu.memref_squeeze %dma_wait3A_91 : memref<1x8x64xf32, #tpu.memory_space<vmem>> -> memref<8x64xf32, #tpu.memory_space<vmem>>
      %dma_wait3A_93 = arith.constant 0 : i32
      %dma_wait3A_94 = arith.constant 0 : i32
      %dma_wait3A_95 = tpu.memref_slice %arg4[%dma_wait3A_93, %dma_wait3A_94] : memref<1000000x64xf32, #tpu.memory_space<hbm>> -> memref<8x64xf32, #tpu.memory_space<hbm>>
      tpu.wait_dma2 semaphore(%arg10 : memref<!tpu.dma_semaphore, #tpu.memory_space<semaphore_mem>>) src(%dma_wait3A_95 : memref<8x64xf32, #tpu.memory_space<hbm>>) dst(%dma_wait3A_92 : memref<8x64xf32, #tpu.memory_space<vmem>>)
    }
    %scan3A_75 = arith.constant 64 : i32
    %scan3A_76 = arith.constant 0 : i32
    %scan3A_77 = arith.constant 0 : i32
    %scan3A_78 = arith.constant 64 : i32
    %scan3A_79 = arith.addi %scan3A_77, %scan3A_78 : i32
    %scan3A_80 = arith.constant 1 : i32
    scf.for %scan3A_82 = %scan3A_77 to %scan3A_79 step %scan3A_80  : i32 {
      %shift_right_arithmetic3A = arith.constant 4 : i32
      %shift_right_arithmetic3A_83 = arith.shrsi %scan3A_82, %shift_right_arithmetic3A : i32
      %mul3A_84 = arith.constant 16 : i32
      %mul3A_85 = arith.muli %shift_right_arithmetic3A_83, %mul3A_84 : i32
      %multiple_of3A = tpu.assume_multiple %mul3A_85, 16 : i32
      %get3A = arith.index_cast %multiple_of3A : i32 to index
      %get3A_86 = tpu.vector_load %arg7[%get3A] {strides = array<i32>} : memref<64xi32, #tpu.memory_space<vmem>>, vector<16xi32>,
      %and3A = arith.constant 15 : i32
      %and3A_87 = arith.andi %scan3A_82, %and3A : i32
      %broadcast_in_dim3A = vector.broadcast %and3A_87 : i32 to vector<16xi32>
      %lt3A = arith.constant 0 : i32
      %lt3A_88 = vector.broadcast %lt3A : i32 to vector<16xi32>
      %lt3A_89 = arith.cmpi slt, %broadcast_in_dim3A, %lt3A_88 : vector<16xi32>
      %add3A_90 = arith.constant 16 : i32
      %add3A_91 = vector.broadcast %add3A_90 : i32 to vector<16xi32>
      %add3A_92 = arith.addi %broadcast_in_dim3A, %add3A_91 : vector<16xi32>
      %select_n3A = arith.select %lt3A_89, %add3A_92, %broadcast_in_dim3A : vector<16xi1>, vector<16xi32>
      %broadcast_in_dim3A_93 = vector.shape_cast %select_n3A : vector<16xi32> to vector<16x1xi32>
      %gather3A = vector.shape_cast %broadcast_in_dim3A_93 : vector<16x1xi32> to vector<16xi32>
      %gather3A_94 = tpu.dynamic_gather %get3A_86[%gather3A] in [0] : vector<16xi32>, vector<16xi32> -> vector<16xi32>
      %and3A_95 = arith.constant 7 : i32
      %and3A_96 = vector.broadcast %and3A_95 : i32 to vector<16xi32>
      %and3A_97 = arith.andi %gather3A_94, %and3A_96 : vector<16xi32>
      %broadcast_in_dim3A_98 = vector.broadcast %scan3A_82 : i32 to vector<16xi32>
      %add3A_99 = arith.constant 0 : i32
      %add3A_100 = vector.broadcast %add3A_99 : i32 to vector<16xi32>
      %add3A_101 = arith.addi %iota3A, %add3A_100 : vector<16xi32>
      %gather3A_102 = tpu.vector_load_idx %arg8[%broadcast_in_dim3A_98, %and3A_97, %add3A_101] : memref<64x8x64xf32, #tpu.memory_space<vmem>>[vector<16xi32>, vector<16xi32>, vector<16xi32>], vector<16xf32>,
      %swap3A = arith.index_cast %scan3A_82 : i32 to index
      %swap3A_103 = arith.constant 0 : index
      %swap3A_104 = tpu.vector_load %arg9[%swap3A, %swap3A_103] {strides = array<i32>} : memref<64x64xf32, #tpu.memory_space<vmem>>, vector<16xf32>,
      tpu.vector_store %arg9[%swap3A, %swap3A_103], %gather3A_102 {strides = array<i32>} : memref<64x64xf32, #tpu.memory_space<vmem>>, vector<16xf32>,
      %add3A_105 = arith.constant 16 : i32
      %add3A_106 = vector.broadcast %add3A_105 : i32 to vector<16xi32>
      %add3A_107 = arith.addi %iota3A, %add3A_106 : vector<16xi32>
      %gather3A_108 = tpu.vector_load_idx %arg8[%broadcast_in_dim3A_98, %and3A_97, %add3A_107] : memref<64x8x64xf32, #tpu.memory_space<vmem>>[vector<16xi32>, vector<16xi32>, vector<16xi32>], vector<16xf32>,
      %swap3A_109 = arith.index_cast %scan3A_82 : i32 to index
      %swap3A_110 = arith.constant 16 : index
      %swap3A_111 = tpu.vector_load %arg9[%swap3A_109, %swap3A_110] {strides = array<i32>} : memref<64x64xf32, #tpu.memory_space<vmem>>, vector<16xf32>,
      tpu.vector_store %arg9[%swap3A_109, %swap3A_110], %gather3A_108 {strides = array<i32>} : memref<64x64xf32, #tpu.memory_space<vmem>>, vector<16xf32>,
      %add3A_112 = arith.constant 32 : i32
      %add3A_113 = vector.broadcast %add3A_112 : i32 to vector<16xi32>
      %add3A_114 = arith.addi %iota3A, %add3A_113 : vector<16xi32>
      %gather3A_115 = tpu.vector_load_idx %arg8[%broadcast_in_dim3A_98, %and3A_97, %add3A_114] : memref<64x8x64xf32, #tpu.memory_space<vmem>>[vector<16xi32>, vector<16xi32>, vector<16xi32>], vector<16xf32>,
      %swap3A_116 = arith.index_cast %scan3A_82 : i32 to index
      %swap3A_117 = arith.constant 32 : index
      %swap3A_118 = tpu.vector_load %arg9[%swap3A_116, %swap3A_117] {strides = array<i32>} : memref<64x64xf32, #tpu.memory_space<vmem>>, vector<16xf32>,
      tpu.vector_store %arg9[%swap3A_116, %swap3A_117], %gather3A_115 {strides = array<i32>} : memref<64x64xf32, #tpu.memory_space<vmem>>, vector<16xf32>,
      %add3A_119 = arith.constant 48 : i32
      %add3A_120 = vector.broadcast %add3A_119 : i32 to vector<16xi32>
      %add3A_121 = arith.addi %iota3A, %add3A_120 : vector<16xi32>
      %gather3A_122 = tpu.vector_load_idx %arg8[%broadcast_in_dim3A_98, %and3A_97, %add3A_121] : memref<64x8x64xf32, #tpu.memory_space<vmem>>[vector<16xi32>, vector<16xi32>, vector<16xi32>], vector<16xf32>,
      %swap3A_123 = arith.index_cast %scan3A_82 : i32 to index
      %swap3A_124 = arith.constant 48 : index
      %swap3A_125 = tpu.vector_load %arg9[%swap3A_123, %swap3A_124] {strides = array<i32>} : memref<64x64xf32, #tpu.memory_space<vmem>>, vector<16xf32>,
      tpu.vector_store %arg9[%swap3A_123, %swap3A_124], %gather3A_122 {strides = array<i32>} : memref<64x64xf32, #tpu.memory_space<vmem>>, vector<16xf32>,
    }
    %scan3A_81 = arith.constant 64 : i32
    "tpu.region"() ({
      %run_scoped3A = tpu.sem_alloc : memref<!tpu.dma_semaphore, #tpu.memory_space<semaphore_mem>>
      %dma_start3A = arith.constant 0 : i32
      %dma_start3A_82 = tpu.memref_slice %arg6[%add3A_63, %dma_start3A] : memref<4096x64xf32, #tpu.memory_space<hbm>> -> memref<64x64xf32, #tpu.memory_space<hbm>>
      %dma_start3A_83 = arith.constant 0 : i32
      %dma_start3A_84 = tpu.memref_slice %arg6[%add3A_63, %dma_start3A_83] : memref<4096x64xf32, #tpu.memory_space<hbm>> -> memref<64x64xf32, #tpu.memory_space<hbm>>
      tpu.enqueue_dma source(%arg9 : memref<64x64xf32, #tpu.memory_space<vmem>>) target(%dma_start3A_84 : memref<64x64xf32, #tpu.memory_space<hbm>>) target_semaphore(%run_scoped3A : memref<!tpu.dma_semaphore, #tpu.memory_space<semaphore_mem>>)
      %dma_wait3A = arith.constant 0 : i32
      %dma_wait3A_85 = tpu.memref_slice %arg6[%add3A_63, %dma_wait3A] : memref<4096x64xf32, #tpu.memory_space<hbm>> -> memref<64x64xf32, #tpu.memory_space<hbm>>
      %dma_wait3A_86 = arith.constant 0 : i32
      %dma_wait3A_87 = tpu.memref_slice %arg6[%add3A_63, %dma_wait3A_86] : memref<4096x64xf32, #tpu.memory_space<hbm>> -> memref<64x64xf32, #tpu.memory_space<hbm>>
      tpu.wait_dma2 semaphore(%run_scoped3A : memref<!tpu.dma_semaphore, #tpu.memory_space<semaphore_mem>>) src(%arg9 : memref<64x64xf32, #tpu.memory_space<vmem>>) dst(%dma_wait3A_87 : memref<64x64xf32, #tpu.memory_space<hbm>>)
      tpu.yield
    }) : () -> ()
    return
  }
}

#map = affine_map<(d0, d1) -> (0)>
#map1 = affine_map<(d0, d1) -> (0, 0)>
module attributes {stable_mosaic.version = 14 : i64} {
  func.func @k(%arg0: i32, %arg1: i32, %arg2: memref<4096xi32, #tpu.memory_space<hbm>>, %arg3: memref<4096xi32, #tpu.memory_space<hbm>>, %arg4: memref<1000000x64xf32, #tpu.memory_space<hbm>>, %arg5: memref<4096x64xf32, #tpu.memory_space<hbm>>, %arg6: memref<4096x64xf32, #tpu.memory_space<hbm>>, %arg7: memref<64xi32, #tpu.memory_space<vmem>>, %arg8: memref<64x8x64xf32, #tpu.memory_space<vmem>>, %arg9: memref<64x64xf32, #tpu.memory_space<vmem>>, %arg10: memref<!tpu.dma_semaphore, #tpu.memory_space<semaphore_mem>>) attributes {dimension_semantics = [#tpu.dimension_semantics<core_parallel>, #tpu.dimension_semantics<subcore_parallel>], iteration_bounds = array<i64: 2, 16>, scalar_prefetch = 0 : i64, scratch_operands = 4 : i64, tpu.core_type = #tpu.core_type<sc_vector_subcore>, window_params = [{transform_indices = #map}, {transform_indices = #map}, {transform_indices = #map1}, {transform_indices = #map1}, {transform_indices = #map1}]} {
    %mul3A = arith.constant 2 : i32
    %mul3A_0 = arith.muli %arg1, %mul3A : i32
    %add3A = arith.addi %mul3A_0, %arg0 : i32
    %mul3A_1 = arith.constant 128 : i32
    %mul3A_2 = arith.muli %add3A, %mul3A_1 : i32
    %iota3A = tpu.iota {dimensions = array<i32: 0>} : vector<16xi32>
    %add3A_3 = arith.constant 0 : i32
    %add3A_4 = arith.addi %mul3A_2, %add3A_3 : i32
    "tpu.region"() ({
      %run_scoped3A = tpu.sem_alloc : memref<!tpu.dma_semaphore, #tpu.memory_space<semaphore_mem>>
      %dma_start3A = tpu.memref_slice %arg2[%add3A_4] : memref<4096xi32, #tpu.memory_space<hbm>> -> memref<64xi32, #tpu.memory_space<hbm>>
      %dma_start3A_82 = tpu.memref_slice %arg2[%add3A_4] : memref<4096xi32, #tpu.memory_space<hbm>> -> memref<64xi32, #tpu.memory_space<hbm>>
      tpu.enqueue_dma source(%dma_start3A_82 : memref<64xi32, #tpu.memory_space<hbm>>) target(%arg7 : memref<64xi32, #tpu.memory_space<vmem>>) target_semaphore(%run_scoped3A : memref<!tpu.dma_semaphore, #tpu.memory_space<semaphore_mem>>)
      %dma_wait3A = tpu.memref_slice %arg2[%add3A_4] : memref<4096xi32, #tpu.memory_space<hbm>> -> memref<64xi32, #tpu.memory_space<hbm>>
      %dma_wait3A_83 = tpu.memref_slice %arg2[%add3A_4] : memref<4096xi32, #tpu.memory_space<hbm>> -> memref<64xi32, #tpu.memory_space<hbm>>
      tpu.wait_dma2 semaphore(%run_scoped3A : memref<!tpu.dma_semaphore, #tpu.memory_space<semaphore_mem>>) src(%dma_wait3A_83 : memref<64xi32, #tpu.memory_space<hbm>>) dst(%arg7 : memref<64xi32, #tpu.memory_space<vmem>>)
      tpu.yield
    }) : () -> ()
    %scan3A = arith.constant 0 : i32
    %scan3A_5 = arith.constant 0 : i32
    %scan3A_6 = arith.constant 64 : i32
    %scan3A_7 = arith.addi %scan3A_5, %scan3A_6 : i32
    %scan3A_8 = arith.constant 1 : i32
    scf.for %scan3A_82 = %scan3A_5 to %scan3A_7 step %scan3A_8  : i32 {
      %shift_right_arithmetic3A = arith.constant 4 : i32
      %shift_right_arithmetic3A_83 = arith.shrsi %scan3A_82, %shift_right_arithmetic3A : i32
      %mul3A_84 = arith.constant 16 : i32
      %mul3A_85 = arith.muli %shift_right_arithmetic3A_83, %mul3A_84 : i32
      %multiple_of3A = tpu.assume_multiple %mul3A_85, 16 : i32
      %get3A = arith.index_cast %multiple_of3A : i32 to index
      %get3A_86 = tpu.vector_load %arg7[%get3A] {strides = array<i32>} : memref<64xi32, #tpu.memory_space<vmem>>, vector<16xi32>,
      %and3A = arith.constant 15 : i32
      %and3A_87 = arith.andi %scan3A_82, %and3A : i32
      %eq3A = vector.broadcast %and3A_87 : i32 to vector<16xi32>
      %eq3A_88 = arith.cmpi eq, %iota3A, %eq3A : vector<16xi32>
      %jit3A = arith.constant 0 : i32
      %broadcast_in_dim3A = vector.broadcast %jit3A : i32 to vector<16xi32>
      %select_n3A = arith.select %eq3A_88, %get3A_86, %broadcast_in_dim3A : vector<16xi1>, vector<16xi32>
      %reduce_max3A = arith.constant true
      %reduce_max3A_89 = vector.broadcast %reduce_max3A : i1 to vector<16xi1>
      %reduce_max3A_90 = arith.constant -2147483648 : i32
      %reduce_max3A_91 = vector.broadcast %reduce_max3A_90 : i32 to vector<16xi32>
      %reduce_max3A_92 = arith.xori %select_n3A, %reduce_max3A_91 : vector<16xi32>
      %reduce_max3A_93 = tpu.scan <max>, %reduce_max3A_92 masked %reduce_max3A_89 : vector<16xi32>, vector<16xi1> -> vector<16xi32>
      %reduce_max3A_94 = arith.xori %reduce_max3A_93, %reduce_max3A_91 : vector<16xi32>
      %reduce_max3A_95 = vector.extract %reduce_max3A_94[15] : i32 from vector<16xi32>
      %and3A_96 = arith.constant -8 : i32
      %and3A_97 = arith.andi %reduce_max3A_95, %and3A_96 : i32
      %multiple_of3A_98 = tpu.assume_multiple %and3A_97, 8 : i32
      %dma_start3A = arith.constant 0 : i32
      %dma_start3A_99 = arith.constant 0 : i32
      %dma_start3A_100 = tpu.memref_slice %arg8[%scan3A_82, %dma_start3A, %dma_start3A_99] : memref<64x8x64xf32, #tpu.memory_space<vmem>> -> memref<1x8x64xf32, #tpu.memory_space<vmem>>
      %dma_start3A_101 = tpu.memref_squeeze %dma_start3A_100 : memref<1x8x64xf32, #tpu.memory_space<vmem>> -> memref<8x64xf32, #tpu.memory_space<vmem>>
      %dma_start3A_102 = arith.constant 0 : i32
      %dma_start3A_103 = tpu.memref_slice %arg4[%multiple_of3A_98, %dma_start3A_102] : memref<1000000x64xf32, #tpu.memory_space<hbm>> -> memref<8x64xf32, #tpu.memory_space<hbm>>
      %dma_start3A_104 = arith.constant 0 : i32
      %dma_start3A_105 = arith.constant 0 : i32
      %dma_start3A_106 = tpu.memref_slice %arg8[%scan3A_82, %dma_start3A_104, %dma_start3A_105] : memref<64x8x64xf32, #tpu.memory_space<vmem>> -> memref<1x8x64xf32, #tpu.memory_space<vmem>>
      %dma_start3A_107 = tpu.memref_squeeze %dma_start3A_106 : memref<1x8x64xf32, #tpu.memory_space<vmem>> -> memref<8x64xf32, #tpu.memory_space<vmem>>
      %dma_start3A_108 = arith.constant 0 : i32
      %dma_start3A_109 = tpu.memref_slice %arg4[%multiple_of3A_98, %dma_start3A_108] : memref<1000000x64xf32, #tpu.memory_space<hbm>> -> memref<8x64xf32, #tpu.memory_space<hbm>>
      tpu.enqueue_dma source(%dma_start3A_109 : memref<8x64xf32, #tpu.memory_space<hbm>>) target(%dma_start3A_107 : memref<8x64xf32, #tpu.memory_space<vmem>>) target_semaphore(%arg10 : memref<!tpu.dma_semaphore, #tpu.memory_space<semaphore_mem>>)
    }
    %scan3A_9 = arith.constant 64 : i32
    %scan3A_10 = arith.constant 0 : i32
    %scan3A_11 = arith.constant 0 : i32
    %scan3A_12 = arith.constant 64 : i32
    %scan3A_13 = arith.addi %scan3A_11, %scan3A_12 : i32
    %scan3A_14 = arith.constant 1 : i32
    scf.for %scan3A_82 = %scan3A_11 to %scan3A_13 step %scan3A_14  : i32 {
      %dma_wait3A = arith.constant 0 : i32
      %dma_wait3A_83 = arith.constant 0 : i32
      %dma_wait3A_84 = tpu.memref_slice %arg8[%scan3A_82, %dma_wait3A, %dma_wait3A_83] : memref<64x8x64xf32, #tpu.memory_space<vmem>> -> memref<1x8x64xf32, #tpu.memory_space<vmem>>
      %dma_wait3A_85 = tpu.memref_squeeze %dma_wait3A_84 : memref<1x8x64xf32, #tpu.memory_space<vmem>> -> memref<8x64xf32, #tpu.memory_space<vmem>>
      %dma_wait3A_86 = arith.constant 0 : i32
      %dma_wait3A_87 = arith.constant 0 : i32
      %dma_wait3A_88 = tpu.memref_slice %arg4[%dma_wait3A_86, %dma_wait3A_87] : memref<1000000x64xf32, #tpu.memory_space<hbm>> -> memref<8x64xf32, #tpu.memory_space<hbm>>
      %dma_wait3A_89 = arith.constant 0 : i32
      %dma_wait3A_90 = arith.constant 0 : i32
      %dma_wait3A_91 = tpu.memref_slice %arg8[%scan3A_82, %dma_wait3A_89, %dma_wait3A_90] : memref<64x8x64xf32, #tpu.memory_space<vmem>> -> memref<1x8x64xf32, #tpu.memory_space<vmem>>
      %dma_wait3A_92 = tpu.memref_squeeze %dma_wait3A_91 : memref<1x8x64xf32, #tpu.memory_space<vmem>> -> memref<8x64xf32, #tpu.memory_space<vmem>>
      %dma_wait3A_93 = arith.constant 0 : i32
      %dma_wait3A_94 = arith.constant 0 : i32
      %dma_wait3A_95 = tpu.memref_slice %arg4[%dma_wait3A_93, %dma_wait3A_94] : memref<1000000x64xf32, #tpu.memory_space<hbm>> -> memref<8x64xf32, #tpu.memory_space<hbm>>
      tpu.wait_dma2 semaphore(%arg10 : memref<!tpu.dma_semaphore, #tpu.memory_space<semaphore_mem>>) src(%dma_wait3A_95 : memref<8x64xf32, #tpu.memory_space<hbm>>) dst(%dma_wait3A_92 : memref<8x64xf32, #tpu.memory_space<vmem>>)
    }
    %scan3A_15 = arith.constant 64 : i32
    %scan3A_16 = arith.constant 0 : i32
    %scan3A_17 = arith.constant 0 : i32
    %scan3A_18 = arith.constant 64 : i32
    %scan3A_19 = arith.addi %scan3A_17, %scan3A_18 : i32
    %scan3A_20 = arith.constant 1 : i32
    scf.for %scan3A_82 = %scan3A_17 to %scan3A_19 step %scan3A_20  : i32 {
      %shift_right_arithmetic3A = arith.constant 4 : i32
      %shift_right_arithmetic3A_83 = arith.shrsi %scan3A_82, %shift_right_arithmetic3A : i32
      %mul3A_84 = arith.constant 16 : i32
      %mul3A_85 = arith.muli %shift_right_arithmetic3A_83, %mul3A_84 : i32
      %multiple_of3A = tpu.assume_multiple %mul3A_85, 16 : i32
      %get3A = arith.index_cast %multiple_of3A : i32 to index
      %get3A_86 = tpu.vector_load %arg7[%get3A] {strides = array<i32>} : memref<64xi32, #tpu.memory_space<vmem>>, vector<16xi32>,
      %and3A = arith.constant 15 : i32
      %and3A_87 = arith.andi %scan3A_82, %and3A : i32
      %broadcast_in_dim3A = vector.broadcast %and3A_87 : i32 to vector<16xi32>
      %lt3A = arith.constant 0 : i32
      %lt3A_88 = vector.broadcast %lt3A : i32 to vector<16xi32>
      %lt3A_89 = arith.cmpi slt, %broadcast_in_dim3A, %lt3A_88 : vector<16xi32>
      %add3A_90 = arith.constant 16 : i32
      %add3A_91 = vector.broadcast %add3A_90 : i32 to vector<16xi32>
      %add3A_92 = arith.addi %broadcast_in_dim3A, %add3A_91 : vector<16xi32>
      %select_n3A = arith.select %lt3A_89, %add3A_92, %broadcast_in_dim3A : vector<16xi1>, vector<16xi32>
      %broadcast_in_dim3A_93 = vector.shape_cast %select_n3A : vector<16xi32> to vector<16x1xi32>
      %gather3A = vector.shape_cast %broadcast_in_dim3A_93 : vector<16x1xi32> to vector<16xi32>
      %gather3A_94 = tpu.dynamic_gather %get3A_86[%gather3A] in [0] : vector<16xi32>, vector<16xi32> -> vector<16xi32>
      %and3A_95 = arith.constant 7 : i32
      %and3A_96 = vector.broadcast %and3A_95 : i32 to vector<16xi32>
      %and3A_97 = arith.andi %gather3A_94, %and3A_96 : vector<16xi32>
      %broadcast_in_dim3A_98 = vector.broadcast %scan3A_82 : i32 to vector<16xi32>
      %add3A_99 = arith.constant 0 : i32
      %add3A_100 = vector.broadcast %add3A_99 : i32 to vector<16xi32>
      %add3A_101 = arith.addi %iota3A, %add3A_100 : vector<16xi32>
      %gather3A_102 = tpu.vector_load_idx %arg8[%broadcast_in_dim3A_98, %and3A_97, %add3A_101] : memref<64x8x64xf32, #tpu.memory_space<vmem>>[vector<16xi32>, vector<16xi32>, vector<16xi32>], vector<16xf32>,
      %swap3A = arith.index_cast %scan3A_82 : i32 to index
      %swap3A_103 = arith.constant 0 : index
      %swap3A_104 = tpu.vector_load %arg9[%swap3A, %swap3A_103] {strides = array<i32>} : memref<64x64xf32, #tpu.memory_space<vmem>>, vector<16xf32>,
      tpu.vector_store %arg9[%swap3A, %swap3A_103], %gather3A_102 {strides = array<i32>} : memref<64x64xf32, #tpu.memory_space<vmem>>, vector<16xf32>,
      %add3A_105 = arith.constant 16 : i32
      %add3A_106 = vector.broadcast %add3A_105 : i32 to vector<16xi32>
      %add3A_107 = arith.addi %iota3A, %add3A_106 : vector<16xi32>
      %gather3A_108 = tpu.vector_load_idx %arg8[%broadcast_in_dim3A_98, %and3A_97, %add3A_107] : memref<64x8x64xf32, #tpu.memory_space<vmem>>[vector<16xi32>, vector<16xi32>, vector<16xi32>], vector<16xf32>,
      %swap3A_109 = arith.index_cast %scan3A_82 : i32 to index
      %swap3A_110 = arith.constant 16 : index
      %swap3A_111 = tpu.vector_load %arg9[%swap3A_109, %swap3A_110] {strides = array<i32>} : memref<64x64xf32, #tpu.memory_space<vmem>>, vector<16xf32>,
      tpu.vector_store %arg9[%swap3A_109, %swap3A_110], %gather3A_108 {strides = array<i32>} : memref<64x64xf32, #tpu.memory_space<vmem>>, vector<16xf32>,
      %add3A_112 = arith.constant 32 : i32
      %add3A_113 = vector.broadcast %add3A_112 : i32 to vector<16xi32>
      %add3A_114 = arith.addi %iota3A, %add3A_113 : vector<16xi32>
      %gather3A_115 = tpu.vector_load_idx %arg8[%broadcast_in_dim3A_98, %and3A_97, %add3A_114] : memref<64x8x64xf32, #tpu.memory_space<vmem>>[vector<16xi32>, vector<16xi32>, vector<16xi32>], vector<16xf32>,
      %swap3A_116 = arith.index_cast %scan3A_82 : i32 to index
      %swap3A_117 = arith.constant 32 : index
      %swap3A_118 = tpu.vector_load %arg9[%swap3A_116, %swap3A_117] {strides = array<i32>} : memref<64x64xf32, #tpu.memory_space<vmem>>, vector<16xf32>,
      tpu.vector_store %arg9[%swap3A_116, %swap3A_117], %gather3A_115 {strides = array<i32>} : memref<64x64xf32, #tpu.memory_space<vmem>>, vector<16xf32>,
      %add3A_119 = arith.constant 48 : i32
      %add3A_120 = vector.broadcast %add3A_119 : i32 to vector<16xi32>
      %add3A_121 = arith.addi %iota3A, %add3A_120 : vector<16xi32>
      %gather3A_122 = tpu.vector_load_idx %arg8[%broadcast_in_dim3A_98, %and3A_97, %add3A_121] : memref<64x8x64xf32, #tpu.memory_space<vmem>>[vector<16xi32>, vector<16xi32>, vector<16xi32>], vector<16xf32>,
      %swap3A_123 = arith.index_cast %scan3A_82 : i32 to index
      %swap3A_124 = arith.constant 48 : index
      %swap3A_125 = tpu.vector_load %arg9[%swap3A_123, %swap3A_124] {strides = array<i32>} : memref<64x64xf32, #tpu.memory_space<vmem>>, vector<16xf32>,
      tpu.vector_store %arg9[%swap3A_123, %swap3A_124], %gather3A_122 {strides = array<i32>} : memref<64x64xf32, #tpu.memory_space<vmem>>, vector<16xf32>,
    }
    %scan3A_21 = arith.constant 64 : i32
    "tpu.region"() ({
      %run_scoped3A = tpu.sem_alloc : memref<!tpu.dma_semaphore, #tpu.memory_space<semaphore_mem>>
      %dma_start3A = arith.constant 0 : i32
      %dma_start3A_82 = tpu.memref_slice %arg5[%add3A_4, %dma_start3A] : memref<4096x64xf32, #tpu.memory_space<hbm>> -> memref<64x64xf32, #tpu.memory_space<hbm>>
      %dma_start3A_83 = arith.constant 0 : i32
      %dma_start3A_84 = tpu.memref_slice %arg5[%add3A_4, %dma_start3A_83] : memref<4096x64xf32, #tpu.memory_space<hbm>> -> memref<64x64xf32, #tpu.memory_space<hbm>>
      tpu.enqueue_dma source(%arg9 : memref<64x64xf32, #tpu.memory_space<vmem>>) target(%dma_start3A_84 : memref<64x64xf32, #tpu.memory_space<hbm>>) target_semaphore(%run_scoped3A : memref<!tpu.dma_semaphore, #tpu.memory_space<semaphore_mem>>)
      %dma_wait3A = arith.constant 0 : i32
      %dma_wait3A_85 = tpu.memref_slice %arg5[%add3A_4, %dma_wait3A] : memref<4096x64xf32, #tpu.memory_space<hbm>> -> memref<64x64xf32, #tpu.memory_space<hbm>>
      %dma_wait3A_86 = arith.constant 0 : i32
      %dma_wait3A_87 = tpu.memref_slice %arg5[%add3A_4, %dma_wait3A_86] : memref<4096x64xf32, #tpu.memory_space<hbm>> -> memref<64x64xf32, #tpu.memory_space<hbm>>
      tpu.wait_dma2 semaphore(%run_scoped3A : memref<!tpu.dma_semaphore, #tpu.memory_space<semaphore_mem>>) src(%arg9 : memref<64x64xf32, #tpu.memory_space<vmem>>) dst(%dma_wait3A_87 : memref<64x64xf32, #tpu.memory_space<hbm>>)
      tpu.yield
    }) : () -> ()
    %add3A_22 = arith.constant 64 : i32
    %add3A_23 = arith.addi %mul3A_2, %add3A_22 : i32
    "tpu.region"() ({
      %run_scoped3A = tpu.sem_alloc : memref<!tpu.dma_semaphore, #tpu.memory_space<semaphore_mem>>
      %dma_start3A = tpu.memref_slice %arg2[%add3A_23] : memref<4096xi32, #tpu.memory_space<hbm>> -> memref<64xi32, #tpu.memory_space<hbm>>
      %dma_start3A_82 = tpu.memref_slice %arg2[%add3A_23] : memref<4096xi32, #tpu.memory_space<hbm>> -> memref<64xi32, #tpu.memory_space<hbm>>
      tpu.enqueue_dma source(%dma_start3A_82 : memref<64xi32, #tpu.memory_space<hbm>>) target(%arg7 : memref<64xi32, #tpu.memory_space<vmem>>) target_semaphore(%run_scoped3A : memref<!tpu.dma_semaphore, #tpu.memory_space<semaphore_mem>>)
      %dma_wait3A = tpu.memref_slice %arg2[%add3A_23] : memref<4096xi32, #tpu.memory_space<hbm>> -> memref<64xi32, #tpu.memory_space<hbm>>
      %dma_wait3A_83 = tpu.memref_slice %arg2[%add3A_23] : memref<4096xi32, #tpu.memory_space<hbm>> -> memref<64xi32, #tpu.memory_space<hbm>>
      tpu.wait_dma2 semaphore(%run_scoped3A : memref<!tpu.dma_semaphore, #tpu.memory_space<semaphore_mem>>) src(%dma_wait3A_83 : memref<64xi32, #tpu.memory_space<hbm>>) dst(%arg7 : memref<64xi32, #tpu.memory_space<vmem>>)
      tpu.yield
    }) : () -> ()
    %scan3A_24 = arith.constant 0 : i32
    %scan3A_25 = arith.constant 0 : i32
    %scan3A_26 = arith.constant 64 : i32
    %scan3A_27 = arith.addi %scan3A_25, %scan3A_26 : i32
    %scan3A_28 = arith.constant 1 : i32
    scf.for %scan3A_82 = %scan3A_25 to %scan3A_27 step %scan3A_28  : i32 {
      %shift_right_arithmetic3A = arith.constant 4 : i32
      %shift_right_arithmetic3A_83 = arith.shrsi %scan3A_82, %shift_right_arithmetic3A : i32
      %mul3A_84 = arith.constant 16 : i32
      %mul3A_85 = arith.muli %shift_right_arithmetic3A_83, %mul3A_84 : i32
      %multiple_of3A = tpu.assume_multiple %mul3A_85, 16 : i32
      %get3A = arith.index_cast %multiple_of3A : i32 to index
      %get3A_86 = tpu.vector_load %arg7[%get3A] {strides = array<i32>} : memref<64xi32, #tpu.memory_space<vmem>>, vector<16xi32>,
      %and3A = arith.constant 15 : i32
      %and3A_87 = arith.andi %scan3A_82, %and3A : i32
      %eq3A = vector.broadcast %and3A_87 : i32 to vector<16xi32>
      %eq3A_88 = arith.cmpi eq, %iota3A, %eq3A : vector<16xi32>
      %jit3A = arith.constant 0 : i32
      %broadcast_in_dim3A = vector.broadcast %jit3A : i32 to vector<16xi32>
      %select_n3A = arith.select %eq3A_88, %get3A_86, %broadcast_in_dim3A : vector<16xi1>, vector<16xi32>
      %reduce_max3A = arith.constant true
      %reduce_max3A_89 = vector.broadcast %reduce_max3A : i1 to vector<16xi1>
      %reduce_max3A_90 = arith.constant -2147483648 : i32
      %reduce_max3A_91 = vector.broadcast %reduce_max3A_90 : i32 to vector<16xi32>
      %reduce_max3A_92 = arith.xori %select_n3A, %reduce_max3A_91 : vector<16xi32>
      %reduce_max3A_93 = tpu.scan <max>, %reduce_max3A_92 masked %reduce_max3A_89 : vector<16xi32>, vector<16xi1> -> vector<16xi32>
      %reduce_max3A_94 = arith.xori %reduce_max3A_93, %reduce_max3A_91 : vector<16xi32>
      %reduce_max3A_95 = vector.extract %reduce_max3A_94[15] : i32 from vector<16xi32>
      %and3A_96 = arith.constant -8 : i32
      %and3A_97 = arith.andi %reduce_max3A_95, %and3A_96 : i32
      %multiple_of3A_98 = tpu.assume_multiple %and3A_97, 8 : i32
      %dma_start3A = arith.constant 0 : i32
      %dma_start3A_99 = arith.constant 0 : i32
      %dma_start3A_100 = tpu.memref_slice %arg8[%scan3A_82, %dma_start3A, %dma_start3A_99] : memref<64x8x64xf32, #tpu.memory_space<vmem>> -> memref<1x8x64xf32, #tpu.memory_space<vmem>>
      %dma_start3A_101 = tpu.memref_squeeze %dma_start3A_100 : memref<1x8x64xf32, #tpu.memory_space<vmem>> -> memref<8x64xf32, #tpu.memory_space<vmem>>
      %dma_start3A_102 = arith.constant 0 : i32
      %dma_start3A_103 = tpu.memref_slice %arg4[%multiple_of3A_98, %dma_start3A_102] : memref<1000000x64xf32, #tpu.memory_space<hbm>> -> memref<8x64xf32, #tpu.memory_space<hbm>>
      %dma_start3A_104 = arith.constant 0 : i32
      %dma_start3A_105 = arith.constant 0 : i32
      %dma_start3A_106 = tpu.memref_slice %arg8[%scan3A_82, %dma_start3A_104, %dma_start3A_105] : memref<64x8x64xf32, #tpu.memory_space<vmem>> -> memref<1x8x64xf32, #tpu.memory_space<vmem>>
      %dma_start3A_107 = tpu.memref_squeeze %dma_start3A_106 : memref<1x8x64xf32, #tpu.memory_space<vmem>> -> memref<8x64xf32, #tpu.memory_space<vmem>>
      %dma_start3A_108 = arith.constant 0 : i32
      %dma_start3A_109 = tpu.memref_slice %arg4[%multiple_of3A_98, %dma_start3A_108] : memref<1000000x64xf32, #tpu.memory_space<hbm>> -> memref<8x64xf32, #tpu.memory_space<hbm>>
      tpu.enqueue_dma source(%dma_start3A_109 : memref<8x64xf32, #tpu.memory_space<hbm>>) target(%dma_start3A_107 : memref<8x64xf32, #tpu.memory_space<vmem>>) target_semaphore(%arg10 : memref<!tpu.dma_semaphore, #tpu.memory_space<semaphore_mem>>)
    }
    %scan3A_29 = arith.constant 64 : i32
    %scan3A_30 = arith.constant 0 : i32
    %scan3A_31 = arith.constant 0 : i32
    %scan3A_32 = arith.constant 64 : i32
    %scan3A_33 = arith.addi %scan3A_31, %scan3A_32 : i32
    %scan3A_34 = arith.constant 1 : i32
    scf.for %scan3A_82 = %scan3A_31 to %scan3A_33 step %scan3A_34  : i32 {
      %dma_wait3A = arith.constant 0 : i32
      %dma_wait3A_83 = arith.constant 0 : i32
      %dma_wait3A_84 = tpu.memref_slice %arg8[%scan3A_82, %dma_wait3A, %dma_wait3A_83] : memref<64x8x64xf32, #tpu.memory_space<vmem>> -> memref<1x8x64xf32, #tpu.memory_space<vmem>>
      %dma_wait3A_85 = tpu.memref_squeeze %dma_wait3A_84 : memref<1x8x64xf32, #tpu.memory_space<vmem>> -> memref<8x64xf32, #tpu.memory_space<vmem>>
      %dma_wait3A_86 = arith.constant 0 : i32
      %dma_wait3A_87 = arith.constant 0 : i32
      %dma_wait3A_88 = tpu.memref_slice %arg4[%dma_wait3A_86, %dma_wait3A_87] : memref<1000000x64xf32, #tpu.memory_space<hbm>> -> memref<8x64xf32, #tpu.memory_space<hbm>>
      %dma_wait3A_89 = arith.constant 0 : i32
      %dma_wait3A_90 = arith.constant 0 : i32
      %dma_wait3A_91 = tpu.memref_slice %arg8[%scan3A_82, %dma_wait3A_89, %dma_wait3A_90] : memref<64x8x64xf32, #tpu.memory_space<vmem>> -> memref<1x8x64xf32, #tpu.memory_space<vmem>>
      %dma_wait3A_92 = tpu.memref_squeeze %dma_wait3A_91 : memref<1x8x64xf32, #tpu.memory_space<vmem>> -> memref<8x64xf32, #tpu.memory_space<vmem>>
      %dma_wait3A_93 = arith.constant 0 : i32
      %dma_wait3A_94 = arith.constant 0 : i32
      %dma_wait3A_95 = tpu.memref_slice %arg4[%dma_wait3A_93, %dma_wait3A_94] : memref<1000000x64xf32, #tpu.memory_space<hbm>> -> memref<8x64xf32, #tpu.memory_space<hbm>>
      tpu.wait_dma2 semaphore(%arg10 : memref<!tpu.dma_semaphore, #tpu.memory_space<semaphore_mem>>) src(%dma_wait3A_95 : memref<8x64xf32, #tpu.memory_space<hbm>>) dst(%dma_wait3A_92 : memref<8x64xf32, #tpu.memory_space<vmem>>)
    }
    %scan3A_35 = arith.constant 64 : i32
    %scan3A_36 = arith.constant 0 : i32
    %scan3A_37 = arith.constant 0 : i32
    %scan3A_38 = arith.constant 64 : i32
    %scan3A_39 = arith.addi %scan3A_37, %scan3A_38 : i32
    %scan3A_40 = arith.constant 1 : i32
    scf.for %scan3A_82 = %scan3A_37 to %scan3A_39 step %scan3A_40  : i32 {
      %shift_right_arithmetic3A = arith.constant 4 : i32
      %shift_right_arithmetic3A_83 = arith.shrsi %scan3A_82, %shift_right_arithmetic3A : i32
      %mul3A_84 = arith.constant 16 : i32
      %mul3A_85 = arith.muli %shift_right_arithmetic3A_83, %mul3A_84 : i32
      %multiple_of3A = tpu.assume_multiple %mul3A_85, 16 : i32
      %get3A = arith.index_cast %multiple_of3A : i32 to index
      %get3A_86 = tpu.vector_load %arg7[%get3A] {strides = array<i32>} : memref<64xi32, #tpu.memory_space<vmem>>, vector<16xi32>,
      %and3A = arith.constant 15 : i32
      %and3A_87 = arith.andi %scan3A_82, %and3A : i32
      %broadcast_in_dim3A = vector.broadcast %and3A_87 : i32 to vector<16xi32>
      %lt3A = arith.constant 0 : i32
      %lt3A_88 = vector.broadcast %lt3A : i32 to vector<16xi32>
      %lt3A_89 = arith.cmpi slt, %broadcast_in_dim3A, %lt3A_88 : vector<16xi32>
      %add3A_90 = arith.constant 16 : i32
      %add3A_91 = vector.broadcast %add3A_90 : i32 to vector<16xi32>
      %add3A_92 = arith.addi %broadcast_in_dim3A, %add3A_91 : vector<16xi32>
      %select_n3A = arith.select %lt3A_89, %add3A_92, %broadcast_in_dim3A : vector<16xi1>, vector<16xi32>
      %broadcast_in_dim3A_93 = vector.shape_cast %select_n3A : vector<16xi32> to vector<16x1xi32>
      %gather3A = vector.shape_cast %broadcast_in_dim3A_93 : vector<16x1xi32> to vector<16xi32>
      %gather3A_94 = tpu.dynamic_gather %get3A_86[%gather3A] in [0] : vector<16xi32>, vector<16xi32> -> vector<16xi32>
      %and3A_95 = arith.constant 7 : i32
      %and3A_96 = vector.broadcast %and3A_95 : i32 to vector<16xi32>
      %and3A_97 = arith.andi %gather3A_94, %and3A_96 : vector<16xi32>
      %broadcast_in_dim3A_98 = vector.broadcast %scan3A_82 : i32 to vector<16xi32>
      %add3A_99 = arith.constant 0 : i32
      %add3A_100 = vector.broadcast %add3A_99 : i32 to vector<16xi32>
      %add3A_101 = arith.addi %iota3A, %add3A_100 : vector<16xi32>
      %gather3A_102 = tpu.vector_load_idx %arg8[%broadcast_in_dim3A_98, %and3A_97, %add3A_101] : memref<64x8x64xf32, #tpu.memory_space<vmem>>[vector<16xi32>, vector<16xi32>, vector<16xi32>], vector<16xf32>,
      %swap3A = arith.index_cast %scan3A_82 : i32 to index
      %swap3A_103 = arith.constant 0 : index
      %swap3A_104 = tpu.vector_load %arg9[%swap3A, %swap3A_103] {strides = array<i32>} : memref<64x64xf32, #tpu.memory_space<vmem>>, vector<16xf32>,
      tpu.vector_store %arg9[%swap3A, %swap3A_103], %gather3A_102 {strides = array<i32>} : memref<64x64xf32, #tpu.memory_space<vmem>>, vector<16xf32>,
      %add3A_105 = arith.constant 16 : i32
      %add3A_106 = vector.broadcast %add3A_105 : i32 to vector<16xi32>
      %add3A_107 = arith.addi %iota3A, %add3A_106 : vector<16xi32>
      %gather3A_108 = tpu.vector_load_idx %arg8[%broadcast_in_dim3A_98, %and3A_97, %add3A_107] : memref<64x8x64xf32, #tpu.memory_space<vmem>>[vector<16xi32>, vector<16xi32>, vector<16xi32>], vector<16xf32>,
      %swap3A_109 = arith.index_cast %scan3A_82 : i32 to index
      %swap3A_110 = arith.constant 16 : index
      %swap3A_111 = tpu.vector_load %arg9[%swap3A_109, %swap3A_110] {strides = array<i32>} : memref<64x64xf32, #tpu.memory_space<vmem>>, vector<16xf32>,
      tpu.vector_store %arg9[%swap3A_109, %swap3A_110], %gather3A_108 {strides = array<i32>} : memref<64x64xf32, #tpu.memory_space<vmem>>, vector<16xf32>,
      %add3A_112 = arith.constant 32 : i32
      %add3A_113 = vector.broadcast %add3A_112 : i32 to vector<16xi32>
      %add3A_114 = arith.addi %iota3A, %add3A_113 : vector<16xi32>
      %gather3A_115 = tpu.vector_load_idx %arg8[%broadcast_in_dim3A_98, %and3A_97, %add3A_114] : memref<64x8x64xf32, #tpu.memory_space<vmem>>[vector<16xi32>, vector<16xi32>, vector<16xi32>], vector<16xf32>,
      %swap3A_116 = arith.index_cast %scan3A_82 : i32 to index
      %swap3A_117 = arith.constant 32 : index
      %swap3A_118 = tpu.vector_load %arg9[%swap3A_116, %swap3A_117] {strides = array<i32>} : memref<64x64xf32, #tpu.memory_space<vmem>>, vector<16xf32>,
      tpu.vector_store %arg9[%swap3A_116, %swap3A_117], %gather3A_115 {strides = array<i32>} : memref<64x64xf32, #tpu.memory_space<vmem>>, vector<16xf32>,
      %add3A_119 = arith.constant 48 : i32
      %add3A_120 = vector.broadcast %add3A_119 : i32 to vector<16xi32>
      %add3A_121 = arith.addi %iota3A, %add3A_120 : vector<16xi32>
      %gather3A_122 = tpu.vector_load_idx %arg8[%broadcast_in_dim3A_98, %and3A_97, %add3A_121] : memref<64x8x64xf32, #tpu.memory_space<vmem>>[vector<16xi32>, vector<16xi32>, vector<16xi32>], vector<16xf32>,
      %swap3A_123 = arith.index_cast %scan3A_82 : i32 to index
      %swap3A_124 = arith.constant 48 : index
      %swap3A_125 = tpu.vector_load %arg9[%swap3A_123, %swap3A_124] {strides = array<i32>} : memref<64x64xf32, #tpu.memory_space<vmem>>, vector<16xf32>,
      tpu.vector_store %arg9[%swap3A_123, %swap3A_124], %gather3A_122 {strides = array<i32>} : memref<64x64xf32, #tpu.memory_space<vmem>>, vector<16xf32>,
    }
    %scan3A_41 = arith.constant 64 : i32
    "tpu.region"() ({
      %run_scoped3A = tpu.sem_alloc : memref<!tpu.dma_semaphore, #tpu.memory_space<semaphore_mem>>
      %dma_start3A = arith.constant 0 : i32
      %dma_start3A_82 = tpu.memref_slice %arg5[%add3A_23, %dma_start3A] : memref<4096x64xf32, #tpu.memory_space<hbm>> -> memref<64x64xf32, #tpu.memory_space<hbm>>
      %dma_start3A_83 = arith.constant 0 : i32
      %dma_start3A_84 = tpu.memref_slice %arg5[%add3A_23, %dma_start3A_83] : memref<4096x64xf32, #tpu.memory_space<hbm>> -> memref<64x64xf32, #tpu.memory_space<hbm>>
      tpu.enqueue_dma source(%arg9 : memref<64x64xf32, #tpu.memory_space<vmem>>) target(%dma_start3A_84 : memref<64x64xf32, #tpu.memory_space<hbm>>) target_semaphore(%run_scoped3A : memref<!tpu.dma_semaphore, #tpu.memory_space<semaphore_mem>>)
      %dma_wait3A = arith.constant 0 : i32
      %dma_wait3A_85 = tpu.memref_slice %arg5[%add3A_23, %dma_wait3A] : memref<4096x64xf32, #tpu.memory_space<hbm>> -> memref<64x64xf32, #tpu.memory_space<hbm>>
      %dma_wait3A_86 = arith.constant 0 : i32
      %dma_wait3A_87 = tpu.memref_slice %arg5[%add3A_23, %dma_wait3A_86] : memref<4096x64xf32, #tpu.memory_space<hbm>> -> memref<64x64xf32, #tpu.memory_space<hbm>>
      tpu.wait_dma2 semaphore(%run_scoped3A : memref<!tpu.dma_semaphore, #tpu.memory_space<semaphore_mem>>) src(%arg9 : memref<64x64xf32, #tpu.memory_space<vmem>>) dst(%dma_wait3A_87 : memref<64x64xf32, #tpu.memory_space<hbm>>)
      tpu.yield
    }) : () -> ()
    %add3A_42 = arith.constant 0 : i32
    %add3A_43 = arith.addi %mul3A_2, %add3A_42 : i32
    "tpu.region"() ({
      %run_scoped3A = tpu.sem_alloc : memref<!tpu.dma_semaphore, #tpu.memory_space<semaphore_mem>>
      %dma_start3A = tpu.memref_slice %arg3[%add3A_43] : memref<4096xi32, #tpu.memory_space<hbm>> -> memref<64xi32, #tpu.memory_space<hbm>>
      %dma_start3A_82 = tpu.memref_slice %arg3[%add3A_43] : memref<4096xi32, #tpu.memory_space<hbm>> -> memref<64xi32, #tpu.memory_space<hbm>>
      tpu.enqueue_dma source(%dma_start3A_82 : memref<64xi32, #tpu.memory_space<hbm>>) target(%arg7 : memref<64xi32, #tpu.memory_space<vmem>>) target_semaphore(%run_scoped3A : memref<!tpu.dma_semaphore, #tpu.memory_space<semaphore_mem>>)
      %dma_wait3A = tpu.memref_slice %arg3[%add3A_43] : memref<4096xi32, #tpu.memory_space<hbm>> -> memref<64xi32, #tpu.memory_space<hbm>>
      %dma_wait3A_83 = tpu.memref_slice %arg3[%add3A_43] : memref<4096xi32, #tpu.memory_space<hbm>> -> memref<64xi32, #tpu.memory_space<hbm>>
      tpu.wait_dma2 semaphore(%run_scoped3A : memref<!tpu.dma_semaphore, #tpu.memory_space<semaphore_mem>>) src(%dma_wait3A_83 : memref<64xi32, #tpu.memory_space<hbm>>) dst(%arg7 : memref<64xi32, #tpu.memory_space<vmem>>)
      tpu.yield
    }) : () -> ()
    %scan3A_44 = arith.constant 0 : i32
    %scan3A_45 = arith.constant 0 : i32
    %scan3A_46 = arith.constant 64 : i32
    %scan3A_47 = arith.addi %scan3A_45, %scan3A_46 : i32
    %scan3A_48 = arith.constant 1 : i32
    scf.for %scan3A_82 = %scan3A_45 to %scan3A_47 step %scan3A_48  : i32 {
      %shift_right_arithmetic3A = arith.constant 4 : i32
      %shift_right_arithmetic3A_83 = arith.shrsi %scan3A_82, %shift_right_arithmetic3A : i32
      %mul3A_84 = arith.constant 16 : i32
      %mul3A_85 = arith.muli %shift_right_arithmetic3A_83, %mul3A_84 : i32
      %multiple_of3A = tpu.assume_multiple %mul3A_85, 16 : i32
      %get3A = arith.index_cast %multiple_of3A : i32 to index
      %get3A_86 = tpu.vector_load %arg7[%get3A] {strides = array<i32>} : memref<64xi32, #tpu.memory_space<vmem>>, vector<16xi32>,
      %and3A = arith.constant 15 : i32
      %and3A_87 = arith.andi %scan3A_82, %and3A : i32
      %eq3A = vector.broadcast %and3A_87 : i32 to vector<16xi32>
      %eq3A_88 = arith.cmpi eq, %iota3A, %eq3A : vector<16xi32>
      %jit3A = arith.constant 0 : i32
      %broadcast_in_dim3A = vector.broadcast %jit3A : i32 to vector<16xi32>
      %select_n3A = arith.select %eq3A_88, %get3A_86, %broadcast_in_dim3A : vector<16xi1>, vector<16xi32>
      %reduce_max3A = arith.constant true
      %reduce_max3A_89 = vector.broadcast %reduce_max3A : i1 to vector<16xi1>
      %reduce_max3A_90 = arith.constant -2147483648 : i32
      %reduce_max3A_91 = vector.broadcast %reduce_max3A_90 : i32 to vector<16xi32>
      %reduce_max3A_92 = arith.xori %select_n3A, %reduce_max3A_91 : vector<16xi32>
      %reduce_max3A_93 = tpu.scan <max>, %reduce_max3A_92 masked %reduce_max3A_89 : vector<16xi32>, vector<16xi1> -> vector<16xi32>
      %reduce_max3A_94 = arith.xori %reduce_max3A_93, %reduce_max3A_91 : vector<16xi32>
      %reduce_max3A_95 = vector.extract %reduce_max3A_94[15] : i32 from vector<16xi32>
      %and3A_96 = arith.constant -8 : i32
      %and3A_97 = arith.andi %reduce_max3A_95, %and3A_96 : i32
      %multiple_of3A_98 = tpu.assume_multiple %and3A_97, 8 : i32
      %dma_start3A = arith.constant 0 : i32
      %dma_start3A_99 = arith.constant 0 : i32
      %dma_start3A_100 = tpu.memref_slice %arg8[%scan3A_82, %dma_start3A, %dma_start3A_99] : memref<64x8x64xf32, #tpu.memory_space<vmem>> -> memref<1x8x64xf32, #tpu.memory_space<vmem>>
      %dma_start3A_101 = tpu.memref_squeeze %dma_start3A_100 : memref<1x8x64xf32, #tpu.memory_space<vmem>> -> memref<8x64xf32, #tpu.memory_space<vmem>>
      %dma_start3A_102 = arith.constant 0 : i32
      %dma_start3A_103 = tpu.memref_slice %arg4[%multiple_of3A_98, %dma_start3A_102] : memref<1000000x64xf32, #tpu.memory_space<hbm>> -> memref<8x64xf32, #tpu.memory_space<hbm>>
      %dma_start3A_104 = arith.constant 0 : i32
      %dma_start3A_105 = arith.constant 0 : i32
      %dma_start3A_106 = tpu.memref_slice %arg8[%scan3A_82, %dma_start3A_104, %dma_start3A_105] : memref<64x8x64xf32, #tpu.memory_space<vmem>> -> memref<1x8x64xf32, #tpu.memory_space<vmem>>
      %dma_start3A_107 = tpu.memref_squeeze %dma_start3A_106 : memref<1x8x64xf32, #tpu.memory_space<vmem>> -> memref<8x64xf32, #tpu.memory_space<vmem>>
      %dma_start3A_108 = arith.constant 0 : i32
      %dma_start3A_109 = tpu.memref_slice %arg4[%multiple_of3A_98, %dma_start3A_108] : memref<1000000x64xf32, #tpu.memory_space<hbm>> -> memref<8x64xf32, #tpu.memory_space<hbm>>
      tpu.enqueue_dma source(%dma_start3A_109 : memref<8x64xf32, #tpu.memory_space<hbm>>) target(%dma_start3A_107 : memref<8x64xf32, #tpu.memory_space<vmem>>) target_semaphore(%arg10 : memref<!tpu.dma_semaphore, #tpu.memory_space<semaphore_mem>>)
    }
    %scan3A_49 = arith.constant 64 : i32
    %scan3A_50 = arith.constant 0 : i32
    %scan3A_51 = arith.constant 0 : i32
    %scan3A_52 = arith.constant 64 : i32
    %scan3A_53 = arith.addi %scan3A_51, %scan3A_52 : i32
    %scan3A_54 = arith.constant 1 : i32
    scf.for %scan3A_82 = %scan3A_51 to %scan3A_53 step %scan3A_54  : i32 {
      %dma_wait3A = arith.constant 0 : i32
      %dma_wait3A_83 = arith.constant 0 : i32
      %dma_wait3A_84 = tpu.memref_slice %arg8[%scan3A_82, %dma_wait3A, %dma_wait3A_83] : memref<64x8x64xf32, #tpu.memory_space<vmem>> -> memref<1x8x64xf32, #tpu.memory_space<vmem>>
      %dma_wait3A_85 = tpu.memref_squeeze %dma_wait3A_84 : memref<1x8x64xf32, #tpu.memory_space<vmem>> -> memref<8x64xf32, #tpu.memory_space<vmem>>
      %dma_wait3A_86 = arith.constant 0 : i32
      %dma_wait3A_87 = arith.constant 0 : i32
      %dma_wait3A_88 = tpu.memref_slice %arg4[%dma_wait3A_86, %dma_wait3A_87] : memref<1000000x64xf32, #tpu.memory_space<hbm>> -> memref<8x64xf32, #tpu.memory_space<hbm>>
      %dma_wait3A_89 = arith.constant 0 : i32
      %dma_wait3A_90 = arith.constant 0 : i32
      %dma_wait3A_91 = tpu.memref_slice %arg8[%scan3A_82, %dma_wait3A_89, %dma_wait3A_90] : memref<64x8x64xf32, #tpu.memory_space<vmem>> -> memref<1x8x64xf32, #tpu.memory_space<vmem>>
      %dma_wait3A_92 = tpu.memref_squeeze %dma_wait3A_91 : memref<1x8x64xf32, #tpu.memory_space<vmem>> -> memref<8x64xf32, #tpu.memory_space<vmem>>
      %dma_wait3A_93 = arith.constant 0 : i32
      %dma_wait3A_94 = arith.constant 0 : i32
      %dma_wait3A_95 = tpu.memref_slice %arg4[%dma_wait3A_93, %dma_wait3A_94] : memref<1000000x64xf32, #tpu.memory_space<hbm>> -> memref<8x64xf32, #tpu.memory_space<hbm>>
      tpu.wait_dma2 semaphore(%arg10 : memref<!tpu.dma_semaphore, #tpu.memory_space<semaphore_mem>>) src(%dma_wait3A_95 : memref<8x64xf32, #tpu.memory_space<hbm>>) dst(%dma_wait3A_92 : memref<8x64xf32, #tpu.memory_space<vmem>>)
    }
    %scan3A_55 = arith.constant 64 : i32
    %scan3A_56 = arith.constant 0 : i32
    %scan3A_57 = arith.constant 0 : i32
    %scan3A_58 = arith.constant 64 : i32
    %scan3A_59 = arith.addi %scan3A_57, %scan3A_58 : i32
    %scan3A_60 = arith.constant 1 : i32
    scf.for %scan3A_82 = %scan3A_57 to %scan3A_59 step %scan3A_60  : i32 {
      %shift_right_arithmetic3A = arith.constant 4 : i32
      %shift_right_arithmetic3A_83 = arith.shrsi %scan3A_82, %shift_right_arithmetic3A : i32
      %mul3A_84 = arith.constant 16 : i32
      %mul3A_85 = arith.muli %shift_right_arithmetic3A_83, %mul3A_84 : i32
      %multiple_of3A = tpu.assume_multiple %mul3A_85, 16 : i32
      %get3A = arith.index_cast %multiple_of3A : i32 to index
      %get3A_86 = tpu.vector_load %arg7[%get3A] {strides = array<i32>} : memref<64xi32, #tpu.memory_space<vmem>>, vector<16xi32>,
      %and3A = arith.constant 15 : i32
      %and3A_87 = arith.andi %scan3A_82, %and3A : i32
      %broadcast_in_dim3A = vector.broadcast %and3A_87 : i32 to vector<16xi32>
      %lt3A = arith.constant 0 : i32
      %lt3A_88 = vector.broadcast %lt3A : i32 to vector<16xi32>
      %lt3A_89 = arith.cmpi slt, %broadcast_in_dim3A, %lt3A_88 : vector<16xi32>
      %add3A_90 = arith.constant 16 : i32
      %add3A_91 = vector.broadcast %add3A_90 : i32 to vector<16xi32>
      %add3A_92 = arith.addi %broadcast_in_dim3A, %add3A_91 : vector<16xi32>
      %select_n3A = arith.select %lt3A_89, %add3A_92, %broadcast_in_dim3A : vector<16xi1>, vector<16xi32>
      %broadcast_in_dim3A_93 = vector.shape_cast %select_n3A : vector<16xi32> to vector<16x1xi32>
      %gather3A = vector.shape_cast %broadcast_in_dim3A_93 : vector<16x1xi32> to vector<16xi32>
      %gather3A_94 = tpu.dynamic_gather %get3A_86[%gather3A] in [0] : vector<16xi32>, vector<16xi32> -> vector<16xi32>
      %and3A_95 = arith.constant 7 : i32
      %and3A_96 = vector.broadcast %and3A_95 : i32 to vector<16xi32>
      %and3A_97 = arith.andi %gather3A_94, %and3A_96 : vector<16xi32>
      %broadcast_in_dim3A_98 = vector.broadcast %scan3A_82 : i32 to vector<16xi32>
      %add3A_99 = arith.constant 0 : i32
      %add3A_100 = vector.broadcast %add3A_99 : i32 to vector<16xi32>
      %add3A_101 = arith.addi %iota3A, %add3A_100 : vector<16xi32>
      %gather3A_102 = tpu.vector_load_idx %arg8[%broadcast_in_dim3A_98, %and3A_97, %add3A_101] : memref<64x8x64xf32, #tpu.memory_space<vmem>>[vector<16xi32>, vector<16xi32>, vector<16xi32>], vector<16xf32>,
      %swap3A = arith.index_cast %scan3A_82 : i32 to index
      %swap3A_103 = arith.constant 0 : index
      %swap3A_104 = tpu.vector_load %arg9[%swap3A, %swap3A_103] {strides = array<i32>} : memref<64x64xf32, #tpu.memory_space<vmem>>, vector<16xf32>,
      tpu.vector_store %arg9[%swap3A, %swap3A_103], %gather3A_102 {strides = array<i32>} : memref<64x64xf32, #tpu.memory_space<vmem>>, vector<16xf32>,
      %add3A_105 = arith.constant 16 : i32
      %add3A_106 = vector.broadcast %add3A_105 : i32 to vector<16xi32>
      %add3A_107 = arith.addi %iota3A, %add3A_106 : vector<16xi32>
      %gather3A_108 = tpu.vector_load_idx %arg8[%broadcast_in_dim3A_98, %and3A_97, %add3A_107] : memref<64x8x64xf32, #tpu.memory_space<vmem>>[vector<16xi32>, vector<16xi32>, vector<16xi32>], vector<16xf32>,
      %swap3A_109 = arith.index_cast %scan3A_82 : i32 to index
      %swap3A_110 = arith.constant 16 : index
      %swap3A_111 = tpu.vector_load %arg9[%swap3A_109, %swap3A_110] {strides = array<i32>} : memref<64x64xf32, #tpu.memory_space<vmem>>, vector<16xf32>,
      tpu.vector_store %arg9[%swap3A_109, %swap3A_110], %gather3A_108 {strides = array<i32>} : memref<64x64xf32, #tpu.memory_space<vmem>>, vector<16xf32>,
      %add3A_112 = arith.constant 32 : i32
      %add3A_113 = vector.broadcast %add3A_112 : i32 to vector<16xi32>
      %add3A_114 = arith.addi %iota3A, %add3A_113 : vector<16xi32>
      %gather3A_115 = tpu.vector_load_idx %arg8[%broadcast_in_dim3A_98, %and3A_97, %add3A_114] : memref<64x8x64xf32, #tpu.memory_space<vmem>>[vector<16xi32>, vector<16xi32>, vector<16xi32>], vector<16xf32>,
      %swap3A_116 = arith.index_cast %scan3A_82 : i32 to index
      %swap3A_117 = arith.constant 32 : index
      %swap3A_118 = tpu.vector_load %arg9[%swap3A_116, %swap3A_117] {strides = array<i32>} : memref<64x64xf32, #tpu.memory_space<vmem>>, vector<16xf32>,
      tpu.vector_store %arg9[%swap3A_116, %swap3A_117], %gather3A_115 {strides = array<i32>} : memref<64x64xf32, #tpu.memory_space<vmem>>, vector<16xf32>,
      %add3A_119 = arith.constant 48 : i32
      %add3A_120 = vector.broadcast %add3A_119 : i32 to vector<16xi32>
      %add3A_121 = arith.addi %iota3A, %add3A_120 : vector<16xi32>
      %gather3A_122 = tpu.vector_load_idx %arg8[%broadcast_in_dim3A_98, %and3A_97, %add3A_121] : memref<64x8x64xf32, #tpu.memory_space<vmem>>[vector<16xi32>, vector<16xi32>, vector<16xi32>], vector<16xf32>,
      %swap3A_123 = arith.index_cast %scan3A_82 : i32 to index
      %swap3A_124 = arith.constant 48 : index
      %swap3A_125 = tpu.vector_load %arg9[%swap3A_123, %swap3A_124] {strides = array<i32>} : memref<64x64xf32, #tpu.memory_space<vmem>>, vector<16xf32>,
      tpu.vector_store %arg9[%swap3A_123, %swap3A_124], %gather3A_122 {strides = array<i32>} : memref<64x64xf32, #tpu.memory_space<vmem>>, vector<16xf32>,
    }
    %scan3A_61 = arith.constant 64 : i32
    "tpu.region"() ({
      %run_scoped3A = tpu.sem_alloc : memref<!tpu.dma_semaphore, #tpu.memory_space<semaphore_mem>>
      %dma_start3A = arith.constant 0 : i32
      %dma_start3A_82 = tpu.memref_slice %arg6[%add3A_43, %dma_start3A] : memref<4096x64xf32, #tpu.memory_space<hbm>> -> memref<64x64xf32, #tpu.memory_space<hbm>>
      %dma_start3A_83 = arith.constant 0 : i32
      %dma_start3A_84 = tpu.memref_slice %arg6[%add3A_43, %dma_start3A_83] : memref<4096x64xf32, #tpu.memory_space<hbm>> -> memref<64x64xf32, #tpu.memory_space<hbm>>
      tpu.enqueue_dma source(%arg9 : memref<64x64xf32, #tpu.memory_space<vmem>>) target(%dma_start3A_84 : memref<64x64xf32, #tpu.memory_space<hbm>>) target_semaphore(%run_scoped3A : memref<!tpu.dma_semaphore, #tpu.memory_space<semaphore_mem>>)
      %dma_wait3A = arith.constant 0 : i32
      %dma_wait3A_85 = tpu.memref_slice %arg6[%add3A_43, %dma_wait3A] : memref<4096x64xf32, #tpu.memory_space<hbm>> -> memref<64x64xf32, #tpu.memory_space<hbm>>
      %dma_wait3A_86 = arith.constant 0 : i32
      %dma_wait3A_87 = tpu.memref_slice %arg6[%add3A_43, %dma_wait3A_86] : memref<4096x64xf32, #tpu.memory_space<hbm>> -> memref<64x64xf32, #tpu.memory_space<hbm>>
      tpu.wait_dma2 semaphore(%run_scoped3A : memref<!tpu.dma_semaphore, #tpu.memory_space<semaphore_mem>>) src(%arg9 : memref<64x64xf32, #tpu.memory_space<vmem>>) dst(%dma_wait3A_87 : memref<64x64xf32, #tpu.memory_space<hbm>>)
      tpu.yield
    }) : () -> ()
    %add3A_62 = arith.constant 64 : i32
    %add3A_63 = arith.addi %mul3A_2, %add3A_62 : i32
    "tpu.region"() ({
      %run_scoped3A = tpu.sem_alloc : memref<!tpu.dma_semaphore, #tpu.memory_space<semaphore_mem>>
      %dma_start3A = tpu.memref_slice %arg3[%add3A_63] : memref<4096xi32, #tpu.memory_space<hbm>> -> memref<64xi32, #tpu.memory_space<hbm>>
      %dma_start3A_82 = tpu.memref_slice %arg3[%add3A_63] : memref<4096xi32, #tpu.memory_space<hbm>> -> memref<64xi32, #tpu.memory_space<hbm>>
      tpu.enqueue_dma source(%dma_start3A_82 : memref<64xi32, #tpu.memory_space<hbm>>) target(%arg7 : memref<64xi32, #tpu.memory_space<vmem>>) target_semaphore(%run_scoped3A : memref<!tpu.dma_semaphore, #tpu.memory_space<semaphore_mem>>)
      %dma_wait3A = tpu.memref_slice %arg3[%add3A_63] : memref<4096xi32, #tpu.memory_space<hbm>> -> memref<64xi32, #tpu.memory_space<hbm>>
      %dma_wait3A_83 = tpu.memref_slice %arg3[%add3A_63] : memref<4096xi32, #tpu.memory_space<hbm>> -> memref<64xi32, #tpu.memory_space<hbm>>
      tpu.wait_dma2 semaphore(%run_scoped3A : memref<!tpu.dma_semaphore, #tpu.memory_space<semaphore_mem>>) src(%dma_wait3A_83 : memref<64xi32, #tpu.memory_space<hbm>>) dst(%arg7 : memref<64xi32, #tpu.memory_space<vmem>>)
      tpu.yield
    }) : () -> ()
    %scan3A_64 = arith.constant 0 : i32
    %scan3A_65 = arith.constant 0 : i32
    %scan3A_66 = arith.constant 64 : i32
    %scan3A_67 = arith.addi %scan3A_65, %scan3A_66 : i32
    %scan3A_68 = arith.constant 1 : i32
    scf.for %scan3A_82 = %scan3A_65 to %scan3A_67 step %scan3A_68  : i32 {
      %shift_right_arithmetic3A = arith.constant 4 : i32
      %shift_right_arithmetic3A_83 = arith.shrsi %scan3A_82, %shift_right_arithmetic3A : i32
      %mul3A_84 = arith.constant 16 : i32
      %mul3A_85 = arith.muli %shift_right_arithmetic3A_83, %mul3A_84 : i32
      %multiple_of3A = tpu.assume_multiple %mul3A_85, 16 : i32
      %get3A = arith.index_cast %multiple_of3A : i32 to index
      %get3A_86 = tpu.vector_load %arg7[%get3A] {strides = array<i32>} : memref<64xi32, #tpu.memory_space<vmem>>, vector<16xi32>,
      %and3A = arith.constant 15 : i32
      %and3A_87 = arith.andi %scan3A_82, %and3A : i32
      %eq3A = vector.broadcast %and3A_87 : i32 to vector<16xi32>
      %eq3A_88 = arith.cmpi eq, %iota3A, %eq3A : vector<16xi32>
      %jit3A = arith.constant 0 : i32
      %broadcast_in_dim3A = vector.broadcast %jit3A : i32 to vector<16xi32>
      %select_n3A = arith.select %eq3A_88, %get3A_86, %broadcast_in_dim3A : vector<16xi1>, vector<16xi32>
      %reduce_max3A = arith.constant true
      %reduce_max3A_89 = vector.broadcast %reduce_max3A : i1 to vector<16xi1>
      %reduce_max3A_90 = arith.constant -2147483648 : i32
      %reduce_max3A_91 = vector.broadcast %reduce_max3A_90 : i32 to vector<16xi32>
      %reduce_max3A_92 = arith.xori %select_n3A, %reduce_max3A_91 : vector<16xi32>
      %reduce_max3A_93 = tpu.scan <max>, %reduce_max3A_92 masked %reduce_max3A_89 : vector<16xi32>, vector<16xi1> -> vector<16xi32>
      %reduce_max3A_94 = arith.xori %reduce_max3A_93, %reduce_max3A_91 : vector<16xi32>
      %reduce_max3A_95 = vector.extract %reduce_max3A_94[15] : i32 from vector<16xi32>
      %and3A_96 = arith.constant -8 : i32
      %and3A_97 = arith.andi %reduce_max3A_95, %and3A_96 : i32
      %multiple_of3A_98 = tpu.assume_multiple %and3A_97, 8 : i32
      %dma_start3A = arith.constant 0 : i32
      %dma_start3A_99 = arith.constant 0 : i32
      %dma_start3A_100 = tpu.memref_slice %arg8[%scan3A_82, %dma_start3A, %dma_start3A_99] : memref<64x8x64xf32, #tpu.memory_space<vmem>> -> memref<1x8x64xf32, #tpu.memory_space<vmem>>
      %dma_start3A_101 = tpu.memref_squeeze %dma_start3A_100 : memref<1x8x64xf32, #tpu.memory_space<vmem>> -> memref<8x64xf32, #tpu.memory_space<vmem>>
      %dma_start3A_102 = arith.constant 0 : i32
      %dma_start3A_103 = tpu.memref_slice %arg4[%multiple_of3A_98, %dma_start3A_102] : memref<1000000x64xf32, #tpu.memory_space<hbm>> -> memref<8x64xf32, #tpu.memory_space<hbm>>
      %dma_start3A_104 = arith.constant 0 : i32
      %dma_start3A_105 = arith.constant 0 : i32
      %dma_start3A_106 = tpu.memref_slice %arg8[%scan3A_82, %dma_start3A_104, %dma_start3A_105] : memref<64x8x64xf32, #tpu.memory_space<vmem>> -> memref<1x8x64xf32, #tpu.memory_space<vmem>>
      %dma_start3A_107 = tpu.memref_squeeze %dma_start3A_106 : memref<1x8x64xf32, #tpu.memory_space<vmem>> -> memref<8x64xf32, #tpu.memory_space<vmem>>
      %dma_start3A_108 = arith.constant 0 : i32
      %dma_start3A_109 = tpu.memref_slice %arg4[%multiple_of3A_98, %dma_start3A_108] : memref<1000000x64xf32, #tpu.memory_space<hbm>> -> memref<8x64xf32, #tpu.memory_space<hbm>>
      tpu.enqueue_dma source(%dma_start3A_109 : memref<8x64xf32, #tpu.memory_space<hbm>>) target(%dma_start3A_107 : memref<8x64xf32, #tpu.memory_space<vmem>>) target_semaphore(%arg10 : memref<!tpu.dma_semaphore, #tpu.memory_space<semaphore_mem>>)
    }
    %scan3A_69 = arith.constant 64 : i32
    %scan3A_70 = arith.constant 0 : i32
    %scan3A_71 = arith.constant 0 : i32
    %scan3A_72 = arith.constant 64 : i32
    %scan3A_73 = arith.addi %scan3A_71, %scan3A_72 : i32
    %scan3A_74 = arith.constant 1 : i32
    scf.for %scan3A_82 = %scan3A_71 to %scan3A_73 step %scan3A_74  : i32 {
      %dma_wait3A = arith.constant 0 : i32
      %dma_wait3A_83 = arith.constant 0 : i32
      %dma_wait3A_84 = tpu.memref_slice %arg8[%scan3A_82, %dma_wait3A, %dma_wait3A_83] : memref<64x8x64xf32, #tpu.memory_space<vmem>> -> memref<1x8x64xf32, #tpu.memory_space<vmem>>
      %dma_wait3A_85 = tpu.memref_squeeze %dma_wait3A_84 : memref<1x8x64xf32, #tpu.memory_space<vmem>> -> memref<8x64xf32, #tpu.memory_space<vmem>>
      %dma_wait3A_86 = arith.constant 0 : i32
      %dma_wait3A_87 = arith.constant 0 : i32
      %dma_wait3A_88 = tpu.memref_slice %arg4[%dma_wait3A_86, %dma_wait3A_87] : memref<1000000x64xf32, #tpu.memory_space<hbm>> -> memref<8x64xf32, #tpu.memory_space<hbm>>
      %dma_wait3A_89 = arith.constant 0 : i32
      %dma_wait3A_90 = arith.constant 0 : i32
      %dma_wait3A_91 = tpu.memref_slice %arg8[%scan3A_82, %dma_wait3A_89, %dma_wait3A_90] : memref<64x8x64xf32, #tpu.memory_space<vmem>> -> memref<1x8x64xf32, #tpu.memory_space<vmem>>
      %dma_wait3A_92 = tpu.memref_squeeze %dma_wait3A_91 : memref<1x8x64xf32, #tpu.memory_space<vmem>> -> memref<8x64xf32, #tpu.memory_space<vmem>>
      %dma_wait3A_93 = arith.constant 0 : i32
      %dma_wait3A_94 = arith.constant 0 : i32
      %dma_wait3A_95 = tpu.memref_slice %arg4[%dma_wait3A_93, %dma_wait3A_94] : memref<1000000x64xf32, #tpu.memory_space<hbm>> -> memref<8x64xf32, #tpu.memory_space<hbm>>
      tpu.wait_dma2 semaphore(%arg10 : memref<!tpu.dma_semaphore, #tpu.memory_space<semaphore_mem>>) src(%dma_wait3A_95 : memref<8x64xf32, #tpu.memory_space<hbm>>) dst(%dma_wait3A_92 : memref<8x64xf32, #tpu.memory_space<vmem>>)
    }
    %scan3A_75 = arith.constant 64 : i32
    %scan3A_76 = arith.constant 0 : i32
    %scan3A_77 = arith.constant 0 : i32
    %scan3A_78 = arith.constant 64 : i32
    %scan3A_79 = arith.addi %scan3A_77, %scan3A_78 : i32
    %scan3A_80 = arith.constant 1 : i32
    scf.for %scan3A_82 = %scan3A_77 to %scan3A_79 step %scan3A_80  : i32 {
      %shift_right_arithmetic3A = arith.constant 4 : i32
      %shift_right_arithmetic3A_83 = arith.shrsi %scan3A_82, %shift_right_arithmetic3A : i32
      %mul3A_84 = arith.constant 16 : i32
      %mul3A_85 = arith.muli %shift_right_arithmetic3A_83, %mul3A_84 : i32
      %multiple_of3A = tpu.assume_multiple %mul3A_85, 16 : i32
      %get3A = arith.index_cast %multiple_of3A : i32 to index
      %get3A_86 = tpu.vector_load %arg7[%get3A] {strides = array<i32>} : memref<64xi32, #tpu.memory_space<vmem>>, vector<16xi32>,
      %and3A = arith.constant 15 : i32
      %and3A_87 = arith.andi %scan3A_82, %and3A : i32
      %broadcast_in_dim3A = vector.broadcast %and3A_87 : i32 to vector<16xi32>
      %lt3A = arith.constant 0 : i32
      %lt3A_88 = vector.broadcast %lt3A : i32 to vector<16xi32>
      %lt3A_89 = arith.cmpi slt, %broadcast_in_dim3A, %lt3A_88 : vector<16xi32>
      %add3A_90 = arith.constant 16 : i32
      %add3A_91 = vector.broadcast %add3A_90 : i32 to vector<16xi32>
      %add3A_92 = arith.addi %broadcast_in_dim3A, %add3A_91 : vector<16xi32>
      %select_n3A = arith.select %lt3A_89, %add3A_92, %broadcast_in_dim3A : vector<16xi1>, vector<16xi32>
      %broadcast_in_dim3A_93 = vector.shape_cast %select_n3A : vector<16xi32> to vector<16x1xi32>
      %gather3A = vector.shape_cast %broadcast_in_dim3A_93 : vector<16x1xi32> to vector<16xi32>
      %gather3A_94 = tpu.dynamic_gather %get3A_86[%gather3A] in [0] : vector<16xi32>, vector<16xi32> -> vector<16xi32>
      %and3A_95 = arith.constant 7 : i32
      %and3A_96 = vector.broadcast %and3A_95 : i32 to vector<16xi32>
      %and3A_97 = arith.andi %gather3A_94, %and3A_96 : vector<16xi32>
      %broadcast_in_dim3A_98 = vector.broadcast %scan3A_82 : i32 to vector<16xi32>
      %add3A_99 = arith.constant 0 : i32
      %add3A_100 = vector.broadcast %add3A_99 : i32 to vector<16xi32>
      %add3A_101 = arith.addi %iota3A, %add3A_100 : vector<16xi32>
      %gather3A_102 = tpu.vector_load_idx %arg8[%broadcast_in_dim3A_98, %and3A_97, %add3A_101] : memref<64x8x64xf32, #tpu.memory_space<vmem>>[vector<16xi32>, vector<16xi32>, vector<16xi32>], vector<16xf32>,
      %swap3A = arith.index_cast %scan3A_82 : i32 to index
      %swap3A_103 = arith.constant 0 : index
      %swap3A_104 = tpu.vector_load %arg9[%swap3A, %swap3A_103] {strides = array<i32>} : memref<64x64xf32, #tpu.memory_space<vmem>>, vector<16xf32>,
      tpu.vector_store %arg9[%swap3A, %swap3A_103], %gather3A_102 {strides = array<i32>} : memref<64x64xf32, #tpu.memory_space<vmem>>, vector<16xf32>,
      %add3A_105 = arith.constant 16 : i32
      %add3A_106 = vector.broadcast %add3A_105 : i32 to vector<16xi32>
      %add3A_107 = arith.addi %iota3A, %add3A_106 : vector<16xi32>
      %gather3A_108 = tpu.vector_load_idx %arg8[%broadcast_in_dim3A_98, %and3A_97, %add3A_107] : memref<64x8x64xf32, #tpu.memory_space<vmem>>[vector<16xi32>, vector<16xi32>, vector<16xi32>], vector<16xf32>,
      %swap3A_109 = arith.index_cast %scan3A_82 : i32 to index
      %swap3A_110 = arith.constant 16 : index
      %swap3A_111 = tpu.vector_load %arg9[%swap3A_109, %swap3A_110] {strides = array<i32>} : memref<64x64xf32, #tpu.memory_space<vmem>>, vector<16xf32>,
      tpu.vector_store %arg9[%swap3A_109, %swap3A_110], %gather3A_108 {strides = array<i32>} : memref<64x64xf32, #tpu.memory_space<vmem>>, vector<16xf32>,
      %add3A_112 = arith.constant 32 : i32
      %add3A_113 = vector.broadcast %add3A_112 : i32 to vector<16xi32>
      %add3A_114 = arith.addi %iota3A, %add3A_113 : vector<16xi32>
      %gather3A_115 = tpu.vector_load_idx %arg8[%broadcast_in_dim3A_98, %and3A_97, %add3A_114] : memref<64x8x64xf32, #tpu.memory_space<vmem>>[vector<16xi32>, vector<16xi32>, vector<16xi32>], vector<16xf32>,
      %swap3A_116 = arith.index_cast %scan3A_82 : i32 to index
      %swap3A_117 = arith.constant 32 : index
      %swap3A_118 = tpu.vector_load %arg9[%swap3A_116, %swap3A_117] {strides = array<i32>} : memref<64x64xf32, #tpu.memory_space<vmem>>, vector<16xf32>,
      tpu.vector_store %arg9[%swap3A_116, %swap3A_117], %gather3A_115 {strides = array<i32>} : memref<64x64xf32, #tpu.memory_space<vmem>>, vector<16xf32>,
      %add3A_119 = arith.constant 48 : i32
      %add3A_120 = vector.broadcast %add3A_119 : i32 to vector<16xi32>
      %add3A_121 = arith.addi %iota3A, %add3A_120 : vector<16xi32>
      %gather3A_122 = tpu.vector_load_idx %arg8[%broadcast_in_dim3A_98, %and3A_97, %add3A_121] : memref<64x8x64xf32, #tpu.memory_space<vmem>>[vector<16xi32>, vector<16xi32>, vector<16xi32>], vector<16xf32>,
      %swap3A_123 = arith.index_cast %scan3A_82 : i32 to index
      %swap3A_124 = arith.constant 48 : index
      %swap3A_125 = tpu.vector_load %arg9[%swap3A_123, %swap3A_124] {strides = array<i32>} : memref<64x64xf32, #tpu.memory_space<vmem>>, vector<16xf32>,
      tpu.vector_store %arg9[%swap3A_123, %swap3A_124], %gather3A_122 {strides = array<i32>} : memref<64x64xf32, #tpu.memory_space<vmem>>, vector<16xf32>,
    }
    %scan3A_81 = arith.constant 64 : i32
    "tpu.region"() ({
      %run_scoped3A = tpu.sem_alloc : memref<!tpu.dma_semaphore, #tpu.memory_space<semaphore_mem>>
      %dma_start3A = arith.constant 0 : i32
      %dma_start3A_82 = tpu.memref_slice %arg6[%add3A_63, %dma_start3A] : memref<4096x64xf32, #tpu.memory_space<hbm>> -> memref<64x64xf32, #tpu.memory_space<hbm>>
      %dma_start3A_83 = arith.constant 0 : i32
      %dma_start3A_84 = tpu.memref_slice %arg6[%add3A_63, %dma_start3A_83] : memref<4096x64xf32, #tpu.memory_space<hbm>> -> memref<64x64xf32, #tpu.memory_space<hbm>>
      tpu.enqueue_dma source(%arg9 : memref<64x64xf32, #tpu.memory_space<vmem>>) target(%dma_start3A_84 : memref<64x64xf32, #tpu.memory_space<hbm>>) target_semaphore(%run_scoped3A : memref<!tpu.dma_semaphore, #tpu.memory_space<semaphore_mem>>)
      %dma_wait3A = arith.constant 0 : i32
      %dma_wait3A_85 = tpu.memref_slice %arg6[%add3A_63, %dma_wait3A] : memref<4096x64xf32, #tpu.memory_space<hbm>> -> memref<64x64xf32, #tpu.memory_space<hbm>>
      %dma_wait3A_86 = arith.constant 0 : i32
      %dma_wait3A_87 = tpu.memref_slice %arg6[%add3A_63, %dma_wait3A_86] : memref<4096x64xf32, #tpu.memory_space<hbm>> -> memref<64x64xf32, #tpu.memory_space<hbm>>
      tpu.wait_dma2 semaphore(%run_scoped3A : memref<!tpu.dma_semaphore, #tpu.memory_space<semaphore_mem>>) src(%arg9 : memref<64x64xf32, #tpu.memory_space<vmem>>) dst(%dma_wait3A_87 : memref<64x64xf32, #tpu.memory_space<hbm>>)
      tpu.yield
    }) : () -> ()
    return
  }
}

module attributes {stable_mosaic.version = 14 : i64} {
  func.func @body(%arg0: memref<500x64xf32, #tpu.memory_space<vmem>>, %arg1: memref<500x64xf32, #tpu.memory_space<vmem>>, %arg2: memref<365x64xf32, #tpu.memory_space<vmem>>, %arg3: memref<365x64xf32, #tpu.memory_space<vmem>>, %arg4: memref<500x64xf32, #tpu.memory_space<vmem>>, %arg5: memref<500x64xf32, #tpu.memory_space<vmem>>, %arg6: memref<365x64xf32, #tpu.memory_space<vmem>>, %arg7: memref<365x64xf32, #tpu.memory_space<vmem>>) attributes {dimension_semantics = [], scalar_prefetch = 0 : i64, scratch_operands = 0 : i64, tpu.core_type = #tpu.core_type<tc>} {
    %get3A = arith.constant 0 : index
    %get3A_0 = arith.constant 0 : index
    %get3A_1 = vector.load %arg0[%get3A, %get3A_0] : memref<500x64xf32, #tpu.memory_space<vmem>>, vector<500x64xf32>
    %mul3A = arith.constant 7.73315096 : f32
    %mul3A_2 = vector.broadcast %mul3A : f32 to vector<500x64xf32>
    %mul3A_3 = arith.mulf %get3A_1, %mul3A_2 : vector<500x64xf32>
    %tanh3A = math.tanh %mul3A_3 : vector<500x64xf32>
    %mul3A_4 = arith.constant 3.14159274 : f32
    %mul3A_5 = vector.broadcast %mul3A_4 : f32 to vector<500x64xf32>
    %mul3A_6 = arith.mulf %tanh3A, %mul3A_5 : vector<500x64xf32>
    %swap3A = arith.constant 0 : index
    %swap3A_7 = arith.constant 0 : index
    %swap3A_8 = vector.load %arg4[%swap3A, %swap3A_7] : memref<500x64xf32, #tpu.memory_space<vmem>>, vector<500x64xf32>
    tpu.vector_store %arg4[%swap3A, %swap3A_7], %mul3A_6 {strides = array<i32>} : memref<500x64xf32, #tpu.memory_space<vmem>>, vector<500x64xf32>,
    %get3A_9 = arith.constant 0 : index
    %get3A_10 = arith.constant 0 : index
    %get3A_11 = vector.load %arg2[%get3A_9, %get3A_10] : memref<365x64xf32, #tpu.memory_space<vmem>>, vector<365x64xf32>
    %mul3A_12 = arith.constant 7.73315096 : f32
    %mul3A_13 = vector.broadcast %mul3A_12 : f32 to vector<365x64xf32>
    %mul3A_14 = arith.mulf %get3A_11, %mul3A_13 : vector<365x64xf32>
    %tanh3A_15 = math.tanh %mul3A_14 : vector<365x64xf32>
    %mul3A_16 = arith.constant 3.14159274 : f32
    %mul3A_17 = vector.broadcast %mul3A_16 : f32 to vector<365x64xf32>
    %mul3A_18 = arith.mulf %tanh3A_15, %mul3A_17 : vector<365x64xf32>
    %swap3A_19 = arith.constant 0 : index
    %swap3A_20 = arith.constant 0 : index
    %swap3A_21 = vector.load %arg6[%swap3A_19, %swap3A_20] : memref<365x64xf32, #tpu.memory_space<vmem>>, vector<365x64xf32>
    tpu.vector_store %arg6[%swap3A_19, %swap3A_20], %mul3A_18 {strides = array<i32>} : memref<365x64xf32, #tpu.memory_space<vmem>>, vector<365x64xf32>,
    %get3A_22 = arith.constant 0 : index
    %get3A_23 = arith.constant 0 : index
    %get3A_24 = vector.load %arg1[%get3A_22, %get3A_23] : memref<500x64xf32, #tpu.memory_space<vmem>>, vector<500x64xf32>
    %mul3A_25 = arith.constant 15.4663019 : f32
    %mul3A_26 = vector.broadcast %mul3A_25 : f32 to vector<500x64xf32>
    %mul3A_27 = arith.mulf %get3A_24, %mul3A_26 : vector<500x64xf32>
    %tanh3A_28 = math.tanh %mul3A_27 : vector<500x64xf32>
    %mul3A_29 = arith.constant 1.57079637 : f32
    %mul3A_30 = vector.broadcast %mul3A_29 : f32 to vector<500x64xf32>
    %mul3A_31 = arith.mulf %tanh3A_28, %mul3A_30 : vector<500x64xf32>
    %add3A = arith.constant 1.57079637 : f32
    %add3A_32 = vector.broadcast %add3A : f32 to vector<500x64xf32>
    %add3A_33 = arith.addf %mul3A_31, %add3A_32 : vector<500x64xf32>
    %swap3A_34 = arith.constant 0 : index
    %swap3A_35 = arith.constant 0 : index
    %swap3A_36 = vector.load %arg5[%swap3A_34, %swap3A_35] : memref<500x64xf32, #tpu.memory_space<vmem>>, vector<500x64xf32>
    tpu.vector_store %arg5[%swap3A_34, %swap3A_35], %add3A_33 {strides = array<i32>} : memref<500x64xf32, #tpu.memory_space<vmem>>, vector<500x64xf32>,
    %get3A_37 = arith.constant 0 : index
    %get3A_38 = arith.constant 0 : index
    %get3A_39 = vector.load %arg3[%get3A_37, %get3A_38] : memref<365x64xf32, #tpu.memory_space<vmem>>, vector<365x64xf32>
    %mul3A_40 = arith.constant 15.4663019 : f32
    %mul3A_41 = vector.broadcast %mul3A_40 : f32 to vector<365x64xf32>
    %mul3A_42 = arith.mulf %get3A_39, %mul3A_41 : vector<365x64xf32>
    %tanh3A_43 = math.tanh %mul3A_42 : vector<365x64xf32>
    %mul3A_44 = arith.constant 1.57079637 : f32
    %mul3A_45 = vector.broadcast %mul3A_44 : f32 to vector<365x64xf32>
    %mul3A_46 = arith.mulf %tanh3A_43, %mul3A_45 : vector<365x64xf32>
    %add3A_47 = arith.constant 1.57079637 : f32
    %add3A_48 = vector.broadcast %add3A_47 : f32 to vector<365x64xf32>
    %add3A_49 = arith.addf %mul3A_46, %add3A_48 : vector<365x64xf32>
    %swap3A_50 = arith.constant 0 : index
    %swap3A_51 = arith.constant 0 : index
    %swap3A_52 = vector.load %arg7[%swap3A_50, %swap3A_51] : memref<365x64xf32, #tpu.memory_space<vmem>>, vector<365x64xf32>
    tpu.vector_store %arg7[%swap3A_50, %swap3A_51], %add3A_49 {strides = array<i32>} : memref<365x64xf32, #tpu.memory_space<vmem>>, vector<365x64xf32>,
    return
  }
}

module attributes {stable_mosaic.version = 14 : i64} {
  func.func @_tc_body(%arg0: i32, %arg1: memref<1024x64xf32, #tpu.memory_space<vmem>>, %arg2: memref<1024x64xf32, #tpu.memory_space<vmem>>, %arg3: memref<1x1x1024xi32, #tpu.memory_space<vmem>>, %arg4: memref<1x1x1024xi32, #tpu.memory_space<vmem>>, %arg5: memref<500x64xf32, #tpu.memory_space<vmem>>, %arg6: memref<500x64xf32, #tpu.memory_space<vmem>>, %arg7: memref<365x64xf32, #tpu.memory_space<vmem>>, %arg8: memref<365x64xf32, #tpu.memory_space<vmem>>, %arg9: memref<128x64xf32, #tpu.memory_space<vmem>>, %arg10: memref<128x64xf32, #tpu.memory_space<vmem>>, %arg11: memref<128x128xf32, #tpu.memory_space<vmem>>, %arg12: memref<64x128xf32, #tpu.memory_space<vmem>>, %arg13: memref<64x128xf32, #tpu.memory_space<vmem>>, %arg14: memref<1x128xf32, #tpu.memory_space<vmem>>, %arg15: memref<1x128xf32, #tpu.memory_space<vmem>>, %arg16: memref<1x64xf32, #tpu.memory_space<vmem>>, %arg17: memref<1x64xf32, #tpu.memory_space<vmem>>, %arg18: memref<1xf32, #tpu.memory_space<smem>>, %arg19: memref<1x1x1024xf32, #tpu.memory_space<vmem>>) attributes {dimension_semantics = [#tpu.dimension_semantics<arbitrary>], iteration_bounds = array<i64: 4>, scalar_prefetch = 0 : i64, scratch_operands = 0 : i64, tpu.core_type = #tpu.core_type<tc>, window_params = [{transform_indices = @transform_0, window_bounds = array<i64: 1024, 64>}, {transform_indices = @transform_1, window_bounds = array<i64: 1024, 64>}, {transform_indices = @transform_2, window_bounds = array<i64: 1, 1, 1024>}, {transform_indices = @transform_3, window_bounds = array<i64: 1, 1, 1024>}, {pipeline_mode = #tpu.pipeline_mode<synchronous>, transform_indices = @transform_4, window_bounds = array<i64: 500, 64>}, {pipeline_mode = #tpu.pipeline_mode<synchronous>, transform_indices = @transform_5, window_bounds = array<i64: 500, 64>}, {pipeline_mode = #tpu.pipeline_mode<synchronous>, transform_indices = @transform_6, window_bounds = array<i64: 365, 64>}, {pipeline_mode = #tpu.pipeline_mode<synchronous>, transform_indices = @transform_7, window_bounds = array<i64: 365, 64>}, {pipeline_mode = #tpu.pipeline_mode<synchronous>, transform_indices = @transform_8, window_bounds = array<i64: 128, 64>}, {pipeline_mode = #tpu.pipeline_mode<synchronous>, transform_indices = @transform_9, window_bounds = array<i64: 128, 64>}, {pipeline_mode = #tpu.pipeline_mode<synchronous>, transform_indices = @transform_10, window_bounds = array<i64: 128, 128>}, {pipeline_mode = #tpu.pipeline_mode<synchronous>, transform_indices = @transform_11, window_bounds = array<i64: 64, 128>}, {pipeline_mode = #tpu.pipeline_mode<synchronous>, transform_indices = @transform_12, window_bounds = array<i64: 64, 128>}, {pipeline_mode = #tpu.pipeline_mode<synchronous>, transform_indices = @transform_13, window_bounds = array<i64: 1, 128>}, {pipeline_mode = #tpu.pipeline_mode<synchronous>, transform_indices = @transform_14, window_bounds = array<i64: 1, 128>}, {pipeline_mode = #tpu.pipeline_mode<synchronous>, transform_indices = @transform_15, window_bounds = array<i64: 1, 64>}, {pipeline_mode = #tpu.pipeline_mode<synchronous>, transform_indices = @transform_16, window_bounds = array<i64: 1, 64>}, {transform_indices = @transform_17, window_bounds = array<i64: 1>}, {transform_indices = @transform_18, window_bounds = array<i64: 1, 1, 1024>}]} {
    %get3A = arith.constant 0 : index
    %get3A_0 = arith.constant 0 : index
    %get3A_1 = vector.load %arg1[%get3A, %get3A_0] : memref<1024x64xf32, #tpu.memory_space<vmem>>, vector<1024x64xf32>
    %mul3A = arith.constant 7.73315096 : f32
    %mul3A_2 = vector.broadcast %mul3A : f32 to vector<1024x64xf32>
    %mul3A_3 = arith.mulf %get3A_1, %mul3A_2 : vector<1024x64xf32>
    %tanh3A = math.tanh %mul3A_3 : vector<1024x64xf32>
    %mul3A_4 = arith.constant 3.14159274 : f32
    %mul3A_5 = vector.broadcast %mul3A_4 : f32 to vector<1024x64xf32>
    %mul3A_6 = arith.mulf %tanh3A, %mul3A_5 : vector<1024x64xf32>
    %get3A_7 = arith.constant 0 : index
    %get3A_8 = arith.constant 0 : index
    %get3A_9 = vector.load %arg2[%get3A_7, %get3A_8] : memref<1024x64xf32, #tpu.memory_space<vmem>>, vector<1024x64xf32>
    %mul3A_10 = arith.constant 7.73315096 : f32
    %mul3A_11 = vector.broadcast %mul3A_10 : f32 to vector<1024x64xf32>
    %mul3A_12 = arith.mulf %get3A_9, %mul3A_11 : vector<1024x64xf32>
    %tanh3A_13 = math.tanh %mul3A_12 : vector<1024x64xf32>
    %mul3A_14 = arith.constant 3.14159274 : f32
    %mul3A_15 = vector.broadcast %mul3A_14 : f32 to vector<1024x64xf32>
    %mul3A_16 = arith.mulf %tanh3A_13, %mul3A_15 : vector<1024x64xf32>
    %get3A_17 = arith.constant 0 : index
    %get3A_18 = arith.constant 0 : index
    %get3A_19 = arith.constant 0 : index
    %get3A_20 = vector.load %arg3[%get3A_17, %get3A_18, %get3A_19] : memref<1x1x1024xi32, #tpu.memory_space<vmem>>, vector<1x1x1024xi32>
    %get3A_21 = vector.shape_cast %get3A_20 : vector<1x1x1024xi32> to vector<1x1024xi32>
    %get3A_22 = arith.constant 0 : index
    %get3A_23 = arith.constant 0 : index
    %get3A_24 = arith.constant 0 : index
    %get3A_25 = vector.load %arg4[%get3A_22, %get3A_23, %get3A_24] : memref<1x1x1024xi32, #tpu.memory_space<vmem>>, vector<1x1x1024xi32>
    %get3A_26 = vector.shape_cast %get3A_25 : vector<1x1x1024xi32> to vector<1x1024xi32>
    %iota3A = tpu.iota {dimensions = array<i32: 0>} : vector<500x1024xi32>
    %eq3A = vector.broadcast %get3A_21 : vector<1x1024xi32> to vector<500x1024xi32>
    %eq3A_27 = arith.cmpi eq, %iota3A, %eq3A : vector<500x1024xi32>
    %convert_element_type3A = arith.extui %eq3A_27 : vector<500x1024xi1> to vector<500x1024xi32>
    %convert_element_type3A_28 = arith.sitofp %convert_element_type3A : vector<500x1024xi32> to vector<500x1024xf32>
    %iota3A_29 = tpu.iota {dimensions = array<i32: 0>} : vector<365x1024xi32>
    %eq3A_30 = vector.broadcast %get3A_26 : vector<1x1024xi32> to vector<365x1024xi32>
    %eq3A_31 = arith.cmpi eq, %iota3A_29, %eq3A_30 : vector<365x1024xi32>
    %convert_element_type3A_32 = arith.extui %eq3A_31 : vector<365x1024xi1> to vector<365x1024xi32>
    %convert_element_type3A_33 = arith.sitofp %convert_element_type3A_32 : vector<365x1024xi32> to vector<365x1024xf32>
    %get3A_34 = arith.constant 0 : index
    %get3A_35 = arith.constant 0 : index
    %get3A_36 = vector.load %arg5[%get3A_34, %get3A_35] : memref<500x64xf32, #tpu.memory_space<vmem>>, vector<500x64xf32>
    %dot_general3A = arith.constant dense<0.000000e+00> : vector<1024x64xf32>
    %dot_general3A_37 = tpu.matmul %convert_element_type3A_28, %get3A_36, %dot_general3A {dimension_numbers = #tpu.dot_dimension_numbers<[0], [0], [1], [1], [0, 1, 1, 1], [], []>, transpose_lhs_hint = true} : vector<500x1024xf32>, vector<500x64xf32>, vector<1024x64xf32> -> vector<1024x64xf32>
    %get3A_38 = arith.constant 0 : index
    %get3A_39 = arith.constant 0 : index
    %get3A_40 = vector.load %arg6[%get3A_38, %get3A_39] : memref<500x64xf32, #tpu.memory_space<vmem>>, vector<500x64xf32>
    %dot_general3A_41 = arith.constant dense<0.000000e+00> : vector<1024x64xf32>
    %dot_general3A_42 = tpu.matmul %convert_element_type3A_28, %get3A_40, %dot_general3A_41 {dimension_numbers = #tpu.dot_dimension_numbers<[0], [0], [1], [1], [0, 1, 1, 1], [], []>, transpose_lhs_hint = true} : vector<500x1024xf32>, vector<500x64xf32>, vector<1024x64xf32> -> vector<1024x64xf32>
    %get3A_43 = arith.constant 0 : index
    %get3A_44 = arith.constant 0 : index
    %get3A_45 = vector.load %arg7[%get3A_43, %get3A_44] : memref<365x64xf32, #tpu.memory_space<vmem>>, vector<365x64xf32>
    %dot_general3A_46 = arith.constant dense<0.000000e+00> : vector<1024x64xf32>
    %dot_general3A_47 = tpu.matmul %convert_element_type3A_33, %get3A_45, %dot_general3A_46 {dimension_numbers = #tpu.dot_dimension_numbers<[0], [0], [1], [1], [0, 1, 1, 1], [], []>, transpose_lhs_hint = true} : vector<365x1024xf32>, vector<365x64xf32>, vector<1024x64xf32> -> vector<1024x64xf32>
    %get3A_48 = arith.constant 0 : index
    %get3A_49 = arith.constant 0 : index
    %get3A_50 = vector.load %arg8[%get3A_48, %get3A_49] : memref<365x64xf32, #tpu.memory_space<vmem>>, vector<365x64xf32>
    %dot_general3A_51 = arith.constant dense<0.000000e+00> : vector<1024x64xf32>
    %dot_general3A_52 = tpu.matmul %convert_element_type3A_33, %get3A_50, %dot_general3A_51 {dimension_numbers = #tpu.dot_dimension_numbers<[0], [0], [1], [1], [0, 1, 1, 1], [], []>, transpose_lhs_hint = true} : vector<365x1024xf32>, vector<365x64xf32>, vector<1024x64xf32> -> vector<1024x64xf32>
    %add3A = arith.addf %mul3A_6, %dot_general3A_37 : vector<1024x64xf32>
    %add3A_53 = arith.addf %add3A, %dot_general3A_47 : vector<1024x64xf32>
    %add3A_54 = arith.addf %dot_general3A_42, %dot_general3A_52 : vector<1024x64xf32>
    %get3A_55 = arith.constant 0 : index
    %get3A_56 = arith.constant 0 : index
    %get3A_57 = vector.load %arg9[%get3A_55, %get3A_56] : memref<128x64xf32, #tpu.memory_space<vmem>>, vector<128x64xf32>
    %dot_general3A_58 = arith.constant dense<0.000000e+00> : vector<1024x128xf32>
    %dot_general3A_59 = tpu.matmul %add3A_53, %get3A_57, %dot_general3A_58 {dimension_numbers = #tpu.dot_dimension_numbers<[1], [1], [0], [0], [0, 0, 1, 0], [], []>, transpose_lhs_hint = false} : vector<1024x64xf32>, vector<128x64xf32>, vector<1024x128xf32> -> vector<1024x128xf32>
    %get3A_60 = arith.constant 0 : index
    %get3A_61 = arith.constant 0 : index
    %get3A_62 = vector.load %arg10[%get3A_60, %get3A_61] : memref<128x64xf32, #tpu.memory_space<vmem>>, vector<128x64xf32>
    %dot_general3A_63 = arith.constant dense<0.000000e+00> : vector<1024x128xf32>
    %dot_general3A_64 = tpu.matmul %add3A_54, %get3A_62, %dot_general3A_63 {dimension_numbers = #tpu.dot_dimension_numbers<[1], [1], [0], [0], [0, 0, 1, 0], [], []>, transpose_lhs_hint = false} : vector<1024x64xf32>, vector<128x64xf32>, vector<1024x128xf32> -> vector<1024x128xf32>
    %add3A_65 = arith.addf %dot_general3A_59, %dot_general3A_64 : vector<1024x128xf32>
    %get3A_66 = arith.constant 0 : index
    %get3A_67 = arith.constant 0 : index
    %get3A_68 = vector.load %arg14[%get3A_66, %get3A_67] : memref<1x128xf32, #tpu.memory_space<vmem>>, vector<1x128xf32>
    %add3A_69 = vector.broadcast %get3A_68 : vector<1x128xf32> to vector<1024x128xf32>
    %add3A_70 = arith.addf %add3A_65, %add3A_69 : vector<1024x128xf32>
    %max3A = arith.constant 0.000000e+00 : f32
    %max3A_71 = vector.broadcast %max3A : f32 to vector<1024x128xf32>
    %max3A_72 = arith.maximumf %add3A_70, %max3A_71 : vector<1024x128xf32>
    %get3A_73 = arith.constant 0 : index
    %get3A_74 = arith.constant 0 : index
    %get3A_75 = vector.load %arg11[%get3A_73, %get3A_74] : memref<128x128xf32, #tpu.memory_space<vmem>>, vector<128x128xf32>
    %dot_general3A_76 = arith.constant dense<0.000000e+00> : vector<1024x128xf32>
    %dot_general3A_77 = tpu.matmul %max3A_72, %get3A_75, %dot_general3A_76 {dimension_numbers = #tpu.dot_dimension_numbers<[1], [1], [0], [0], [0, 0, 1, 0], [], []>, transpose_lhs_hint = false} : vector<1024x128xf32>, vector<128x128xf32>, vector<1024x128xf32> -> vector<1024x128xf32>
    %get3A_78 = arith.constant 0 : index
    %get3A_79 = arith.constant 0 : index
    %get3A_80 = vector.load %arg15[%get3A_78, %get3A_79] : memref<1x128xf32, #tpu.memory_space<vmem>>, vector<1x128xf32>
    %add3A_81 = vector.broadcast %get3A_80 : vector<1x128xf32> to vector<1024x128xf32>
    %add3A_82 = arith.addf %dot_general3A_77, %add3A_81 : vector<1024x128xf32>
    %max3A_83 = arith.constant 0.000000e+00 : f32
    %max3A_84 = vector.broadcast %max3A_83 : f32 to vector<1024x128xf32>
    %max3A_85 = arith.maximumf %add3A_82, %max3A_84 : vector<1024x128xf32>
    %get3A_86 = arith.constant 0 : index
    %get3A_87 = arith.constant 0 : index
    %get3A_88 = vector.load %arg12[%get3A_86, %get3A_87] : memref<64x128xf32, #tpu.memory_space<vmem>>, vector<64x128xf32>
    %dot_general3A_89 = arith.constant dense<0.000000e+00> : vector<1024x64xf32>
    %dot_general3A_90 = tpu.matmul %max3A_85, %get3A_88, %dot_general3A_89 {dimension_numbers = #tpu.dot_dimension_numbers<[1], [1], [0], [0], [0, 0, 1, 0], [], []>, transpose_lhs_hint = false} : vector<1024x128xf32>, vector<64x128xf32>, vector<1024x64xf32> -> vector<1024x64xf32>
    %get3A_91 = arith.constant 0 : index
    %get3A_92 = arith.constant 0 : index
    %get3A_93 = vector.load %arg16[%get3A_91, %get3A_92] : memref<1x64xf32, #tpu.memory_space<vmem>>, vector<1x64xf32>
    %add3A_94 = vector.broadcast %get3A_93 : vector<1x64xf32> to vector<1024x64xf32>
    %add3A_95 = arith.addf %dot_general3A_90, %add3A_94 : vector<1024x64xf32>
    %get3A_96 = arith.constant 0 : index
    %get3A_97 = arith.constant 0 : index
    %get3A_98 = vector.load %arg13[%get3A_96, %get3A_97] : memref<64x128xf32, #tpu.memory_space<vmem>>, vector<64x128xf32>
    %dot_general3A_99 = arith.constant dense<0.000000e+00> : vector<1024x64xf32>
    %dot_general3A_100 = tpu.matmul %max3A_85, %get3A_98, %dot_general3A_99 {dimension_numbers = #tpu.dot_dimension_numbers<[1], [1], [0], [0], [0, 0, 1, 0], [], []>, transpose_lhs_hint = false} : vector<1024x128xf32>, vector<64x128xf32>, vector<1024x64xf32> -> vector<1024x64xf32>
    %get3A_101 = arith.constant 0 : index
    %get3A_102 = arith.constant 0 : index
    %get3A_103 = vector.load %arg17[%get3A_101, %get3A_102] : memref<1x64xf32, #tpu.memory_space<vmem>>, vector<1x64xf32>
    %add3A_104 = vector.broadcast %get3A_103 : vector<1x64xf32> to vector<1024x64xf32>
    %add3A_105 = arith.addf %dot_general3A_100, %add3A_104 : vector<1024x64xf32>
    %tanh3A_106 = math.tanh %add3A_95 : vector<1024x64xf32>
    %mul3A_107 = arith.constant 3.14159274 : f32
    %mul3A_108 = vector.broadcast %mul3A_107 : f32 to vector<1024x64xf32>
    %mul3A_109 = arith.mulf %tanh3A_106, %mul3A_108 : vector<1024x64xf32>
    %mul3A_110 = arith.constant 2.000000e+00 : f32
    %mul3A_111 = vector.broadcast %mul3A_110 : f32 to vector<1024x64xf32>
    %mul3A_112 = arith.mulf %mul3A_111, %add3A_105 : vector<1024x64xf32>
    %tanh3A_113 = math.tanh %mul3A_112 : vector<1024x64xf32>
    %mul3A_114 = arith.constant 1.57079637 : f32
    %mul3A_115 = vector.broadcast %mul3A_114 : f32 to vector<1024x64xf32>
    %mul3A_116 = arith.mulf %tanh3A_113, %mul3A_115 : vector<1024x64xf32>
    %add3A_117 = arith.constant 1.57079637 : f32
    %add3A_118 = vector.broadcast %add3A_117 : f32 to vector<1024x64xf32>
    %add3A_119 = arith.addf %mul3A_116, %add3A_118 : vector<1024x64xf32>
    %sub3A = arith.subf %mul3A_16, %mul3A_109 : vector<1024x64xf32>
    %mul3A_120 = arith.constant 5.000000e-01 : f32
    %mul3A_121 = vector.broadcast %mul3A_120 : f32 to vector<1024x64xf32>
    %mul3A_122 = arith.mulf %add3A_119, %mul3A_121 : vector<1024x64xf32>
    %mul3A_123 = arith.constant 5.000000e-01 : f32
    %mul3A_124 = vector.broadcast %mul3A_123 : f32 to vector<1024x64xf32>
    %mul3A_125 = arith.mulf %sub3A, %mul3A_124 : vector<1024x64xf32>
    %mul3A_126 = arith.constant 0.318309873 : f32
    %mul3A_127 = vector.broadcast %mul3A_126 : f32 to vector<1024x64xf32>
    %mul3A_128 = arith.mulf %mul3A_125, %mul3A_127 : vector<1024x64xf32>
    %round3A = math.roundeven %mul3A_128 : vector<1024x64xf32>
    %sub3A_129 = arith.subf %mul3A_128, %round3A : vector<1024x64xf32>
    %mul3A_130 = arith.mulf %sub3A_129, %sub3A_129 : vector<1024x64xf32>
    %mul3A_131 = arith.constant -0.00737043098 : f32
    %mul3A_132 = vector.broadcast %mul3A_131 : f32 to vector<1024x64xf32>
    %mul3A_133 = arith.mulf %mul3A_130, %mul3A_132 : vector<1024x64xf32>
    %add3A_134 = arith.constant 0.0821458846 : f32
    %add3A_135 = vector.broadcast %add3A_134 : f32 to vector<1024x64xf32>
    %add3A_136 = arith.addf %add3A_135, %mul3A_133 : vector<1024x64xf32>
    %mul3A_137 = arith.mulf %mul3A_130, %add3A_136 : vector<1024x64xf32>
    %add3A_138 = arith.constant -0.599264503 : f32
    %add3A_139 = vector.broadcast %add3A_138 : f32 to vector<1024x64xf32>
    %add3A_140 = arith.addf %add3A_139, %mul3A_137 : vector<1024x64xf32>
    %mul3A_141 = arith.mulf %mul3A_130, %add3A_140 : vector<1024x64xf32>
    %add3A_142 = arith.constant 2.55016398 : f32
    %add3A_143 = vector.broadcast %add3A_142 : f32 to vector<1024x64xf32>
    %add3A_144 = arith.addf %add3A_143, %mul3A_141 : vector<1024x64xf32>
    %mul3A_145 = arith.mulf %mul3A_130, %add3A_144 : vector<1024x64xf32>
    %add3A_146 = arith.constant -5.16771269 : f32
    %add3A_147 = vector.broadcast %add3A_146 : f32 to vector<1024x64xf32>
    %add3A_148 = arith.addf %add3A_147, %mul3A_145 : vector<1024x64xf32>
    %mul3A_149 = arith.mulf %mul3A_130, %add3A_148 : vector<1024x64xf32>
    %add3A_150 = arith.constant 3.14159274 : f32
    %add3A_151 = vector.broadcast %add3A_150 : f32 to vector<1024x64xf32>
    %add3A_152 = arith.addf %add3A_151, %mul3A_149 : vector<1024x64xf32>
    %mul3A_153 = arith.mulf %sub3A_129, %add3A_152 : vector<1024x64xf32>
    %abs3A = math.absf %mul3A_153 : vector<1024x64xf32>
    %mul3A_154 = arith.constant 0.318309873 : f32
    %mul3A_155 = vector.broadcast %mul3A_154 : f32 to vector<1024x64xf32>
    %mul3A_156 = arith.mulf %mul3A_122, %mul3A_155 : vector<1024x64xf32>
    %round3A_157 = math.roundeven %mul3A_156 : vector<1024x64xf32>
    %sub3A_158 = arith.subf %mul3A_156, %round3A_157 : vector<1024x64xf32>
    %mul3A_159 = arith.mulf %sub3A_158, %sub3A_158 : vector<1024x64xf32>
    %mul3A_160 = arith.constant -0.00737043098 : f32
    %mul3A_161 = vector.broadcast %mul3A_160 : f32 to vector<1024x64xf32>
    %mul3A_162 = arith.mulf %mul3A_159, %mul3A_161 : vector<1024x64xf32>
    %add3A_163 = arith.constant 0.0821458846 : f32
    %add3A_164 = vector.broadcast %add3A_163 : f32 to vector<1024x64xf32>
    %add3A_165 = arith.addf %add3A_164, %mul3A_162 : vector<1024x64xf32>
    %mul3A_166 = arith.mulf %mul3A_159, %add3A_165 : vector<1024x64xf32>
    %add3A_167 = arith.constant -0.599264503 : f32
    %add3A_168 = vector.broadcast %add3A_167 : f32 to vector<1024x64xf32>
    %add3A_169 = arith.addf %add3A_168, %mul3A_166 : vector<1024x64xf32>
    %mul3A_170 = arith.mulf %mul3A_159, %add3A_169 : vector<1024x64xf32>
    %add3A_171 = arith.constant 2.55016398 : f32
    %add3A_172 = vector.broadcast %add3A_171 : f32 to vector<1024x64xf32>
    %add3A_173 = arith.addf %add3A_172, %mul3A_170 : vector<1024x64xf32>
    %mul3A_174 = arith.mulf %mul3A_159, %add3A_173 : vector<1024x64xf32>
    %add3A_175 = arith.constant -5.16771269 : f32
    %add3A_176 = vector.broadcast %add3A_175 : f32 to vector<1024x64xf32>
    %add3A_177 = arith.addf %add3A_176, %mul3A_174 : vector<1024x64xf32>
    %mul3A_178 = arith.mulf %mul3A_159, %add3A_177 : vector<1024x64xf32>
    %add3A_179 = arith.constant 3.14159274 : f32
    %add3A_180 = vector.broadcast %add3A_179 : f32 to vector<1024x64xf32>
    %add3A_181 = arith.addf %add3A_180, %mul3A_178 : vector<1024x64xf32>
    %mul3A_182 = arith.mulf %sub3A_158, %add3A_181 : vector<1024x64xf32>
    %abs3A_183 = math.absf %mul3A_182 : vector<1024x64xf32>
    %add3A_184 = arith.addf %sub3A, %mul3A_122 : vector<1024x64xf32>
    %mul3A_185 = arith.constant 5.000000e-01 : f32
    %mul3A_186 = vector.broadcast %mul3A_185 : f32 to vector<1024x64xf32>
    %mul3A_187 = arith.mulf %add3A_184, %mul3A_186 : vector<1024x64xf32>
    %mul3A_188 = arith.constant 0.318309873 : f32
    %mul3A_189 = vector.broadcast %mul3A_188 : f32 to vector<1024x64xf32>
    %mul3A_190 = arith.mulf %mul3A_187, %mul3A_189 : vector<1024x64xf32>
    %round3A_191 = math.roundeven %mul3A_190 : vector<1024x64xf32>
    %sub3A_192 = arith.subf %mul3A_190, %round3A_191 : vector<1024x64xf32>
    %mul3A_193 = arith.mulf %sub3A_192, %sub3A_192 : vector<1024x64xf32>
    %mul3A_194 = arith.constant -0.00737043098 : f32
    %mul3A_195 = vector.broadcast %mul3A_194 : f32 to vector<1024x64xf32>
    %mul3A_196 = arith.mulf %mul3A_193, %mul3A_195 : vector<1024x64xf32>
    %add3A_197 = arith.constant 0.0821458846 : f32
    %add3A_198 = vector.broadcast %add3A_197 : f32 to vector<1024x64xf32>
    %add3A_199 = arith.addf %add3A_198, %mul3A_196 : vector<1024x64xf32>
    %mul3A_200 = arith.mulf %mul3A_193, %add3A_199 : vector<1024x64xf32>
    %add3A_201 = arith.constant -0.599264503 : f32
    %add3A_202 = vector.broadcast %add3A_201 : f32 to vector<1024x64xf32>
    %add3A_203 = arith.addf %add3A_202, %mul3A_200 : vector<1024x64xf32>
    %mul3A_204 = arith.mulf %mul3A_193, %add3A_203 : vector<1024x64xf32>
    %add3A_205 = arith.constant 2.55016398 : f32
    %add3A_206 = vector.broadcast %add3A_205 : f32 to vector<1024x64xf32>
    %add3A_207 = arith.addf %add3A_206, %mul3A_204 : vector<1024x64xf32>
    %mul3A_208 = arith.mulf %mul3A_193, %add3A_207 : vector<1024x64xf32>
    %add3A_209 = arith.constant -5.16771269 : f32
    %add3A_210 = vector.broadcast %add3A_209 : f32 to vector<1024x64xf32>
    %add3A_211 = arith.addf %add3A_210, %mul3A_208 : vector<1024x64xf32>
    %mul3A_212 = arith.mulf %mul3A_193, %add3A_211 : vector<1024x64xf32>
    %add3A_213 = arith.constant 3.14159274 : f32
    %add3A_214 = vector.broadcast %add3A_213 : f32 to vector<1024x64xf32>
    %add3A_215 = arith.addf %add3A_214, %mul3A_212 : vector<1024x64xf32>
    %mul3A_216 = arith.mulf %sub3A_192, %add3A_215 : vector<1024x64xf32>
    %abs3A_217 = math.absf %mul3A_216 : vector<1024x64xf32>
    %sub3A_218 = arith.subf %sub3A, %mul3A_122 : vector<1024x64xf32>
    %mul3A_219 = arith.constant 5.000000e-01 : f32
    %mul3A_220 = vector.broadcast %mul3A_219 : f32 to vector<1024x64xf32>
    %mul3A_221 = arith.mulf %sub3A_218, %mul3A_220 : vector<1024x64xf32>
    %mul3A_222 = arith.constant 0.318309873 : f32
    %mul3A_223 = vector.broadcast %mul3A_222 : f32 to vector<1024x64xf32>
    %mul3A_224 = arith.mulf %mul3A_221, %mul3A_223 : vector<1024x64xf32>
    %round3A_225 = math.roundeven %mul3A_224 : vector<1024x64xf32>
    %sub3A_226 = arith.subf %mul3A_224, %round3A_225 : vector<1024x64xf32>
    %mul3A_227 = arith.mulf %sub3A_226, %sub3A_226 : vector<1024x64xf32>
    %mul3A_228 = arith.constant -0.00737043098 : f32
    %mul3A_229 = vector.broadcast %mul3A_228 : f32 to vector<1024x64xf32>
    %mul3A_230 = arith.mulf %mul3A_227, %mul3A_229 : vector<1024x64xf32>
    %add3A_231 = arith.constant 0.0821458846 : f32
    %add3A_232 = vector.broadcast %add3A_231 : f32 to vector<1024x64xf32>
    %add3A_233 = arith.addf %add3A_232, %mul3A_230 : vector<1024x64xf32>
    %mul3A_234 = arith.mulf %mul3A_227, %add3A_233 : vector<1024x64xf32>
    %add3A_235 = arith.constant -0.599264503 : f32
    %add3A_236 = vector.broadcast %add3A_235 : f32 to vector<1024x64xf32>
    %add3A_237 = arith.addf %add3A_236, %mul3A_234 : vector<1024x64xf32>
    %mul3A_238 = arith.mulf %mul3A_227, %add3A_237 : vector<1024x64xf32>
    %add3A_239 = arith.constant 2.55016398 : f32
    %add3A_240 = vector.broadcast %add3A_239 : f32 to vector<1024x64xf32>
    %add3A_241 = arith.addf %add3A_240, %mul3A_238 : vector<1024x64xf32>
    %mul3A_242 = arith.mulf %mul3A_227, %add3A_241 : vector<1024x64xf32>
    %add3A_243 = arith.constant -5.16771269 : f32
    %add3A_244 = vector.broadcast %add3A_243 : f32 to vector<1024x64xf32>
    %add3A_245 = arith.addf %add3A_244, %mul3A_242 : vector<1024x64xf32>
    %mul3A_246 = arith.mulf %mul3A_227, %add3A_245 : vector<1024x64xf32>
    %add3A_247 = arith.constant 3.14159274 : f32
    %add3A_248 = vector.broadcast %add3A_247 : f32 to vector<1024x64xf32>
    %add3A_249 = arith.addf %add3A_248, %mul3A_246 : vector<1024x64xf32>
    %mul3A_250 = arith.mulf %sub3A_226, %add3A_249 : vector<1024x64xf32>
    %abs3A_251 = math.absf %mul3A_250 : vector<1024x64xf32>
    %lt3A = arith.cmpf olt, %abs3A, %abs3A_183 : vector<1024x64xf32>
    %min3A = arith.minimumf %abs3A_217, %abs3A_251 : vector<1024x64xf32>
    %jit3A = arith.constant 0.000000e+00 : f32
    %broadcast_in_dim3A = vector.broadcast %jit3A : f32 to vector<1024x64xf32>
    %select_n3A = arith.select %lt3A, %broadcast_in_dim3A, %min3A : vector<1024x64xi1>, vector<1024x64xf32>
    %min3A_252 = arith.minimumf %abs3A, %abs3A_183 : vector<1024x64xf32>
    %mul3A_253 = arith.constant 2.000000e-02 : f32
    %mul3A_254 = vector.broadcast %mul3A_253 : f32 to vector<1024x64xf32>
    %mul3A_255 = arith.mulf %mul3A_254, %min3A_252 : vector<1024x64xf32>
    %add3A_256 = arith.addf %select_n3A, %mul3A_255 : vector<1024x64xf32>
    %broadcast_in_dim3A_257 = arith.constant 1.000000e+00 : f32
    %broadcast_in_dim3A_258 = vector.broadcast %broadcast_in_dim3A_257 : f32 to vector<1x64xf32>
    %dot_general3A_259 = arith.constant dense<0.000000e+00> : vector<1x1024xf32>
    %dot_general3A_260 = tpu.matmul %broadcast_in_dim3A_258, %add3A_256, %dot_general3A_259 {dimension_numbers = #tpu.dot_dimension_numbers<[1], [1], [0], [0], [0, 0, 1, 0], [], []>, transpose_lhs_hint = false} : vector<1x64xf32>, vector<1024x64xf32>, vector<1x1024xf32> -> vector<1x1024xf32>
    %get3A_261 = arith.constant 0 : index
    %get3A_262 = memref.load %arg18[%get3A_261] : memref<1xf32, #tpu.memory_space<smem>>
    %mul3A_263 = vector.broadcast %get3A_262 : f32 to vector<1x1024xf32>
    %mul3A_264 = arith.mulf %dot_general3A_260, %mul3A_263 : vector<1x1024xf32>
    %sub3A_265 = arith.constant 2.400000e+01 : f32
    %sub3A_266 = vector.broadcast %sub3A_265 : f32 to vector<1x1024xf32>
    %sub3A_267 = arith.subf %sub3A_266, %mul3A_264 : vector<1x1024xf32>
    %swap3A = arith.constant 0 : index
    %swap3A_268 = arith.constant 0 : index
    %swap3A_269 = arith.constant 0 : index
    %swap3A_270 = vector.load %arg19[%swap3A, %swap3A_268, %swap3A_269] : memref<1x1x1024xf32, #tpu.memory_space<vmem>>, vector<1x1x1024xf32>
    %swap3A_271 = vector.shape_cast %swap3A_270 : vector<1x1x1024xf32> to vector<1x1024xf32>
    %swap3A_272 = vector.shape_cast %sub3A_267 : vector<1x1024xf32> to vector<1x1x1024xf32>
    tpu.vector_store %arg19[%swap3A, %swap3A_268, %swap3A_269], %swap3A_272 {strides = array<i32>} : memref<1x1x1024xf32, #tpu.memory_space<vmem>>, vector<1x1x1024xf32>,
    return
  }
  func.func @transform_0(%arg0: i32) -> (i32, i32) {
    %c0_i32 = arith.constant 0 : i32
    %c0_i32_0 = arith.constant 0 : i32
    return %arg0, %c0_i32 : i32, i32
  }
  func.func @transform_1(%arg0: i32) -> (i32, i32) {
    %c0_i32 = arith.constant 0 : i32
    %c0_i32_0 = arith.constant 0 : i32
    return %arg0, %c0_i32 : i32, i32
  }
  func.func @transform_2(%arg0: i32) -> (i32, i32, i32) {
    %c0_i32 = arith.constant 0 : i32
    %c0_i32_0 = arith.constant 0 : i32
    %c0_i32_1 = arith.constant 0 : i32
    return %arg0, %c0_i32, %c0_i32_0 : i32, i32, i32
  }
  func.func @transform_3(%arg0: i32) -> (i32, i32, i32) {
    %c0_i32 = arith.constant 0 : i32
    %c0_i32_0 = arith.constant 0 : i32
    %c0_i32_1 = arith.constant 0 : i32
    return %arg0, %c0_i32, %c0_i32_0 : i32, i32, i32
  }
  func.func @transform_4(%arg0: i32) -> (i32, i32) {
    %c0_i32 = arith.constant 0 : i32
    %c0_i32_0 = arith.constant 0 : i32
    %c0_i32_1 = arith.constant 0 : i32
    return %c0_i32, %c0_i32_0 : i32, i32
  }
  func.func @transform_5(%arg0: i32) -> (i32, i32) {
    %c0_i32 = arith.constant 0 : i32
    %c0_i32_0 = arith.constant 0 : i32
    %c0_i32_1 = arith.constant 0 : i32
    return %c0_i32, %c0_i32_0 : i32, i32
  }
  func.func @transform_6(%arg0: i32) -> (i32, i32) {
    %c0_i32 = arith.constant 0 : i32
    %c0_i32_0 = arith.constant 0 : i32
    %c0_i32_1 = arith.constant 0 : i32
    return %c0_i32, %c0_i32_0 : i32, i32
  }
  func.func @transform_7(%arg0: i32) -> (i32, i32) {
    %c0_i32 = arith.constant 0 : i32
    %c0_i32_0 = arith.constant 0 : i32
    %c0_i32_1 = arith.constant 0 : i32
    return %c0_i32, %c0_i32_0 : i32, i32
  }
  func.func @transform_8(%arg0: i32) -> (i32, i32) {
    %c0_i32 = arith.constant 0 : i32
    %c0_i32_0 = arith.constant 0 : i32
    %c0_i32_1 = arith.constant 0 : i32
    return %c0_i32, %c0_i32_0 : i32, i32
  }
  func.func @transform_9(%arg0: i32) -> (i32, i32) {
    %c0_i32 = arith.constant 0 : i32
    %c0_i32_0 = arith.constant 0 : i32
    %c0_i32_1 = arith.constant 0 : i32
    return %c0_i32, %c0_i32_0 : i32, i32
  }
  func.func @transform_10(%arg0: i32) -> (i32, i32) {
    %c0_i32 = arith.constant 0 : i32
    %c0_i32_0 = arith.constant 0 : i32
    %c0_i32_1 = arith.constant 0 : i32
    return %c0_i32, %c0_i32_0 : i32, i32
  }
  func.func @transform_11(%arg0: i32) -> (i32, i32) {
    %c0_i32 = arith.constant 0 : i32
    %c0_i32_0 = arith.constant 0 : i32
    %c0_i32_1 = arith.constant 0 : i32
    return %c0_i32, %c0_i32_0 : i32, i32
  }
  func.func @transform_12(%arg0: i32) -> (i32, i32) {
    %c0_i32 = arith.constant 0 : i32
    %c0_i32_0 = arith.constant 0 : i32
    %c0_i32_1 = arith.constant 0 : i32
    return %c0_i32, %c0_i32_0 : i32, i32
  }
  func.func @transform_13(%arg0: i32) -> (i32, i32) {
    %c0_i32 = arith.constant 0 : i32
    %c0_i32_0 = arith.constant 0 : i32
    %c0_i32_1 = arith.constant 0 : i32
    return %c0_i32, %c0_i32_0 : i32, i32
  }
  func.func @transform_14(%arg0: i32) -> (i32, i32) {
    %c0_i32 = arith.constant 0 : i32
    %c0_i32_0 = arith.constant 0 : i32
    %c0_i32_1 = arith.constant 0 : i32
    return %c0_i32, %c0_i32_0 : i32, i32
  }
  func.func @transform_15(%arg0: i32) -> (i32, i32) {
    %c0_i32 = arith.constant 0 : i32
    %c0_i32_0 = arith.constant 0 : i32
    %c0_i32_1 = arith.constant 0 : i32
    return %c0_i32, %c0_i32_0 : i32, i32
  }
  func.func @transform_16(%arg0: i32) -> (i32, i32) {
    %c0_i32 = arith.constant 0 : i32
    %c0_i32_0 = arith.constant 0 : i32
    %c0_i32_1 = arith.constant 0 : i32
    return %c0_i32, %c0_i32_0 : i32, i32
  }
  func.func @transform_17(%arg0: i32) -> i32 {
    %c0_i32 = arith.constant 0 : i32
    %c0_i32_0 = arith.constant 0 : i32
    return %c0_i32 : i32
  }
  func.func @transform_18(%arg0: i32) -> (i32, i32, i32) {
    %c0_i32 = arith.constant 0 : i32
    %c0_i32_0 = arith.constant 0 : i32
    %c0_i32_1 = arith.constant 0 : i32
    return %arg0, %c0_i32, %c0_i32_0 : i32, i32, i32
  }
}

</mosaic_0001>

<sc_bundles>
// kernel: kernel.11.cloned.1.call-start
scs
__scs_entry_jumppad:
0x0: {  	(pc) =	sbr.rel $0x88, $3  }
0x1: {  	(tag) =	ssettag $0x0;
	lr =	simm.s32 $0x1  }
0x2: {  	[smem:$0x3F91] =	sst lr;
	_ =	strace $0xD0000000  }
0x3: {  	_ = 	snop  }
0x4: {  	_ = 	snop  }
0x5: {  	_ = 	snop  }
0x6: {  	_ = 	snop  }
0x7: {  	_ = 	snop  }
__scs_overlays_trampoline_lowered:
0x8: {  	[smem:$0x3FA0] =	sst s0  }
0x9: {  	[smem:$0x3FA1] =	sst s1  }
0xa: {  	[smem:$0x3FA2] =	sst s2  }
0xb: {  	[smem:$0x3FA3] =	sst s3  }
0xc: {  	[smem:$0x3FA4] =	sst s4  }
0xd: {  	[smem:$0x3FA5] =	sst s5  }
0xe: {  	[smem:$0x3FA6] =	sst s6  }
0xf: {  	[smem:$0x3FA7] =	sst s7  }
0x10: {  	[smem:$0x3FA8] =	sst s8  }
0x11: {  	[smem:$0x3FA9] =	sst s9;
	s0 =	simm.s32 @!p0 $0x0  }
0x12: {  	s1 =	sld [smem:$0x3F8F];
	s0 =	simm.s32 @p0 $0x1  }
0x13: {  	[smem:$0x3FAA] =	sst s0;
	s0 =	simm.s32 @!p1 $0x0  }
0x14: {  	s2 =	sld [smem:$0x3F8E];
	s0 =	simm.s32 @p1 $0x1  }
0x15: {  	[smem:$0x3FAB] =	sst s0;
	s0 =	simm.s32 @!p2 $0x0  }
0x16: {  	s3 =	sld [smem:$0x3FDB];
	s0 =	simm.s32 @p2 $0x1  }
0x17: {  	s4 =	simm.s32 $0x1BF5;
	[smem:$0x3FAD] =	sst s0  }
0x18: {  	s0 =	sld [smem:$0x3F90];
	_ =	swait.ge [sflag:s4], $0x0  }
0x19: {  	s7 =	sld [smem:$0x3F91]  }
0x1a: {  	s8 =	sadd.s32 $0xFFFFE003, lr  }
0x1b: {  	s9 =	sadd.s32 $0xFFFFFEF7, lr;
	s5 =	simm.s32 $0xFFFFFFFF;
	p2 =	slt.u32 s8, $0xFFFFF086  }
0x1c: {  	p1 =	slt.u32 s9, $0xF7A;
	s5 =	simm.s32 @!p2 $0x0  }
0x1d: {  	s5 =	simm.s32 @p1 $0x1;
	p0 =	seq.s32 s7, s2  }
0x1e: {  	s7 =	smul.u32 @!p0 $0xF7A, s2;
	p2 =	seq.s32 @!p0 s5, $0x0  }
0x1f: {  	s9 =	smul.u32 $0xF7A, s1;
	s8 =	simm.s32 @!p0 $0x1BF5;
	p2 =	por !p2, p0  }
0x20: {  	[sflag:s8] =	ssyncset.s32 @!p0 $0xFFFFF086;
	s6 =	sadd.s32 @!p0 s3, s7;
	s7 =	simm.s32 @!p0 $0x108  }
0x21: {  	s3 =	sadd.s32 s3, s9;
	s6 =	sadd.s32 @!p0 $0x88, s6;
	s7 =	simm.s32 @p2 $0x1082  }
0x22: {  	[simem:s7], [sflag:s8] =	dma.local @!p0 [hbm:s6], $0xF7A  }
0x23: {  	s9 =	sor.u32 $0xD0000000, s2;
	s6 =	simm.s32 $0x108;
	_ =	swait.ge @!p0 [sflag:s8], $0x0  }
0x24: {  	s3 =	sadd.s32 $0x88, s3;
	s6 =	simm.s32 @!p1 $0x1082;
	[sflag:s4] =	ssyncset.s32 $0xFFFFF086  }
0x25: {  	[simem:s6], [sflag:s4] =	dma.local [hbm:s3], $0xF7A  }
0x26: {  	[smem:$0x3F91] =	sst s1;
	(tag) =	ssettag s2;
	_ =	strace s9  }
0x27: {  	s1 =	sld [smem:$0x3FA1]  }
0x28: {  	s2 =	sld [smem:$0x3FA2]  }
0x29: {  	s4 =	sld [smem:$0x3FA4]  }
0x2a: {  	p0 =	seq.s32 s5, $0x0;
	s5 =	sld [smem:$0x3FA5]  }
0x2b: {  	s6 =	sld [smem:$0x3FA6]  }
0x2c: {  	s7 =	sld [smem:$0x3FA7]  }
0x2d: {  	s3 =	simm.s32 $0x108;
	s8 =	sld [smem:$0x3FA8]  }
0x2e: {  	s3 =	simm.s32 @!p0 $0x1082;
	s9 =	sld [smem:$0x3FA9]  }
0x2f: {  	lr =	sadd.s32 s0, s3;
	s0 =	sld [smem:$0x3FA0]  }
0x30: {  	s3 =	sld [smem:$0x3FA3]  }
0x31: {  	[smem:$0x3FAC] =	sst s10  }
0x32: {  	s10 =	sld [smem:$0x3FAA];
	_ =	sdelay $0x3  }
0x33: {  	p0 =	seq.s32 s10, $0x1;
	s10 =	sld [smem:$0x3FAC];
	_ =	sdelay $0x3  }
0x34: {  	[smem:$0x3FAC] =	sst s10  }
0x35: {  	s10 =	sld [smem:$0x3FAB];
	_ =	sdelay $0x3  }
0x36: {  	p1 =	seq.s32 s10, $0x1;
	s10 =	sld [smem:$0x3FAC];
	_ =	sdelay $0x3  }
0x37: {  	[smem:$0x3FAC] =	sst s10  }
0x38: {  	s10 =	sld [smem:$0x3FAD]  }
0x39: {  	_ = 	snop;
	(pc) =	sbr.ind lr, $3  }
0x3a: {  	_ = 	snop  }
0x3b: {  	_ = 	snop  }
0x3c: {  	p2 =	seq.s32 s10, $0x1;
	s10 =	sld [smem:$0x3FAC]  }
0x3d: {  	_ =	shalt  }
0x3e: {  	_ =	shalt  }
0x3f: {  	_ =	shalt  }
0x40: {  	_ =	shalt  }
0x41: {  	_ =	shalt  }
0x42: {  	_ =	shalt  }
0x43: {  	_ =	shalt  }
0x44: {  	_ =	shalt  }
0x45: {  	_ =	shalt  }
0x46: {  	_ =	shalt  }
0x47: {  	_ =	shalt  }
0x48: {  	_ =	shalt  }
0x49: {  	_ =	shalt  }
0x4a: {  	_ =	shalt  }
0x4b: {  	_ =	shalt  }
0x4c: {  	_ =	shalt  }
0x4d: {  	_ =	shalt  }
0x4e: {  	_ =	shalt  }
0x4f: {  	_ =	shalt  }
0x50: {  	_ =	shalt  }
0x51: {  	_ =	shalt  }
0x52: {  	_ =	shalt  }
0x53: {  	_ =	shalt  }
0x54: {  	_ =	shalt  }
0x55: {  	_ =	shalt  }
0x56: {  	_ =	shalt  }
0x57: {  	_ =	shalt  }
0x58: {  	_ =	shalt  }
0x59: {  	_ =	shalt  }
0x5a: {  	_ =	shalt  }
0x5b: {  	_ =	shalt  }
0x5c: {  	_ =	shalt  }
0x5d: {  	_ =	shalt  }
0x5e: {  	_ =	shalt  }
0x5f: {  	_ =	shalt  }
0x60: {  	_ =	shalt  }
0x61: {  	_ =	shalt  }
0x62: {  	_ =	shalt  }
0x63: {  	_ =	shalt  }
0x64: {  	_ =	shalt  }
0x65: {  	_ =	shalt  }
0x66: {  	_ =	shalt  }
0x67: {  	_ =	shalt  }
0x68: {  	_ =	shalt  }
0x69: {  	_ =	shalt  }
0x6a: {  	_ =	shalt  }
0x6b: {  	_ =	shalt  }
0x6c: {  	_ =	shalt  }
0x6d: {  	_ =	shalt  }
0x6e: {  	_ =	shalt  }
0x6f: {  	_ =	shalt  }
0x70: {  	_ =	shalt  }
0x71: {  	_ =	shalt  }
0x72: {  	_ =	shalt  }
0x73: {  	_ =	shalt  }
0x74: {  	_ =	shalt  }
0x75: {  	_ =	shalt  }
0x76: {  	_ =	shalt  }
0x77: {  	_ =	shalt  }
0x78: {  	_ =	shalt  }
0x79: {  	_ =	shalt  }
0x7a: {  	_ =	shalt  }
0x7b: {  	_ =	shalt  }
0x7c: {  	_ =	shalt  }
0x7d: {  	_ =	shalt  }
0x7e: {  	_ =	shalt  }
0x7f: {  	_ =	shalt  }
0x80: {  	_ =	shalt  }
0x81: {  	_ =	shalt  }
0x82: {  	_ =	shalt  }
0x83: {  	_ =	shalt  }
0x84: {  	_ =	shalt  }
0x85: {  	_ =	shalt  }
0x86: {  	_ =	shalt  }
0x87: {  	_ =	shalt  }
.Lfunc_end0:
.L_simem_size_0:
called_computation_lowered:
.L_overlay_start_0:
0x88: {  	s2 =	sld [smem:$0x3FD9]  }
0x89: {  	s3 =	sld [smem:$0x3FFE];
	_ =	sdelay $0x1  }
0x8a: {  	s1 =	srdreg.scid  }
0x8b: {  	s0 =	sand.u32 $0x1, s1  }
0x8c: {  	s17 =	sshll.u32 s0, $0xA;
	s2 =	sadd.s32 s3, s2  }
0x8d: {  	s2 =	sadd.s32 s2, s17  }
0x8e: {  	[smem:$0x3FB8] =	sst s2  }
0x8f: {  	_ = 	snop  }
0x90: {  	s18 =	sld [smem:$0x3FD0];
	(tm) =	ssettm $0x1  }
0x91: {  	s19 =	sld [smem:$0x3FFB];
	_ =	sdelay $0x3  }
0x92: {  	_ =	strace s19  }
0x93: {  	s2 =	sld [smem:$0x3FFC];
	_ =	sdelay $0x3  }
0x94: {  	_ =	strace s2  }
0x95: {  	s2 =	sld [smem:$0x3FFD];
	_ =	sdelay $0x3  }
0x96: {  	_ =	strace s2  }
0x97: {  	_ =	strace $0x8FFFFFFF  }
0x98: {  	s20 =	sld [smem:$0x3FDB];
	_ =	sdelay $0x1  }
0x99: {  	s4 =	simm.s32 $_scs_section_size  }
0x9a: {  	s5 =	simm.s32 $_size__tile_overlayer_lowered;
	s6 =	simm.s32 $_tile_overlayer_lowered  }
0x9b: {  	s7 =	simm.s32 $0x1BFF;
	s21 =	sshll.u32 s6, $0x1;
	s4 =	sadd.s32 s4, s20  }
0x9c: {  	s22 =	simm.s32 $0x0;
	s5 =	sshll.u32 s5, $0x1;
	s6 =	sadd.s32 s21, s4  }
0x9d: {  	[timem:s22], [sflag:s7] =	dma.local [hbm:s6], s5  }
0x9e: {  	_ =	swait.ge [sflag:s7], s5  }
0x9f: {  	s5 =	ssub.s32 $0x0, s5;
	[sflag:s7] =	ssyncset.done $0x0  }
0xa0: {  	[sflag:s7] =	ssyncadd.s32 s5;
	_ =	sdelay $0x1  }
0xa1: {  	s23 =	simm.s32 $0x1B8B  }
0xa2: {  	_ =	swait.ge [sflag:s23], $0x1  }
0xa3: {  	[sflag:s23] =	ssyncset.done $0x0  }
0xa4: {  	[sflag:s23] =	ssyncadd.s32 $0xFFFFFFFF  }
0xa5: {  	s5 =	sld [smem:$0x0]  }
0xa6: {  	s6 =	sand.u32 $0xFFFFFFFE, s1  }
0xa7: {  	p0 =	sne.s32 s1, s6  }
0xa8: {  	s6 =	sshll.u32 @p0 s6, $0xE  }
0xa9: {  	s6 =	sadd.s32 @p0 $0x11B8D, s6;
	s7 =	sshll.u32 @p0 s5, $0x11  }
0xaa: {  	s6 =	sor.u32 @p0 s7, s6  }
0xab: {  	[sflag:s6] =	ssyncadd.remote.s32 @p0 $0x1;
	_ =	sdelay $0x1  }
0xac: {  	s6 =	simm.s32 @p0 $0x1B8D  }
0xad: {  	_ =	swait.eq @p0 [sflag:s6], $0x1  }
0xae: {  	[sflag:s6] =	ssyncadd.s32 @p0 $0xFFFFFFFF  }
0xaf: {  	s7 =	sshll.u32 @!p0 s1, $0xE  }
0xb0: {  	s7 =	sor.u32 @!p0 $0x4000, s7;
	s6 =	simm.s32 @!p0 $0x1B8D  }
0xb1: {  	s5 =	sshll.u32 @!p0 s5, $0x11;
	s7 =	sadd.s32 @!p0 $0x11B8D, s7;
	_ =	swait.eq @!p0 [sflag:s6], $0x1  }
0xb2: {  	s5 =	sor.u32 @!p0 s5, s7;
	[sflag:s6] =	ssyncadd.s32 @!p0 $0xFFFFFFFF  }
0xb3: {  	s25 =	simm.s32 $0x1B8E;
	s24 =	sld [smem:$0x3FFE];
	[sflag:s5] =	ssyncadd.remote.s32 @!p0 $0x1  }
0xb4: {  	s26 =	simm.s32 $execute0_lowered;
	[smem:$0x3FD2] =	sst s25  }
0xb5: {  	s6 =	sshll.u32 s26, $0x1;
	_ =	strace $0x8000004F;
	[dreg:$0x1] =	wrdreg $0xFFFFFFFF  }
0xb6: {  	s28 =	simm.s32 $_size_execute0_lowered;
	s4 =	sadd.s32 s4, s6;
	[dreg:$0x0] =	wrdreg $0x0  }
0xb7: {  	s6 =	sshll.u32 s28, $0x1;
	[dreg:$0x2] =	wrdreg s4  }
0xb8: {  	[dreg:$0x3] =	wrdreg s6  }
0xb9: {  	[dreg:$0x4] =	wrdreg $0xC0  }
0xba: {  	_ =	task [dreg:s22], $0x5FFFF  }
0xbb: {  	[dreg:$0x1] =	wrdreg $0xFFFFFFFF  }
0xbc: {  	[dreg:$0x0] =	wrdreg $0x60  }
0xbd: {  	[dreg:$0x2] =	wrdreg s24  }
0xbe: {  	[dreg:$0x3] =	wrdreg s18  }
0xbf: {  	[dreg:$0x4] =	wrdreg $0x9  }
0xc0: {  	_ =	task.clear_ibuf [dreg:s22], $0x5FFFF;
	_ =	strace $0x9000004F  }
0xc1: {  	s29 =	simm.s32 $0x9;
	_ =	strace $0x80000051  }
0xc2: {  	_ =	swait.ge [sflag:s29], $0x1  }
0xc3: {  	[sflag:s29] =	ssyncadd.s32 $0xFFFFFFFF  }
0xc4: {  	_ =	strace $0x90000051  }
0xc5: {  	_ =	sfence  }
0xc6: {  	s30 =	sld [smem:$0x0];
	_ =	sdelay $0x2  }
0xc7: {  	s31 =	sshll.u32 s1, $0xD;
	s1 =	sshrl.u32 s1, $0x2  }
0xc8: {  	s4 =	sand.u32 $0x4000, s31;
	s1 =	sadd.s32 s1, s30  }
0xc9: {  	s0 =	sor.u32 s4, s0;
	s1 =	sshll.u32 s1, $0x11  }
0xca: {  	s0 =	sor.u32 s1, s0  }
0xcb: {  	s0 =	sadd.s32 $0x8F2B, s0  }
0xcc: {  	[sflag:s0] =	ssyncadd.remote.s32 $0x1  }
0xcd: {  	_ =	sfence.sel $0xFFFF  }
0xce: {  	[dreg:$0x0] =	wrdreg $0xFFFFFFFF;
	(pc) =	sbr.abs _section_cstart, $3  }
0xcf: {  	[dreg:$0x1] =	wrdreg $0xFFFFFFFF  }
0xd0: {  	_ =	task.clear_ibuf [dreg:s22], $0x2FFFF;
	_ =	strace $0x9FFFFFFF  }
0xd1: {  	(tm) =	ssettm $0x7FFFFFFF  }
tec
execute0_lowered:
.L_overlay_start_1:
0x0: {  	(tag) =	ssettag $0x1  }
0x1: {  	s4 =	rddreg [dreg:$0x0]  }
0x2: {  	s10 =	rddreg [dreg:$0x1]  }
0x3: {  	s0 =	rddreg [dreg:$0x2];
	s1 =	simm.s32 $0x0;
	s5 =	srdreg.scid  }
0x4: {  	s2 =	stileid.u32;
	s16 =	simm.s32 $0x10080;
	s17 =	simm.s32 $0x0  }
0x5: {  	[smem:$0x7FF] =	sst s1;
	s6 =	sadd.s32 $0xF48800, s4;
	s3 =	sadd.s32 $0x5800, s4  }
0x6: {  	s5 =	sand.u32 $0x1, s5;
	s8 =	sshll.u32 s2, $0x8;
	s9 =	sadd.s32 $0xFA8A00, s4  }
0x7: {  	s12 =	sadd.s32 $0xFB8A00, s4;
	s7 =	ssub.s32 $0x2, s5;
	s5 =	sshll.u32 s5, $0x7  }
0x8: {  	_ =	strace $0x80000050;
	s11 =	sshrl.u32 s7, $0x1;
	s5 =	sor.u32 s5, s8  }
0x9: {  	s13 =	ssub.s32 s7, s11;
	s8 =	sshrl.u32 s5, $0x3;
	s30 =	sshll.u32 s5, $0x4  }
0xa: {  	s31 =	sor.u32 $0x40, s5;
	s4 =	sadd.s32 s6, s8;
	s5 =	sadd.s32 s9, s30  }
0xb: {  	s14 =	sshrl.u32 s31, $0x3;
	s15 =	sshll.u32 s31, $0x4;
	s8 =	sadd.s32 s10, s8  }
0xc: {  	s6 =	sadd.s32 s6, s14;
	s7 =	sadd.s32 s9, s15;
	s9 =	sadd.s32 s12, s30  }
0xd: {  	v0 =	vlaneseq.u32;
	s10 =	sadd.s32 s10, s14;
	s11 =	sadd.s32 s12, s15;
	s12 =	smax.u32 s13, $0x1  }
0xe: {  	v1 =	vor.u32 $0x10, v0;
	v2 =	vor.u32 $0x20, v0;
	v3 =	vor.u32 $0x30, v0;
	s13 =	simm.s32 $0x2;
	s14 =	simm.s32 $0x1;
	s15 =	simm.s32 $0x80  }
.LBB2_1:
0xf: {  	[tilespmem:s1], [sflag:$0x2] =	stream.linear.gather [hbm4b:s4+s1], $0x40, $0x38;
	[tilespmem:$0x12080] =	vst v63  }
0x10: {  	_ =	swait.ge [sflag:s13], $0x40  }
0x11: {  	[sflag:s13] =	ssyncset.done $0x0  }
0x12: {  	s18 =	sand.u32 $0x30, s1;
	[sflag:s13] =	ssyncadd.s32 $0xFFFFFFC0  }
0x13: {  	v4 =	vld [tilespmem:s18+$0x0];
	_ =	sdelay $0x2  }
0x14: {  	s29 =	sand.u32 $0xF, s1  }
0x15: {  	v5 =	vmov s29  }
0x16: {  	vm0 =	veq.s32 v5, v0;
	v4 =	vxor.u32 $0x80000000, v4  }
0x17: {  	v4 =	vnsel vm0, $0x80000000, v4  }
0x18: {  	(xrf0) =	vmax.scan.msk.u32 $0xffff, v4;
	_ =	sdelay $0x5  }
0x19: {  	v4, _, _ =	vpop (xrf0)  }
0x1a: {  	(v2sf) =	vpush v4, $0xF;
	_ =	sdelay $0xe  }
0x1b: {  	s30 =	spop (v2sf)  }
0x1c: {  	s18 =	sshll.u32 s30, $0x4  }
0x1d: {  	s19 =	simm.s32 $0x1;
	s18 =	sand.u32 $0x1FFFFF80, s18  }
0x1e: {  	s31 =	sand.u32 $0x30, s19;
	s18 =	sadd.s32 s3, s18  }
0x1f: {  	[tilespmem:s15], [sflag:$0x1] =	stream.linear.gather [hbm4b:s18+s1], $0x400, $0x38;
	[tilespmem:$0x12080] =	vst v63  }
0x20: {  	s20 =	simm.s32 $0x2;
	s18 =	simm.s32 $0x80;
	v4 =	vld [tilespmem:s31+$0x0]  }
.LBB2_2:
0x21: {  	p0 =	sne.s32 s20, $0x3F;
	_ =	sdelay $0x1  }
0x22: {  	s21 =	sand.u32 $0xF, s19;
	s19 =	smov.u32 s20  }
0x23: {  	v5 =	vmov s21  }
0x24: {  	vm0 =	veq.s32 v5, v0;
	v4 =	vxor.u32 $0x80000000, v4  }
0x25: {  	v4 =	vnsel vm0, $0x80000000, v4  }
0x26: {  	(xrf0) =	vmax.scan.msk.u32 $0xffff, v4;
	_ =	sdelay $0x5  }
0x27: {  	v4, _, _ =	vpop (xrf0)  }
0x28: {  	(v2sf) =	vpush v4, $0xF;
	_ =	sdelay $0xe  }
0x29: {  	s21 =	spop (v2sf)  }
.Ltmp0:
0x2a: {  	s21 =	sshll.u32 s21, $0x4;
	(pc) =	sbr.rel @p0 .LBB2_2-.Ltmp0, $4  }
0x2b: {  	s21 =	sand.u32 $0x1FFFFF80, s21  }
0x2c: {  	s22 =	sand.u32 $0x30, s20;
	s18 =	sadd.s32 $0x400, s18;
	s21 =	sadd.s32 s3, s21  }
0x2d: {  	[tilespmem:s18], [sflag:$0x1] =	stream.linear.gather [hbm4b:s21+s1], $0x400, $0x38;
	[tilespmem:$0x12080] =	vst v63  }
0x2e: {  	s20 =	sadd.s32 $0x1, s20;
	v4 =	vld [tilespmem:s22+$0x0]  }
0x2f: {  	_ =	sdelay $0x1  }
0x30: {  	s19 =	sand.u32 $0xF, s19  }
0x31: {  	v5 =	vmov s19  }
0x32: {  	vm0 =	veq.s32 v5, v0;
	v4 =	vxor.u32 $0x80000000, v4  }
0x33: {  	v4 =	vnsel vm0, $0x80000000, v4  }
0x34: {  	(xrf0) =	vmax.scan.msk.u32 $0xffff, v4;
	_ =	sdelay $0x5  }
0x35: {  	v4, _, _ =	vpop (xrf0)  }
0x36: {  	(v2sf) =	vpush v4, $0xF;
	_ =	sdelay $0xe  }
0x37: {  	s31 =	spop (v2sf)  }
0x38: {  	s19 =	sshll.u32 s31, $0x4  }
0x39: {  	s19 =	sand.u32 $0x1FFFFF80, s19  }
0x3a: {  	s18 =	sadd.s32 $0x400, s18;
	s19 =	sadd.s32 s3, s19  }
0x3b: {  	[tilespmem:s18], [sflag:$0x1] =	stream.linear.gather [hbm4b:s19+s1], $0x400, $0x38;
	[tilespmem:$0x12080] =	vst v63  }
0x3c: {  	s18 =	simm.s32 $0x40  }
.LBB2_4:
0x3d: {  	p0 =	sne.s32 s18, $0x1  }
.Ltmp1:
0x3e: {  	_ = 	snop;
	(pc) =	sbr.rel @p0 .LBB2_4-.Ltmp1, $4  }
0x3f: {  	_ = 	snop  }
0x40: {  	_ =	swait.ge [sflag:s14], $0x400  }
0x41: {  	[sflag:s14] =	ssyncset.done $0x0  }
0x42: {  	s18 =	sadd.s32 $0xFFFFFFFF, s18;
	[sflag:s14] =	ssyncadd.s32 $0xFFFFFC00  }
0x43: {  	s18 =	simm.s32 $0x0  }
0x44: {  	s19 =	sand.u32 $0x30, s18  }
0x45: {  	v4 =	vld [tilespmem:s19+$0x0];
	_ =	sdelay $0x3  }
0x46: {  	v5 =	vmov s18  }
0x47: {  	v4 =	vperm.xlane v4, v5;
	_ =	sdelay $0x1  }
0x48: {  	v4 =	vshll.u32 v4, $0x7  }
0x49: {  	s31 =	simm.s32 $0x0;
	v4 =	vand.u32 $0x380, v4  }
0x4a: {  	v4 =	vor.u32 s31, v4  }
0x4b: {  	v5 =	vor.u32 v0, v4;
	_ =	sdelay $0x4  }
0x4c: {  	v5 =	vld.idx.msk [tilespmem:v5+s15+$0x0], $0xffff  }
0x4d: {  	v6 =	vor.u32 v1, v4;
	_ =	sdelay $0x2  }
0x4e: {  	s18 =	simm.s32 $0x100A0  }
0x4f: {  	[tilespmem:s18+$0xFFFFFFE0] =	vst v5  }
0x50: {  	v5 =	vld.idx.msk [tilespmem:v6+s15+$0x0], $0xffff  }
0x51: {  	v6 =	vor.u32 v2, v4;
	_ =	sdelay $0x3  }
0x52: {  	[tilespmem:s18+$0xFFFFFFF0] =	vst v5  }
0x53: {  	v5 =	vld.idx.msk [tilespmem:v6+s15+$0x0], $0xffff  }
0x54: {  	v4 =	vor.u32 v3, v4;
	_ =	sdelay $0x3  }
0x55: {  	[tilespmem:s18+$0x0] =	vst v5  }
0x56: {  	s20 =	simm.s32 $0x2;
	s19 =	simm.s32 $0x1;
	v4 =	vld.idx.msk [tilespmem:v4+s15+$0x0], $0xffff  }
.LBB2_6:
0x57: {  	_ =	sdelay $0x2  }
0x58: {  	s21 =	sand.u32 $0x30, s19  }
0x59: {  	s22 =	smov.u32 s20;
	s23 =	sadd.s32 $0x1, s20;
	[tilespmem:s18+$0x10] =	vst v4;
	s18 =	sadd.s32 $0x80, s18  }
0x5a: {  	p0 =	sne.s32 s20, $0x3F;
	v4 =	vld [tilespmem:s21+$0x0];
	_ =	sdelay $0x3  }
0x5b: {  	v5 =	vmov s19  }
0x5c: {  	v4 =	vperm.xlane v4, v5;
	_ =	sdelay $0x1  }
0x5d: {  	v4 =	vshll.u32 v4, $0x7  }
0x5e: {  	s20 =	sshll.u32 s19, $0xA;
	s19 =	smov.u32 s22;
	v4 =	vand.u32 $0x380, v4  }
0x5f: {  	v4 =	vor.u32 s20, v4  }
0x60: {  	v5 =	vor.u32 v0, v4;
	_ =	sdelay $0x4  }
0x61: {  	v5 =	vld.idx.msk [tilespmem:v5+s15+$0x0], $0xffff;
	_ =	sdelay $0x1  }
0x62: {  	v6 =	vor.u32 v1, v4;
	_ =	sdelay $0x3  }
0x63: {  	[tilespmem:s18+$0xFFFFFFE0] =	vst v5  }
0x64: {  	v5 =	vld.idx.msk [tilespmem:v6+s15+$0x0], $0xffff;
	_ =	sdelay $0x1  }
0x65: {  	v6 =	vor.u32 v2, v4;
	_ =	sdelay $0x3  }
0x66: {  	[tilespmem:s18+$0xFFFFFFF0] =	vst v5  }
0x67: {  	v5 =	vld.idx.msk [tilespmem:v6+s15+$0x0], $0xffff;
	_ =	sdelay $0x1  }
0x68: {  	v4 =	vor.u32 v3, v4  }
.Ltmp2:
0x69: {  	(pc) =	sbr.rel @p0 .LBB2_6-.Ltmp2, $3  }
0x6a: {  	_ =	sdelay $0x1  }
0x6b: {  	[tilespmem:s18+$0x0] =	vst v5  }
0x6c: {  	s20 =	smov.u32 s23;
	v4 =	vld.idx.msk [tilespmem:v4+s15+$0x0], $0xffff  }
0x6d: {  	_ =	sdelay $0x3  }
0x6e: {  	s20 =	sand.u32 $0x30, s19;
	[tilespmem:s18+$0x10] =	vst v4  }
0x6f: {  	v4 =	vld [tilespmem:s20+$0x0];
	_ =	sdelay $0x3  }
0x70: {  	v5 =	vmov s19  }
0x71: {  	v4 =	vperm.xlane v4, v5;
	_ =	sdelay $0x1  }
0x72: {  	v4 =	vshll.u32 v4, $0x7  }
0x73: {  	s24 =	sshll.u32 s19, $0xA;
	v4 =	vand.u32 $0x380, v4  }
0x74: {  	v4 =	vor.u32 s24, v4  }
0x75: {  	v5 =	vor.u32 v0, v4;
	_ =	sdelay $0x4  }
0x76: {  	v5 =	vld.idx.msk [tilespmem:v5+s15+$0x0], $0xffff  }
0x77: {  	v6 =	vor.u32 v1, v4;
	_ =	sdelay $0x2  }
0x78: {  	s25 =	sadd.s32 $0x80, s18  }
0x79: {  	[tilespmem:s25+$0xFFFFFFE0] =	vst v5  }
0x7a: {  	v5 =	vld.idx.msk [tilespmem:v6+s15+$0x0], $0xffff  }
0x7b: {  	v6 =	vor.u32 v2, v4;
	_ =	sdelay $0x3  }
0x7c: {  	[tilespmem:s25+$0xFFFFFFF0] =	vst v5  }
0x7d: {  	v5 =	vld.idx.msk [tilespmem:v6+s15+$0x0], $0xffff  }
0x7e: {  	v4 =	vor.u32 v3, v4;
	_ =	sdelay $0x3  }
0x7f: {  	[tilespmem:s25+$0x0] =	vst v5  }
0x80: {  	v4 =	vld.idx.msk [tilespmem:v4+s15+$0x0], $0xffff;
	_ =	sdelay $0x4  }
0x81: {  	s26 =	simm.s32 $0x0;
	[tilespmem:s25+$0x10] =	vst v4  }
0x82: {  	[hbm4b:s5+s26] =	stream.linear.scatter [tilespmem:s16], [sflag:$0x2], $0x2000, $0x38;
	[tilespmem:$0x12080] =	vst v63  }
0x83: {  	_ =	swait.ge [sflag:s13], $0x2000  }
0x84: {  	[sflag:s13] =	ssyncset.done $0x0  }
0x85: {  	[sflag:s13] =	ssyncadd.s32 $0xFFFFE000  }
0x86: {  	[tilespmem:s26], [sflag:$0x2] =	stream.linear.gather [hbm4b:s6+s26], $0x40, $0x38;
	[tilespmem:$0x12080] =	vst v63  }
0x87: {  	_ =	swait.ge [sflag:s13], $0x40  }
0x88: {  	[sflag:s13] =	ssyncset.done $0x0  }
0x89: {  	s28 =	sand.u32 $0x30, s26;
	[sflag:s13] =	ssyncadd.s32 $0xFFFFFFC0  }
0x8a: {  	v4 =	vld [tilespmem:s28+$0x0];
	_ =	sdelay $0x2  }
0x8b: {  	s18 =	sand.u32 $0xF, s26  }
0x8c: {  	v5 =	vmov s18  }
0x8d: {  	vm0 =	veq.s32 v5, v0;
	v4 =	vxor.u32 $0x80000000, v4  }
0x8e: {  	v4 =	vnsel vm0, $0x80000000, v4  }
0x8f: {  	(xrf0) =	vmax.scan.msk.u32 $0xffff, v4;
	_ =	sdelay $0x5  }
0x90: {  	v4, _, _ =	vpop (xrf0)  }
0x91: {  	(v2sf) =	vpush v4, $0xF;
	_ =	sdelay $0xe  }
0x92: {  	s29 =	spop (v2sf)  }
0x93: {  	s18 =	sshll.u32 s29, $0x4  }
0x94: {  	s19 =	simm.s32 $0x1;
	s30 =	sand.u32 $0x1FFFFF80, s18  }
0x95: {  	s31 =	sand.u32 $0x30, s19;
	s18 =	simm.s32 $0x80;
	s20 =	sadd.s32 s3, s30  }
0x96: {  	[tilespmem:s18], [sflag:$0x1] =	stream.linear.gather [hbm4b:s20+s1], $0x400, $0x38;
	[tilespmem:$0x12080] =	vst v63  }
0x97: {  	s20 =	simm.s32 $0x2;
	v4 =	vld [tilespmem:s31+$0x0]  }
.LBB2_8:
0x98: {  	p0 =	sne.s32 s20, $0x3F;
	_ =	sdelay $0x1  }
0x99: {  	s21 =	sand.u32 $0xF, s19;
	s19 =	smov.u32 s20  }
0x9a: {  	v5 =	vmov s21  }
0x9b: {  	vm0 =	veq.s32 v5, v0;
	v4 =	vxor.u32 $0x80000000, v4  }
0x9c: {  	v4 =	vnsel vm0, $0x80000000, v4  }
0x9d: {  	(xrf0) =	vmax.scan.msk.u32 $0xffff, v4;
	_ =	sdelay $0x5  }
0x9e: {  	v4, _, _ =	vpop (xrf0)  }
0x9f: {  	(v2sf) =	vpush v4, $0xF;
	_ =	sdelay $0xe  }
0xa0: {  	s21 =	spop (v2sf)  }
.Ltmp3:
0xa1: {  	s21 =	sshll.u32 s21, $0x4;
	(pc) =	sbr.rel @p0 .LBB2_8-.Ltmp3, $4  }
0xa2: {  	s21 =	sand.u32 $0x1FFFFF80, s21  }
0xa3: {  	s22 =	sand.u32 $0x30, s20;
	s18 =	sadd.s32 $0x400, s18;
	s21 =	sadd.s32 s3, s21  }
0xa4: {  	[tilespmem:s18], [sflag:$0x1] =	stream.linear.gather [hbm4b:s21+s1], $0x400, $0x38;
	[tilespmem:$0x12080] =	vst v63  }
0xa5: {  	s20 =	sadd.s32 $0x1, s20;
	v4 =	vld [tilespmem:s22+$0x0]  }
0xa6: {  	_ =	sdelay $0x1  }
0xa7: {  	s19 =	sand.u32 $0xF, s19  }
0xa8: {  	v5 =	vmov s19  }
0xa9: {  	vm0 =	veq.s32 v5, v0;
	v4 =	vxor.u32 $0x80000000, v4  }
0xaa: {  	v4 =	vnsel vm0, $0x80000000, v4  }
0xab: {  	(xrf0) =	vmax.scan.msk.u32 $0xffff, v4;
	_ =	sdelay $0x5  }
0xac: {  	v4, _, _ =	vpop (xrf0)  }
0xad: {  	(v2sf) =	vpush v4, $0xF;
	_ =	sdelay $0xe  }
0xae: {  	s31 =	spop (v2sf)  }
0xaf: {  	s19 =	sshll.u32 s31, $0x4  }
0xb0: {  	s19 =	sand.u32 $0x1FFFFF80, s19  }
0xb1: {  	s18 =	sadd.s32 $0x400, s18;
	s19 =	sadd.s32 s3, s19  }
0xb2: {  	[tilespmem:s18], [sflag:$0x1] =	stream.linear.gather [hbm4b:s19+s1], $0x400, $0x38;
	[tilespmem:$0x12080] =	vst v63  }
0xb3: {  	s18 =	simm.s32 $0x40  }
.LBB2_10:
0xb4: {  	p0 =	sne.s32 s18, $0x1  }
.Ltmp4:
0xb5: {  	_ = 	snop;
	(pc) =	sbr.rel @p0 .LBB2_10-.Ltmp4, $4  }
0xb6: {  	_ = 	snop  }
0xb7: {  	_ =	swait.ge [sflag:s14], $0x400  }
0xb8: {  	[sflag:s14] =	ssyncset.done $0x0  }
0xb9: {  	s18 =	sadd.s32 $0xFFFFFFFF, s18;
	[sflag:s14] =	ssyncadd.s32 $0xFFFFFC00  }
0xba: {  	s18 =	simm.s32 $0x0  }
0xbb: {  	s19 =	sand.u32 $0x30, s18  }
0xbc: {  	v4 =	vld [tilespmem:s19+$0x0];
	_ =	sdelay $0x3  }
0xbd: {  	v5 =	vmov s18  }
0xbe: {  	v4 =	vperm.xlane v4, v5;
	_ =	sdelay $0x1  }
0xbf: {  	v4 =	vshll.u32 v4, $0x7  }
0xc0: {  	s31 =	simm.s32 $0x0;
	v4 =	vand.u32 $0x380, v4  }
0xc1: {  	v4 =	vor.u32 s31, v4  }
0xc2: {  	v5 =	vor.u32 v0, v4;
	_ =	sdelay $0x4  }
0xc3: {  	v5 =	vld.idx.msk [tilespmem:v5+s15+$0x0], $0xffff  }
0xc4: {  	v6 =	vor.u32 v1, v4;
	_ =	sdelay $0x2  }
0xc5: {  	s18 =	simm.s32 $0x100A0  }
0xc6: {  	[tilespmem:s18+$0xFFFFFFE0] =	vst v5  }
0xc7: {  	v5 =	vld.idx.msk [tilespmem:v6+s15+$0x0], $0xffff  }
0xc8: {  	v6 =	vor.u32 v2, v4;
	_ =	sdelay $0x3  }
0xc9: {  	[tilespmem:s18+$0xFFFFFFF0] =	vst v5  }
0xca: {  	v5 =	vld.idx.msk [tilespmem:v6+s15+$0x0], $0xffff  }
0xcb: {  	v4 =	vor.u32 v3, v4;
	_ =	sdelay $0x3  }
0xcc: {  	[tilespmem:s18+$0x0] =	vst v5  }
0xcd: {  	s20 =	simm.s32 $0x2;
	s19 =	simm.s32 $0x1;
	v4 =	vld.idx.msk [tilespmem:v4+s15+$0x0], $0xffff  }
.LBB2_12:
0xce: {  	_ =	sdelay $0x2  }
0xcf: {  	s21 =	sand.u32 $0x30, s19  }
0xd0: {  	s22 =	smov.u32 s20;
	s23 =	sadd.s32 $0x1, s20;
	[tilespmem:s18+$0x10] =	vst v4;
	s18 =	sadd.s32 $0x80, s18  }
0xd1: {  	p0 =	sne.s32 s20, $0x3F;
	v4 =	vld [tilespmem:s21+$0x0];
	_ =	sdelay $0x3  }
0xd2: {  	v5 =	vmov s19  }
0xd3: {  	v4 =	vperm.xlane v4, v5;
	_ =	sdelay $0x1  }
0xd4: {  	v4 =	vshll.u32 v4, $0x7  }
0xd5: {  	s20 =	sshll.u32 s19, $0xA;
	s19 =	smov.u32 s22;
	v4 =	vand.u32 $0x380, v4  }
0xd6: {  	v4 =	vor.u32 s20, v4  }
0xd7: {  	v5 =	vor.u32 v0, v4;
	_ =	sdelay $0x4  }
0xd8: {  	v5 =	vld.idx.msk [tilespmem:v5+s15+$0x0], $0xffff;
	_ =	sdelay $0x1  }
0xd9: {  	v6 =	vor.u32 v1, v4;
	_ =	sdelay $0x3  }
0xda: {  	[tilespmem:s18+$0xFFFFFFE0] =	vst v5  }
0xdb: {  	v5 =	vld.idx.msk [tilespmem:v6+s15+$0x0], $0xffff;
	_ =	sdelay $0x1  }
0xdc: {  	v6 =	vor.u32 v2, v4;
	_ =	sdelay $0x3  }
0xdd: {  	[tilespmem:s18+$0xFFFFFFF0] =	vst v5  }
0xde: {  	v5 =	vld.idx.msk [tilespmem:v6+s15+$0x0], $0xffff;
	_ =	sdelay $0x1  }
0xdf: {  	v4 =	vor.u32 v3, v4  }
.Ltmp5:
0xe0: {  	(pc) =	sbr.rel @p0 .LBB2_12-.Ltmp5, $3  }
0xe1: {  	_ =	sdelay $0x1  }
0xe2: {  	[tilespmem:s18+$0x0] =	vst v5  }
0xe3: {  	s20 =	smov.u32 s23;
	v4 =	vld.idx.msk [tilespmem:v4+s15+$0x0], $0xffff  }
0xe4: {  	_ =	sdelay $0x3  }
0xe5: {  	s20 =	sand.u32 $0x30, s19;
	[tilespmem:s18+$0x10] =	vst v4  }
0xe6: {  	v4 =	vld [tilespmem:s20+$0x0];
	_ =	sdelay $0x3  }
0xe7: {  	v5 =	vmov s19  }
0xe8: {  	v4 =	vperm.xlane v4, v5;
	_ =	sdelay $0x1  }
0xe9: {  	v4 =	vshll.u32 v4, $0x7  }
0xea: {  	s24 =	sshll.u32 s19, $0xA;
	v4 =	vand.u32 $0x380, v4  }
0xeb: {  	v4 =	vor.u32 s24, v4  }
0xec: {  	v5 =	vor.u32 v0, v4;
	_ =	sdelay $0x4  }
0xed: {  	v5 =	vld.idx.msk [tilespmem:v5+s15+$0x0], $0xffff  }
0xee: {  	v6 =	vor.u32 v1, v4;
	_ =	sdelay $0x2  }
0xef: {  	s25 =	sadd.s32 $0x80, s18  }
0xf0: {  	[tilespmem:s25+$0xFFFFFFE0] =	vst v5  }
0xf1: {  	v5 =	vld.idx.msk [tilespmem:v6+s15+$0x0], $0xffff  }
0xf2: {  	v6 =	vor.u32 v2, v4;
	_ =	sdelay $0x3  }
0xf3: {  	[tilespmem:s25+$0xFFFFFFF0] =	vst v5  }
0xf4: {  	v5 =	vld.idx.msk [tilespmem:v6+s15+$0x0], $0xffff  }
0xf5: {  	v4 =	vor.u32 v3, v4;
	_ =	sdelay $0x3  }
0xf6: {  	[tilespmem:s25+$0x0] =	vst v5  }
0xf7: {  	v4 =	vld.idx.msk [tilespmem:v4+s15+$0x0], $0xffff;
	_ =	sdelay $0x4  }
0xf8: {  	s26 =	simm.s32 $0x0;
	[tilespmem:s25+$0x10] =	vst v4  }
0xf9: {  	[hbm4b:s7+s26] =	stream.linear.scatter [tilespmem:s16], [sflag:$0x2], $0x2000, $0x38;
	[tilespmem:$0x12080] =	vst v63  }
0xfa: {  	_ =	swait.ge [sflag:s13], $0x2000  }
0xfb: {  	[sflag:s13] =	ssyncset.done $0x0  }
0xfc: {  	[sflag:s13] =	ssyncadd.s32 $0xFFFFE000  }
0xfd: {  	[tilespmem:s26], [sflag:$0x2] =	stream.linear.gather [hbm4b:s8+s26], $0x40, $0x38;
	[tilespmem:$0x12080] =	vst v63  }
0xfe: {  	_ =	swait.ge [sflag:s13], $0x40  }
0xff: {  	[sflag:s13] =	ssyncset.done $0x0  }
0x100: {  	s28 =	sand.u32 $0x30, s26;
	[sflag:s13] =	ssyncadd.s32 $0xFFFFFFC0  }
0x101: {  	v4 =	vld [tilespmem:s28+$0x0];
	_ =	sdelay $0x2  }
0x102: {  	s18 =	sand.u32 $0xF, s26  }
0x103: {  	v5 =	vmov s18  }
0x104: {  	vm0 =	veq.s32 v5, v0;
	v4 =	vxor.u32 $0x80000000, v4  }
0x105: {  	v4 =	vnsel vm0, $0x80000000, v4  }
0x106: {  	(xrf0) =	vmax.scan.msk.u32 $0xffff, v4;
	_ =	sdelay $0x5  }
0x107: {  	v4, _, _ =	vpop (xrf0)  }
0x108: {  	(v2sf) =	vpush v4, $0xF;
	_ =	sdelay $0xe  }
0x109: {  	s29 =	spop (v2sf)  }
0x10a: {  	s18 =	sshll.u32 s29, $0x4  }
0x10b: {  	s19 =	simm.s32 $0x1;
	s30 =	sand.u32 $0x1FFFFF80, s18  }
0x10c: {  	s31 =	sand.u32 $0x30, s19;
	s18 =	simm.s32 $0x80;
	s20 =	sadd.s32 s3, s30  }
0x10d: {  	[tilespmem:s18], [sflag:$0x1] =	stream.linear.gather [hbm4b:s20+s1], $0x400, $0x38;
	[tilespmem:$0x12080] =	vst v63  }
0x10e: {  	s20 =	simm.s32 $0x2;
	v4 =	vld [tilespmem:s31+$0x0]  }
.LBB2_14:
0x10f: {  	p0 =	sne.s32 s20, $0x3F;
	_ =	sdelay $0x1  }
0x110: {  	s21 =	sand.u32 $0xF, s19;
	s19 =	smov.u32 s20  }
0x111: {  	v5 =	vmov s21  }
0x112: {  	vm0 =	veq.s32 v5, v0;
	v4 =	vxor.u32 $0x80000000, v4  }
0x113: {  	v4 =	vnsel vm0, $0x80000000, v4  }
0x114: {  	(xrf0) =	vmax.scan.msk.u32 $0xffff, v4;
	_ =	sdelay $0x5  }
0x115: {  	v4, _, _ =	vpop (xrf0)  }
0x116: {  	(v2sf) =	vpush v4, $0xF;
	_ =	sdelay $0xe  }
0x117: {  	s21 =	spop (v2sf)  }
.Ltmp6:
0x118: {  	s21 =	sshll.u32 s21, $0x4;
	(pc) =	sbr.rel @p0 .LBB2_14-.Ltmp6, $4  }
0x119: {  	s21 =	sand.u32 $0x1FFFFF80, s21  }
0x11a: {  	s22 =	sand.u32 $0x30, s20;
	s18 =	sadd.s32 $0x400, s18;
	s21 =	sadd.s32 s3, s21  }
0x11b: {  	[tilespmem:s18], [sflag:$0x1] =	stream.linear.gather [hbm4b:s21+s1], $0x400, $0x38;
	[tilespmem:$0x12080] =	vst v63  }
0x11c: {  	s20 =	sadd.s32 $0x1, s20;
	v4 =	vld [tilespmem:s22+$0x0]  }
0x11d: {  	_ =	sdelay $0x1  }
0x11e: {  	s19 =	sand.u32 $0xF, s19  }
0x11f: {  	v5 =	vmov s19  }
0x120: {  	vm0 =	veq.s32 v5, v0;
	v4 =	vxor.u32 $0x80000000, v4  }
0x121: {  	v4 =	vnsel vm0, $0x80000000, v4  }
0x122: {  	(xrf0) =	vmax.scan.msk.u32 $0xffff, v4;
	_ =	sdelay $0x5  }
0x123: {  	v4, _, _ =	vpop (xrf0)  }
0x124: {  	(v2sf) =	vpush v4, $0xF;
	_ =	sdelay $0xe  }
0x125: {  	s31 =	spop (v2sf)  }
0x126: {  	s19 =	sshll.u32 s31, $0x4  }
0x127: {  	s19 =	sand.u32 $0x1FFFFF80, s19  }
0x128: {  	s18 =	sadd.s32 $0x400, s18;
	s19 =	sadd.s32 s3, s19  }
0x129: {  	[tilespmem:s18], [sflag:$0x1] =	stream.linear.gather [hbm4b:s19+s1], $0x400, $0x38;
	[tilespmem:$0x12080] =	vst v63  }
0x12a: {  	s18 =	simm.s32 $0x40  }
.LBB2_16:
0x12b: {  	p0 =	sne.s32 s18, $0x1  }
.Ltmp7:
0x12c: {  	_ = 	snop;
	(pc) =	sbr.rel @p0 .LBB2_16-.Ltmp7, $4  }
0x12d: {  	_ = 	snop  }
0x12e: {  	_ =	swait.ge [sflag:s14], $0x400  }
0x12f: {  	[sflag:s14] =	ssyncset.done $0x0  }
0x130: {  	s18 =	sadd.s32 $0xFFFFFFFF, s18;
	[sflag:s14] =	ssyncadd.s32 $0xFFFFFC00  }
0x131: {  	s18 =	simm.s32 $0x0  }
0x132: {  	s19 =	sand.u32 $0x30, s18  }
0x133: {  	v4 =	vld [tilespmem:s19+$0x0];
	_ =	sdelay $0x3  }
0x134: {  	v5 =	vmov s18  }
0x135: {  	v4 =	vperm.xlane v4, v5;
	_ =	sdelay $0x1  }
0x136: {  	v4 =	vshll.u32 v4, $0x7  }
0x137: {  	s31 =	simm.s32 $0x0;
	v4 =	vand.u32 $0x380, v4  }
0x138: {  	v4 =	vor.u32 s31, v4  }
0x139: {  	v5 =	vor.u32 v0, v4;
	_ =	sdelay $0x4  }
0x13a: {  	v5 =	vld.idx.msk [tilespmem:v5+s15+$0x0], $0xffff  }
0x13b: {  	v6 =	vor.u32 v1, v4;
	_ =	sdelay $0x2  }
0x13c: {  	s18 =	simm.s32 $0x100A0  }
0x13d: {  	[tilespmem:s18+$0xFFFFFFE0] =	vst v5  }
0x13e: {  	v5 =	vld.idx.msk [tilespmem:v6+s15+$0x0], $0xffff  }
0x13f: {  	v6 =	vor.u32 v2, v4;
	_ =	sdelay $0x3  }
0x140: {  	[tilespmem:s18+$0xFFFFFFF0] =	vst v5  }
0x141: {  	v5 =	vld.idx.msk [tilespmem:v6+s15+$0x0], $0xffff  }
0x142: {  	v4 =	vor.u32 v3, v4;
	_ =	sdelay $0x3  }
0x143: {  	[tilespmem:s18+$0x0] =	vst v5  }
0x144: {  	s20 =	simm.s32 $0x2;
	s19 =	simm.s32 $0x1;
	v4 =	vld.idx.msk [tilespmem:v4+s15+$0x0], $0xffff  }
.LBB2_18:
0x145: {  	_ =	sdelay $0x2  }
0x146: {  	s21 =	sand.u32 $0x30, s19  }
0x147: {  	s22 =	smov.u32 s20;
	s23 =	sadd.s32 $0x1, s20;
	[tilespmem:s18+$0x10] =	vst v4;
	s18 =	sadd.s32 $0x80, s18  }
0x148: {  	p0 =	sne.s32 s20, $0x3F;
	v4 =	vld [tilespmem:s21+$0x0];
	_ =	sdelay $0x3  }
0x149: {  	v5 =	vmov s19  }
0x14a: {  	v4 =	vperm.xlane v4, v5;
	_ =	sdelay $0x1  }
0x14b: {  	v4 =	vshll.u32 v4, $0x7  }
0x14c: {  	s20 =	sshll.u32 s19, $0xA;
	s19 =	smov.u32 s22;
	v4 =	vand.u32 $0x380, v4  }
0x14d: {  	v4 =	vor.u32 s20, v4  }
0x14e: {  	v5 =	vor.u32 v0, v4;
	_ =	sdelay $0x4  }
0x14f: {  	v5 =	vld.idx.msk [tilespmem:v5+s15+$0x0], $0xffff;
	_ =	sdelay $0x1  }
0x150: {  	v6 =	vor.u32 v1, v4;
	_ =	sdelay $0x3  }
0x151: {  	[tilespmem:s18+$0xFFFFFFE0] =	vst v5  }
0x152: {  	v5 =	vld.idx.msk [tilespmem:v6+s15+$0x0], $0xffff;
	_ =	sdelay $0x1  }
0x153: {  	v6 =	vor.u32 v2, v4;
	_ =	sdelay $0x3  }
0x154: {  	[tilespmem:s18+$0xFFFFFFF0] =	vst v5  }
0x155: {  	v5 =	vld.idx.msk [tilespmem:v6+s15+$0x0], $0xffff;
	_ =	sdelay $0x1  }
0x156: {  	v4 =	vor.u32 v3, v4  }
.Ltmp8:
0x157: {  	(pc) =	sbr.rel @p0 .LBB2_18-.Ltmp8, $3  }
0x158: {  	_ =	sdelay $0x1  }
0x159: {  	[tilespmem:s18+$0x0] =	vst v5  }
0x15a: {  	s20 =	smov.u32 s23;
	v4 =	vld.idx.msk [tilespmem:v4+s15+$0x0], $0xffff  }
0x15b: {  	_ =	sdelay $0x3  }
0x15c: {  	s20 =	sand.u32 $0x30, s19;
	[tilespmem:s18+$0x10] =	vst v4  }
0x15d: {  	v4 =	vld [tilespmem:s20+$0x0];
	_ =	sdelay $0x3  }
0x15e: {  	v5 =	vmov s19  }
0x15f: {  	v4 =	vperm.xlane v4, v5;
	_ =	sdelay $0x1  }
0x160: {  	v4 =	vshll.u32 v4, $0x7  }
0x161: {  	s24 =	sshll.u32 s19, $0xA;
	v4 =	vand.u32 $0x380, v4  }
0x162: {  	v4 =	vor.u32 s24, v4  }
0x163: {  	v5 =	vor.u32 v0, v4;
	_ =	sdelay $0x4  }
0x164: {  	v5 =	vld.idx.msk [tilespmem:v5+s15+$0x0], $0xffff  }
0x165: {  	v6 =	vor.u32 v1, v4;
	_ =	sdelay $0x2  }
0x166: {  	s25 =	sadd.s32 $0x80, s18  }
0x167: {  	[tilespmem:s25+$0xFFFFFFE0] =	vst v5  }
0x168: {  	v5 =	vld.idx.msk [tilespmem:v6+s15+$0x0], $0xffff  }
0x169: {  	v6 =	vor.u32 v2, v4;
	_ =	sdelay $0x3  }
0x16a: {  	[tilespmem:s25+$0xFFFFFFF0] =	vst v5  }
0x16b: {  	v5 =	vld.idx.msk [tilespmem:v6+s15+$0x0], $0xffff  }
0x16c: {  	v4 =	vor.u32 v3, v4;
	_ =	sdelay $0x3  }
0x16d: {  	[tilespmem:s25+$0x0] =	vst v5  }
0x16e: {  	v4 =	vld.idx.msk [tilespmem:v4+s15+$0x0], $0xffff;
	_ =	sdelay $0x4  }
0x16f: {  	s26 =	simm.s32 $0x0;
	[tilespmem:s25+$0x10] =	vst v4  }
0x170: {  	[hbm4b:s9+s26] =	stream.linear.scatter [tilespmem:s16], [sflag:$0x2], $0x2000, $0x38;
	[tilespmem:$0x12080] =	vst v63  }
0x171: {  	_ =	swait.ge [sflag:s13], $0x2000  }
0x172: {  	[sflag:s13] =	ssyncset.done $0x0  }
0x173: {  	[sflag:s13] =	ssyncadd.s32 $0xFFFFE000  }
0x174: {  	[tilespmem:s26], [sflag:$0x2] =	stream.linear.gather [hbm4b:s10+s26], $0x40, $0x38;
	[tilespmem:$0x12080] =	vst v63  }
0x175: {  	_ =	swait.ge [sflag:s13], $0x40  }
0x176: {  	[sflag:s13] =	ssyncset.done $0x0  }
0x177: {  	s28 =	sand.u32 $0x30, s26;
	[sflag:s13] =	ssyncadd.s32 $0xFFFFFFC0  }
0x178: {  	v4 =	vld [tilespmem:s28+$0x0];
	_ =	sdelay $0x2  }
0x179: {  	s18 =	sand.u32 $0xF, s26  }
0x17a: {  	v5 =	vmov s18  }
0x17b: {  	vm0 =	veq.s32 v5, v0;
	v4 =	vxor.u32 $0x80000000, v4  }
0x17c: {  	v4 =	vnsel vm0, $0x80000000, v4  }
0x17d: {  	(xrf0) =	vmax.scan.msk.u32 $0xffff, v4;
	_ =	sdelay $0x5  }
0x17e: {  	v4, _, _ =	vpop (xrf0)  }
0x17f: {  	(v2sf) =	vpush v4, $0xF;
	_ =	sdelay $0xe  }
0x180: {  	s29 =	spop (v2sf)  }
0x181: {  	s18 =	sshll.u32 s29, $0x4  }
0x182: {  	s19 =	simm.s32 $0x1;
	s30 =	sand.u32 $0x1FFFFF80, s18  }
0x183: {  	s31 =	sand.u32 $0x30, s19;
	s18 =	simm.s32 $0x80;
	s20 =	sadd.s32 s3, s30  }
0x184: {  	[tilespmem:s18], [sflag:$0x1] =	stream.linear.gather [hbm4b:s20+s1], $0x400, $0x38;
	[tilespmem:$0x12080] =	vst v63  }
0x185: {  	s20 =	simm.s32 $0x2;
	v4 =	vld [tilespmem:s31+$0x0]  }
.LBB2_20:
0x186: {  	p0 =	sne.s32 s20, $0x3F;
	_ =	sdelay $0x1  }
0x187: {  	s21 =	sand.u32 $0xF, s19;
	s19 =	smov.u32 s20  }
0x188: {  	v5 =	vmov s21  }
0x189: {  	vm0 =	veq.s32 v5, v0;
	v4 =	vxor.u32 $0x80000000, v4  }
0x18a: {  	v4 =	vnsel vm0, $0x80000000, v4  }
0x18b: {  	(xrf0) =	vmax.scan.msk.u32 $0xffff, v4;
	_ =	sdelay $0x5  }
0x18c: {  	v4, _, _ =	vpop (xrf0)  }
0x18d: {  	(v2sf) =	vpush v4, $0xF;
	_ =	sdelay $0xe  }
0x18e: {  	s21 =	spop (v2sf)  }
.Ltmp9:
0x18f: {  	s21 =	sshll.u32 s21, $0x4;
	(pc) =	sbr.rel @p0 .LBB2_20-.Ltmp9, $4  }
0x190: {  	s21 =	sand.u32 $0x1FFFFF80, s21  }
0x191: {  	s22 =	sand.u32 $0x30, s20;
	s18 =	sadd.s32 $0x400, s18;
	s21 =	sadd.s32 s3, s21  }
0x192: {  	[tilespmem:s18], [sflag:$0x1] =	stream.linear.gather [hbm4b:s21+s1], $0x400, $0x38;
	[tilespmem:$0x12080] =	vst v63  }
0x193: {  	s20 =	sadd.s32 $0x1, s20;
	v4 =	vld [tilespmem:s22+$0x0]  }
0x194: {  	_ =	sdelay $0x1  }
0x195: {  	s19 =	sand.u32 $0xF, s19  }
0x196: {  	v5 =	vmov s19  }
0x197: {  	vm0 =	veq.s32 v5, v0;
	v4 =	vxor.u32 $0x80000000, v4  }
0x198: {  	v4 =	vnsel vm0, $0x80000000, v4  }
0x199: {  	(xrf0) =	vmax.scan.msk.u32 $0xffff, v4;
	_ =	sdelay $0x5  }
0x19a: {  	v4, _, _ =	vpop (xrf0)  }
0x19b: {  	(v2sf) =	vpush v4, $0xF;
	_ =	sdelay $0xe  }
0x19c: {  	s31 =	spop (v2sf)  }
0x19d: {  	s19 =	sshll.u32 s31, $0x4  }
0x19e: {  	s19 =	sand.u32 $0x1FFFFF80, s19  }
0x19f: {  	s18 =	sadd.s32 $0x400, s18;
	s19 =	sadd.s32 s3, s19  }
0x1a0: {  	[tilespmem:s18], [sflag:$0x1] =	stream.linear.gather [hbm4b:s19+s1], $0x400, $0x38;
	[tilespmem:$0x12080] =	vst v63  }
0x1a1: {  	s18 =	simm.s32 $0x40  }
.LBB2_22:
0x1a2: {  	p0 =	sne.s32 s18, $0x1  }
.Ltmp10:
0x1a3: {  	_ = 	snop;
	(pc) =	sbr.rel @p0 .LBB2_22-.Ltmp10, $4  }
0x1a4: {  	_ = 	snop  }
0x1a5: {  	_ =	swait.ge [sflag:s14], $0x400  }
0x1a6: {  	[sflag:s14] =	ssyncset.done $0x0  }
0x1a7: {  	s18 =	sadd.s32 $0xFFFFFFFF, s18;
	[sflag:s14] =	ssyncadd.s32 $0xFFFFFC00  }
0x1a8: {  	s18 =	simm.s32 $0x0  }
0x1a9: {  	s19 =	sand.u32 $0x30, s18  }
0x1aa: {  	v4 =	vld [tilespmem:s19+$0x0];
	_ =	sdelay $0x3  }
0x1ab: {  	v5 =	vmov s18  }
0x1ac: {  	v4 =	vperm.xlane v4, v5;
	_ =	sdelay $0x1  }
0x1ad: {  	v4 =	vshll.u32 v4, $0x7  }
0x1ae: {  	s31 =	simm.s32 $0x0;
	v4 =	vand.u32 $0x380, v4  }
0x1af: {  	v4 =	vor.u32 s31, v4  }
0x1b0: {  	v5 =	vor.u32 v0, v4;
	_ =	sdelay $0x4  }
0x1b1: {  	v5 =	vld.idx.msk [tilespmem:v5+s15+$0x0], $0xffff  }
0x1b2: {  	v6 =	vor.u32 v1, v4;
	_ =	sdelay $0x2  }
0x1b3: {  	s18 =	simm.s32 $0x100A0  }
0x1b4: {  	[tilespmem:s18+$0xFFFFFFE0] =	vst v5  }
0x1b5: {  	v5 =	vld.idx.msk [tilespmem:v6+s15+$0x0], $0xffff  }
0x1b6: {  	v6 =	vor.u32 v2, v4;
	_ =	sdelay $0x3  }
0x1b7: {  	[tilespmem:s18+$0xFFFFFFF0] =	vst v5  }
0x1b8: {  	v5 =	vld.idx.msk [tilespmem:v6+s15+$0x0], $0xffff  }
0x1b9: {  	v4 =	vor.u32 v3, v4;
	_ =	sdelay $0x3  }
0x1ba: {  	[tilespmem:s18+$0x0] =	vst v5  }
0x1bb: {  	s20 =	simm.s32 $0x2;
	s19 =	simm.s32 $0x1;
	v4 =	vld.idx.msk [tilespmem:v4+s15+$0x0], $0xffff  }
.LBB2_24:
0x1bc: {  	_ =	sdelay $0x2  }
0x1bd: {  	s21 =	sand.u32 $0x30, s19  }
0x1be: {  	s22 =	smov.u32 s20;
	s23 =	sadd.s32 $0x1, s20;
	[tilespmem:s18+$0x10] =	vst v4;
	s18 =	sadd.s32 $0x80, s18  }
0x1bf: {  	p0 =	sne.s32 s20, $0x3F;
	v4 =	vld [tilespmem:s21+$0x0];
	_ =	sdelay $0x3  }
0x1c0: {  	v5 =	vmov s19  }
0x1c1: {  	v4 =	vperm.xlane v4, v5;
	_ =	sdelay $0x1  }
0x1c2: {  	v4 =	vshll.u32 v4, $0x7  }
0x1c3: {  	s20 =	sshll.u32 s19, $0xA;
	s19 =	smov.u32 s22;
	v4 =	vand.u32 $0x380, v4  }
0x1c4: {  	v4 =	vor.u32 s20, v4  }
0x1c5: {  	v5 =	vor.u32 v0, v4;
	_ =	sdelay $0x4  }
0x1c6: {  	v5 =	vld.idx.msk [tilespmem:v5+s15+$0x0], $0xffff;
	_ =	sdelay $0x1  }
0x1c7: {  	v6 =	vor.u32 v1, v4;
	_ =	sdelay $0x3  }
0x1c8: {  	[tilespmem:s18+$0xFFFFFFE0] =	vst v5  }
0x1c9: {  	v5 =	vld.idx.msk [tilespmem:v6+s15+$0x0], $0xffff;
	_ =	sdelay $0x1  }
0x1ca: {  	v6 =	vor.u32 v2, v4;
	_ =	sdelay $0x3  }
0x1cb: {  	[tilespmem:s18+$0xFFFFFFF0] =	vst v5  }
0x1cc: {  	v5 =	vld.idx.msk [tilespmem:v6+s15+$0x0], $0xffff;
	_ =	sdelay $0x1  }
0x1cd: {  	v4 =	vor.u32 v3, v4  }
.Ltmp11:
0x1ce: {  	(pc) =	sbr.rel @p0 .LBB2_24-.Ltmp11, $3  }
0x1cf: {  	_ =	sdelay $0x1  }
0x1d0: {  	[tilespmem:s18+$0x0] =	vst v5  }
0x1d1: {  	s20 =	smov.u32 s23;
	v4 =	vld.idx.msk [tilespmem:v4+s15+$0x0], $0xffff  }
0x1d2: {  	_ =	sdelay $0x3  }
0x1d3: {  	s20 =	sand.u32 $0x30, s19;
	[tilespmem:s18+$0x10] =	vst v4  }
0x1d4: {  	v4 =	vld [tilespmem:s20+$0x0];
	_ =	sdelay $0x3  }
0x1d5: {  	v5 =	vmov s19  }
0x1d6: {  	v4 =	vperm.xlane v4, v5;
	_ =	sdelay $0x1  }
0x1d7: {  	v4 =	vshll.u32 v4, $0x7  }
0x1d8: {  	s30 =	sshll.u32 s19, $0xA;
	v4 =	vand.u32 $0x380, v4  }
0x1d9: {  	v4 =	vor.u32 s30, v4  }
0x1da: {  	v5 =	vor.u32 v0, v4;
	_ =	sdelay $0x4  }
0x1db: {  	v5 =	vld.idx.msk [tilespmem:v5+s15+$0x0], $0xffff  }
0x1dc: {  	v6 =	vor.u32 v1, v4;
	_ =	sdelay $0x2  }
0x1dd: {  	s31 =	sadd.s32 $0x80, s18  }
0x1de: {  	[tilespmem:s31+$0xFFFFFFE0] =	vst v5  }
0x1df: {  	v5 =	vld.idx.msk [tilespmem:v6+s15+$0x0], $0xffff  }
0x1e0: {  	v63 =	vor.u32 v2, v4;
	_ =	sdelay $0x3  }
0x1e1: {  	[tilespmem:s31+$0xFFFFFFF0] =	vst v5  }
0x1e2: {  	v5 =	vld.idx.msk [tilespmem:v63+s15+$0x0], $0xffff  }
0x1e3: {  	v4 =	vor.u32 v3, v4;
	_ =	sdelay $0x3  }
0x1e4: {  	[tilespmem:s31+$0x0] =	vst v5  }
0x1e5: {  	v4 =	vld.idx.msk [tilespmem:v4+s15+$0x0], $0xffff;
	_ =	sdelay $0x2  }
0x1e6: {  	s17 =	sadd.s32 $0x1, s17  }
0x1e7: {  	p0 =	sne.s32 s17, s12  }
.Ltmp12:
0x1e8: {  	[tilespmem:s31+$0x10] =	vst v4;
	(pc) =	sbr.rel @p0 .LBB2_1-.Ltmp12, $4  }
0x1e9: {  	[hbm4b:s11+s1] =	stream.linear.scatter [tilespmem:s16], [sflag:$0x2], $0x2000, $0x38;
	[tilespmem:$0x12080] =	vst v63  }
0x1ea: {  	_ =	swait.ge [sflag:s13], $0x2000  }
0x1eb: {  	[sflag:s13] =	ssyncset.done $0x0  }
0x1ec: {  	[sflag:s13] =	ssyncadd.s32 $0xFFFFE000  }
0x1ed: {  	_ =	sfence.sel $0x180000  }
0x1ee: {  	[bflag:$0x0] =	sbarrier.arrive $0xFFFF  }
0x1ef: {  	p0 =	sne.s32 s2, $0x0;
	_ =	strace $0x90000050  }
0x1f0: {  	s0 =	sadd.s32 @!p0 $0x100000, s0;
	[bflag:$0x2] =	sbarrier.arrive $0xFFFF  }
0x1f1: {  	[sflag:s0] =	ssyncadd.tile.s32 @!p0 $0x1;
	_ =	shalt  }
.Lfunc_end2:
_tile_overlayer_lowered:
.L_overlay_start_2:
0x1f2: {  	(tag) =	ssettag $0x2  }
0x1f3: {  	s0 =	rddreg [dreg:$0x0];
	s2 =	stileid.u32  }
0x1f4: {  	s1 =	rddreg [dreg:$0x1];
	p0 =	sne.s32 s2, $0x0  }
0x1f5: {  	s3 =	rddreg [dreg:$0x2];
	[bflag:$0x3] =	sbarrier.arrive $0xFFFF;
	s2 =	simm.s32 @!p0 $0x1C02  }
0x1f6: {  	[timem:s3], [sflag:s2] =	dma.local @!p0 [hbm:s0], s1  }
0x1f7: {  	s0 =	simm.s32 @!p0 $0x2  }
0x1f8: {  	_ =	swait.ge @!p0 [sflag:s0], s1  }
0x1f9: {  	s1 =	ssub.s32 @!p0 $0x0, s1;
	[sflag:s0] =	ssyncset.done @!p0 $0x0  }
0x1fa: {  	[sflag:s0] =	ssyncadd.s32 @!p0 s1  }
0x1fb: {  	[bflag:$0x3] =	sbarrier.arrive $0xFFFF  }
0x1fc: {  	_ =	shalt  }

// kernel: kernel.14.cloned.1.call-start
scs
__scs_entry_jumppad:
0x0: {  	(pc) =	sbr.rel $0x88, $3  }
0x1: {  	(tag) =	ssettag $0x0;
	lr =	simm.s32 $0x1  }
0x2: {  	[smem:$0x3F91] =	sst lr;
	_ =	strace $0xD0000000  }
0x3: {  	_ = 	snop  }
0x4: {  	_ = 	snop  }
0x5: {  	_ = 	snop  }
0x6: {  	_ = 	snop  }
0x7: {  	_ = 	snop  }
__scs_overlays_trampoline_lowered:
0x8: {  	[smem:$0x3FA0] =	sst s0  }
0x9: {  	[smem:$0x3FA1] =	sst s1  }
0xa: {  	[smem:$0x3FA2] =	sst s2  }
0xb: {  	[smem:$0x3FA3] =	sst s3  }
0xc: {  	[smem:$0x3FA4] =	sst s4  }
0xd: {  	[smem:$0x3FA5] =	sst s5  }
0xe: {  	[smem:$0x3FA6] =	sst s6  }
0xf: {  	[smem:$0x3FA7] =	sst s7  }
0x10: {  	[smem:$0x3FA8] =	sst s8  }
0x11: {  	[smem:$0x3FA9] =	sst s9;
	s0 =	simm.s32 @!p0 $0x0  }
0x12: {  	s1 =	sld [smem:$0x3F8F];
	s0 =	simm.s32 @p0 $0x1  }
0x13: {  	[smem:$0x3FAA] =	sst s0;
	s0 =	simm.s32 @!p1 $0x0  }
0x14: {  	s2 =	sld [smem:$0x3F8E];
	s0 =	simm.s32 @p1 $0x1  }
0x15: {  	[smem:$0x3FAB] =	sst s0;
	s0 =	simm.s32 @!p2 $0x0  }
0x16: {  	s3 =	sld [smem:$0x3FDB];
	s0 =	simm.s32 @p2 $0x1  }
0x17: {  	s4 =	simm.s32 $0x1BF5;
	[smem:$0x3FAD] =	sst s0  }
0x18: {  	s0 =	sld [smem:$0x3F90];
	_ =	swait.ge [sflag:s4], $0x0  }
0x19: {  	s7 =	sld [smem:$0x3F91]  }
0x1a: {  	s8 =	sadd.s32 $0xFFFFE003, lr  }
0x1b: {  	s9 =	sadd.s32 $0xFFFFFEF7, lr;
	s5 =	simm.s32 $0xFFFFFFFF;
	p2 =	slt.u32 s8, $0xFFFFF086  }
0x1c: {  	p1 =	slt.u32 s9, $0xF7A;
	s5 =	simm.s32 @!p2 $0x0  }
0x1d: {  	s5 =	simm.s32 @p1 $0x1;
	p0 =	seq.s32 s7, s2  }
0x1e: {  	s7 =	smul.u32 @!p0 $0xF7A, s2;
	p2 =	seq.s32 @!p0 s5, $0x0  }
0x1f: {  	s9 =	smul.u32 $0xF7A, s1;
	s8 =	simm.s32 @!p0 $0x1BF5;
	p2 =	por !p2, p0  }
0x20: {  	[sflag:s8] =	ssyncset.s32 @!p0 $0xFFFFF086;
	s6 =	sadd.s32 @!p0 s3, s7;
	s7 =	simm.s32 @!p0 $0x108  }
0x21: {  	s3 =	sadd.s32 s3, s9;
	s6 =	sadd.s32 @!p0 $0x88, s6;
	s7 =	simm.s32 @p2 $0x1082  }
0x22: {  	[simem:s7], [sflag:s8] =	dma.local @!p0 [hbm:s6], $0xF7A  }
0x23: {  	s9 =	sor.u32 $0xD0000000, s2;
	s6 =	simm.s32 $0x108;
	_ =	swait.ge @!p0 [sflag:s8], $0x0  }
0x24: {  	s3 =	sadd.s32 $0x88, s3;
	s6 =	simm.s32 @!p1 $0x1082;
	[sflag:s4] =	ssyncset.s32 $0xFFFFF086  }
0x25: {  	[simem:s6], [sflag:s4] =	dma.local [hbm:s3], $0xF7A  }
0x26: {  	[smem:$0x3F91] =	sst s1;
	(tag) =	ssettag s2;
	_ =	strace s9  }
0x27: {  	s1 =	sld [smem:$0x3FA1]  }
0x28: {  	s2 =	sld [smem:$0x3FA2]  }
0x29: {  	s4 =	sld [smem:$0x3FA4]  }
0x2a: {  	p0 =	seq.s32 s5, $0x0;
	s5 =	sld [smem:$0x3FA5]  }
0x2b: {  	s6 =	sld [smem:$0x3FA6]  }
0x2c: {  	s7 =	sld [smem:$0x3FA7]  }
0x2d: {  	s3 =	simm.s32 $0x108;
	s8 =	sld [smem:$0x3FA8]  }
0x2e: {  	s3 =	simm.s32 @!p0 $0x1082;
	s9 =	sld [smem:$0x3FA9]  }
0x2f: {  	lr =	sadd.s32 s0, s3;
	s0 =	sld [smem:$0x3FA0]  }
0x30: {  	s3 =	sld [smem:$0x3FA3]  }
0x31: {  	[smem:$0x3FAC] =	sst s10  }
0x32: {  	s10 =	sld [smem:$0x3FAA];
	_ =	sdelay $0x3  }
0x33: {  	p0 =	seq.s32 s10, $0x1;
	s10 =	sld [smem:$0x3FAC];
	_ =	sdelay $0x3  }
0x34: {  	[smem:$0x3FAC] =	sst s10  }
0x35: {  	s10 =	sld [smem:$0x3FAB];
	_ =	sdelay $0x3  }
0x36: {  	p1 =	seq.s32 s10, $0x1;
	s10 =	sld [smem:$0x3FAC];
	_ =	sdelay $0x3  }
0x37: {  	[smem:$0x3FAC] =	sst s10  }
0x38: {  	s10 =	sld [smem:$0x3FAD]  }
0x39: {  	_ = 	snop;
	(pc) =	sbr.ind lr, $3  }
0x3a: {  	_ = 	snop  }
0x3b: {  	_ = 	snop  }
0x3c: {  	p2 =	seq.s32 s10, $0x1;
	s10 =	sld [smem:$0x3FAC]  }
0x3d: {  	_ =	shalt  }
0x3e: {  	_ =	shalt  }
0x3f: {  	_ =	shalt  }
0x40: {  	_ =	shalt  }
0x41: {  	_ =	shalt  }
0x42: {  	_ =	shalt  }
0x43: {  	_ =	shalt  }
0x44: {  	_ =	shalt  }
0x45: {  	_ =	shalt  }
0x46: {  	_ =	shalt  }
0x47: {  	_ =	shalt  }
0x48: {  	_ =	shalt  }
0x49: {  	_ =	shalt  }
0x4a: {  	_ =	shalt  }
0x4b: {  	_ =	shalt  }
0x4c: {  	_ =	shalt  }
0x4d: {  	_ =	shalt  }
0x4e: {  	_ =	shalt  }
0x4f: {  	_ =	shalt  }
0x50: {  	_ =	shalt  }
0x51: {  	_ =	shalt  }
0x52: {  	_ =	shalt  }
0x53: {  	_ =	shalt  }
0x54: {  	_ =	shalt  }
0x55: {  	_ =	shalt  }
0x56: {  	_ =	shalt  }
0x57: {  	_ =	shalt  }
0x58: {  	_ =	shalt  }
0x59: {  	_ =	shalt  }
0x5a: {  	_ =	shalt  }
0x5b: {  	_ =	shalt  }
0x5c: {  	_ =	shalt  }
0x5d: {  	_ =	shalt  }
0x5e: {  	_ =	shalt  }
0x5f: {  	_ =	shalt  }
0x60: {  	_ =	shalt  }
0x61: {  	_ =	shalt  }
0x62: {  	_ =	shalt  }
0x63: {  	_ =	shalt  }
0x64: {  	_ =	shalt  }
0x65: {  	_ =	shalt  }
0x66: {  	_ =	shalt  }
0x67: {  	_ =	shalt  }
0x68: {  	_ =	shalt  }
0x69: {  	_ =	shalt  }
0x6a: {  	_ =	shalt  }
0x6b: {  	_ =	shalt  }
0x6c: {  	_ =	shalt  }
0x6d: {  	_ =	shalt  }
0x6e: {  	_ =	shalt  }
0x6f: {  	_ =	shalt  }
0x70: {  	_ =	shalt  }
0x71: {  	_ =	shalt  }
0x72: {  	_ =	shalt  }
0x73: {  	_ =	shalt  }
0x74: {  	_ =	shalt  }
0x75: {  	_ =	shalt  }
0x76: {  	_ =	shalt  }
0x77: {  	_ =	shalt  }
0x78: {  	_ =	shalt  }
0x79: {  	_ =	shalt  }
0x7a: {  	_ =	shalt  }
0x7b: {  	_ =	shalt  }
0x7c: {  	_ =	shalt  }
0x7d: {  	_ =	shalt  }
0x7e: {  	_ =	shalt  }
0x7f: {  	_ =	shalt  }
0x80: {  	_ =	shalt  }
0x81: {  	_ =	shalt  }
0x82: {  	_ =	shalt  }
0x83: {  	_ =	shalt  }
0x84: {  	_ =	shalt  }
0x85: {  	_ =	shalt  }
0x86: {  	_ =	shalt  }
0x87: {  	_ =	shalt  }
.Lfunc_end0:
.L_simem_size_0:
called_computation.1_lowered:
.L_overlay_start_0:
0x88: {  	s2 =	sld [smem:$0x3FD9]  }
0x89: {  	s3 =	sld [smem:$0x3FFE];
	_ =	sdelay $0x1  }
0x8a: {  	s1 =	srdreg.scid  }
0x8b: {  	s0 =	sand.u32 $0x1, s1  }
0x8c: {  	s17 =	sshll.u32 s0, $0xA;
	s2 =	sadd.s32 s3, s2  }
0x8d: {  	s2 =	sadd.s32 s2, s17  }
0x8e: {  	[smem:$0x3FB8] =	sst s2  }
0x8f: {  	_ = 	snop  }
0x90: {  	(tm) =	ssettm $0x1  }
0x91: {  	s18 =	sld [smem:$0x3FFB];
	_ =	sdelay $0x3  }
0x92: {  	_ =	strace s18  }
0x93: {  	s2 =	sld [smem:$0x3FFC];
	_ =	sdelay $0x3  }
0x94: {  	_ =	strace s2  }
0x95: {  	s2 =	sld [smem:$0x3FFD];
	_ =	sdelay $0x3  }
0x96: {  	_ =	strace s2  }
0x97: {  	_ =	strace $0x8FFFFFFF  }
0x98: {  	s19 =	sld [smem:$0x3FDB];
	_ =	sdelay $0x1  }
0x99: {  	s20 =	simm.s32 $_scs_section_size  }
0x9a: {  	s4 =	simm.s32 $_size__tile_overlayer_lowered;
	s5 =	simm.s32 $_tile_overlayer_lowered  }
0x9b: {  	s6 =	simm.s32 $0x1BFF;
	s21 =	sshll.u32 s5, $0x1;
	s3 =	sadd.s32 s20, s19  }
0x9c: {  	s22 =	simm.s32 $0x0;
	s4 =	sshll.u32 s4, $0x1;
	s5 =	sadd.s32 s21, s3  }
0x9d: {  	[timem:s22], [sflag:s6] =	dma.local [hbm:s5], s4  }
0x9e: {  	_ =	swait.ge [sflag:s6], s4  }
0x9f: {  	s4 =	ssub.s32 $0x0, s4;
	[sflag:s6] =	ssyncset.done $0x0  }
0xa0: {  	[sflag:s6] =	ssyncadd.s32 s4;
	_ =	sdelay $0x1  }
0xa1: {  	s23 =	simm.s32 $0x1B8B  }
0xa2: {  	_ =	swait.ge [sflag:s23], $0x1  }
0xa3: {  	[sflag:s23] =	ssyncset.done $0x0  }
0xa4: {  	[sflag:s23] =	ssyncadd.s32 $0xFFFFFFFF  }
0xa5: {  	s4 =	sld [smem:$0x0]  }
0xa6: {  	s5 =	sand.u32 $0xFFFFFFFE, s1  }
0xa7: {  	p0 =	sne.s32 s1, s5  }
0xa8: {  	s5 =	sshll.u32 @p0 s5, $0xE  }
0xa9: {  	s5 =	sadd.s32 @p0 $0x11B8D, s5;
	s6 =	sshll.u32 @p0 s4, $0x11  }
0xaa: {  	s5 =	sor.u32 @p0 s6, s5  }
0xab: {  	[sflag:s5] =	ssyncadd.remote.s32 @p0 $0x1;
	_ =	sdelay $0x1  }
0xac: {  	s5 =	simm.s32 @p0 $0x1B8D  }
0xad: {  	_ =	swait.eq @p0 [sflag:s5], $0x1  }
0xae: {  	[sflag:s5] =	ssyncadd.s32 @p0 $0xFFFFFFFF  }
0xaf: {  	s6 =	sshll.u32 @!p0 s1, $0xE  }
0xb0: {  	s6 =	sor.u32 @!p0 $0x4000, s6;
	s5 =	simm.s32 @!p0 $0x1B8D  }
0xb1: {  	s4 =	sshll.u32 @!p0 s4, $0x11;
	s6 =	sadd.s32 @!p0 $0x11B8D, s6;
	_ =	swait.eq @!p0 [sflag:s5], $0x1  }
0xb2: {  	s4 =	sor.u32 @!p0 s4, s6;
	[sflag:s5] =	ssyncadd.s32 @!p0 $0xFFFFFFFF  }
0xb3: {  	s25 =	simm.s32 $0x1B8E;
	s24 =	sld [smem:$0x3FFE];
	[sflag:s4] =	ssyncadd.remote.s32 @!p0 $0x1  }
0xb4: {  	s26 =	simm.s32 $execute0_lowered;
	[smem:$0x3FD2] =	sst s25  }
0xb5: {  	s5 =	sshll.u32 s26, $0x1;
	_ =	strace $0x8000004C;
	[dreg:$0x1] =	wrdreg $0xFFFFFFFF  }
0xb6: {  	s28 =	simm.s32 $_size_execute0_lowered;
	s3 =	sadd.s32 s3, s5;
	[dreg:$0x0] =	wrdreg $0x0  }
0xb7: {  	s5 =	sshll.u32 s28, $0x1;
	[dreg:$0x2] =	wrdreg s3  }
0xb8: {  	[dreg:$0x3] =	wrdreg s5  }
0xb9: {  	[dreg:$0x4] =	wrdreg $0xC0  }
0xba: {  	_ =	task [dreg:s22], $0x5FFFF  }
0xbb: {  	[dreg:$0x1] =	wrdreg $0xFFFFFFFF  }
0xbc: {  	[dreg:$0x0] =	wrdreg $0x60  }
0xbd: {  	[dreg:$0x2] =	wrdreg s24  }
0xbe: {  	[dreg:$0x3] =	wrdreg $0xA  }
0xbf: {  	_ =	task.clear_ibuf [dreg:s22], $0x4FFFF;
	_ =	strace $0x9000004C  }
0xc0: {  	s29 =	simm.s32 $0xA;
	_ =	strace $0x8000004E  }
0xc1: {  	_ =	swait.ge [sflag:s29], $0x1  }
0xc2: {  	[sflag:s29] =	ssyncadd.s32 $0xFFFFFFFF  }
0xc3: {  	_ =	strace $0x9000004E  }
0xc4: {  	_ =	sfence  }
0xc5: {  	s30 =	sld [smem:$0x0];
	_ =	sdelay $0x2  }
0xc6: {  	s31 =	sshll.u32 s1, $0xD;
	s1 =	sshrl.u32 s1, $0x2  }
0xc7: {  	s4 =	sand.u32 $0x4000, s31;
	s1 =	sadd.s32 s1, s30  }
0xc8: {  	s0 =	sor.u32 s4, s0;
	s1 =	sshll.u32 s1, $0x11  }
0xc9: {  	s0 =	sor.u32 s1, s0  }
0xca: {  	s0 =	sadd.s32 $0x8F2B, s0  }
0xcb: {  	[sflag:s0] =	ssyncadd.remote.s32 $0x1  }
0xcc: {  	_ =	sfence.sel $0xFFFF  }
0xcd: {  	[dreg:$0x0] =	wrdreg $0xFFFFFFFF;
	(pc) =	sbr.abs _section_cstart, $3  }
0xce: {  	[dreg:$0x1] =	wrdreg $0xFFFFFFFF  }
0xcf: {  	_ =	task.clear_ibuf [dreg:s22], $0x2FFFF;
	_ =	strace $0x9FFFFFFF  }
0xd0: {  	(tm) =	ssettm $0x7FFFFFFF  }
0xd1: {  	_ =	shalt  }
tec
execute0_lowered:
.L_overlay_start_1:
0x0: {  	(tag) =	ssettag $0x1  }
0x1: {  	s4 =	rddreg [dreg:$0x0]  }
0x2: {  	s0 =	rddreg [dreg:$0x1]  }
0x3: {  	s1 =	simm.s32 $0x0;
	s5 =	srdreg.scid;
	s2 =	stileid.u32  }
0x4: {  	s16 =	simm.s32 $0x10080;
	s17 =	simm.s32 $0x0;
	s6 =	sadd.s32 $0xF48600, s4  }
0x5: {  	[smem:$0x7FF] =	sst s1;
	s10 =	sadd.s32 $0xF48400, s4;
	s3 =	sadd.s32 $0x5800, s4  }
0x6: {  	s5 =	sand.u32 $0x1, s5;
	s8 =	sshll.u32 s2, $0x8;
	s9 =	sadd.s32 $0xF88A00, s4  }
0x7: {  	s12 =	sadd.s32 $0xF98A00, s4;
	s7 =	ssub.s32 $0x2, s5;
	s5 =	sshll.u32 s5, $0x7  }
0x8: {  	_ =	strace $0x8000004D;
	s11 =	sshrl.u32 s7, $0x1;
	s5 =	sor.u32 s5, s8  }
0x9: {  	s13 =	ssub.s32 s7, s11;
	s8 =	sshrl.u32 s5, $0x3;
	s30 =	sshll.u32 s5, $0x4  }
0xa: {  	s31 =	sor.u32 $0x40, s5;
	s4 =	sadd.s32 s6, s8;
	s5 =	sadd.s32 s9, s30  }
0xb: {  	s14 =	sshrl.u32 s31, $0x3;
	s15 =	sshll.u32 s31, $0x4;
	s8 =	sadd.s32 s10, s8  }
0xc: {  	s6 =	sadd.s32 s6, s14;
	s7 =	sadd.s32 s9, s15;
	s9 =	sadd.s32 s12, s30  }
0xd: {  	v0 =	vlaneseq.u32;
	s10 =	sadd.s32 s10, s14;
	s11 =	sadd.s32 s12, s15;
	s12 =	smax.u32 s13, $0x1  }
0xe: {  	v1 =	vor.u32 $0x10, v0;
	v2 =	vor.u32 $0x20, v0;
	v3 =	vor.u32 $0x30, v0;
	s13 =	simm.s32 $0x2;
	s14 =	simm.s32 $0x1;
	s15 =	simm.s32 $0x80  }
.LBB2_1:
0xf: {  	[tilespmem:s1], [sflag:$0x2] =	stream.linear.gather [hbm4b:s4+s1], $0x40, $0x38;
	[tilespmem:$0x12080] =	vst v63  }
0x10: {  	_ =	swait.ge [sflag:s13], $0x40  }
0x11: {  	[sflag:s13] =	ssyncset.done $0x0  }
0x12: {  	s18 =	sand.u32 $0x30, s1;
	[sflag:s13] =	ssyncadd.s32 $0xFFFFFFC0  }
0x13: {  	v4 =	vld [tilespmem:s18+$0x0];
	_ =	sdelay $0x2  }
0x14: {  	s29 =	sand.u32 $0xF, s1  }
0x15: {  	v5 =	vmov s29  }
0x16: {  	vm0 =	veq.s32 v5, v0;
	v4 =	vxor.u32 $0x80000000, v4  }
0x17: {  	v4 =	vnsel vm0, $0x80000000, v4  }
0x18: {  	(xrf0) =	vmax.scan.msk.u32 $0xffff, v4;
	_ =	sdelay $0x5  }
0x19: {  	v4, _, _ =	vpop (xrf0)  }
0x1a: {  	(v2sf) =	vpush v4, $0xF;
	_ =	sdelay $0xe  }
0x1b: {  	s30 =	spop (v2sf)  }
0x1c: {  	s18 =	sshll.u32 s30, $0x4  }
0x1d: {  	s19 =	simm.s32 $0x1;
	s18 =	sand.u32 $0x1FFFFF80, s18  }
0x1e: {  	s31 =	sand.u32 $0x30, s19;
	s18 =	sadd.s32 s3, s18  }
0x1f: {  	[tilespmem:s15], [sflag:$0x1] =	stream.linear.gather [hbm4b:s18+s1], $0x400, $0x38;
	[tilespmem:$0x12080] =	vst v63  }
0x20: {  	s20 =	simm.s32 $0x2;
	s18 =	simm.s32 $0x80;
	v4 =	vld [tilespmem:s31+$0x0]  }
.LBB2_2:
0x21: {  	p0 =	sne.s32 s20, $0x3F;
	_ =	sdelay $0x1  }
0x22: {  	s21 =	sand.u32 $0xF, s19;
	s19 =	smov.u32 s20  }
0x23: {  	v5 =	vmov s21  }
0x24: {  	vm0 =	veq.s32 v5, v0;
	v4 =	vxor.u32 $0x80000000, v4  }
0x25: {  	v4 =	vnsel vm0, $0x80000000, v4  }
0x26: {  	(xrf0) =	vmax.scan.msk.u32 $0xffff, v4;
	_ =	sdelay $0x5  }
0x27: {  	v4, _, _ =	vpop (xrf0)  }
0x28: {  	(v2sf) =	vpush v4, $0xF;
	_ =	sdelay $0xe  }
0x29: {  	s21 =	spop (v2sf)  }
.Ltmp0:
0x2a: {  	s21 =	sshll.u32 s21, $0x4;
	(pc) =	sbr.rel @p0 .LBB2_2-.Ltmp0, $4  }
0x2b: {  	s21 =	sand.u32 $0x1FFFFF80, s21  }
0x2c: {  	s22 =	sand.u32 $0x30, s20;
	s18 =	sadd.s32 $0x400, s18;
	s21 =	sadd.s32 s3, s21  }
0x2d: {  	[tilespmem:s18], [sflag:$0x1] =	stream.linear.gather [hbm4b:s21+s1], $0x400, $0x38;
	[tilespmem:$0x12080] =	vst v63  }
0x2e: {  	s20 =	sadd.s32 $0x1, s20;
	v4 =	vld [tilespmem:s22+$0x0]  }
0x2f: {  	_ =	sdelay $0x1  }
0x30: {  	s19 =	sand.u32 $0xF, s19  }
0x31: {  	v5 =	vmov s19  }
0x32: {  	vm0 =	veq.s32 v5, v0;
	v4 =	vxor.u32 $0x80000000, v4  }
0x33: {  	v4 =	vnsel vm0, $0x80000000, v4  }
0x34: {  	(xrf0) =	vmax.scan.msk.u32 $0xffff, v4;
	_ =	sdelay $0x5  }
0x35: {  	v4, _, _ =	vpop (xrf0)  }
0x36: {  	(v2sf) =	vpush v4, $0xF;
	_ =	sdelay $0xe  }
0x37: {  	s31 =	spop (v2sf)  }
0x38: {  	s19 =	sshll.u32 s31, $0x4  }
0x39: {  	s19 =	sand.u32 $0x1FFFFF80, s19  }
0x3a: {  	s18 =	sadd.s32 $0x400, s18;
	s19 =	sadd.s32 s3, s19  }
0x3b: {  	[tilespmem:s18], [sflag:$0x1] =	stream.linear.gather [hbm4b:s19+s1], $0x400, $0x38;
	[tilespmem:$0x12080] =	vst v63  }
0x3c: {  	s18 =	simm.s32 $0x40  }
.LBB2_4:
0x3d: {  	p0 =	sne.s32 s18, $0x1  }
.Ltmp1:
0x3e: {  	_ = 	snop;
	(pc) =	sbr.rel @p0 .LBB2_4-.Ltmp1, $4  }
0x3f: {  	_ = 	snop  }
0x40: {  	_ =	swait.ge [sflag:s14], $0x400  }
0x41: {  	[sflag:s14] =	ssyncset.done $0x0  }
0x42: {  	s18 =	sadd.s32 $0xFFFFFFFF, s18;
	[sflag:s14] =	ssyncadd.s32 $0xFFFFFC00  }
0x43: {  	s18 =	simm.s32 $0x0  }
0x44: {  	s19 =	sand.u32 $0x30, s18  }
0x45: {  	v4 =	vld [tilespmem:s19+$0x0];
	_ =	sdelay $0x3  }
0x46: {  	v5 =	vmov s18  }
0x47: {  	v4 =	vperm.xlane v4, v5;
	_ =	sdelay $0x1  }
0x48: {  	v4 =	vshll.u32 v4, $0x7  }
0x49: {  	s31 =	simm.s32 $0x0;
	v4 =	vand.u32 $0x380, v4  }
0x4a: {  	v4 =	vor.u32 s31, v4  }
0x4b: {  	v5 =	vor.u32 v0, v4;
	_ =	sdelay $0x4  }
0x4c: {  	v5 =	vld.idx.msk [tilespmem:v5+s15+$0x0], $0xffff  }
0x4d: {  	v6 =	vor.u32 v1, v4;
	_ =	sdelay $0x2  }
0x4e: {  	s18 =	simm.s32 $0x100A0  }
0x4f: {  	[tilespmem:s18+$0xFFFFFFE0] =	vst v5  }
0x50: {  	v5 =	vld.idx.msk [tilespmem:v6+s15+$0x0], $0xffff  }
0x51: {  	v6 =	vor.u32 v2, v4;
	_ =	sdelay $0x3  }
0x52: {  	[tilespmem:s18+$0xFFFFFFF0] =	vst v5  }
0x53: {  	v5 =	vld.idx.msk [tilespmem:v6+s15+$0x0], $0xffff  }
0x54: {  	v4 =	vor.u32 v3, v4;
	_ =	sdelay $0x3  }
0x55: {  	[tilespmem:s18+$0x0] =	vst v5  }
0x56: {  	s20 =	simm.s32 $0x2;
	s19 =	simm.s32 $0x1;
	v4 =	vld.idx.msk [tilespmem:v4+s15+$0x0], $0xffff  }
.LBB2_6:
0x57: {  	_ =	sdelay $0x2  }
0x58: {  	s21 =	sand.u32 $0x30, s19  }
0x59: {  	s22 =	smov.u32 s20;
	s23 =	sadd.s32 $0x1, s20;
	[tilespmem:s18+$0x10] =	vst v4;
	s18 =	sadd.s32 $0x80, s18  }
0x5a: {  	p0 =	sne.s32 s20, $0x3F;
	v4 =	vld [tilespmem:s21+$0x0];
	_ =	sdelay $0x3  }
0x5b: {  	v5 =	vmov s19  }
0x5c: {  	v4 =	vperm.xlane v4, v5;
	_ =	sdelay $0x1  }
0x5d: {  	v4 =	vshll.u32 v4, $0x7  }
0x5e: {  	s20 =	sshll.u32 s19, $0xA;
	s19 =	smov.u32 s22;
	v4 =	vand.u32 $0x380, v4  }
0x5f: {  	v4 =	vor.u32 s20, v4  }
0x60: {  	v5 =	vor.u32 v0, v4;
	_ =	sdelay $0x4  }
0x61: {  	v5 =	vld.idx.msk [tilespmem:v5+s15+$0x0], $0xffff;
	_ =	sdelay $0x1  }
0x62: {  	v6 =	vor.u32 v1, v4;
	_ =	sdelay $0x3  }
0x63: {  	[tilespmem:s18+$0xFFFFFFE0] =	vst v5  }
0x64: {  	v5 =	vld.idx.msk [tilespmem:v6+s15+$0x0], $0xffff;
	_ =	sdelay $0x1  }
0x65: {  	v6 =	vor.u32 v2, v4;
	_ =	sdelay $0x3  }
0x66: {  	[tilespmem:s18+$0xFFFFFFF0] =	vst v5  }
0x67: {  	v5 =	vld.idx.msk [tilespmem:v6+s15+$0x0], $0xffff;
	_ =	sdelay $0x1  }
0x68: {  	v4 =	vor.u32 v3, v4  }
.Ltmp2:
0x69: {  	(pc) =	sbr.rel @p0 .LBB2_6-.Ltmp2, $3  }
0x6a: {  	_ =	sdelay $0x1  }
0x6b: {  	[tilespmem:s18+$0x0] =	vst v5  }
0x6c: {  	s20 =	smov.u32 s23;
	v4 =	vld.idx.msk [tilespmem:v4+s15+$0x0], $0xffff  }
0x6d: {  	_ =	sdelay $0x3  }
0x6e: {  	s20 =	sand.u32 $0x30, s19;
	[tilespmem:s18+$0x10] =	vst v4  }
0x6f: {  	v4 =	vld [tilespmem:s20+$0x0];
	_ =	sdelay $0x3  }
0x70: {  	v5 =	vmov s19  }
0x71: {  	v4 =	vperm.xlane v4, v5;
	_ =	sdelay $0x1  }
0x72: {  	v4 =	vshll.u32 v4, $0x7  }
0x73: {  	s24 =	sshll.u32 s19, $0xA;
	v4 =	vand.u32 $0x380, v4  }
0x74: {  	v4 =	vor.u32 s24, v4  }
0x75: {  	v5 =	vor.u32 v0, v4;
	_ =	sdelay $0x4  }
0x76: {  	v5 =	vld.idx.msk [tilespmem:v5+s15+$0x0], $0xffff  }
0x77: {  	v6 =	vor.u32 v1, v4;
	_ =	sdelay $0x2  }
0x78: {  	s25 =	sadd.s32 $0x80, s18  }
0x79: {  	[tilespmem:s25+$0xFFFFFFE0] =	vst v5  }
0x7a: {  	v5 =	vld.idx.msk [tilespmem:v6+s15+$0x0], $0xffff  }
0x7b: {  	v6 =	vor.u32 v2, v4;
	_ =	sdelay $0x3  }
0x7c: {  	[tilespmem:s25+$0xFFFFFFF0] =	vst v5  }
0x7d: {  	v5 =	vld.idx.msk [tilespmem:v6+s15+$0x0], $0xffff  }
0x7e: {  	v4 =	vor.u32 v3, v4;
	_ =	sdelay $0x3  }
0x7f: {  	[tilespmem:s25+$0x0] =	vst v5  }
0x80: {  	v4 =	vld.idx.msk [tilespmem:v4+s15+$0x0], $0xffff;
	_ =	sdelay $0x4  }
0x81: {  	s26 =	simm.s32 $0x0;
	[tilespmem:s25+$0x10] =	vst v4  }
0x82: {  	[hbm4b:s5+s26] =	stream.linear.scatter [tilespmem:s16], [sflag:$0x2], $0x2000, $0x38;
	[tilespmem:$0x12080] =	vst v63  }
0x83: {  	_ =	swait.ge [sflag:s13], $0x2000  }
0x84: {  	[sflag:s13] =	ssyncset.done $0x0  }
0x85: {  	[sflag:s13] =	ssyncadd.s32 $0xFFFFE000  }
0x86: {  	[tilespmem:s26], [sflag:$0x2] =	stream.linear.gather [hbm4b:s6+s26], $0x40, $0x38;
	[tilespmem:$0x12080] =	vst v63  }
0x87: {  	_ =	swait.ge [sflag:s13], $0x40  }
0x88: {  	[sflag:s13] =	ssyncset.done $0x0  }
0x89: {  	s28 =	sand.u32 $0x30, s26;
	[sflag:s13] =	ssyncadd.s32 $0xFFFFFFC0  }
0x8a: {  	v4 =	vld [tilespmem:s28+$0x0];
	_ =	sdelay $0x2  }
0x8b: {  	s18 =	sand.u32 $0xF, s26  }
0x8c: {  	v5 =	vmov s18  }
0x8d: {  	vm0 =	veq.s32 v5, v0;
	v4 =	vxor.u32 $0x80000000, v4  }
0x8e: {  	v4 =	vnsel vm0, $0x80000000, v4  }
0x8f: {  	(xrf0) =	vmax.scan.msk.u32 $0xffff, v4;
	_ =	sdelay $0x5  }
0x90: {  	v4, _, _ =	vpop (xrf0)  }
0x91: {  	(v2sf) =	vpush v4, $0xF;
	_ =	sdelay $0xe  }
0x92: {  	s29 =	spop (v2sf)  }
0x93: {  	s18 =	sshll.u32 s29, $0x4  }
0x94: {  	s19 =	simm.s32 $0x1;
	s30 =	sand.u32 $0x1FFFFF80, s18  }
0x95: {  	s31 =	sand.u32 $0x30, s19;
	s18 =	simm.s32 $0x80;
	s20 =	sadd.s32 s3, s30  }
0x96: {  	[tilespmem:s18], [sflag:$0x1] =	stream.linear.gather [hbm4b:s20+s1], $0x400, $0x38;
	[tilespmem:$0x12080] =	vst v63  }
0x97: {  	s20 =	simm.s32 $0x2;
	v4 =	vld [tilespmem:s31+$0x0]  }
.LBB2_8:
0x98: {  	p0 =	sne.s32 s20, $0x3F;
	_ =	sdelay $0x1  }
0x99: {  	s21 =	sand.u32 $0xF, s19;
	s19 =	smov.u32 s20  }
0x9a: {  	v5 =	vmov s21  }
0x9b: {  	vm0 =	veq.s32 v5, v0;
	v4 =	vxor.u32 $0x80000000, v4  }
0x9c: {  	v4 =	vnsel vm0, $0x80000000, v4  }
0x9d: {  	(xrf0) =	vmax.scan.msk.u32 $0xffff, v4;
	_ =	sdelay $0x5  }
0x9e: {  	v4, _, _ =	vpop (xrf0)  }
0x9f: {  	(v2sf) =	vpush v4, $0xF;
	_ =	sdelay $0xe  }
0xa0: {  	s21 =	spop (v2sf)  }
.Ltmp3:
0xa1: {  	s21 =	sshll.u32 s21, $0x4;
	(pc) =	sbr.rel @p0 .LBB2_8-.Ltmp3, $4  }
0xa2: {  	s21 =	sand.u32 $0x1FFFFF80, s21  }
0xa3: {  	s22 =	sand.u32 $0x30, s20;
	s18 =	sadd.s32 $0x400, s18;
	s21 =	sadd.s32 s3, s21  }
0xa4: {  	[tilespmem:s18], [sflag:$0x1] =	stream.linear.gather [hbm4b:s21+s1], $0x400, $0x38;
	[tilespmem:$0x12080] =	vst v63  }
0xa5: {  	s20 =	sadd.s32 $0x1, s20;
	v4 =	vld [tilespmem:s22+$0x0]  }
0xa6: {  	_ =	sdelay $0x1  }
0xa7: {  	s19 =	sand.u32 $0xF, s19  }
0xa8: {  	v5 =	vmov s19  }
0xa9: {  	vm0 =	veq.s32 v5, v0;
	v4 =	vxor.u32 $0x80000000, v4  }
0xaa: {  	v4 =	vnsel vm0, $0x80000000, v4  }
0xab: {  	(xrf0) =	vmax.scan.msk.u32 $0xffff, v4;
	_ =	sdelay $0x5  }
0xac: {  	v4, _, _ =	vpop (xrf0)  }
0xad: {  	(v2sf) =	vpush v4, $0xF;
	_ =	sdelay $0xe  }
0xae: {  	s31 =	spop (v2sf)  }
0xaf: {  	s19 =	sshll.u32 s31, $0x4  }
0xb0: {  	s19 =	sand.u32 $0x1FFFFF80, s19  }
0xb1: {  	s18 =	sadd.s32 $0x400, s18;
	s19 =	sadd.s32 s3, s19  }
0xb2: {  	[tilespmem:s18], [sflag:$0x1] =	stream.linear.gather [hbm4b:s19+s1], $0x400, $0x38;
	[tilespmem:$0x12080] =	vst v63  }
0xb3: {  	s18 =	simm.s32 $0x40  }
.LBB2_10:
0xb4: {  	p0 =	sne.s32 s18, $0x1  }
.Ltmp4:
0xb5: {  	_ = 	snop;
	(pc) =	sbr.rel @p0 .LBB2_10-.Ltmp4, $4  }
0xb6: {  	_ = 	snop  }
0xb7: {  	_ =	swait.ge [sflag:s14], $0x400  }
0xb8: {  	[sflag:s14] =	ssyncset.done $0x0  }
0xb9: {  	s18 =	sadd.s32 $0xFFFFFFFF, s18;
	[sflag:s14] =	ssyncadd.s32 $0xFFFFFC00  }
0xba: {  	s18 =	simm.s32 $0x0  }
0xbb: {  	s19 =	sand.u32 $0x30, s18  }
0xbc: {  	v4 =	vld [tilespmem:s19+$0x0];
	_ =	sdelay $0x3  }
0xbd: {  	v5 =	vmov s18  }
0xbe: {  	v4 =	vperm.xlane v4, v5;
	_ =	sdelay $0x1  }
0xbf: {  	v4 =	vshll.u32 v4, $0x7  }
0xc0: {  	s31 =	simm.s32 $0x0;
	v4 =	vand.u32 $0x380, v4  }
0xc1: {  	v4 =	vor.u32 s31, v4  }
0xc2: {  	v5 =	vor.u32 v0, v4;
	_ =	sdelay $0x4  }
0xc3: {  	v5 =	vld.idx.msk [tilespmem:v5+s15+$0x0], $0xffff  }
0xc4: {  	v6 =	vor.u32 v1, v4;
	_ =	sdelay $0x2  }
0xc5: {  	s18 =	simm.s32 $0x100A0  }
0xc6: {  	[tilespmem:s18+$0xFFFFFFE0] =	vst v5  }
0xc7: {  	v5 =	vld.idx.msk [tilespmem:v6+s15+$0x0], $0xffff  }
0xc8: {  	v6 =	vor.u32 v2, v4;
	_ =	sdelay $0x3  }
0xc9: {  	[tilespmem:s18+$0xFFFFFFF0] =	vst v5  }
0xca: {  	v5 =	vld.idx.msk [tilespmem:v6+s15+$0x0], $0xffff  }
0xcb: {  	v4 =	vor.u32 v3, v4;
	_ =	sdelay $0x3  }
0xcc: {  	[tilespmem:s18+$0x0] =	vst v5  }
0xcd: {  	s20 =	simm.s32 $0x2;
	s19 =	simm.s32 $0x1;
	v4 =	vld.idx.msk [tilespmem:v4+s15+$0x0], $0xffff  }
.LBB2_12:
0xce: {  	_ =	sdelay $0x2  }
0xcf: {  	s21 =	sand.u32 $0x30, s19  }
0xd0: {  	s22 =	smov.u32 s20;
	s23 =	sadd.s32 $0x1, s20;
	[tilespmem:s18+$0x10] =	vst v4;
	s18 =	sadd.s32 $0x80, s18  }
0xd1: {  	p0 =	sne.s32 s20, $0x3F;
	v4 =	vld [tilespmem:s21+$0x0];
	_ =	sdelay $0x3  }
0xd2: {  	v5 =	vmov s19  }
0xd3: {  	v4 =	vperm.xlane v4, v5;
	_ =	sdelay $0x1  }
0xd4: {  	v4 =	vshll.u32 v4, $0x7  }
0xd5: {  	s20 =	sshll.u32 s19, $0xA;
	s19 =	smov.u32 s22;
	v4 =	vand.u32 $0x380, v4  }
0xd6: {  	v4 =	vor.u32 s20, v4  }
0xd7: {  	v5 =	vor.u32 v0, v4;
	_ =	sdelay $0x4  }
0xd8: {  	v5 =	vld.idx.msk [tilespmem:v5+s15+$0x0], $0xffff;
	_ =	sdelay $0x1  }
0xd9: {  	v6 =	vor.u32 v1, v4;
	_ =	sdelay $0x3  }
0xda: {  	[tilespmem:s18+$0xFFFFFFE0] =	vst v5  }
0xdb: {  	v5 =	vld.idx.msk [tilespmem:v6+s15+$0x0], $0xffff;
	_ =	sdelay $0x1  }
0xdc: {  	v6 =	vor.u32 v2, v4;
	_ =	sdelay $0x3  }
0xdd: {  	[tilespmem:s18+$0xFFFFFFF0] =	vst v5  }
0xde: {  	v5 =	vld.idx.msk [tilespmem:v6+s15+$0x0], $0xffff;
	_ =	sdelay $0x1  }
0xdf: {  	v4 =	vor.u32 v3, v4  }
.Ltmp5:
0xe0: {  	(pc) =	sbr.rel @p0 .LBB2_12-.Ltmp5, $3  }
0xe1: {  	_ =	sdelay $0x1  }
0xe2: {  	[tilespmem:s18+$0x0] =	vst v5  }
0xe3: {  	s20 =	smov.u32 s23;
	v4 =	vld.idx.msk [tilespmem:v4+s15+$0x0], $0xffff  }
0xe4: {  	_ =	sdelay $0x3  }
0xe5: {  	s20 =	sand.u32 $0x30, s19;
	[tilespmem:s18+$0x10] =	vst v4  }
0xe6: {  	v4 =	vld [tilespmem:s20+$0x0];
	_ =	sdelay $0x3  }
0xe7: {  	v5 =	vmov s19  }
0xe8: {  	v4 =	vperm.xlane v4, v5;
	_ =	sdelay $0x1  }
0xe9: {  	v4 =	vshll.u32 v4, $0x7  }
0xea: {  	s24 =	sshll.u32 s19, $0xA;
	v4 =	vand.u32 $0x380, v4  }
0xeb: {  	v4 =	vor.u32 s24, v4  }
0xec: {  	v5 =	vor.u32 v0, v4;
	_ =	sdelay $0x4  }
0xed: {  	v5 =	vld.idx.msk [tilespmem:v5+s15+$0x0], $0xffff  }
0xee: {  	v6 =	vor.u32 v1, v4;
	_ =	sdelay $0x2  }
0xef: {  	s25 =	sadd.s32 $0x80, s18  }
0xf0: {  	[tilespmem:s25+$0xFFFFFFE0] =	vst v5  }
0xf1: {  	v5 =	vld.idx.msk [tilespmem:v6+s15+$0x0], $0xffff  }
0xf2: {  	v6 =	vor.u32 v2, v4;
	_ =	sdelay $0x3  }
0xf3: {  	[tilespmem:s25+$0xFFFFFFF0] =	vst v5  }
0xf4: {  	v5 =	vld.idx.msk [tilespmem:v6+s15+$0x0], $0xffff  }
0xf5: {  	v4 =	vor.u32 v3, v4;
	_ =	sdelay $0x3  }
0xf6: {  	[tilespmem:s25+$0x0] =	vst v5  }
0xf7: {  	v4 =	vld.idx.msk [tilespmem:v4+s15+$0x0], $0xffff;
	_ =	sdelay $0x4  }
0xf8: {  	s26 =	simm.s32 $0x0;
	[tilespmem:s25+$0x10] =	vst v4  }
0xf9: {  	[hbm4b:s7+s26] =	stream.linear.scatter [tilespmem:s16], [sflag:$0x2], $0x2000, $0x38;
	[tilespmem:$0x12080] =	vst v63  }
0xfa: {  	_ =	swait.ge [sflag:s13], $0x2000  }
0xfb: {  	[sflag:s13] =	ssyncset.done $0x0  }
0xfc: {  	[sflag:s13] =	ssyncadd.s32 $0xFFFFE000  }
0xfd: {  	[tilespmem:s26], [sflag:$0x2] =	stream.linear.gather [hbm4b:s8+s26], $0x40, $0x38;
	[tilespmem:$0x12080] =	vst v63  }
0xfe: {  	_ =	swait.ge [sflag:s13], $0x40  }
0xff: {  	[sflag:s13] =	ssyncset.done $0x0  }
0x100: {  	s28 =	sand.u32 $0x30, s26;
	[sflag:s13] =	ssyncadd.s32 $0xFFFFFFC0  }
0x101: {  	v4 =	vld [tilespmem:s28+$0x0];
	_ =	sdelay $0x2  }
0x102: {  	s18 =	sand.u32 $0xF, s26  }
0x103: {  	v5 =	vmov s18  }
0x104: {  	vm0 =	veq.s32 v5, v0;
	v4 =	vxor.u32 $0x80000000, v4  }
0x105: {  	v4 =	vnsel vm0, $0x80000000, v4  }
0x106: {  	(xrf0) =	vmax.scan.msk.u32 $0xffff, v4;
	_ =	sdelay $0x5  }
0x107: {  	v4, _, _ =	vpop (xrf0)  }
0x108: {  	(v2sf) =	vpush v4, $0xF;
	_ =	sdelay $0xe  }
0x109: {  	s29 =	spop (v2sf)  }
0x10a: {  	s18 =	sshll.u32 s29, $0x4  }
0x10b: {  	s19 =	simm.s32 $0x1;
	s30 =	sand.u32 $0x1FFFFF80, s18  }
0x10c: {  	s31 =	sand.u32 $0x30, s19;
	s18 =	simm.s32 $0x80;
	s20 =	sadd.s32 s3, s30  }
0x10d: {  	[tilespmem:s18], [sflag:$0x1] =	stream.linear.gather [hbm4b:s20+s1], $0x400, $0x38;
	[tilespmem:$0x12080] =	vst v63  }
0x10e: {  	s20 =	simm.s32 $0x2;
	v4 =	vld [tilespmem:s31+$0x0]  }
.LBB2_14:
0x10f: {  	p0 =	sne.s32 s20, $0x3F;
	_ =	sdelay $0x1  }
0x110: {  	s21 =	sand.u32 $0xF, s19;
	s19 =	smov.u32 s20  }
0x111: {  	v5 =	vmov s21  }
0x112: {  	vm0 =	veq.s32 v5, v0;
	v4 =	vxor.u32 $0x80000000, v4  }
0x113: {  	v4 =	vnsel vm0, $0x80000000, v4  }
0x114: {  	(xrf0) =	vmax.scan.msk.u32 $0xffff, v4;
	_ =	sdelay $0x5  }
0x115: {  	v4, _, _ =	vpop (xrf0)  }
0x116: {  	(v2sf) =	vpush v4, $0xF;
	_ =	sdelay $0xe  }
0x117: {  	s21 =	spop (v2sf)  }
.Ltmp6:
0x118: {  	s21 =	sshll.u32 s21, $0x4;
	(pc) =	sbr.rel @p0 .LBB2_14-.Ltmp6, $4  }
0x119: {  	s21 =	sand.u32 $0x1FFFFF80, s21  }
0x11a: {  	s22 =	sand.u32 $0x30, s20;
	s18 =	sadd.s32 $0x400, s18;
	s21 =	sadd.s32 s3, s21  }
0x11b: {  	[tilespmem:s18], [sflag:$0x1] =	stream.linear.gather [hbm4b:s21+s1], $0x400, $0x38;
	[tilespmem:$0x12080] =	vst v63  }
0x11c: {  	s20 =	sadd.s32 $0x1, s20;
	v4 =	vld [tilespmem:s22+$0x0]  }
0x11d: {  	_ =	sdelay $0x1  }
0x11e: {  	s19 =	sand.u32 $0xF, s19  }
0x11f: {  	v5 =	vmov s19  }
0x120: {  	vm0 =	veq.s32 v5, v0;
	v4 =	vxor.u32 $0x80000000, v4  }
0x121: {  	v4 =	vnsel vm0, $0x80000000, v4  }
0x122: {  	(xrf0) =	vmax.scan.msk.u32 $0xffff, v4;
	_ =	sdelay $0x5  }
0x123: {  	v4, _, _ =	vpop (xrf0)  }
0x124: {  	(v2sf) =	vpush v4, $0xF;
	_ =	sdelay $0xe  }
0x125: {  	s31 =	spop (v2sf)  }
0x126: {  	s19 =	sshll.u32 s31, $0x4  }
0x127: {  	s19 =	sand.u32 $0x1FFFFF80, s19  }
0x128: {  	s18 =	sadd.s32 $0x400, s18;
	s19 =	sadd.s32 s3, s19  }
0x129: {  	[tilespmem:s18], [sflag:$0x1] =	stream.linear.gather [hbm4b:s19+s1], $0x400, $0x38;
	[tilespmem:$0x12080] =	vst v63  }
0x12a: {  	s18 =	simm.s32 $0x40  }
.LBB2_16:
0x12b: {  	p0 =	sne.s32 s18, $0x1  }
.Ltmp7:
0x12c: {  	_ = 	snop;
	(pc) =	sbr.rel @p0 .LBB2_16-.Ltmp7, $4  }
0x12d: {  	_ = 	snop  }
0x12e: {  	_ =	swait.ge [sflag:s14], $0x400  }
0x12f: {  	[sflag:s14] =	ssyncset.done $0x0  }
0x130: {  	s18 =	sadd.s32 $0xFFFFFFFF, s18;
	[sflag:s14] =	ssyncadd.s32 $0xFFFFFC00  }
0x131: {  	s18 =	simm.s32 $0x0  }
0x132: {  	s19 =	sand.u32 $0x30, s18  }
0x133: {  	v4 =	vld [tilespmem:s19+$0x0];
	_ =	sdelay $0x3  }
0x134: {  	v5 =	vmov s18  }
0x135: {  	v4 =	vperm.xlane v4, v5;
	_ =	sdelay $0x1  }
0x136: {  	v4 =	vshll.u32 v4, $0x7  }
0x137: {  	s31 =	simm.s32 $0x0;
	v4 =	vand.u32 $0x380, v4  }
0x138: {  	v4 =	vor.u32 s31, v4  }
0x139: {  	v5 =	vor.u32 v0, v4;
	_ =	sdelay $0x4  }
0x13a: {  	v5 =	vld.idx.msk [tilespmem:v5+s15+$0x0], $0xffff  }
0x13b: {  	v6 =	vor.u32 v1, v4;
	_ =	sdelay $0x2  }
0x13c: {  	s18 =	simm.s32 $0x100A0  }
0x13d: {  	[tilespmem:s18+$0xFFFFFFE0] =	vst v5  }
0x13e: {  	v5 =	vld.idx.msk [tilespmem:v6+s15+$0x0], $0xffff  }
0x13f: {  	v6 =	vor.u32 v2, v4;
	_ =	sdelay $0x3  }
0x140: {  	[tilespmem:s18+$0xFFFFFFF0] =	vst v5  }
0x141: {  	v5 =	vld.idx.msk [tilespmem:v6+s15+$0x0], $0xffff  }
0x142: {  	v4 =	vor.u32 v3, v4;
	_ =	sdelay $0x3  }
0x143: {  	[tilespmem:s18+$0x0] =	vst v5  }
0x144: {  	s20 =	simm.s32 $0x2;
	s19 =	simm.s32 $0x1;
	v4 =	vld.idx.msk [tilespmem:v4+s15+$0x0], $0xffff  }
.LBB2_18:
0x145: {  	_ =	sdelay $0x2  }
0x146: {  	s21 =	sand.u32 $0x30, s19  }
0x147: {  	s22 =	smov.u32 s20;
	s23 =	sadd.s32 $0x1, s20;
	[tilespmem:s18+$0x10] =	vst v4;
	s18 =	sadd.s32 $0x80, s18  }
0x148: {  	p0 =	sne.s32 s20, $0x3F;
	v4 =	vld [tilespmem:s21+$0x0];
	_ =	sdelay $0x3  }
0x149: {  	v5 =	vmov s19  }
0x14a: {  	v4 =	vperm.xlane v4, v5;
	_ =	sdelay $0x1  }
0x14b: {  	v4 =	vshll.u32 v4, $0x7  }
0x14c: {  	s20 =	sshll.u32 s19, $0xA;
	s19 =	smov.u32 s22;
	v4 =	vand.u32 $0x380, v4  }
0x14d: {  	v4 =	vor.u32 s20, v4  }
0x14e: {  	v5 =	vor.u32 v0, v4;
	_ =	sdelay $0x4  }
0x14f: {  	v5 =	vld.idx.msk [tilespmem:v5+s15+$0x0], $0xffff;
	_ =	sdelay $0x1  }
0x150: {  	v6 =	vor.u32 v1, v4;
	_ =	sdelay $0x3  }
0x151: {  	[tilespmem:s18+$0xFFFFFFE0] =	vst v5  }
0x152: {  	v5 =	vld.idx.msk [tilespmem:v6+s15+$0x0], $0xffff;
	_ =	sdelay $0x1  }
0x153: {  	v6 =	vor.u32 v2, v4;
	_ =	sdelay $0x3  }
0x154: {  	[tilespmem:s18+$0xFFFFFFF0] =	vst v5  }
0x155: {  	v5 =	vld.idx.msk [tilespmem:v6+s15+$0x0], $0xffff;
	_ =	sdelay $0x1  }
0x156: {  	v4 =	vor.u32 v3, v4  }
.Ltmp8:
0x157: {  	(pc) =	sbr.rel @p0 .LBB2_18-.Ltmp8, $3  }
0x158: {  	_ =	sdelay $0x1  }
0x159: {  	[tilespmem:s18+$0x0] =	vst v5  }
0x15a: {  	s20 =	smov.u32 s23;
	v4 =	vld.idx.msk [tilespmem:v4+s15+$0x0], $0xffff  }
0x15b: {  	_ =	sdelay $0x3  }
0x15c: {  	s20 =	sand.u32 $0x30, s19;
	[tilespmem:s18+$0x10] =	vst v4  }
0x15d: {  	v4 =	vld [tilespmem:s20+$0x0];
	_ =	sdelay $0x3  }
0x15e: {  	v5 =	vmov s19  }
0x15f: {  	v4 =	vperm.xlane v4, v5;
	_ =	sdelay $0x1  }
0x160: {  	v4 =	vshll.u32 v4, $0x7  }
0x161: {  	s24 =	sshll.u32 s19, $0xA;
	v4 =	vand.u32 $0x380, v4  }
0x162: {  	v4 =	vor.u32 s24, v4  }
0x163: {  	v5 =	vor.u32 v0, v4;
	_ =	sdelay $0x4  }
0x164: {  	v5 =	vld.idx.msk [tilespmem:v5+s15+$0x0], $0xffff  }
0x165: {  	v6 =	vor.u32 v1, v4;
	_ =	sdelay $0x2  }
0x166: {  	s25 =	sadd.s32 $0x80, s18  }
0x167: {  	[tilespmem:s25+$0xFFFFFFE0] =	vst v5  }
0x168: {  	v5 =	vld.idx.msk [tilespmem:v6+s15+$0x0], $0xffff  }
0x169: {  	v6 =	vor.u32 v2, v4;
	_ =	sdelay $0x3  }
0x16a: {  	[tilespmem:s25+$0xFFFFFFF0] =	vst v5  }
0x16b: {  	v5 =	vld.idx.msk [tilespmem:v6+s15+$0x0], $0xffff  }
0x16c: {  	v4 =	vor.u32 v3, v4;
	_ =	sdelay $0x3  }
0x16d: {  	[tilespmem:s25+$0x0] =	vst v5  }
0x16e: {  	v4 =	vld.idx.msk [tilespmem:v4+s15+$0x0], $0xffff;
	_ =	sdelay $0x4  }
0x16f: {  	s26 =	simm.s32 $0x0;
	[tilespmem:s25+$0x10] =	vst v4  }
0x170: {  	[hbm4b:s9+s26] =	stream.linear.scatter [tilespmem:s16], [sflag:$0x2], $0x2000, $0x38;
	[tilespmem:$0x12080] =	vst v63  }
0x171: {  	_ =	swait.ge [sflag:s13], $0x2000  }
0x172: {  	[sflag:s13] =	ssyncset.done $0x0  }
0x173: {  	[sflag:s13] =	ssyncadd.s32 $0xFFFFE000  }
0x174: {  	[tilespmem:s26], [sflag:$0x2] =	stream.linear.gather [hbm4b:s10+s26], $0x40, $0x38;
	[tilespmem:$0x12080] =	vst v63  }
0x175: {  	_ =	swait.ge [sflag:s13], $0x40  }
0x176: {  	[sflag:s13] =	ssyncset.done $0x0  }
0x177: {  	s28 =	sand.u32 $0x30, s26;
	[sflag:s13] =	ssyncadd.s32 $0xFFFFFFC0  }
0x178: {  	v4 =	vld [tilespmem:s28+$0x0];
	_ =	sdelay $0x2  }
0x179: {  	s18 =	sand.u32 $0xF, s26  }
0x17a: {  	v5 =	vmov s18  }
0x17b: {  	vm0 =	veq.s32 v5, v0;
	v4 =	vxor.u32 $0x80000000, v4  }
0x17c: {  	v4 =	vnsel vm0, $0x80000000, v4  }
0x17d: {  	(xrf0) =	vmax.scan.msk.u32 $0xffff, v4;
	_ =	sdelay $0x5  }
0x17e: {  	v4, _, _ =	vpop (xrf0)  }
0x17f: {  	(v2sf) =	vpush v4, $0xF;
	_ =	sdelay $0xe  }
0x180: {  	s29 =	spop (v2sf)  }
0x181: {  	s18 =	sshll.u32 s29, $0x4  }
0x182: {  	s19 =	simm.s32 $0x1;
	s30 =	sand.u32 $0x1FFFFF80, s18  }
0x183: {  	s31 =	sand.u32 $0x30, s19;
	s18 =	simm.s32 $0x80;
	s20 =	sadd.s32 s3, s30  }
0x184: {  	[tilespmem:s18], [sflag:$0x1] =	stream.linear.gather [hbm4b:s20+s1], $0x400, $0x38;
	[tilespmem:$0x12080] =	vst v63  }
0x185: {  	s20 =	simm.s32 $0x2;
	v4 =	vld [tilespmem:s31+$0x0]  }
.LBB2_20:
0x186: {  	p0 =	sne.s32 s20, $0x3F;
	_ =	sdelay $0x1  }
0x187: {  	s21 =	sand.u32 $0xF, s19;
	s19 =	smov.u32 s20  }
0x188: {  	v5 =	vmov s21  }
0x189: {  	vm0 =	veq.s32 v5, v0;
	v4 =	vxor.u32 $0x80000000, v4  }
0x18a: {  	v4 =	vnsel vm0, $0x80000000, v4  }
0x18b: {  	(xrf0) =	vmax.scan.msk.u32 $0xffff, v4;
	_ =	sdelay $0x5  }
0x18c: {  	v4, _, _ =	vpop (xrf0)  }
0x18d: {  	(v2sf) =	vpush v4, $0xF;
	_ =	sdelay $0xe  }
0x18e: {  	s21 =	spop (v2sf)  }
.Ltmp9:
0x18f: {  	s21 =	sshll.u32 s21, $0x4;
	(pc) =	sbr.rel @p0 .LBB2_20-.Ltmp9, $4  }
0x190: {  	s21 =	sand.u32 $0x1FFFFF80, s21  }
0x191: {  	s22 =	sand.u32 $0x30, s20;
	s18 =	sadd.s32 $0x400, s18;
	s21 =	sadd.s32 s3, s21  }
0x192: {  	[tilespmem:s18], [sflag:$0x1] =	stream.linear.gather [hbm4b:s21+s1], $0x400, $0x38;
	[tilespmem:$0x12080] =	vst v63  }
0x193: {  	s20 =	sadd.s32 $0x1, s20;
	v4 =	vld [tilespmem:s22+$0x0]  }
0x194: {  	_ =	sdelay $0x1  }
0x195: {  	s19 =	sand.u32 $0xF, s19  }
0x196: {  	v5 =	vmov s19  }
0x197: {  	vm0 =	veq.s32 v5, v0;
	v4 =	vxor.u32 $0x80000000, v4  }
0x198: {  	v4 =	vnsel vm0, $0x80000000, v4  }
0x199: {  	(xrf0) =	vmax.scan.msk.u32 $0xffff, v4;
	_ =	sdelay $0x5  }
0x19a: {  	v4, _, _ =	vpop (xrf0)  }
0x19b: {  	(v2sf) =	vpush v4, $0xF;
	_ =	sdelay $0xe  }
0x19c: {  	s31 =	spop (v2sf)  }
0x19d: {  	s19 =	sshll.u32 s31, $0x4  }
0x19e: {  	s19 =	sand.u32 $0x1FFFFF80, s19  }
0x19f: {  	s18 =	sadd.s32 $0x400, s18;
	s19 =	sadd.s32 s3, s19  }
0x1a0: {  	[tilespmem:s18], [sflag:$0x1] =	stream.linear.gather [hbm4b:s19+s1], $0x400, $0x38;
	[tilespmem:$0x12080] =	vst v63  }
0x1a1: {  	s18 =	simm.s32 $0x40  }
.LBB2_22:
0x1a2: {  	p0 =	sne.s32 s18, $0x1  }
.Ltmp10:
0x1a3: {  	_ = 	snop;
	(pc) =	sbr.rel @p0 .LBB2_22-.Ltmp10, $4  }
0x1a4: {  	_ = 	snop  }
0x1a5: {  	_ =	swait.ge [sflag:s14], $0x400  }
0x1a6: {  	[sflag:s14] =	ssyncset.done $0x0  }
0x1a7: {  	s18 =	sadd.s32 $0xFFFFFFFF, s18;
	[sflag:s14] =	ssyncadd.s32 $0xFFFFFC00  }
0x1a8: {  	s18 =	simm.s32 $0x0  }
0x1a9: {  	s19 =	sand.u32 $0x30, s18  }
0x1aa: {  	v4 =	vld [tilespmem:s19+$0x0];
	_ =	sdelay $0x3  }
0x1ab: {  	v5 =	vmov s18  }
0x1ac: {  	v4 =	vperm.xlane v4, v5;
	_ =	sdelay $0x1  }
0x1ad: {  	v4 =	vshll.u32 v4, $0x7  }
0x1ae: {  	s31 =	simm.s32 $0x0;
	v4 =	vand.u32 $0x380, v4  }
0x1af: {  	v4 =	vor.u32 s31, v4  }
0x1b0: {  	v5 =	vor.u32 v0, v4;
	_ =	sdelay $0x4  }
0x1b1: {  	v5 =	vld.idx.msk [tilespmem:v5+s15+$0x0], $0xffff  }
0x1b2: {  	v6 =	vor.u32 v1, v4;
	_ =	sdelay $0x2  }
0x1b3: {  	s18 =	simm.s32 $0x100A0  }
0x1b4: {  	[tilespmem:s18+$0xFFFFFFE0] =	vst v5  }
0x1b5: {  	v5 =	vld.idx.msk [tilespmem:v6+s15+$0x0], $0xffff  }
0x1b6: {  	v6 =	vor.u32 v2, v4;
	_ =	sdelay $0x3  }
0x1b7: {  	[tilespmem:s18+$0xFFFFFFF0] =	vst v5  }
0x1b8: {  	v5 =	vld.idx.msk [tilespmem:v6+s15+$0x0], $0xffff  }
0x1b9: {  	v4 =	vor.u32 v3, v4;
	_ =	sdelay $0x3  }
0x1ba: {  	[tilespmem:s18+$0x0] =	vst v5  }
0x1bb: {  	s20 =	simm.s32 $0x2;
	s19 =	simm.s32 $0x1;
	v4 =	vld.idx.msk [tilespmem:v4+s15+$0x0], $0xffff  }
.LBB2_24:
0x1bc: {  	_ =	sdelay $0x2  }
0x1bd: {  	s21 =	sand.u32 $0x30, s19  }
0x1be: {  	s22 =	smov.u32 s20;
	s23 =	sadd.s32 $0x1, s20;
	[tilespmem:s18+$0x10] =	vst v4;
	s18 =	sadd.s32 $0x80, s18  }
0x1bf: {  	p0 =	sne.s32 s20, $0x3F;
	v4 =	vld [tilespmem:s21+$0x0];
	_ =	sdelay $0x3  }
0x1c0: {  	v5 =	vmov s19  }
0x1c1: {  	v4 =	vperm.xlane v4, v5;
	_ =	sdelay $0x1  }
0x1c2: {  	v4 =	vshll.u32 v4, $0x7  }
0x1c3: {  	s20 =	sshll.u32 s19, $0xA;
	s19 =	smov.u32 s22;
	v4 =	vand.u32 $0x380, v4  }
0x1c4: {  	v4 =	vor.u32 s20, v4  }
0x1c5: {  	v5 =	vor.u32 v0, v4;
	_ =	sdelay $0x4  }
0x1c6: {  	v5 =	vld.idx.msk [tilespmem:v5+s15+$0x0], $0xffff;
	_ =	sdelay $0x1  }
0x1c7: {  	v6 =	vor.u32 v1, v4;
	_ =	sdelay $0x3  }
0x1c8: {  	[tilespmem:s18+$0xFFFFFFE0] =	vst v5  }
0x1c9: {  	v5 =	vld.idx.msk [tilespmem:v6+s15+$0x0], $0xffff;
	_ =	sdelay $0x1  }
0x1ca: {  	v6 =	vor.u32 v2, v4;
	_ =	sdelay $0x3  }
0x1cb: {  	[tilespmem:s18+$0xFFFFFFF0] =	vst v5  }
0x1cc: {  	v5 =	vld.idx.msk [tilespmem:v6+s15+$0x0], $0xffff;
	_ =	sdelay $0x1  }
0x1cd: {  	v4 =	vor.u32 v3, v4  }
.Ltmp11:
0x1ce: {  	(pc) =	sbr.rel @p0 .LBB2_24-.Ltmp11, $3  }
0x1cf: {  	_ =	sdelay $0x1  }
0x1d0: {  	[tilespmem:s18+$0x0] =	vst v5  }
0x1d1: {  	s20 =	smov.u32 s23;
	v4 =	vld.idx.msk [tilespmem:v4+s15+$0x0], $0xffff  }
0x1d2: {  	_ =	sdelay $0x3  }
0x1d3: {  	s20 =	sand.u32 $0x30, s19;
	[tilespmem:s18+$0x10] =	vst v4  }
0x1d4: {  	v4 =	vld [tilespmem:s20+$0x0];
	_ =	sdelay $0x3  }
0x1d5: {  	v5 =	vmov s19  }
0x1d6: {  	v4 =	vperm.xlane v4, v5;
	_ =	sdelay $0x1  }
0x1d7: {  	v4 =	vshll.u32 v4, $0x7  }
0x1d8: {  	s30 =	sshll.u32 s19, $0xA;
	v4 =	vand.u32 $0x380, v4  }
0x1d9: {  	v4 =	vor.u32 s30, v4  }
0x1da: {  	v5 =	vor.u32 v0, v4;
	_ =	sdelay $0x4  }
0x1db: {  	v5 =	vld.idx.msk [tilespmem:v5+s15+$0x0], $0xffff  }
0x1dc: {  	v6 =	vor.u32 v1, v4;
	_ =	sdelay $0x2  }
0x1dd: {  	s31 =	sadd.s32 $0x80, s18  }
0x1de: {  	[tilespmem:s31+$0xFFFFFFE0] =	vst v5  }
0x1df: {  	v5 =	vld.idx.msk [tilespmem:v6+s15+$0x0], $0xffff  }
0x1e0: {  	v63 =	vor.u32 v2, v4;
	_ =	sdelay $0x3  }
0x1e1: {  	[tilespmem:s31+$0xFFFFFFF0] =	vst v5  }
0x1e2: {  	v5 =	vld.idx.msk [tilespmem:v63+s15+$0x0], $0xffff  }
0x1e3: {  	v4 =	vor.u32 v3, v4;
	_ =	sdelay $0x3  }
0x1e4: {  	[tilespmem:s31+$0x0] =	vst v5  }
0x1e5: {  	v4 =	vld.idx.msk [tilespmem:v4+s15+$0x0], $0xffff;
	_ =	sdelay $0x2  }
0x1e6: {  	s17 =	sadd.s32 $0x1, s17  }
0x1e7: {  	p0 =	sne.s32 s17, s12  }
.Ltmp12:
0x1e8: {  	[tilespmem:s31+$0x10] =	vst v4;
	(pc) =	sbr.rel @p0 .LBB2_1-.Ltmp12, $4  }
0x1e9: {  	[hbm4b:s11+s1] =	stream.linear.scatter [tilespmem:s16], [sflag:$0x2], $0x2000, $0x38;
	[tilespmem:$0x12080] =	vst v63  }
0x1ea: {  	_ =	swait.ge [sflag:s13], $0x2000  }
0x1eb: {  	[sflag:s13] =	ssyncset.done $0x0  }
0x1ec: {  	[sflag:s13] =	ssyncadd.s32 $0xFFFFE000  }
0x1ed: {  	_ =	sfence.sel $0x180000  }
0x1ee: {  	[bflag:$0x0] =	sbarrier.arrive $0xFFFF  }
0x1ef: {  	p0 =	sne.s32 s2, $0x0;
	_ =	strace $0x9000004D  }
0x1f0: {  	s0 =	sadd.s32 @!p0 $0x100000, s0;
	[bflag:$0x2] =	sbarrier.arrive $0xFFFF  }
0x1f1: {  	[sflag:s0] =	ssyncadd.tile.s32 @!p0 $0x1;
	_ =	shalt  }
.Lfunc_end2:
_tile_overlayer_lowered:
.L_overlay_start_2:
0x1f2: {  	(tag) =	ssettag $0x2  }
0x1f3: {  	s0 =	rddreg [dreg:$0x0];
	s2 =	stileid.u32  }
0x1f4: {  	s1 =	rddreg [dreg:$0x1];
	p0 =	sne.s32 s2, $0x0  }
0x1f5: {  	s3 =	rddreg [dreg:$0x2];
	[bflag:$0x3] =	sbarrier.arrive $0xFFFF;
	s2 =	simm.s32 @!p0 $0x1C02  }
0x1f6: {  	[timem:s3], [sflag:s2] =	dma.local @!p0 [hbm:s0], s1  }
0x1f7: {  	s0 =	simm.s32 @!p0 $0x2  }
0x1f8: {  	_ =	swait.ge @!p0 [sflag:s0], s1  }
0x1f9: {  	s1 =	ssub.s32 @!p0 $0x0, s1;
	[sflag:s0] =	ssyncset.done @!p0 $0x0  }
0x1fa: {  	[sflag:s0] =	ssyncadd.s32 @!p0 s1  }
0x1fb: {  	[bflag:$0x3] =	sbarrier.arrive $0xFFFF  }
0x1fc: {  	_ =	shalt  }

// kernel: kernel.17.cloned.1.call-start
scs
__scs_entry_jumppad:
0x0: {  	(pc) =	sbr.rel $0x88, $3  }
0x1: {  	(tag) =	ssettag $0x0;
	lr =	simm.s32 $0x1  }
0x2: {  	[smem:$0x3F91] =	sst lr;
	_ =	strace $0xD0000000  }
0x3: {  	_ = 	snop  }
0x4: {  	_ = 	snop  }
0x5: {  	_ = 	snop  }
0x6: {  	_ = 	snop  }
0x7: {  	_ = 	snop  }
__scs_overlays_trampoline_lowered:
0x8: {  	[smem:$0x3FA0] =	sst s0  }
0x9: {  	[smem:$0x3FA1] =	sst s1  }
0xa: {  	[smem:$0x3FA2] =	sst s2  }
0xb: {  	[smem:$0x3FA3] =	sst s3  }
0xc: {  	[smem:$0x3FA4] =	sst s4  }
0xd: {  	[smem:$0x3FA5] =	sst s5  }
0xe: {  	[smem:$0x3FA6] =	sst s6  }
0xf: {  	[smem:$0x3FA7] =	sst s7  }
0x10: {  	[smem:$0x3FA8] =	sst s8  }
0x11: {  	[smem:$0x3FA9] =	sst s9;
	s0 =	simm.s32 @!p0 $0x0  }
0x12: {  	s1 =	sld [smem:$0x3F8F];
	s0 =	simm.s32 @p0 $0x1  }
0x13: {  	[smem:$0x3FAA] =	sst s0;
	s0 =	simm.s32 @!p1 $0x0  }
0x14: {  	s2 =	sld [smem:$0x3F8E];
	s0 =	simm.s32 @p1 $0x1  }
0x15: {  	[smem:$0x3FAB] =	sst s0;
	s0 =	simm.s32 @!p2 $0x0  }
0x16: {  	s3 =	sld [smem:$0x3FDB];
	s0 =	simm.s32 @p2 $0x1  }
0x17: {  	s4 =	simm.s32 $0x1BF5;
	[smem:$0x3FAD] =	sst s0  }
0x18: {  	s0 =	sld [smem:$0x3F90];
	_ =	swait.ge [sflag:s4], $0x0  }
0x19: {  	s7 =	sld [smem:$0x3F91]  }
0x1a: {  	s8 =	sadd.s32 $0xFFFFE003, lr  }
0x1b: {  	s9 =	sadd.s32 $0xFFFFFEF7, lr;
	s5 =	simm.s32 $0xFFFFFFFF;
	p2 =	slt.u32 s8, $0xFFFFF086  }
0x1c: {  	p1 =	slt.u32 s9, $0xF7A;
	s5 =	simm.s32 @!p2 $0x0  }
0x1d: {  	s5 =	simm.s32 @p1 $0x1;
	p0 =	seq.s32 s7, s2  }
0x1e: {  	s7 =	smul.u32 @!p0 $0xF7A, s2;
	p2 =	seq.s32 @!p0 s5, $0x0  }
0x1f: {  	s9 =	smul.u32 $0xF7A, s1;
	s8 =	simm.s32 @!p0 $0x1BF5;
	p2 =	por !p2, p0  }
0x20: {  	[sflag:s8] =	ssyncset.s32 @!p0 $0xFFFFF086;
	s6 =	sadd.s32 @!p0 s3, s7;
	s7 =	simm.s32 @!p0 $0x108  }
0x21: {  	s3 =	sadd.s32 s3, s9;
	s6 =	sadd.s32 @!p0 $0x88, s6;
	s7 =	simm.s32 @p2 $0x1082  }
0x22: {  	[simem:s7], [sflag:s8] =	dma.local @!p0 [hbm:s6], $0xF7A  }
0x23: {  	s9 =	sor.u32 $0xD0000000, s2;
	s6 =	simm.s32 $0x108;
	_ =	swait.ge @!p0 [sflag:s8], $0x0  }
0x24: {  	s3 =	sadd.s32 $0x88, s3;
	s6 =	simm.s32 @!p1 $0x1082;
	[sflag:s4] =	ssyncset.s32 $0xFFFFF086  }
0x25: {  	[simem:s6], [sflag:s4] =	dma.local [hbm:s3], $0xF7A  }
0x26: {  	[smem:$0x3F91] =	sst s1;
	(tag) =	ssettag s2;
	_ =	strace s9  }
0x27: {  	s1 =	sld [smem:$0x3FA1]  }
0x28: {  	s2 =	sld [smem:$0x3FA2]  }
0x29: {  	s4 =	sld [smem:$0x3FA4]  }
0x2a: {  	p0 =	seq.s32 s5, $0x0;
	s5 =	sld [smem:$0x3FA5]  }
0x2b: {  	s6 =	sld [smem:$0x3FA6]  }
0x2c: {  	s7 =	sld [smem:$0x3FA7]  }
0x2d: {  	s3 =	simm.s32 $0x108;
	s8 =	sld [smem:$0x3FA8]  }
0x2e: {  	s3 =	simm.s32 @!p0 $0x1082;
	s9 =	sld [smem:$0x3FA9]  }
0x2f: {  	lr =	sadd.s32 s0, s3;
	s0 =	sld [smem:$0x3FA0]  }
0x30: {  	s3 =	sld [smem:$0x3FA3]  }
0x31: {  	[smem:$0x3FAC] =	sst s10  }
0x32: {  	s10 =	sld [smem:$0x3FAA];
	_ =	sdelay $0x3  }
0x33: {  	p0 =	seq.s32 s10, $0x1;
	s10 =	sld [smem:$0x3FAC];
	_ =	sdelay $0x3  }
0x34: {  	[smem:$0x3FAC] =	sst s10  }
0x35: {  	s10 =	sld [smem:$0x3FAB];
	_ =	sdelay $0x3  }
0x36: {  	p1 =	seq.s32 s10, $0x1;
	s10 =	sld [smem:$0x3FAC];
	_ =	sdelay $0x3  }
0x37: {  	[smem:$0x3FAC] =	sst s10  }
0x38: {  	s10 =	sld [smem:$0x3FAD]  }
0x39: {  	_ = 	snop;
	(pc) =	sbr.ind lr, $3  }
0x3a: {  	_ = 	snop  }
0x3b: {  	_ = 	snop  }
0x3c: {  	p2 =	seq.s32 s10, $0x1;
	s10 =	sld [smem:$0x3FAC]  }
0x3d: {  	_ =	shalt  }
0x3e: {  	_ =	shalt  }
0x3f: {  	_ =	shalt  }
0x40: {  	_ =	shalt  }
0x41: {  	_ =	shalt  }
0x42: {  	_ =	shalt  }
0x43: {  	_ =	shalt  }
0x44: {  	_ =	shalt  }
0x45: {  	_ =	shalt  }
0x46: {  	_ =	shalt  }
0x47: {  	_ =	shalt  }
0x48: {  	_ =	shalt  }
0x49: {  	_ =	shalt  }
0x4a: {  	_ =	shalt  }
0x4b: {  	_ =	shalt  }
0x4c: {  	_ =	shalt  }
0x4d: {  	_ =	shalt  }
0x4e: {  	_ =	shalt  }
0x4f: {  	_ =	shalt  }
0x50: {  	_ =	shalt  }
0x51: {  	_ =	shalt  }
0x52: {  	_ =	shalt  }
0x53: {  	_ =	shalt  }
0x54: {  	_ =	shalt  }
0x55: {  	_ =	shalt  }
0x56: {  	_ =	shalt  }
0x57: {  	_ =	shalt  }
0x58: {  	_ =	shalt  }
0x59: {  	_ =	shalt  }
0x5a: {  	_ =	shalt  }
0x5b: {  	_ =	shalt  }
0x5c: {  	_ =	shalt  }
0x5d: {  	_ =	shalt  }
0x5e: {  	_ =	shalt  }
0x5f: {  	_ =	shalt  }
0x60: {  	_ =	shalt  }
0x61: {  	_ =	shalt  }
0x62: {  	_ =	shalt  }
0x63: {  	_ =	shalt  }
0x64: {  	_ =	shalt  }
0x65: {  	_ =	shalt  }
0x66: {  	_ =	shalt  }
0x67: {  	_ =	shalt  }
0x68: {  	_ =	shalt  }
0x69: {  	_ =	shalt  }
0x6a: {  	_ =	shalt  }
0x6b: {  	_ =	shalt  }
0x6c: {  	_ =	shalt  }
0x6d: {  	_ =	shalt  }
0x6e: {  	_ =	shalt  }
0x6f: {  	_ =	shalt  }
0x70: {  	_ =	shalt  }
0x71: {  	_ =	shalt  }
0x72: {  	_ =	shalt  }
0x73: {  	_ =	shalt  }
0x74: {  	_ =	shalt  }
0x75: {  	_ =	shalt  }
0x76: {  	_ =	shalt  }
0x77: {  	_ =	shalt  }
0x78: {  	_ =	shalt  }
0x79: {  	_ =	shalt  }
0x7a: {  	_ =	shalt  }
0x7b: {  	_ =	shalt  }
0x7c: {  	_ =	shalt  }
0x7d: {  	_ =	shalt  }
0x7e: {  	_ =	shalt  }
0x7f: {  	_ =	shalt  }
0x80: {  	_ =	shalt  }
0x81: {  	_ =	shalt  }
0x82: {  	_ =	shalt  }
0x83: {  	_ =	shalt  }
0x84: {  	_ =	shalt  }
0x85: {  	_ =	shalt  }
0x86: {  	_ =	shalt  }
0x87: {  	_ =	shalt  }
.Lfunc_end0:
.L_simem_size_0:
called_computation.2_lowered:
.L_overlay_start_0:
0x88: {  	s2 =	sld [smem:$0x3FD9]  }
0x89: {  	s3 =	sld [smem:$0x3FFE];
	_ =	sdelay $0x1  }
0x8a: {  	s1 =	srdreg.scid  }
0x8b: {  	s0 =	sand.u32 $0x1, s1  }
0x8c: {  	s17 =	sshll.u32 s0, $0xA;
	s2 =	sadd.s32 s3, s2  }
0x8d: {  	s2 =	sadd.s32 s2, s17  }
0x8e: {  	[smem:$0x3FB8] =	sst s2  }
0x8f: {  	_ = 	snop  }
0x90: {  	(tm) =	ssettm $0x1  }
0x91: {  	s18 =	sld [smem:$0x3FFB];
	_ =	sdelay $0x3  }
0x92: {  	_ =	strace s18  }
0x93: {  	s2 =	sld [smem:$0x3FFC];
	_ =	sdelay $0x3  }
0x94: {  	_ =	strace s2  }
0x95: {  	s2 =	sld [smem:$0x3FFD];
	_ =	sdelay $0x3  }
0x96: {  	_ =	strace s2  }
0x97: {  	_ =	strace $0x8FFFFFFF  }
0x98: {  	s19 =	sld [smem:$0x3FDB];
	_ =	sdelay $0x1  }
0x99: {  	s20 =	simm.s32 $_scs_section_size  }
0x9a: {  	s4 =	simm.s32 $_size__tile_overlayer_lowered;
	s5 =	simm.s32 $_tile_overlayer_lowered  }
0x9b: {  	s6 =	simm.s32 $0x1BFF;
	s21 =	sshll.u32 s5, $0x1;
	s3 =	sadd.s32 s20, s19  }
0x9c: {  	s22 =	simm.s32 $0x0;
	s4 =	sshll.u32 s4, $0x1;
	s5 =	sadd.s32 s21, s3  }
0x9d: {  	[timem:s22], [sflag:s6] =	dma.local [hbm:s5], s4  }
0x9e: {  	_ =	swait.ge [sflag:s6], s4  }
0x9f: {  	s4 =	ssub.s32 $0x0, s4;
	[sflag:s6] =	ssyncset.done $0x0  }
0xa0: {  	[sflag:s6] =	ssyncadd.s32 s4;
	_ =	sdelay $0x1  }
0xa1: {  	s23 =	simm.s32 $0x1B8B  }
0xa2: {  	_ =	swait.ge [sflag:s23], $0x1  }
0xa3: {  	[sflag:s23] =	ssyncset.done $0x0  }
0xa4: {  	[sflag:s23] =	ssyncadd.s32 $0xFFFFFFFF  }
0xa5: {  	s4 =	sld [smem:$0x0]  }
0xa6: {  	s5 =	sand.u32 $0xFFFFFFFE, s1  }
0xa7: {  	p0 =	sne.s32 s1, s5  }
0xa8: {  	s5 =	sshll.u32 @p0 s5, $0xE  }
0xa9: {  	s5 =	sadd.s32 @p0 $0x11B8D, s5;
	s6 =	sshll.u32 @p0 s4, $0x11  }
0xaa: {  	s5 =	sor.u32 @p0 s6, s5  }
0xab: {  	[sflag:s5] =	ssyncadd.remote.s32 @p0 $0x1;
	_ =	sdelay $0x1  }
0xac: {  	s5 =	simm.s32 @p0 $0x1B8D  }
0xad: {  	_ =	swait.eq @p0 [sflag:s5], $0x1  }
0xae: {  	[sflag:s5] =	ssyncadd.s32 @p0 $0xFFFFFFFF  }
0xaf: {  	s6 =	sshll.u32 @!p0 s1, $0xE  }
0xb0: {  	s6 =	sor.u32 @!p0 $0x4000, s6;
	s5 =	simm.s32 @!p0 $0x1B8D  }
0xb1: {  	s4 =	sshll.u32 @!p0 s4, $0x11;
	s6 =	sadd.s32 @!p0 $0x11B8D, s6;
	_ =	swait.eq @!p0 [sflag:s5], $0x1  }
0xb2: {  	s4 =	sor.u32 @!p0 s4, s6;
	[sflag:s5] =	ssyncadd.s32 @!p0 $0xFFFFFFFF  }
0xb3: {  	s25 =	simm.s32 $0x1B8E;
	s24 =	sld [smem:$0x3FFE];
	[sflag:s4] =	ssyncadd.remote.s32 @!p0 $0x1  }
0xb4: {  	s26 =	simm.s32 $execute0_lowered;
	[smem:$0x3FD2] =	sst s25  }
0xb5: {  	s5 =	sshll.u32 s26, $0x1;
	_ =	strace $0x80000049;
	[dreg:$0x1] =	wrdreg $0xFFFFFFFF  }
0xb6: {  	s28 =	simm.s32 $_size_execute0_lowered;
	s3 =	sadd.s32 s3, s5;
	[dreg:$0x0] =	wrdreg $0x0  }
0xb7: {  	s5 =	sshll.u32 s28, $0x1;
	[dreg:$0x2] =	wrdreg s3  }
0xb8: {  	[dreg:$0x3] =	wrdreg s5  }
0xb9: {  	[dreg:$0x4] =	wrdreg $0xC0  }
0xba: {  	_ =	task [dreg:s22], $0x5FFFF  }
0xbb: {  	[dreg:$0x1] =	wrdreg $0xFFFFFFFF  }
0xbc: {  	[dreg:$0x0] =	wrdreg $0x60  }
0xbd: {  	[dreg:$0x2] =	wrdreg s24  }
0xbe: {  	[dreg:$0x3] =	wrdreg $0xB  }
0xbf: {  	_ =	task.clear_ibuf [dreg:s22], $0x4FFFF;
	_ =	strace $0x90000049  }
0xc0: {  	s29 =	simm.s32 $0xB;
	_ =	strace $0x8000004B  }
0xc1: {  	_ =	swait.ge [sflag:s29], $0x1  }
0xc2: {  	[sflag:s29] =	ssyncadd.s32 $0xFFFFFFFF  }
0xc3: {  	_ =	strace $0x9000004B  }
0xc4: {  	_ =	sfence  }
0xc5: {  	s30 =	sld [smem:$0x0];
	_ =	sdelay $0x2  }
0xc6: {  	s31 =	sshll.u32 s1, $0xD;
	s1 =	sshrl.u32 s1, $0x2  }
0xc7: {  	s4 =	sand.u32 $0x4000, s31;
	s1 =	sadd.s32 s1, s30  }
0xc8: {  	s0 =	sor.u32 s4, s0;
	s1 =	sshll.u32 s1, $0x11  }
0xc9: {  	s0 =	sor.u32 s1, s0  }
0xca: {  	s0 =	sadd.s32 $0x8F2B, s0  }
0xcb: {  	[sflag:s0] =	ssyncadd.remote.s32 $0x1  }
0xcc: {  	_ =	sfence.sel $0xFFFF  }
0xcd: {  	[dreg:$0x0] =	wrdreg $0xFFFFFFFF;
	(pc) =	sbr.abs _section_cstart, $3  }
0xce: {  	[dreg:$0x1] =	wrdreg $0xFFFFFFFF  }
0xcf: {  	_ =	task.clear_ibuf [dreg:s22], $0x2FFFF;
	_ =	strace $0x9FFFFFFF  }
0xd0: {  	(tm) =	ssettm $0x7FFFFFFF  }
0xd1: {  	_ =	shalt  }
tec
execute0_lowered:
.L_overlay_start_1:
0x0: {  	(tag) =	ssettag $0x1  }
0x1: {  	s4 =	rddreg [dreg:$0x0]  }
0x2: {  	s0 =	rddreg [dreg:$0x1]  }
0x3: {  	s1 =	simm.s32 $0x0;
	s5 =	srdreg.scid;
	s2 =	stileid.u32  }
0x4: {  	s16 =	simm.s32 $0x10080;
	s17 =	simm.s32 $0x0;
	[smem:$0x7FF] =	sst s1  }
0x5: {  	s6 =	sadd.s32 $0xF48200, s4;
	s10 =	sadd.s32 $0xF48000, s4;
	s3 =	sadd.s32 $0x5800, s4  }
0x6: {  	s5 =	sand.u32 $0x1, s5;
	s8 =	sshll.u32 s2, $0x8;
	s9 =	sadd.s32 $0xF68A00, s4  }
0x7: {  	s12 =	sadd.s32 $0xF78A00, s4;
	s7 =	ssub.s32 $0x2, s5;
	s5 =	sshll.u32 s5, $0x7  }
0x8: {  	_ =	strace $0x8000004A;
	s11 =	sshrl.u32 s7, $0x1;
	s5 =	sor.u32 s5, s8  }
0x9: {  	s13 =	ssub.s32 s7, s11;
	s8 =	sshrl.u32 s5, $0x3;
	s30 =	sshll.u32 s5, $0x4  }
0xa: {  	s31 =	sor.u32 $0x40, s5;
	s4 =	sadd.s32 s6, s8;
	s5 =	sadd.s32 s9, s30  }
0xb: {  	s14 =	sshrl.u32 s31, $0x3;
	s15 =	sshll.u32 s31, $0x4;
	s8 =	sadd.s32 s10, s8  }
0xc: {  	s6 =	sadd.s32 s6, s14;
	s7 =	sadd.s32 s9, s15;
	s9 =	sadd.s32 s12, s30  }
0xd: {  	v0 =	vlaneseq.u32;
	s10 =	sadd.s32 s10, s14;
	s11 =	sadd.s32 s12, s15;
	s12 =	smax.u32 s13, $0x1  }
0xe: {  	v1 =	vor.u32 $0x10, v0;
	v2 =	vor.u32 $0x20, v0;
	v3 =	vor.u32 $0x30, v0;
	s13 =	simm.s32 $0x2;
	s14 =	simm.s32 $0x1;
	s15 =	simm.s32 $0x80  }
.LBB2_1:
0xf: {  	[tilespmem:s1], [sflag:$0x2] =	stream.linear.gather [hbm4b:s4+s1], $0x40, $0x38;
	[tilespmem:$0x12080] =	vst v63  }
0x10: {  	_ =	swait.ge [sflag:s13], $0x40  }
0x11: {  	[sflag:s13] =	ssyncset.done $0x0  }
0x12: {  	s18 =	sand.u32 $0x30, s1;
	[sflag:s13] =	ssyncadd.s32 $0xFFFFFFC0  }
0x13: {  	v4 =	vld [tilespmem:s18+$0x0];
	_ =	sdelay $0x2  }
0x14: {  	s29 =	sand.u32 $0xF, s1  }
0x15: {  	v5 =	vmov s29  }
0x16: {  	vm0 =	veq.s32 v5, v0;
	v4 =	vxor.u32 $0x80000000, v4  }
0x17: {  	v4 =	vnsel vm0, $0x80000000, v4  }
0x18: {  	(xrf0) =	vmax.scan.msk.u32 $0xffff, v4;
	_ =	sdelay $0x5  }
0x19: {  	v4, _, _ =	vpop (xrf0)  }
0x1a: {  	(v2sf) =	vpush v4, $0xF;
	_ =	sdelay $0xe  }
0x1b: {  	s30 =	spop (v2sf)  }
0x1c: {  	s18 =	sshll.u32 s30, $0x4  }
0x1d: {  	s19 =	simm.s32 $0x1;
	s18 =	sand.u32 $0x1FFFFF80, s18  }
0x1e: {  	s31 =	sand.u32 $0x30, s19;
	s18 =	sadd.s32 s3, s18  }
0x1f: {  	[tilespmem:s15], [sflag:$0x1] =	stream.linear.gather [hbm4b:s18+s1], $0x400, $0x38;
	[tilespmem:$0x12080] =	vst v63  }
0x20: {  	s20 =	simm.s32 $0x2;
	s18 =	simm.s32 $0x80;
	v4 =	vld [tilespmem:s31+$0x0]  }
.LBB2_2:
0x21: {  	p0 =	sne.s32 s20, $0x3F;
	_ =	sdelay $0x1  }
0x22: {  	s21 =	sand.u32 $0xF, s19;
	s19 =	smov.u32 s20  }
0x23: {  	v5 =	vmov s21  }
0x24: {  	vm0 =	veq.s32 v5, v0;
	v4 =	vxor.u32 $0x80000000, v4  }
0x25: {  	v4 =	vnsel vm0, $0x80000000, v4  }
0x26: {  	(xrf0) =	vmax.scan.msk.u32 $0xffff, v4;
	_ =	sdelay $0x5  }
0x27: {  	v4, _, _ =	vpop (xrf0)  }
0x28: {  	(v2sf) =	vpush v4, $0xF;
	_ =	sdelay $0xe  }
0x29: {  	s21 =	spop (v2sf)  }
.Ltmp0:
0x2a: {  	s21 =	sshll.u32 s21, $0x4;
	(pc) =	sbr.rel @p0 .LBB2_2-.Ltmp0, $4  }
0x2b: {  	s21 =	sand.u32 $0x1FFFFF80, s21  }
0x2c: {  	s22 =	sand.u32 $0x30, s20;
	s18 =	sadd.s32 $0x400, s18;
	s21 =	sadd.s32 s3, s21  }
0x2d: {  	[tilespmem:s18], [sflag:$0x1] =	stream.linear.gather [hbm4b:s21+s1], $0x400, $0x38;
	[tilespmem:$0x12080] =	vst v63  }
0x2e: {  	s20 =	sadd.s32 $0x1, s20;
	v4 =	vld [tilespmem:s22+$0x0]  }
0x2f: {  	_ =	sdelay $0x1  }
0x30: {  	s19 =	sand.u32 $0xF, s19  }
0x31: {  	v5 =	vmov s19  }
0x32: {  	vm0 =	veq.s32 v5, v0;
	v4 =	vxor.u32 $0x80000000, v4  }
0x33: {  	v4 =	vnsel vm0, $0x80000000, v4  }
0x34: {  	(xrf0) =	vmax.scan.msk.u32 $0xffff, v4;
	_ =	sdelay $0x5  }
0x35: {  	v4, _, _ =	vpop (xrf0)  }
0x36: {  	(v2sf) =	vpush v4, $0xF;
	_ =	sdelay $0xe  }
0x37: {  	s31 =	spop (v2sf)  }
0x38: {  	s19 =	sshll.u32 s31, $0x4  }
0x39: {  	s19 =	sand.u32 $0x1FFFFF80, s19  }
0x3a: {  	s18 =	sadd.s32 $0x400, s18;
	s19 =	sadd.s32 s3, s19  }
0x3b: {  	[tilespmem:s18], [sflag:$0x1] =	stream.linear.gather [hbm4b:s19+s1], $0x400, $0x38;
	[tilespmem:$0x12080] =	vst v63  }
0x3c: {  	s18 =	simm.s32 $0x40  }
.LBB2_4:
0x3d: {  	p0 =	sne.s32 s18, $0x1  }
.Ltmp1:
0x3e: {  	_ = 	snop;
	(pc) =	sbr.rel @p0 .LBB2_4-.Ltmp1, $4  }
0x3f: {  	_ = 	snop  }
0x40: {  	_ =	swait.ge [sflag:s14], $0x400  }
0x41: {  	[sflag:s14] =	ssyncset.done $0x0  }
0x42: {  	s18 =	sadd.s32 $0xFFFFFFFF, s18;
	[sflag:s14] =	ssyncadd.s32 $0xFFFFFC00  }
0x43: {  	s18 =	simm.s32 $0x0  }
0x44: {  	s19 =	sand.u32 $0x30, s18  }
0x45: {  	v4 =	vld [tilespmem:s19+$0x0];
	_ =	sdelay $0x3  }
0x46: {  	v5 =	vmov s18  }
0x47: {  	v4 =	vperm.xlane v4, v5;
	_ =	sdelay $0x1  }
0x48: {  	v4 =	vshll.u32 v4, $0x7  }
0x49: {  	s31 =	simm.s32 $0x0;
	v4 =	vand.u32 $0x380, v4  }
0x4a: {  	v4 =	vor.u32 s31, v4  }
0x4b: {  	v5 =	vor.u32 v0, v4;
	_ =	sdelay $0x4  }
0x4c: {  	v5 =	vld.idx.msk [tilespmem:v5+s15+$0x0], $0xffff  }
0x4d: {  	v6 =	vor.u32 v1, v4;
	_ =	sdelay $0x2  }
0x4e: {  	s18 =	simm.s32 $0x100A0  }
0x4f: {  	[tilespmem:s18+$0xFFFFFFE0] =	vst v5  }
0x50: {  	v5 =	vld.idx.msk [tilespmem:v6+s15+$0x0], $0xffff  }
0x51: {  	v6 =	vor.u32 v2, v4;
	_ =	sdelay $0x3  }
0x52: {  	[tilespmem:s18+$0xFFFFFFF0] =	vst v5  }
0x53: {  	v5 =	vld.idx.msk [tilespmem:v6+s15+$0x0], $0xffff  }
0x54: {  	v4 =	vor.u32 v3, v4;
	_ =	sdelay $0x3  }
0x55: {  	[tilespmem:s18+$0x0] =	vst v5  }
0x56: {  	s20 =	simm.s32 $0x2;
	s19 =	simm.s32 $0x1;
	v4 =	vld.idx.msk [tilespmem:v4+s15+$0x0], $0xffff  }
.LBB2_6:
0x57: {  	_ =	sdelay $0x2  }
0x58: {  	s21 =	sand.u32 $0x30, s19  }
0x59: {  	s22 =	smov.u32 s20;
	s23 =	sadd.s32 $0x1, s20;
	[tilespmem:s18+$0x10] =	vst v4;
	s18 =	sadd.s32 $0x80, s18  }
0x5a: {  	p0 =	sne.s32 s20, $0x3F;
	v4 =	vld [tilespmem:s21+$0x0];
	_ =	sdelay $0x3  }
0x5b: {  	v5 =	vmov s19  }
0x5c: {  	v4 =	vperm.xlane v4, v5;
	_ =	sdelay $0x1  }
0x5d: {  	v4 =	vshll.u32 v4, $0x7  }
0x5e: {  	s20 =	sshll.u32 s19, $0xA;
	s19 =	smov.u32 s22;
	v4 =	vand.u32 $0x380, v4  }
0x5f: {  	v4 =	vor.u32 s20, v4  }
0x60: {  	v5 =	vor.u32 v0, v4;
	_ =	sdelay $0x4  }
0x61: {  	v5 =	vld.idx.msk [tilespmem:v5+s15+$0x0], $0xffff;
	_ =	sdelay $0x1  }
0x62: {  	v6 =	vor.u32 v1, v4;
	_ =	sdelay $0x3  }
0x63: {  	[tilespmem:s18+$0xFFFFFFE0] =	vst v5  }
0x64: {  	v5 =	vld.idx.msk [tilespmem:v6+s15+$0x0], $0xffff;
	_ =	sdelay $0x1  }
0x65: {  	v6 =	vor.u32 v2, v4;
	_ =	sdelay $0x3  }
0x66: {  	[tilespmem:s18+$0xFFFFFFF0] =	vst v5  }
0x67: {  	v5 =	vld.idx.msk [tilespmem:v6+s15+$0x0], $0xffff;
	_ =	sdelay $0x1  }
0x68: {  	v4 =	vor.u32 v3, v4  }
.Ltmp2:
0x69: {  	(pc) =	sbr.rel @p0 .LBB2_6-.Ltmp2, $3  }
0x6a: {  	_ =	sdelay $0x1  }
0x6b: {  	[tilespmem:s18+$0x0] =	vst v5  }
0x6c: {  	s20 =	smov.u32 s23;
	v4 =	vld.idx.msk [tilespmem:v4+s15+$0x0], $0xffff  }
0x6d: {  	_ =	sdelay $0x3  }
0x6e: {  	s20 =	sand.u32 $0x30, s19;
	[tilespmem:s18+$0x10] =	vst v4  }
0x6f: {  	v4 =	vld [tilespmem:s20+$0x0];
	_ =	sdelay $0x3  }
0x70: {  	v5 =	vmov s19  }
0x71: {  	v4 =	vperm.xlane v4, v5;
	_ =	sdelay $0x1  }
0x72: {  	v4 =	vshll.u32 v4, $0x7  }
0x73: {  	s24 =	sshll.u32 s19, $0xA;
	v4 =	vand.u32 $0x380, v4  }
0x74: {  	v4 =	vor.u32 s24, v4  }
0x75: {  	v5 =	vor.u32 v0, v4;
	_ =	sdelay $0x4  }
0x76: {  	v5 =	vld.idx.msk [tilespmem:v5+s15+$0x0], $0xffff  }
0x77: {  	v6 =	vor.u32 v1, v4;
	_ =	sdelay $0x2  }
0x78: {  	s25 =	sadd.s32 $0x80, s18  }
0x79: {  	[tilespmem:s25+$0xFFFFFFE0] =	vst v5  }
0x7a: {  	v5 =	vld.idx.msk [tilespmem:v6+s15+$0x0], $0xffff  }
0x7b: {  	v6 =	vor.u32 v2, v4;
	_ =	sdelay $0x3  }
0x7c: {  	[tilespmem:s25+$0xFFFFFFF0] =	vst v5  }
0x7d: {  	v5 =	vld.idx.msk [tilespmem:v6+s15+$0x0], $0xffff  }
0x7e: {  	v4 =	vor.u32 v3, v4;
	_ =	sdelay $0x3  }
0x7f: {  	[tilespmem:s25+$0x0] =	vst v5  }
0x80: {  	v4 =	vld.idx.msk [tilespmem:v4+s15+$0x0], $0xffff;
	_ =	sdelay $0x4  }
0x81: {  	s26 =	simm.s32 $0x0;
	[tilespmem:s25+$0x10] =	vst v4  }
0x82: {  	[hbm4b:s5+s26] =	stream.linear.scatter [tilespmem:s16], [sflag:$0x2], $0x2000, $0x38;
	[tilespmem:$0x12080] =	vst v63  }
0x83: {  	_ =	swait.ge [sflag:s13], $0x2000  }
0x84: {  	[sflag:s13] =	ssyncset.done $0x0  }
0x85: {  	[sflag:s13] =	ssyncadd.s32 $0xFFFFE000  }
0x86: {  	[tilespmem:s26], [sflag:$0x2] =	stream.linear.gather [hbm4b:s6+s26], $0x40, $0x38;
	[tilespmem:$0x12080] =	vst v63  }
0x87: {  	_ =	swait.ge [sflag:s13], $0x40  }
0x88: {  	[sflag:s13] =	ssyncset.done $0x0  }
0x89: {  	s28 =	sand.u32 $0x30, s26;
	[sflag:s13] =	ssyncadd.s32 $0xFFFFFFC0  }
0x8a: {  	v4 =	vld [tilespmem:s28+$0x0];
	_ =	sdelay $0x2  }
0x8b: {  	s18 =	sand.u32 $0xF, s26  }
0x8c: {  	v5 =	vmov s18  }
0x8d: {  	vm0 =	veq.s32 v5, v0;
	v4 =	vxor.u32 $0x80000000, v4  }
0x8e: {  	v4 =	vnsel vm0, $0x80000000, v4  }
0x8f: {  	(xrf0) =	vmax.scan.msk.u32 $0xffff, v4;
	_ =	sdelay $0x5  }
0x90: {  	v4, _, _ =	vpop (xrf0)  }
0x91: {  	(v2sf) =	vpush v4, $0xF;
	_ =	sdelay $0xe  }
0x92: {  	s29 =	spop (v2sf)  }
0x93: {  	s18 =	sshll.u32 s29, $0x4  }
0x94: {  	s19 =	simm.s32 $0x1;
	s30 =	sand.u32 $0x1FFFFF80, s18  }
0x95: {  	s31 =	sand.u32 $0x30, s19;
	s18 =	simm.s32 $0x80;
	s20 =	sadd.s32 s3, s30  }
0x96: {  	[tilespmem:s18], [sflag:$0x1] =	stream.linear.gather [hbm4b:s20+s1], $0x400, $0x38;
	[tilespmem:$0x12080] =	vst v63  }
0x97: {  	s20 =	simm.s32 $0x2;
	v4 =	vld [tilespmem:s31+$0x0]  }
.LBB2_8:
0x98: {  	p0 =	sne.s32 s20, $0x3F;
	_ =	sdelay $0x1  }
0x99: {  	s21 =	sand.u32 $0xF, s19;
	s19 =	smov.u32 s20  }
0x9a: {  	v5 =	vmov s21  }
0x9b: {  	vm0 =	veq.s32 v5, v0;
	v4 =	vxor.u32 $0x80000000, v4  }
0x9c: {  	v4 =	vnsel vm0, $0x80000000, v4  }
0x9d: {  	(xrf0) =	vmax.scan.msk.u32 $0xffff, v4;
	_ =	sdelay $0x5  }
0x9e: {  	v4, _, _ =	vpop (xrf0)  }
0x9f: {  	(v2sf) =	vpush v4, $0xF;
	_ =	sdelay $0xe  }
0xa0: {  	s21 =	spop (v2sf)  }
.Ltmp3:
0xa1: {  	s21 =	sshll.u32 s21, $0x4;
	(pc) =	sbr.rel @p0 .LBB2_8-.Ltmp3, $4  }
0xa2: {  	s21 =	sand.u32 $0x1FFFFF80, s21  }
0xa3: {  	s22 =	sand.u32 $0x30, s20;
	s18 =	sadd.s32 $0x400, s18;
	s21 =	sadd.s32 s3, s21  }
0xa4: {  	[tilespmem:s18], [sflag:$0x1] =	stream.linear.gather [hbm4b:s21+s1], $0x400, $0x38;
	[tilespmem:$0x12080] =	vst v63  }
0xa5: {  	s20 =	sadd.s32 $0x1, s20;
	v4 =	vld [tilespmem:s22+$0x0]  }
0xa6: {  	_ =	sdelay $0x1  }
0xa7: {  	s19 =	sand.u32 $0xF, s19  }
0xa8: {  	v5 =	vmov s19  }
0xa9: {  	vm0 =	veq.s32 v5, v0;
	v4 =	vxor.u32 $0x80000000, v4  }
0xaa: {  	v4 =	vnsel vm0, $0x80000000, v4  }
0xab: {  	(xrf0) =	vmax.scan.msk.u32 $0xffff, v4;
	_ =	sdelay $0x5  }
0xac: {  	v4, _, _ =	vpop (xrf0)  }
0xad: {  	(v2sf) =	vpush v4, $0xF;
	_ =	sdelay $0xe  }
0xae: {  	s31 =	spop (v2sf)  }
0xaf: {  	s19 =	sshll.u32 s31, $0x4  }
0xb0: {  	s19 =	sand.u32 $0x1FFFFF80, s19  }
0xb1: {  	s18 =	sadd.s32 $0x400, s18;
	s19 =	sadd.s32 s3, s19  }
0xb2: {  	[tilespmem:s18], [sflag:$0x1] =	stream.linear.gather [hbm4b:s19+s1], $0x400, $0x38;
	[tilespmem:$0x12080] =	vst v63  }
0xb3: {  	s18 =	simm.s32 $0x40  }
.LBB2_10:
0xb4: {  	p0 =	sne.s32 s18, $0x1  }
.Ltmp4:
0xb5: {  	_ = 	snop;
	(pc) =	sbr.rel @p0 .LBB2_10-.Ltmp4, $4  }
0xb6: {  	_ = 	snop  }
0xb7: {  	_ =	swait.ge [sflag:s14], $0x400  }
0xb8: {  	[sflag:s14] =	ssyncset.done $0x0  }
0xb9: {  	s18 =	sadd.s32 $0xFFFFFFFF, s18;
	[sflag:s14] =	ssyncadd.s32 $0xFFFFFC00  }
0xba: {  	s18 =	simm.s32 $0x0  }
0xbb: {  	s19 =	sand.u32 $0x30, s18  }
0xbc: {  	v4 =	vld [tilespmem:s19+$0x0];
	_ =	sdelay $0x3  }
0xbd: {  	v5 =	vmov s18  }
0xbe: {  	v4 =	vperm.xlane v4, v5;
	_ =	sdelay $0x1  }
0xbf: {  	v4 =	vshll.u32 v4, $0x7  }
0xc0: {  	s31 =	simm.s32 $0x0;
	v4 =	vand.u32 $0x380, v4  }
0xc1: {  	v4 =	vor.u32 s31, v4  }
0xc2: {  	v5 =	vor.u32 v0, v4;
	_ =	sdelay $0x4  }
0xc3: {  	v5 =	vld.idx.msk [tilespmem:v5+s15+$0x0], $0xffff  }
0xc4: {  	v6 =	vor.u32 v1, v4;
	_ =	sdelay $0x2  }
0xc5: {  	s18 =	simm.s32 $0x100A0  }
0xc6: {  	[tilespmem:s18+$0xFFFFFFE0] =	vst v5  }
0xc7: {  	v5 =	vld.idx.msk [tilespmem:v6+s15+$0x0], $0xffff  }
0xc8: {  	v6 =	vor.u32 v2, v4;
	_ =	sdelay $0x3  }
0xc9: {  	[tilespmem:s18+$0xFFFFFFF0] =	vst v5  }
0xca: {  	v5 =	vld.idx.msk [tilespmem:v6+s15+$0x0], $0xffff  }
0xcb: {  	v4 =	vor.u32 v3, v4;
	_ =	sdelay $0x3  }
0xcc: {  	[tilespmem:s18+$0x0] =	vst v5  }
0xcd: {  	s20 =	simm.s32 $0x2;
	s19 =	simm.s32 $0x1;
	v4 =	vld.idx.msk [tilespmem:v4+s15+$0x0], $0xffff  }
.LBB2_12:
0xce: {  	_ =	sdelay $0x2  }
0xcf: {  	s21 =	sand.u32 $0x30, s19  }
0xd0: {  	s22 =	smov.u32 s20;
	s23 =	sadd.s32 $0x1, s20;
	[tilespmem:s18+$0x10] =	vst v4;
	s18 =	sadd.s32 $0x80, s18  }
0xd1: {  	p0 =	sne.s32 s20, $0x3F;
	v4 =	vld [tilespmem:s21+$0x0];
	_ =	sdelay $0x3  }
0xd2: {  	v5 =	vmov s19  }
0xd3: {  	v4 =	vperm.xlane v4, v5;
	_ =	sdelay $0x1  }
0xd4: {  	v4 =	vshll.u32 v4, $0x7  }
0xd5: {  	s20 =	sshll.u32 s19, $0xA;
	s19 =	smov.u32 s22;
	v4 =	vand.u32 $0x380, v4  }
0xd6: {  	v4 =	vor.u32 s20, v4  }
0xd7: {  	v5 =	vor.u32 v0, v4;
	_ =	sdelay $0x4  }
0xd8: {  	v5 =	vld.idx.msk [tilespmem:v5+s15+$0x0], $0xffff;
	_ =	sdelay $0x1  }
0xd9: {  	v6 =	vor.u32 v1, v4;
	_ =	sdelay $0x3  }
0xda: {  	[tilespmem:s18+$0xFFFFFFE0] =	vst v5  }
0xdb: {  	v5 =	vld.idx.msk [tilespmem:v6+s15+$0x0], $0xffff;
	_ =	sdelay $0x1  }
0xdc: {  	v6 =	vor.u32 v2, v4;
	_ =	sdelay $0x3  }
0xdd: {  	[tilespmem:s18+$0xFFFFFFF0] =	vst v5  }
0xde: {  	v5 =	vld.idx.msk [tilespmem:v6+s15+$0x0], $0xffff;
	_ =	sdelay $0x1  }
0xdf: {  	v4 =	vor.u32 v3, v4  }
.Ltmp5:
0xe0: {  	(pc) =	sbr.rel @p0 .LBB2_12-.Ltmp5, $3  }
0xe1: {  	_ =	sdelay $0x1  }
0xe2: {  	[tilespmem:s18+$0x0] =	vst v5  }
0xe3: {  	s20 =	smov.u32 s23;
	v4 =	vld.idx.msk [tilespmem:v4+s15+$0x0], $0xffff  }
0xe4: {  	_ =	sdelay $0x3  }
0xe5: {  	s20 =	sand.u32 $0x30, s19;
	[tilespmem:s18+$0x10] =	vst v4  }
0xe6: {  	v4 =	vld [tilespmem:s20+$0x0];
	_ =	sdelay $0x3  }
0xe7: {  	v5 =	vmov s19  }
0xe8: {  	v4 =	vperm.xlane v4, v5;
	_ =	sdelay $0x1  }
0xe9: {  	v4 =	vshll.u32 v4, $0x7  }
0xea: {  	s24 =	sshll.u32 s19, $0xA;
	v4 =	vand.u32 $0x380, v4  }
0xeb: {  	v4 =	vor.u32 s24, v4  }
0xec: {  	v5 =	vor.u32 v0, v4;
	_ =	sdelay $0x4  }
0xed: {  	v5 =	vld.idx.msk [tilespmem:v5+s15+$0x0], $0xffff  }
0xee: {  	v6 =	vor.u32 v1, v4;
	_ =	sdelay $0x2  }
0xef: {  	s25 =	sadd.s32 $0x80, s18  }
0xf0: {  	[tilespmem:s25+$0xFFFFFFE0] =	vst v5  }
0xf1: {  	v5 =	vld.idx.msk [tilespmem:v6+s15+$0x0], $0xffff  }
0xf2: {  	v6 =	vor.u32 v2, v4;
	_ =	sdelay $0x3  }
0xf3: {  	[tilespmem:s25+$0xFFFFFFF0] =	vst v5  }
0xf4: {  	v5 =	vld.idx.msk [tilespmem:v6+s15+$0x0], $0xffff  }
0xf5: {  	v4 =	vor.u32 v3, v4;
	_ =	sdelay $0x3  }
0xf6: {  	[tilespmem:s25+$0x0] =	vst v5  }
0xf7: {  	v4 =	vld.idx.msk [tilespmem:v4+s15+$0x0], $0xffff;
	_ =	sdelay $0x4  }
0xf8: {  	s26 =	simm.s32 $0x0;
	[tilespmem:s25+$0x10] =	vst v4  }
0xf9: {  	[hbm4b:s7+s26] =	stream.linear.scatter [tilespmem:s16], [sflag:$0x2], $0x2000, $0x38;
	[tilespmem:$0x12080] =	vst v63  }
0xfa: {  	_ =	swait.ge [sflag:s13], $0x2000  }
0xfb: {  	[sflag:s13] =	ssyncset.done $0x0  }
0xfc: {  	[sflag:s13] =	ssyncadd.s32 $0xFFFFE000  }
0xfd: {  	[tilespmem:s26], [sflag:$0x2] =	stream.linear.gather [hbm4b:s8+s26], $0x40, $0x38;
	[tilespmem:$0x12080] =	vst v63  }
0xfe: {  	_ =	swait.ge [sflag:s13], $0x40  }
0xff: {  	[sflag:s13] =	ssyncset.done $0x0  }
0x100: {  	s28 =	sand.u32 $0x30, s26;
	[sflag:s13] =	ssyncadd.s32 $0xFFFFFFC0  }
0x101: {  	v4 =	vld [tilespmem:s28+$0x0];
	_ =	sdelay $0x2  }
0x102: {  	s18 =	sand.u32 $0xF, s26  }
0x103: {  	v5 =	vmov s18  }
0x104: {  	vm0 =	veq.s32 v5, v0;
	v4 =	vxor.u32 $0x80000000, v4  }
0x105: {  	v4 =	vnsel vm0, $0x80000000, v4  }
0x106: {  	(xrf0) =	vmax.scan.msk.u32 $0xffff, v4;
	_ =	sdelay $0x5  }
0x107: {  	v4, _, _ =	vpop (xrf0)  }
0x108: {  	(v2sf) =	vpush v4, $0xF;
	_ =	sdelay $0xe  }
0x109: {  	s29 =	spop (v2sf)  }
0x10a: {  	s18 =	sshll.u32 s29, $0x4  }
0x10b: {  	s19 =	simm.s32 $0x1;
	s30 =	sand.u32 $0x1FFFFF80, s18  }
0x10c: {  	s31 =	sand.u32 $0x30, s19;
	s18 =	simm.s32 $0x80;
	s20 =	sadd.s32 s3, s30  }
0x10d: {  	[tilespmem:s18], [sflag:$0x1] =	stream.linear.gather [hbm4b:s20+s1], $0x400, $0x38;
	[tilespmem:$0x12080] =	vst v63  }
0x10e: {  	s20 =	simm.s32 $0x2;
	v4 =	vld [tilespmem:s31+$0x0]  }
.LBB2_14:
0x10f: {  	p0 =	sne.s32 s20, $0x3F;
	_ =	sdelay $0x1  }
0x110: {  	s21 =	sand.u32 $0xF, s19;
	s19 =	smov.u32 s20  }
0x111: {  	v5 =	vmov s21  }
0x112: {  	vm0 =	veq.s32 v5, v0;
	v4 =	vxor.u32 $0x80000000, v4  }
0x113: {  	v4 =	vnsel vm0, $0x80000000, v4  }
0x114: {  	(xrf0) =	vmax.scan.msk.u32 $0xffff, v4;
	_ =	sdelay $0x5  }
0x115: {  	v4, _, _ =	vpop (xrf0)  }
0x116: {  	(v2sf) =	vpush v4, $0xF;
	_ =	sdelay $0xe  }
0x117: {  	s21 =	spop (v2sf)  }
.Ltmp6:
0x118: {  	s21 =	sshll.u32 s21, $0x4;
	(pc) =	sbr.rel @p0 .LBB2_14-.Ltmp6, $4  }
0x119: {  	s21 =	sand.u32 $0x1FFFFF80, s21  }
0x11a: {  	s22 =	sand.u32 $0x30, s20;
	s18 =	sadd.s32 $0x400, s18;
	s21 =	sadd.s32 s3, s21  }
0x11b: {  	[tilespmem:s18], [sflag:$0x1] =	stream.linear.gather [hbm4b:s21+s1], $0x400, $0x38;
	[tilespmem:$0x12080] =	vst v63  }
0x11c: {  	s20 =	sadd.s32 $0x1, s20;
	v4 =	vld [tilespmem:s22+$0x0]  }
0x11d: {  	_ =	sdelay $0x1  }
0x11e: {  	s19 =	sand.u32 $0xF, s19  }
0x11f: {  	v5 =	vmov s19  }
0x120: {  	vm0 =	veq.s32 v5, v0;
	v4 =	vxor.u32 $0x80000000, v4  }
0x121: {  	v4 =	vnsel vm0, $0x80000000, v4  }
0x122: {  	(xrf0) =	vmax.scan.msk.u32 $0xffff, v4;
	_ =	sdelay $0x5  }
0x123: {  	v4, _, _ =	vpop (xrf0)  }
0x124: {  	(v2sf) =	vpush v4, $0xF;
	_ =	sdelay $0xe  }
0x125: {  	s31 =	spop (v2sf)  }
0x126: {  	s19 =	sshll.u32 s31, $0x4  }
0x127: {  	s19 =	sand.u32 $0x1FFFFF80, s19  }
0x128: {  	s18 =	sadd.s32 $0x400, s18;
	s19 =	sadd.s32 s3, s19  }
0x129: {  	[tilespmem:s18], [sflag:$0x1] =	stream.linear.gather [hbm4b:s19+s1], $0x400, $0x38;
	[tilespmem:$0x12080] =	vst v63  }
0x12a: {  	s18 =	simm.s32 $0x40  }
.LBB2_16:
0x12b: {  	p0 =	sne.s32 s18, $0x1  }
.Ltmp7:
0x12c: {  	_ = 	snop;
	(pc) =	sbr.rel @p0 .LBB2_16-.Ltmp7, $4  }
0x12d: {  	_ = 	snop  }
0x12e: {  	_ =	swait.ge [sflag:s14], $0x400  }
0x12f: {  	[sflag:s14] =	ssyncset.done $0x0  }
0x130: {  	s18 =	sadd.s32 $0xFFFFFFFF, s18;
	[sflag:s14] =	ssyncadd.s32 $0xFFFFFC00  }
0x131: {  	s18 =	simm.s32 $0x0  }
0x132: {  	s19 =	sand.u32 $0x30, s18  }
0x133: {  	v4 =	vld [tilespmem:s19+$0x0];
	_ =	sdelay $0x3  }
0x134: {  	v5 =	vmov s18  }
0x135: {  	v4 =	vperm.xlane v4, v5;
	_ =	sdelay $0x1  }
0x136: {  	v4 =	vshll.u32 v4, $0x7  }
0x137: {  	s31 =	simm.s32 $0x0;
	v4 =	vand.u32 $0x380, v4  }
0x138: {  	v4 =	vor.u32 s31, v4  }
0x139: {  	v5 =	vor.u32 v0, v4;
	_ =	sdelay $0x4  }
0x13a: {  	v5 =	vld.idx.msk [tilespmem:v5+s15+$0x0], $0xffff  }
0x13b: {  	v6 =	vor.u32 v1, v4;
	_ =	sdelay $0x2  }
0x13c: {  	s18 =	simm.s32 $0x100A0  }
0x13d: {  	[tilespmem:s18+$0xFFFFFFE0] =	vst v5  }
0x13e: {  	v5 =	vld.idx.msk [tilespmem:v6+s15+$0x0], $0xffff  }
0x13f: {  	v6 =	vor.u32 v2, v4;
	_ =	sdelay $0x3  }
0x140: {  	[tilespmem:s18+$0xFFFFFFF0] =	vst v5  }
0x141: {  	v5 =	vld.idx.msk [tilespmem:v6+s15+$0x0], $0xffff  }
0x142: {  	v4 =	vor.u32 v3, v4;
	_ =	sdelay $0x3  }
0x143: {  	[tilespmem:s18+$0x0] =	vst v5  }
0x144: {  	s20 =	simm.s32 $0x2;
	s19 =	simm.s32 $0x1;
	v4 =	vld.idx.msk [tilespmem:v4+s15+$0x0], $0xffff  }
.LBB2_18:
0x145: {  	_ =	sdelay $0x2  }
0x146: {  	s21 =	sand.u32 $0x30, s19  }
0x147: {  	s22 =	smov.u32 s20;
	s23 =	sadd.s32 $0x1, s20;
	[tilespmem:s18+$0x10] =	vst v4;
	s18 =	sadd.s32 $0x80, s18  }
0x148: {  	p0 =	sne.s32 s20, $0x3F;
	v4 =	vld [tilespmem:s21+$0x0];
	_ =	sdelay $0x3  }
0x149: {  	v5 =	vmov s19  }
0x14a: {  	v4 =	vperm.xlane v4, v5;
	_ =	sdelay $0x1  }
0x14b: {  	v4 =	vshll.u32 v4, $0x7  }
0x14c: {  	s20 =	sshll.u32 s19, $0xA;
	s19 =	smov.u32 s22;
	v4 =	vand.u32 $0x380, v4  }
0x14d: {  	v4 =	vor.u32 s20, v4  }
0x14e: {  	v5 =	vor.u32 v0, v4;
	_ =	sdelay $0x4  }
0x14f: {  	v5 =	vld.idx.msk [tilespmem:v5+s15+$0x0], $0xffff;
	_ =	sdelay $0x1  }
0x150: {  	v6 =	vor.u32 v1, v4;
	_ =	sdelay $0x3  }
0x151: {  	[tilespmem:s18+$0xFFFFFFE0] =	vst v5  }
0x152: {  	v5 =	vld.idx.msk [tilespmem:v6+s15+$0x0], $0xffff;
	_ =	sdelay $0x1  }
0x153: {  	v6 =	vor.u32 v2, v4;
	_ =	sdelay $0x3  }
0x154: {  	[tilespmem:s18+$0xFFFFFFF0] =	vst v5  }
0x155: {  	v5 =	vld.idx.msk [tilespmem:v6+s15+$0x0], $0xffff;
	_ =	sdelay $0x1  }
0x156: {  	v4 =	vor.u32 v3, v4  }
.Ltmp8:
0x157: {  	(pc) =	sbr.rel @p0 .LBB2_18-.Ltmp8, $3  }
0x158: {  	_ =	sdelay $0x1  }
0x159: {  	[tilespmem:s18+$0x0] =	vst v5  }
0x15a: {  	s20 =	smov.u32 s23;
	v4 =	vld.idx.msk [tilespmem:v4+s15+$0x0], $0xffff  }
0x15b: {  	_ =	sdelay $0x3  }
0x15c: {  	s20 =	sand.u32 $0x30, s19;
	[tilespmem:s18+$0x10] =	vst v4  }
0x15d: {  	v4 =	vld [tilespmem:s20+$0x0];
	_ =	sdelay $0x3  }
0x15e: {  	v5 =	vmov s19  }
0x15f: {  	v4 =	vperm.xlane v4, v5;
	_ =	sdelay $0x1  }
0x160: {  	v4 =	vshll.u32 v4, $0x7  }
0x161: {  	s24 =	sshll.u32 s19, $0xA;
	v4 =	vand.u32 $0x380, v4  }
0x162: {  	v4 =	vor.u32 s24, v4  }
0x163: {  	v5 =	vor.u32 v0, v4;
	_ =	sdelay $0x4  }
0x164: {  	v5 =	vld.idx.msk [tilespmem:v5+s15+$0x0], $0xffff  }
0x165: {  	v6 =	vor.u32 v1, v4;
	_ =	sdelay $0x2  }
0x166: {  	s25 =	sadd.s32 $0x80, s18  }
0x167: {  	[tilespmem:s25+$0xFFFFFFE0] =	vst v5  }
0x168: {  	v5 =	vld.idx.msk [tilespmem:v6+s15+$0x0], $0xffff  }
0x169: {  	v6 =	vor.u32 v2, v4;
	_ =	sdelay $0x3  }
0x16a: {  	[tilespmem:s25+$0xFFFFFFF0] =	vst v5  }
0x16b: {  	v5 =	vld.idx.msk [tilespmem:v6+s15+$0x0], $0xffff  }
0x16c: {  	v4 =	vor.u32 v3, v4;
	_ =	sdelay $0x3  }
0x16d: {  	[tilespmem:s25+$0x0] =	vst v5  }
0x16e: {  	v4 =	vld.idx.msk [tilespmem:v4+s15+$0x0], $0xffff;
	_ =	sdelay $0x4  }
0x16f: {  	s26 =	simm.s32 $0x0;
	[tilespmem:s25+$0x10] =	vst v4  }
0x170: {  	[hbm4b:s9+s26] =	stream.linear.scatter [tilespmem:s16], [sflag:$0x2], $0x2000, $0x38;
	[tilespmem:$0x12080] =	vst v63  }
0x171: {  	_ =	swait.ge [sflag:s13], $0x2000  }
0x172: {  	[sflag:s13] =	ssyncset.done $0x0  }
0x173: {  	[sflag:s13] =	ssyncadd.s32 $0xFFFFE000  }
0x174: {  	[tilespmem:s26], [sflag:$0x2] =	stream.linear.gather [hbm4b:s10+s26], $0x40, $0x38;
	[tilespmem:$0x12080] =	vst v63  }
0x175: {  	_ =	swait.ge [sflag:s13], $0x40  }
0x176: {  	[sflag:s13] =	ssyncset.done $0x0  }
0x177: {  	s28 =	sand.u32 $0x30, s26;
	[sflag:s13] =	ssyncadd.s32 $0xFFFFFFC0  }
0x178: {  	v4 =	vld [tilespmem:s28+$0x0];
	_ =	sdelay $0x2  }
0x179: {  	s18 =	sand.u32 $0xF, s26  }
0x17a: {  	v5 =	vmov s18  }
0x17b: {  	vm0 =	veq.s32 v5, v0;
	v4 =	vxor.u32 $0x80000000, v4  }
0x17c: {  	v4 =	vnsel vm0, $0x80000000, v4  }
0x17d: {  	(xrf0) =	vmax.scan.msk.u32 $0xffff, v4;
	_ =	sdelay $0x5  }
0x17e: {  	v4, _, _ =	vpop (xrf0)  }
0x17f: {  	(v2sf) =	vpush v4, $0xF;
	_ =	sdelay $0xe  }
0x180: {  	s29 =	spop (v2sf)  }
0x181: {  	s18 =	sshll.u32 s29, $0x4  }
0x182: {  	s19 =	simm.s32 $0x1;
	s30 =	sand.u32 $0x1FFFFF80, s18  }
0x183: {  	s31 =	sand.u32 $0x30, s19;
	s18 =	simm.s32 $0x80;
	s20 =	sadd.s32 s3, s30  }
0x184: {  	[tilespmem:s18], [sflag:$0x1] =	stream.linear.gather [hbm4b:s20+s1], $0x400, $0x38;
	[tilespmem:$0x12080] =	vst v63  }
0x185: {  	s20 =	simm.s32 $0x2;
	v4 =	vld [tilespmem:s31+$0x0]  }
.LBB2_20:
0x186: {  	p0 =	sne.s32 s20, $0x3F;
	_ =	sdelay $0x1  }
0x187: {  	s21 =	sand.u32 $0xF, s19;
	s19 =	smov.u32 s20  }
0x188: {  	v5 =	vmov s21  }
0x189: {  	vm0 =	veq.s32 v5, v0;
	v4 =	vxor.u32 $0x80000000, v4  }
0x18a: {  	v4 =	vnsel vm0, $0x80000000, v4  }
0x18b: {  	(xrf0) =	vmax.scan.msk.u32 $0xffff, v4;
	_ =	sdelay $0x5  }
0x18c: {  	v4, _, _ =	vpop (xrf0)  }
0x18d: {  	(v2sf) =	vpush v4, $0xF;
	_ =	sdelay $0xe  }
0x18e: {  	s21 =	spop (v2sf)  }
.Ltmp9:
0x18f: {  	s21 =	sshll.u32 s21, $0x4;
	(pc) =	sbr.rel @p0 .LBB2_20-.Ltmp9, $4  }
0x190: {  	s21 =	sand.u32 $0x1FFFFF80, s21  }
0x191: {  	s22 =	sand.u32 $0x30, s20;
	s18 =	sadd.s32 $0x400, s18;
	s21 =	sadd.s32 s3, s21  }
0x192: {  	[tilespmem:s18], [sflag:$0x1] =	stream.linear.gather [hbm4b:s21+s1], $0x400, $0x38;
	[tilespmem:$0x12080] =	vst v63  }
0x193: {  	s20 =	sadd.s32 $0x1, s20;
	v4 =	vld [tilespmem:s22+$0x0]  }
0x194: {  	_ =	sdelay $0x1  }
0x195: {  	s19 =	sand.u32 $0xF, s19  }
0x196: {  	v5 =	vmov s19  }
0x197: {  	vm0 =	veq.s32 v5, v0;
	v4 =	vxor.u32 $0x80000000, v4  }
0x198: {  	v4 =	vnsel vm0, $0x80000000, v4  }
0x199: {  	(xrf0) =	vmax.scan.msk.u32 $0xffff, v4;
	_ =	sdelay $0x5  }
0x19a: {  	v4, _, _ =	vpop (xrf0)  }
0x19b: {  	(v2sf) =	vpush v4, $0xF;
	_ =	sdelay $0xe  }
0x19c: {  	s31 =	spop (v2sf)  }
0x19d: {  	s19 =	sshll.u32 s31, $0x4  }
0x19e: {  	s19 =	sand.u32 $0x1FFFFF80, s19  }
0x19f: {  	s18 =	sadd.s32 $0x400, s18;
	s19 =	sadd.s32 s3, s19  }
0x1a0: {  	[tilespmem:s18], [sflag:$0x1] =	stream.linear.gather [hbm4b:s19+s1], $0x400, $0x38;
	[tilespmem:$0x12080] =	vst v63  }
0x1a1: {  	s18 =	simm.s32 $0x40  }
.LBB2_22:
0x1a2: {  	p0 =	sne.s32 s18, $0x1  }
.Ltmp10:
0x1a3: {  	_ = 	snop;
	(pc) =	sbr.rel @p0 .LBB2_22-.Ltmp10, $4  }
0x1a4: {  	_ = 	snop  }
0x1a5: {  	_ =	swait.ge [sflag:s14], $0x400  }
0x1a6: {  	[sflag:s14] =	ssyncset.done $0x0  }
0x1a7: {  	s18 =	sadd.s32 $0xFFFFFFFF, s18;
	[sflag:s14] =	ssyncadd.s32 $0xFFFFFC00  }
0x1a8: {  	s18 =	simm.s32 $0x0  }
0x1a9: {  	s19 =	sand.u32 $0x30, s18  }
0x1aa: {  	v4 =	vld [tilespmem:s19+$0x0];
	_ =	sdelay $0x3  }
0x1ab: {  	v5 =	vmov s18  }
0x1ac: {  	v4 =	vperm.xlane v4, v5;
	_ =	sdelay $0x1  }
0x1ad: {  	v4 =	vshll.u32 v4, $0x7  }
0x1ae: {  	s31 =	simm.s32 $0x0;
	v4 =	vand.u32 $0x380, v4  }
0x1af: {  	v4 =	vor.u32 s31, v4  }
0x1b0: {  	v5 =	vor.u32 v0, v4;
	_ =	sdelay $0x4  }
0x1b1: {  	v5 =	vld.idx.msk [tilespmem:v5+s15+$0x0], $0xffff  }
0x1b2: {  	v6 =	vor.u32 v1, v4;
	_ =	sdelay $0x2  }
0x1b3: {  	s18 =	simm.s32 $0x100A0  }
0x1b4: {  	[tilespmem:s18+$0xFFFFFFE0] =	vst v5  }
0x1b5: {  	v5 =	vld.idx.msk [tilespmem:v6+s15+$0x0], $0xffff  }
0x1b6: {  	v6 =	vor.u32 v2, v4;
	_ =	sdelay $0x3  }
0x1b7: {  	[tilespmem:s18+$0xFFFFFFF0] =	vst v5  }
0x1b8: {  	v5 =	vld.idx.msk [tilespmem:v6+s15+$0x0], $0xffff  }
0x1b9: {  	v4 =	vor.u32 v3, v4;
	_ =	sdelay $0x3  }
0x1ba: {  	[tilespmem:s18+$0x0] =	vst v5  }
0x1bb: {  	s20 =	simm.s32 $0x2;
	s19 =	simm.s32 $0x1;
	v4 =	vld.idx.msk [tilespmem:v4+s15+$0x0], $0xffff  }
.LBB2_24:
0x1bc: {  	_ =	sdelay $0x2  }
0x1bd: {  	s21 =	sand.u32 $0x30, s19  }
0x1be: {  	s22 =	smov.u32 s20;
	s23 =	sadd.s32 $0x1, s20;
	[tilespmem:s18+$0x10] =	vst v4;
	s18 =	sadd.s32 $0x80, s18  }
0x1bf: {  	p0 =	sne.s32 s20, $0x3F;
	v4 =	vld [tilespmem:s21+$0x0];
	_ =	sdelay $0x3  }
0x1c0: {  	v5 =	vmov s19  }
0x1c1: {  	v4 =	vperm.xlane v4, v5;
	_ =	sdelay $0x1  }
0x1c2: {  	v4 =	vshll.u32 v4, $0x7  }
0x1c3: {  	s20 =	sshll.u32 s19, $0xA;
	s19 =	smov.u32 s22;
	v4 =	vand.u32 $0x380, v4  }
0x1c4: {  	v4 =	vor.u32 s20, v4  }
0x1c5: {  	v5 =	vor.u32 v0, v4;
	_ =	sdelay $0x4  }
0x1c6: {  	v5 =	vld.idx.msk [tilespmem:v5+s15+$0x0], $0xffff;
	_ =	sdelay $0x1  }
0x1c7: {  	v6 =	vor.u32 v1, v4;
	_ =	sdelay $0x3  }
0x1c8: {  	[tilespmem:s18+$0xFFFFFFE0] =	vst v5  }
0x1c9: {  	v5 =	vld.idx.msk [tilespmem:v6+s15+$0x0], $0xffff;
	_ =	sdelay $0x1  }
0x1ca: {  	v6 =	vor.u32 v2, v4;
	_ =	sdelay $0x3  }
0x1cb: {  	[tilespmem:s18+$0xFFFFFFF0] =	vst v5  }
0x1cc: {  	v5 =	vld.idx.msk [tilespmem:v6+s15+$0x0], $0xffff;
	_ =	sdelay $0x1  }
0x1cd: {  	v4 =	vor.u32 v3, v4  }
.Ltmp11:
0x1ce: {  	(pc) =	sbr.rel @p0 .LBB2_24-.Ltmp11, $3  }
0x1cf: {  	_ =	sdelay $0x1  }
0x1d0: {  	[tilespmem:s18+$0x0] =	vst v5  }
0x1d1: {  	s20 =	smov.u32 s23;
	v4 =	vld.idx.msk [tilespmem:v4+s15+$0x0], $0xffff  }
0x1d2: {  	_ =	sdelay $0x3  }
0x1d3: {  	s20 =	sand.u32 $0x30, s19;
	[tilespmem:s18+$0x10] =	vst v4  }
0x1d4: {  	v4 =	vld [tilespmem:s20+$0x0];
	_ =	sdelay $0x3  }
0x1d5: {  	v5 =	vmov s19  }
0x1d6: {  	v4 =	vperm.xlane v4, v5;
	_ =	sdelay $0x1  }
0x1d7: {  	v4 =	vshll.u32 v4, $0x7  }
0x1d8: {  	s30 =	sshll.u32 s19, $0xA;
	v4 =	vand.u32 $0x380, v4  }
0x1d9: {  	v4 =	vor.u32 s30, v4  }
0x1da: {  	v5 =	vor.u32 v0, v4;
	_ =	sdelay $0x4  }
0x1db: {  	v5 =	vld.idx.msk [tilespmem:v5+s15+$0x0], $0xffff  }
0x1dc: {  	v6 =	vor.u32 v1, v4;
	_ =	sdelay $0x2  }
0x1dd: {  	s31 =	sadd.s32 $0x80, s18  }
0x1de: {  	[tilespmem:s31+$0xFFFFFFE0] =	vst v5  }
0x1df: {  	v5 =	vld.idx.msk [tilespmem:v6+s15+$0x0], $0xffff  }
0x1e0: {  	v63 =	vor.u32 v2, v4;
	_ =	sdelay $0x3  }
0x1e1: {  	[tilespmem:s31+$0xFFFFFFF0] =	vst v5  }
0x1e2: {  	v5 =	vld.idx.msk [tilespmem:v63+s15+$0x0], $0xffff  }
0x1e3: {  	v4 =	vor.u32 v3, v4;
	_ =	sdelay $0x3  }
0x1e4: {  	[tilespmem:s31+$0x0] =	vst v5  }
0x1e5: {  	v4 =	vld.idx.msk [tilespmem:v4+s15+$0x0], $0xffff;
	_ =	sdelay $0x2  }
0x1e6: {  	s17 =	sadd.s32 $0x1, s17  }
0x1e7: {  	p0 =	sne.s32 s17, s12  }
.Ltmp12:
0x1e8: {  	[tilespmem:s31+$0x10] =	vst v4;
	(pc) =	sbr.rel @p0 .LBB2_1-.Ltmp12, $4  }
0x1e9: {  	[hbm4b:s11+s1] =	stream.linear.scatter [tilespmem:s16], [sflag:$0x2], $0x2000, $0x38;
	[tilespmem:$0x12080] =	vst v63  }
0x1ea: {  	_ =	swait.ge [sflag:s13], $0x2000  }
0x1eb: {  	[sflag:s13] =	ssyncset.done $0x0  }
0x1ec: {  	[sflag:s13] =	ssyncadd.s32 $0xFFFFE000  }
0x1ed: {  	_ =	sfence.sel $0x180000  }
0x1ee: {  	[bflag:$0x0] =	sbarrier.arrive $0xFFFF  }
0x1ef: {  	p0 =	sne.s32 s2, $0x0;
	_ =	strace $0x9000004A  }
0x1f0: {  	s0 =	sadd.s32 @!p0 $0x100000, s0;
	[bflag:$0x2] =	sbarrier.arrive $0xFFFF  }
0x1f1: {  	[sflag:s0] =	ssyncadd.tile.s32 @!p0 $0x1;
	_ =	shalt  }
.Lfunc_end2:
_tile_overlayer_lowered:
.L_overlay_start_2:
0x1f2: {  	(tag) =	ssettag $0x2  }
0x1f3: {  	s0 =	rddreg [dreg:$0x0];
	s2 =	stileid.u32  }
0x1f4: {  	s1 =	rddreg [dreg:$0x1];
	p0 =	sne.s32 s2, $0x0  }
0x1f5: {  	s3 =	rddreg [dreg:$0x2];
	[bflag:$0x3] =	sbarrier.arrive $0xFFFF;
	s2 =	simm.s32 @!p0 $0x1C02  }
0x1f6: {  	[timem:s3], [sflag:s2] =	dma.local @!p0 [hbm:s0], s1  }
0x1f7: {  	s0 =	simm.s32 @!p0 $0x2  }
0x1f8: {  	_ =	swait.ge @!p0 [sflag:s0], s1  }
0x1f9: {  	s1 =	ssub.s32 @!p0 $0x0, s1;
	[sflag:s0] =	ssyncset.done @!p0 $0x0  }
0x1fa: {  	[sflag:s0] =	ssyncadd.s32 @!p0 s1  }
0x1fb: {  	[bflag:$0x3] =	sbarrier.arrive $0xFFFF  }
0x1fc: {  	_ =	shalt  }

// kernel: kernel.20.cloned.1.call-start
scs
__scs_entry_jumppad:
0x0: {  	(pc) =	sbr.rel $0x88, $3  }
0x1: {  	(tag) =	ssettag $0x0;
	lr =	simm.s32 $0x1  }
0x2: {  	[smem:$0x3F91] =	sst lr;
	_ =	strace $0xD0000000  }
0x3: {  	_ = 	snop  }
0x4: {  	_ = 	snop  }
0x5: {  	_ = 	snop  }
0x6: {  	_ = 	snop  }
0x7: {  	_ = 	snop  }
__scs_overlays_trampoline_lowered:
0x8: {  	[smem:$0x3FA0] =	sst s0  }
0x9: {  	[smem:$0x3FA1] =	sst s1  }
0xa: {  	[smem:$0x3FA2] =	sst s2  }
0xb: {  	[smem:$0x3FA3] =	sst s3  }
0xc: {  	[smem:$0x3FA4] =	sst s4  }
0xd: {  	[smem:$0x3FA5] =	sst s5  }
0xe: {  	[smem:$0x3FA6] =	sst s6  }
0xf: {  	[smem:$0x3FA7] =	sst s7  }
0x10: {  	[smem:$0x3FA8] =	sst s8  }
0x11: {  	[smem:$0x3FA9] =	sst s9;
	s0 =	simm.s32 @!p0 $0x0  }
0x12: {  	s1 =	sld [smem:$0x3F8F];
	s0 =	simm.s32 @p0 $0x1  }
0x13: {  	[smem:$0x3FAA] =	sst s0;
	s0 =	simm.s32 @!p1 $0x0  }
0x14: {  	s2 =	sld [smem:$0x3F8E];
	s0 =	simm.s32 @p1 $0x1  }
0x15: {  	[smem:$0x3FAB] =	sst s0;
	s0 =	simm.s32 @!p2 $0x0  }
0x16: {  	s3 =	sld [smem:$0x3FDB];
	s0 =	simm.s32 @p2 $0x1  }
0x17: {  	s4 =	simm.s32 $0x1BF5;
	[smem:$0x3FAD] =	sst s0  }
0x18: {  	s0 =	sld [smem:$0x3F90];
	_ =	swait.ge [sflag:s4], $0x0  }
0x19: {  	s7 =	sld [smem:$0x3F91]  }
0x1a: {  	s8 =	sadd.s32 $0xFFFFE003, lr  }
0x1b: {  	s9 =	sadd.s32 $0xFFFFFEF7, lr;
	s5 =	simm.s32 $0xFFFFFFFF;
	p2 =	slt.u32 s8, $0xFFFFF086  }
0x1c: {  	p1 =	slt.u32 s9, $0xF7A;
	s5 =	simm.s32 @!p2 $0x0  }
0x1d: {  	s5 =	simm.s32 @p1 $0x1;
	p0 =	seq.s32 s7, s2  }
0x1e: {  	s7 =	smul.u32 @!p0 $0xF7A, s2;
	p2 =	seq.s32 @!p0 s5, $0x0  }
0x1f: {  	s9 =	smul.u32 $0xF7A, s1;
	s8 =	simm.s32 @!p0 $0x1BF5;
	p2 =	por !p2, p0  }
0x20: {  	[sflag:s8] =	ssyncset.s32 @!p0 $0xFFFFF086;
	s6 =	sadd.s32 @!p0 s3, s7;
	s7 =	simm.s32 @!p0 $0x108  }
0x21: {  	s3 =	sadd.s32 s3, s9;
	s6 =	sadd.s32 @!p0 $0x88, s6;
	s7 =	simm.s32 @p2 $0x1082  }
0x22: {  	[simem:s7], [sflag:s8] =	dma.local @!p0 [hbm:s6], $0xF7A  }
0x23: {  	s9 =	sor.u32 $0xD0000000, s2;
	s6 =	simm.s32 $0x108;
	_ =	swait.ge @!p0 [sflag:s8], $0x0  }
0x24: {  	s3 =	sadd.s32 $0x88, s3;
	s6 =	simm.s32 @!p1 $0x1082;
	[sflag:s4] =	ssyncset.s32 $0xFFFFF086  }
0x25: {  	[simem:s6], [sflag:s4] =	dma.local [hbm:s3], $0xF7A  }
0x26: {  	[smem:$0x3F91] =	sst s1;
	(tag) =	ssettag s2;
	_ =	strace s9  }
0x27: {  	s1 =	sld [smem:$0x3FA1]  }
0x28: {  	s2 =	sld [smem:$0x3FA2]  }
0x29: {  	s4 =	sld [smem:$0x3FA4]  }
0x2a: {  	p0 =	seq.s32 s5, $0x0;
	s5 =	sld [smem:$0x3FA5]  }
0x2b: {  	s6 =	sld [smem:$0x3FA6]  }
0x2c: {  	s7 =	sld [smem:$0x3FA7]  }
0x2d: {  	s3 =	simm.s32 $0x108;
	s8 =	sld [smem:$0x3FA8]  }
0x2e: {  	s3 =	simm.s32 @!p0 $0x1082;
	s9 =	sld [smem:$0x3FA9]  }
0x2f: {  	lr =	sadd.s32 s0, s3;
	s0 =	sld [smem:$0x3FA0]  }
0x30: {  	s3 =	sld [smem:$0x3FA3]  }
0x31: {  	[smem:$0x3FAC] =	sst s10  }
0x32: {  	s10 =	sld [smem:$0x3FAA];
	_ =	sdelay $0x3  }
0x33: {  	p0 =	seq.s32 s10, $0x1;
	s10 =	sld [smem:$0x3FAC];
	_ =	sdelay $0x3  }
0x34: {  	[smem:$0x3FAC] =	sst s10  }
0x35: {  	s10 =	sld [smem:$0x3FAB];
	_ =	sdelay $0x3  }
0x36: {  	p1 =	seq.s32 s10, $0x1;
	s10 =	sld [smem:$0x3FAC];
	_ =	sdelay $0x3  }
0x37: {  	[smem:$0x3FAC] =	sst s10  }
0x38: {  	s10 =	sld [smem:$0x3FAD]  }
0x39: {  	_ = 	snop;
	(pc) =	sbr.ind lr, $3  }
0x3a: {  	_ = 	snop  }
0x3b: {  	_ = 	snop  }
0x3c: {  	p2 =	seq.s32 s10, $0x1;
	s10 =	sld [smem:$0x3FAC]  }
0x3d: {  	_ =	shalt  }
0x3e: {  	_ =	shalt  }
0x3f: {  	_ =	shalt  }
0x40: {  	_ =	shalt  }
0x41: {  	_ =	shalt  }
0x42: {  	_ =	shalt  }
0x43: {  	_ =	shalt  }
0x44: {  	_ =	shalt  }
0x45: {  	_ =	shalt  }
0x46: {  	_ =	shalt  }
0x47: {  	_ =	shalt  }
0x48: {  	_ =	shalt  }
0x49: {  	_ =	shalt  }
0x4a: {  	_ =	shalt  }
0x4b: {  	_ =	shalt  }
0x4c: {  	_ =	shalt  }
0x4d: {  	_ =	shalt  }
0x4e: {  	_ =	shalt  }
0x4f: {  	_ =	shalt  }
0x50: {  	_ =	shalt  }
0x51: {  	_ =	shalt  }
0x52: {  	_ =	shalt  }
0x53: {  	_ =	shalt  }
0x54: {  	_ =	shalt  }
0x55: {  	_ =	shalt  }
0x56: {  	_ =	shalt  }
0x57: {  	_ =	shalt  }
0x58: {  	_ =	shalt  }
0x59: {  	_ =	shalt  }
0x5a: {  	_ =	shalt  }
0x5b: {  	_ =	shalt  }
0x5c: {  	_ =	shalt  }
0x5d: {  	_ =	shalt  }
0x5e: {  	_ =	shalt  }
0x5f: {  	_ =	shalt  }
0x60: {  	_ =	shalt  }
0x61: {  	_ =	shalt  }
0x62: {  	_ =	shalt  }
0x63: {  	_ =	shalt  }
0x64: {  	_ =	shalt  }
0x65: {  	_ =	shalt  }
0x66: {  	_ =	shalt  }
0x67: {  	_ =	shalt  }
0x68: {  	_ =	shalt  }
0x69: {  	_ =	shalt  }
0x6a: {  	_ =	shalt  }
0x6b: {  	_ =	shalt  }
0x6c: {  	_ =	shalt  }
0x6d: {  	_ =	shalt  }
0x6e: {  	_ =	shalt  }
0x6f: {  	_ =	shalt  }
0x70: {  	_ =	shalt  }
0x71: {  	_ =	shalt  }
0x72: {  	_ =	shalt  }
0x73: {  	_ =	shalt  }
0x74: {  	_ =	shalt  }
0x75: {  	_ =	shalt  }
0x76: {  	_ =	shalt  }
0x77: {  	_ =	shalt  }
0x78: {  	_ =	shalt  }
0x79: {  	_ =	shalt  }
0x7a: {  	_ =	shalt  }
0x7b: {  	_ =	shalt  }
0x7c: {  	_ =	shalt  }
0x7d: {  	_ =	shalt  }
0x7e: {  	_ =	shalt  }
0x7f: {  	_ =	shalt  }
0x80: {  	_ =	shalt  }
0x81: {  	_ =	shalt  }
0x82: {  	_ =	shalt  }
0x83: {  	_ =	shalt  }
0x84: {  	_ =	shalt  }
0x85: {  	_ =	shalt  }
0x86: {  	_ =	shalt  }
0x87: {  	_ =	shalt  }
.Lfunc_end0:
.L_simem_size_0:
called_computation.3_lowered:
.L_overlay_start_0:
0x88: {  	s2 =	sld [smem:$0x3FD9]  }
0x89: {  	s3 =	sld [smem:$0x3FFE];
	_ =	sdelay $0x1  }
0x8a: {  	s1 =	srdreg.scid  }
0x8b: {  	s0 =	sand.u32 $0x1, s1  }
0x8c: {  	s16 =	sshll.u32 s0, $0xA;
	s2 =	sadd.s32 s3, s2  }
0x8d: {  	s2 =	sadd.s32 s2, s16  }
0x8e: {  	[smem:$0x3FB8] =	sst s2  }
0x8f: {  	_ = 	snop  }
0x90: {  	(tm) =	ssettm $0x1  }
0x91: {  	s17 =	sld [smem:$0x3FFB];
	_ =	sdelay $0x3  }
0x92: {  	_ =	strace s17  }
0x93: {  	s2 =	sld [smem:$0x3FFC];
	_ =	sdelay $0x3  }
0x94: {  	_ =	strace s2  }
0x95: {  	s2 =	sld [smem:$0x3FFD];
	_ =	sdelay $0x3  }
0x96: {  	_ =	strace s2  }
0x97: {  	_ =	strace $0x8FFFFFFF  }
0x98: {  	s18 =	sld [smem:$0x3FDB];
	_ =	sdelay $0x1  }
0x99: {  	s19 =	simm.s32 $_scs_section_size  }
0x9a: {  	s4 =	simm.s32 $_size__tile_overlayer_lowered;
	s5 =	simm.s32 $_tile_overlayer_lowered  }
0x9b: {  	s22 =	simm.s32 $0x1BFF;
	s21 =	sshll.u32 s5, $0x1;
	s2 =	sadd.s32 s19, s18  }
0x9c: {  	s6 =	simm.s32 $0x0;
	s20 =	sshll.u32 s4, $0x1;
	s4 =	sadd.s32 s21, s2  }
0x9d: {  	[timem:s6], [sflag:s22] =	dma.local [hbm:s4], s20  }
0x9e: {  	_ =	swait.ge [sflag:s22], s20  }
0x9f: {  	s3 =	ssub.s32 $0x0, s20;
	[sflag:s22] =	ssyncset.done $0x0  }
0xa0: {  	[sflag:s22] =	ssyncadd.s32 s3;
	_ =	sdelay $0x1  }
0xa1: {  	s23 =	simm.s32 $0x1B8B  }
0xa2: {  	_ =	swait.ge [sflag:s23], $0x1  }
0xa3: {  	[sflag:s23] =	ssyncset.done $0x0  }
0xa4: {  	s25 =	simm.s32 $0x1B8E;
	s24 =	sld [smem:$0x3FFE];
	[sflag:s23] =	ssyncadd.s32 $0xFFFFFFFF  }
0xa5: {  	s26 =	simm.s32 $execute0_lowered;
	[smem:$0x3FD2] =	sst s25  }
0xa6: {  	s4 =	sshll.u32 s26, $0x1;
	_ =	strace $0x80000046;
	[dreg:$0x1] =	wrdreg $0xFFFFFFFF  }
0xa7: {  	s28 =	simm.s32 $_size_execute0_lowered;
	s2 =	sadd.s32 s2, s4;
	[dreg:$0x0] =	wrdreg $0x0  }
0xa8: {  	s4 =	sshll.u32 s28, $0x1;
	[dreg:$0x2] =	wrdreg s2  }
0xa9: {  	[dreg:$0x3] =	wrdreg s4  }
0xaa: {  	[dreg:$0x4] =	wrdreg $0xC0  }
0xab: {  	_ =	task [dreg:s6], $0x5FFFF  }
0xac: {  	[dreg:$0x1] =	wrdreg $0xFFFFFFFF  }
0xad: {  	[dreg:$0x0] =	wrdreg $0x60  }
0xae: {  	[dreg:$0x2] =	wrdreg s24  }
0xaf: {  	[dreg:$0x3] =	wrdreg $0xC  }
0xb0: {  	_ =	task.clear_ibuf [dreg:s6], $0x4FFFF;
	_ =	strace $0x90000046  }
0xb1: {  	s29 =	simm.s32 $0xC;
	_ =	strace $0x80000048  }
0xb2: {  	_ =	swait.ge [sflag:s29], $0x1  }
0xb3: {  	[sflag:s29] =	ssyncadd.s32 $0xFFFFFFFF  }
0xb4: {  	_ =	strace $0x90000048  }
0xb5: {  	_ =	sfence  }
0xb6: {  	s30 =	sld [smem:$0x0];
	_ =	sdelay $0x2  }
0xb7: {  	s31 =	sshll.u32 s1, $0xD;
	s1 =	sshrl.u32 s1, $0x2  }
0xb8: {  	s3 =	sand.u32 $0x4000, s31;
	s1 =	sadd.s32 s1, s30  }
0xb9: {  	s0 =	sor.u32 s3, s0;
	s1 =	sshll.u32 s1, $0x11  }
0xba: {  	s0 =	sor.u32 s1, s0  }
0xbb: {  	s0 =	sadd.s32 $0x8F2B, s0  }
0xbc: {  	[sflag:s0] =	ssyncadd.remote.s32 $0x1  }
0xbd: {  	_ =	sfence.sel $0xFFFF  }
0xbe: {  	[dreg:$0x0] =	wrdreg $0xFFFFFFFF;
	(pc) =	sbr.abs _section_cstart, $3  }
0xbf: {  	[dreg:$0x1] =	wrdreg $0xFFFFFFFF  }
0xc0: {  	_ =	task.clear_ibuf [dreg:s6], $0x2FFFF;
	_ =	strace $0x9FFFFFFF  }
0xc1: {  	(tm) =	ssettm $0x7FFFFFFF  }
tec
execute0_lowered:
.L_overlay_start_1:
0x0: {  	(tag) =	ssettag $0x1  }
0x1: {  	s4 =	rddreg [dreg:$0x0]  }
0x2: {  	s0 =	rddreg [dreg:$0x1]  }
0x3: {  	s1 =	simm.s32 $0x0;
	s5 =	srdreg.scid;
	s2 =	stileid.u32  }
0x4: {  	s16 =	simm.s32 $0x10080;
	s17 =	simm.s32 $0x0;
	s6 =	sadd.s32 $0xF47E00, s4  }
0x5: {  	[smem:$0x7FF] =	sst s1;
	s10 =	sadd.s32 $0xF47C00, s4;
	s3 =	sadd.s32 $0x5800, s4  }
0x6: {  	s5 =	sand.u32 $0x1, s5;
	s8 =	sshll.u32 s2, $0x8;
	s9 =	sadd.s32 $0xF48A00, s4  }
0x7: {  	s12 =	sadd.s32 $0xF58A00, s4;
	s7 =	ssub.s32 $0x2, s5;
	s5 =	sshll.u32 s5, $0x7  }
0x8: {  	_ =	strace $0x80000047;
	s11 =	sshrl.u32 s7, $0x1;
	s5 =	sor.u32 s5, s8  }
0x9: {  	s13 =	ssub.s32 s7, s11;
	s8 =	sshrl.u32 s5, $0x3;
	s30 =	sshll.u32 s5, $0x4  }
0xa: {  	s31 =	sor.u32 $0x40, s5;
	s4 =	sadd.s32 s6, s8;
	s5 =	sadd.s32 s9, s30  }
0xb: {  	s14 =	sshrl.u32 s31, $0x3;
	s15 =	sshll.u32 s31, $0x4;
	s8 =	sadd.s32 s10, s8  }
0xc: {  	s6 =	sadd.s32 s6, s14;
	s7 =	sadd.s32 s9, s15;
	s9 =	sadd.s32 s12, s30  }
0xd: {  	v0 =	vlaneseq.u32;
	s10 =	sadd.s32 s10, s14;
	s11 =	sadd.s32 s12, s15;
	s12 =	smax.u32 s13, $0x1  }
0xe: {  	v1 =	vor.u32 $0x10, v0;
	v2 =	vor.u32 $0x20, v0;
	v3 =	vor.u32 $0x30, v0;
	s13 =	simm.s32 $0x2;
	s14 =	simm.s32 $0x1;
	s15 =	simm.s32 $0x80  }
.LBB2_1:
0xf: {  	[tilespmem:s1], [sflag:$0x2] =	stream.linear.gather [hbm4b:s4+s1], $0x40, $0x38;
	[tilespmem:$0x12080] =	vst v63  }
0x10: {  	_ =	swait.ge [sflag:s13], $0x40  }
0x11: {  	[sflag:s13] =	ssyncset.done $0x0  }
0x12: {  	s18 =	sand.u32 $0x30, s1;
	[sflag:s13] =	ssyncadd.s32 $0xFFFFFFC0  }
0x13: {  	v4 =	vld [tilespmem:s18+$0x0];
	_ =	sdelay $0x2  }
0x14: {  	s29 =	sand.u32 $0xF, s1  }
0x15: {  	v5 =	vmov s29  }
0x16: {  	vm0 =	veq.s32 v5, v0;
	v4 =	vxor.u32 $0x80000000, v4  }
0x17: {  	v4 =	vnsel vm0, $0x80000000, v4  }
0x18: {  	(xrf0) =	vmax.scan.msk.u32 $0xffff, v4;
	_ =	sdelay $0x5  }
0x19: {  	v4, _, _ =	vpop (xrf0)  }
0x1a: {  	(v2sf) =	vpush v4, $0xF;
	_ =	sdelay $0xe  }
0x1b: {  	s30 =	spop (v2sf)  }
0x1c: {  	s18 =	sshll.u32 s30, $0x4  }
0x1d: {  	s19 =	simm.s32 $0x1;
	s18 =	sand.u32 $0x1FFFFF80, s18  }
0x1e: {  	s31 =	sand.u32 $0x30, s19;
	s18 =	sadd.s32 s3, s18  }
0x1f: {  	[tilespmem:s15], [sflag:$0x1] =	stream.linear.gather [hbm4b:s18+s1], $0x400, $0x38;
	[tilespmem:$0x12080] =	vst v63  }
0x20: {  	s20 =	simm.s32 $0x2;
	s18 =	simm.s32 $0x80;
	v4 =	vld [tilespmem:s31+$0x0]  }
.LBB2_2:
0x21: {  	p0 =	sne.s32 s20, $0x3F;
	_ =	sdelay $0x1  }
0x22: {  	s21 =	sand.u32 $0xF, s19;
	s19 =	smov.u32 s20  }
0x23: {  	v5 =	vmov s21  }
0x24: {  	vm0 =	veq.s32 v5, v0;
	v4 =	vxor.u32 $0x80000000, v4  }
0x25: {  	v4 =	vnsel vm0, $0x80000000, v4  }
0x26: {  	(xrf0) =	vmax.scan.msk.u32 $0xffff, v4;
	_ =	sdelay $0x5  }
0x27: {  	v4, _, _ =	vpop (xrf0)  }
0x28: {  	(v2sf) =	vpush v4, $0xF;
	_ =	sdelay $0xe  }
0x29: {  	s21 =	spop (v2sf)  }
.Ltmp0:
0x2a: {  	s21 =	sshll.u32 s21, $0x4;
	(pc) =	sbr.rel @p0 .LBB2_2-.Ltmp0, $4  }
0x2b: {  	s21 =	sand.u32 $0x1FFFFF80, s21  }
0x2c: {  	s22 =	sand.u32 $0x30, s20;
	s18 =	sadd.s32 $0x400, s18;
	s21 =	sadd.s32 s3, s21  }
0x2d: {  	[tilespmem:s18], [sflag:$0x1] =	stream.linear.gather [hbm4b:s21+s1], $0x400, $0x38;
	[tilespmem:$0x12080] =	vst v63  }
0x2e: {  	s20 =	sadd.s32 $0x1, s20;
	v4 =	vld [tilespmem:s22+$0x0]  }
0x2f: {  	_ =	sdelay $0x1  }
0x30: {  	s19 =	sand.u32 $0xF, s19  }
0x31: {  	v5 =	vmov s19  }
0x32: {  	vm0 =	veq.s32 v5, v0;
	v4 =	vxor.u32 $0x80000000, v4  }
0x33: {  	v4 =	vnsel vm0, $0x80000000, v4  }
0x34: {  	(xrf0) =	vmax.scan.msk.u32 $0xffff, v4;
	_ =	sdelay $0x5  }
0x35: {  	v4, _, _ =	vpop (xrf0)  }
0x36: {  	(v2sf) =	vpush v4, $0xF;
	_ =	sdelay $0xe  }
0x37: {  	s31 =	spop (v2sf)  }
0x38: {  	s19 =	sshll.u32 s31, $0x4  }
0x39: {  	s19 =	sand.u32 $0x1FFFFF80, s19  }
0x3a: {  	s18 =	sadd.s32 $0x400, s18;
	s19 =	sadd.s32 s3, s19  }
0x3b: {  	[tilespmem:s18], [sflag:$0x1] =	stream.linear.gather [hbm4b:s19+s1], $0x400, $0x38;
	[tilespmem:$0x12080] =	vst v63  }
0x3c: {  	s18 =	simm.s32 $0x40  }
.LBB2_4:
0x3d: {  	p0 =	sne.s32 s18, $0x1  }
.Ltmp1:
0x3e: {  	_ = 	snop;
	(pc) =	sbr.rel @p0 .LBB2_4-.Ltmp1, $4  }
0x3f: {  	_ = 	snop  }
0x40: {  	_ =	swait.ge [sflag:s14], $0x400  }
0x41: {  	[sflag:s14] =	ssyncset.done $0x0  }
0x42: {  	s18 =	sadd.s32 $0xFFFFFFFF, s18;
	[sflag:s14] =	ssyncadd.s32 $0xFFFFFC00  }
0x43: {  	s18 =	simm.s32 $0x0  }
0x44: {  	s19 =	sand.u32 $0x30, s18  }
0x45: {  	v4 =	vld [tilespmem:s19+$0x0];
	_ =	sdelay $0x3  }
0x46: {  	v5 =	vmov s18  }
0x47: {  	v4 =	vperm.xlane v4, v5;
	_ =	sdelay $0x1  }
0x48: {  	v4 =	vshll.u32 v4, $0x7  }
0x49: {  	s31 =	simm.s32 $0x0;
	v4 =	vand.u32 $0x380, v4  }
0x4a: {  	v4 =	vor.u32 s31, v4  }
0x4b: {  	v5 =	vor.u32 v0, v4;
	_ =	sdelay $0x4  }
0x4c: {  	v5 =	vld.idx.msk [tilespmem:v5+s15+$0x0], $0xffff  }
0x4d: {  	v6 =	vor.u32 v1, v4;
	_ =	sdelay $0x2  }
0x4e: {  	s18 =	simm.s32 $0x100A0  }
0x4f: {  	[tilespmem:s18+$0xFFFFFFE0] =	vst v5  }
0x50: {  	v5 =	vld.idx.msk [tilespmem:v6+s15+$0x0], $0xffff  }
0x51: {  	v6 =	vor.u32 v2, v4;
	_ =	sdelay $0x3  }
0x52: {  	[tilespmem:s18+$0xFFFFFFF0] =	vst v5  }
0x53: {  	v5 =	vld.idx.msk [tilespmem:v6+s15+$0x0], $0xffff  }
0x54: {  	v4 =	vor.u32 v3, v4;
	_ =	sdelay $0x3  }
0x55: {  	[tilespmem:s18+$0x0] =	vst v5  }
0x56: {  	s20 =	simm.s32 $0x2;
	s19 =	simm.s32 $0x1;
	v4 =	vld.idx.msk [tilespmem:v4+s15+$0x0], $0xffff  }
.LBB2_6:
0x57: {  	_ =	sdelay $0x2  }
0x58: {  	s21 =	sand.u32 $0x30, s19  }
0x59: {  	s22 =	smov.u32 s20;
	s23 =	sadd.s32 $0x1, s20;
	[tilespmem:s18+$0x10] =	vst v4;
	s18 =	sadd.s32 $0x80, s18  }
0x5a: {  	p0 =	sne.s32 s20, $0x3F;
	v4 =	vld [tilespmem:s21+$0x0];
	_ =	sdelay $0x3  }
0x5b: {  	v5 =	vmov s19  }
0x5c: {  	v4 =	vperm.xlane v4, v5;
	_ =	sdelay $0x1  }
0x5d: {  	v4 =	vshll.u32 v4, $0x7  }
0x5e: {  	s20 =	sshll.u32 s19, $0xA;
	s19 =	smov.u32 s22;
	v4 =	vand.u32 $0x380, v4  }
0x5f: {  	v4 =	vor.u32 s20, v4  }
0x60: {  	v5 =	vor.u32 v0, v4;
	_ =	sdelay $0x4  }
0x61: {  	v5 =	vld.idx.msk [tilespmem:v5+s15+$0x0], $0xffff;
	_ =	sdelay $0x1  }
0x62: {  	v6 =	vor.u32 v1, v4;
	_ =	sdelay $0x3  }
0x63: {  	[tilespmem:s18+$0xFFFFFFE0] =	vst v5  }
0x64: {  	v5 =	vld.idx.msk [tilespmem:v6+s15+$0x0], $0xffff;
	_ =	sdelay $0x1  }
0x65: {  	v6 =	vor.u32 v2, v4;
	_ =	sdelay $0x3  }
0x66: {  	[tilespmem:s18+$0xFFFFFFF0] =	vst v5  }
0x67: {  	v5 =	vld.idx.msk [tilespmem:v6+s15+$0x0], $0xffff;
	_ =	sdelay $0x1  }
0x68: {  	v4 =	vor.u32 v3, v4  }
.Ltmp2:
0x69: {  	(pc) =	sbr.rel @p0 .LBB2_6-.Ltmp2, $3  }
0x6a: {  	_ =	sdelay $0x1  }
0x6b: {  	[tilespmem:s18+$0x0] =	vst v5  }
0x6c: {  	s20 =	smov.u32 s23;
	v4 =	vld.idx.msk [tilespmem:v4+s15+$0x0], $0xffff  }
0x6d: {  	_ =	sdelay $0x3  }
0x6e: {  	s20 =	sand.u32 $0x30, s19;
	[tilespmem:s18+$0x10] =	vst v4  }
0x6f: {  	v4 =	vld [tilespmem:s20+$0x0];
	_ =	sdelay $0x3  }
0x70: {  	v5 =	vmov s19  }
0x71: {  	v4 =	vperm.xlane v4, v5;
	_ =	sdelay $0x1  }
0x72: {  	v4 =	vshll.u32 v4, $0x7  }
0x73: {  	s24 =	sshll.u32 s19, $0xA;
	v4 =	vand.u32 $0x380, v4  }
0x74: {  	v4 =	vor.u32 s24, v4  }
0x75: {  	v5 =	vor.u32 v0, v4;
	_ =	sdelay $0x4  }
0x76: {  	v5 =	vld.idx.msk [tilespmem:v5+s15+$0x0], $0xffff  }
0x77: {  	v6 =	vor.u32 v1, v4;
	_ =	sdelay $0x2  }
0x78: {  	s25 =	sadd.s32 $0x80, s18  }
0x79: {  	[tilespmem:s25+$0xFFFFFFE0] =	vst v5  }
0x7a: {  	v5 =	vld.idx.msk [tilespmem:v6+s15+$0x0], $0xffff  }
0x7b: {  	v6 =	vor.u32 v2, v4;
	_ =	sdelay $0x3  }
0x7c: {  	[tilespmem:s25+$0xFFFFFFF0] =	vst v5  }
0x7d: {  	v5 =	vld.idx.msk [tilespmem:v6+s15+$0x0], $0xffff  }
0x7e: {  	v4 =	vor.u32 v3, v4;
	_ =	sdelay $0x3  }
0x7f: {  	[tilespmem:s25+$0x0] =	vst v5  }
0x80: {  	v4 =	vld.idx.msk [tilespmem:v4+s15+$0x0], $0xffff;
	_ =	sdelay $0x4  }
0x81: {  	s26 =	simm.s32 $0x0;
	[tilespmem:s25+$0x10] =	vst v4  }
0x82: {  	[hbm4b:s5+s26] =	stream.linear.scatter [tilespmem:s16], [sflag:$0x2], $0x2000, $0x38;
	[tilespmem:$0x12080] =	vst v63  }
0x83: {  	_ =	swait.ge [sflag:s13], $0x2000  }
0x84: {  	[sflag:s13] =	ssyncset.done $0x0  }
0x85: {  	[sflag:s13] =	ssyncadd.s32 $0xFFFFE000  }
0x86: {  	[tilespmem:s26], [sflag:$0x2] =	stream.linear.gather [hbm4b:s6+s26], $0x40, $0x38;
	[tilespmem:$0x12080] =	vst v63  }
0x87: {  	_ =	swait.ge [sflag:s13], $0x40  }
0x88: {  	[sflag:s13] =	ssyncset.done $0x0  }
0x89: {  	s28 =	sand.u32 $0x30, s26;
	[sflag:s13] =	ssyncadd.s32 $0xFFFFFFC0  }
0x8a: {  	v4 =	vld [tilespmem:s28+$0x0];
	_ =	sdelay $0x2  }
0x8b: {  	s18 =	sand.u32 $0xF, s26  }
0x8c: {  	v5 =	vmov s18  }
0x8d: {  	vm0 =	veq.s32 v5, v0;
	v4 =	vxor.u32 $0x80000000, v4  }
0x8e: {  	v4 =	vnsel vm0, $0x80000000, v4  }
0x8f: {  	(xrf0) =	vmax.scan.msk.u32 $0xffff, v4;
	_ =	sdelay $0x5  }
0x90: {  	v4, _, _ =	vpop (xrf0)  }
0x91: {  	(v2sf) =	vpush v4, $0xF;
	_ =	sdelay $0xe  }
0x92: {  	s29 =	spop (v2sf)  }
0x93: {  	s18 =	sshll.u32 s29, $0x4  }
0x94: {  	s19 =	simm.s32 $0x1;
	s30 =	sand.u32 $0x1FFFFF80, s18  }
0x95: {  	s31 =	sand.u32 $0x30, s19;
	s18 =	simm.s32 $0x80;
	s20 =	sadd.s32 s3, s30  }
0x96: {  	[tilespmem:s18], [sflag:$0x1] =	stream.linear.gather [hbm4b:s20+s1], $0x400, $0x38;
	[tilespmem:$0x12080] =	vst v63  }
0x97: {  	s20 =	simm.s32 $0x2;
	v4 =	vld [tilespmem:s31+$0x0]  }
.LBB2_8:
0x98: {  	p0 =	sne.s32 s20, $0x3F;
	_ =	sdelay $0x1  }
0x99: {  	s21 =	sand.u32 $0xF, s19;
	s19 =	smov.u32 s20  }
0x9a: {  	v5 =	vmov s21  }
0x9b: {  	vm0 =	veq.s32 v5, v0;
	v4 =	vxor.u32 $0x80000000, v4  }
0x9c: {  	v4 =	vnsel vm0, $0x80000000, v4  }
0x9d: {  	(xrf0) =	vmax.scan.msk.u32 $0xffff, v4;
	_ =	sdelay $0x5  }
0x9e: {  	v4, _, _ =	vpop (xrf0)  }
0x9f: {  	(v2sf) =	vpush v4, $0xF;
	_ =	sdelay $0xe  }
0xa0: {  	s21 =	spop (v2sf)  }
.Ltmp3:
0xa1: {  	s21 =	sshll.u32 s21, $0x4;
	(pc) =	sbr.rel @p0 .LBB2_8-.Ltmp3, $4  }
0xa2: {  	s21 =	sand.u32 $0x1FFFFF80, s21  }
0xa3: {  	s22 =	sand.u32 $0x30, s20;
	s18 =	sadd.s32 $0x400, s18;
	s21 =	sadd.s32 s3, s21  }
0xa4: {  	[tilespmem:s18], [sflag:$0x1] =	stream.linear.gather [hbm4b:s21+s1], $0x400, $0x38;
	[tilespmem:$0x12080] =	vst v63  }
0xa5: {  	s20 =	sadd.s32 $0x1, s20;
	v4 =	vld [tilespmem:s22+$0x0]  }
0xa6: {  	_ =	sdelay $0x1  }
0xa7: {  	s19 =	sand.u32 $0xF, s19  }
0xa8: {  	v5 =	vmov s19  }
0xa9: {  	vm0 =	veq.s32 v5, v0;
	v4 =	vxor.u32 $0x80000000, v4  }
0xaa: {  	v4 =	vnsel vm0, $0x80000000, v4  }
0xab: {  	(xrf0) =	vmax.scan.msk.u32 $0xffff, v4;
	_ =	sdelay $0x5  }
0xac: {  	v4, _, _ =	vpop (xrf0)  }
0xad: {  	(v2sf) =	vpush v4, $0xF;
	_ =	sdelay $0xe  }
0xae: {  	s31 =	spop (v2sf)  }
0xaf: {  	s19 =	sshll.u32 s31, $0x4  }
0xb0: {  	s19 =	sand.u32 $0x1FFFFF80, s19  }
0xb1: {  	s18 =	sadd.s32 $0x400, s18;
	s19 =	sadd.s32 s3, s19  }
0xb2: {  	[tilespmem:s18], [sflag:$0x1] =	stream.linear.gather [hbm4b:s19+s1], $0x400, $0x38;
	[tilespmem:$0x12080] =	vst v63  }
0xb3: {  	s18 =	simm.s32 $0x40  }
.LBB2_10:
0xb4: {  	p0 =	sne.s32 s18, $0x1  }
.Ltmp4:
0xb5: {  	_ = 	snop;
	(pc) =	sbr.rel @p0 .LBB2_10-.Ltmp4, $4  }
0xb6: {  	_ = 	snop  }
0xb7: {  	_ =	swait.ge [sflag:s14], $0x400  }
0xb8: {  	[sflag:s14] =	ssyncset.done $0x0  }
0xb9: {  	s18 =	sadd.s32 $0xFFFFFFFF, s18;
	[sflag:s14] =	ssyncadd.s32 $0xFFFFFC00  }
0xba: {  	s18 =	simm.s32 $0x0  }
0xbb: {  	s19 =	sand.u32 $0x30, s18  }
0xbc: {  	v4 =	vld [tilespmem:s19+$0x0];
	_ =	sdelay $0x3  }
0xbd: {  	v5 =	vmov s18  }
0xbe: {  	v4 =	vperm.xlane v4, v5;
	_ =	sdelay $0x1  }
0xbf: {  	v4 =	vshll.u32 v4, $0x7  }
0xc0: {  	s31 =	simm.s32 $0x0;
	v4 =	vand.u32 $0x380, v4  }
0xc1: {  	v4 =	vor.u32 s31, v4  }
0xc2: {  	v5 =	vor.u32 v0, v4;
	_ =	sdelay $0x4  }
0xc3: {  	v5 =	vld.idx.msk [tilespmem:v5+s15+$0x0], $0xffff  }
0xc4: {  	v6 =	vor.u32 v1, v4;
	_ =	sdelay $0x2  }
0xc5: {  	s18 =	simm.s32 $0x100A0  }
0xc6: {  	[tilespmem:s18+$0xFFFFFFE0] =	vst v5  }
0xc7: {  	v5 =	vld.idx.msk [tilespmem:v6+s15+$0x0], $0xffff  }
0xc8: {  	v6 =	vor.u32 v2, v4;
	_ =	sdelay $0x3  }
0xc9: {  	[tilespmem:s18+$0xFFFFFFF0] =	vst v5  }
0xca: {  	v5 =	vld.idx.msk [tilespmem:v6+s15+$0x0], $0xffff  }
0xcb: {  	v4 =	vor.u32 v3, v4;
	_ =	sdelay $0x3  }
0xcc: {  	[tilespmem:s18+$0x0] =	vst v5  }
0xcd: {  	s20 =	simm.s32 $0x2;
	s19 =	simm.s32 $0x1;
	v4 =	vld.idx.msk [tilespmem:v4+s15+$0x0], $0xffff  }
.LBB2_12:
0xce: {  	_ =	sdelay $0x2  }
0xcf: {  	s21 =	sand.u32 $0x30, s19  }
0xd0: {  	s22 =	smov.u32 s20;
	s23 =	sadd.s32 $0x1, s20;
	[tilespmem:s18+$0x10] =	vst v4;
	s18 =	sadd.s32 $0x80, s18  }
0xd1: {  	p0 =	sne.s32 s20, $0x3F;
	v4 =	vld [tilespmem:s21+$0x0];
	_ =	sdelay $0x3  }
0xd2: {  	v5 =	vmov s19  }
0xd3: {  	v4 =	vperm.xlane v4, v5;
	_ =	sdelay $0x1  }
0xd4: {  	v4 =	vshll.u32 v4, $0x7  }
0xd5: {  	s20 =	sshll.u32 s19, $0xA;
	s19 =	smov.u32 s22;
	v4 =	vand.u32 $0x380, v4  }
0xd6: {  	v4 =	vor.u32 s20, v4  }
0xd7: {  	v5 =	vor.u32 v0, v4;
	_ =	sdelay $0x4  }
0xd8: {  	v5 =	vld.idx.msk [tilespmem:v5+s15+$0x0], $0xffff;
	_ =	sdelay $0x1  }
0xd9: {  	v6 =	vor.u32 v1, v4;
	_ =	sdelay $0x3  }
0xda: {  	[tilespmem:s18+$0xFFFFFFE0] =	vst v5  }
0xdb: {  	v5 =	vld.idx.msk [tilespmem:v6+s15+$0x0], $0xffff;
	_ =	sdelay $0x1  }
0xdc: {  	v6 =	vor.u32 v2, v4;
	_ =	sdelay $0x3  }
0xdd: {  	[tilespmem:s18+$0xFFFFFFF0] =	vst v5  }
0xde: {  	v5 =	vld.idx.msk [tilespmem:v6+s15+$0x0], $0xffff;
	_ =	sdelay $0x1  }
0xdf: {  	v4 =	vor.u32 v3, v4  }
.Ltmp5:
0xe0: {  	(pc) =	sbr.rel @p0 .LBB2_12-.Ltmp5, $3  }
0xe1: {  	_ =	sdelay $0x1  }
0xe2: {  	[tilespmem:s18+$0x0] =	vst v5  }
0xe3: {  	s20 =	smov.u32 s23;
	v4 =	vld.idx.msk [tilespmem:v4+s15+$0x0], $0xffff  }
0xe4: {  	_ =	sdelay $0x3  }
0xe5: {  	s20 =	sand.u32 $0x30, s19;
	[tilespmem:s18+$0x10] =	vst v4  }
0xe6: {  	v4 =	vld [tilespmem:s20+$0x0];
	_ =	sdelay $0x3  }
0xe7: {  	v5 =	vmov s19  }
0xe8: {  	v4 =	vperm.xlane v4, v5;
	_ =	sdelay $0x1  }
0xe9: {  	v4 =	vshll.u32 v4, $0x7  }
0xea: {  	s24 =	sshll.u32 s19, $0xA;
	v4 =	vand.u32 $0x380, v4  }
0xeb: {  	v4 =	vor.u32 s24, v4  }
0xec: {  	v5 =	vor.u32 v0, v4;
	_ =	sdelay $0x4  }
0xed: {  	v5 =	vld.idx.msk [tilespmem:v5+s15+$0x0], $0xffff  }
0xee: {  	v6 =	vor.u32 v1, v4;
	_ =	sdelay $0x2  }
0xef: {  	s25 =	sadd.s32 $0x80, s18  }
0xf0: {  	[tilespmem:s25+$0xFFFFFFE0] =	vst v5  }
0xf1: {  	v5 =	vld.idx.msk [tilespmem:v6+s15+$0x0], $0xffff  }
0xf2: {  	v6 =	vor.u32 v2, v4;
	_ =	sdelay $0x3  }
0xf3: {  	[tilespmem:s25+$0xFFFFFFF0] =	vst v5  }
0xf4: {  	v5 =	vld.idx.msk [tilespmem:v6+s15+$0x0], $0xffff  }
0xf5: {  	v4 =	vor.u32 v3, v4;
	_ =	sdelay $0x3  }
0xf6: {  	[tilespmem:s25+$0x0] =	vst v5  }
0xf7: {  	v4 =	vld.idx.msk [tilespmem:v4+s15+$0x0], $0xffff;
	_ =	sdelay $0x4  }
0xf8: {  	s26 =	simm.s32 $0x0;
	[tilespmem:s25+$0x10] =	vst v4  }
0xf9: {  	[hbm4b:s7+s26] =	stream.linear.scatter [tilespmem:s16], [sflag:$0x2], $0x2000, $0x38;
	[tilespmem:$0x12080] =	vst v63  }
0xfa: {  	_ =	swait.ge [sflag:s13], $0x2000  }
0xfb: {  	[sflag:s13] =	ssyncset.done $0x0  }
0xfc: {  	[sflag:s13] =	ssyncadd.s32 $0xFFFFE000  }
0xfd: {  	[tilespmem:s26], [sflag:$0x2] =	stream.linear.gather [hbm4b:s8+s26], $0x40, $0x38;
	[tilespmem:$0x12080] =	vst v63  }
0xfe: {  	_ =	swait.ge [sflag:s13], $0x40  }
0xff: {  	[sflag:s13] =	ssyncset.done $0x0  }
0x100: {  	s28 =	sand.u32 $0x30, s26;
	[sflag:s13] =	ssyncadd.s32 $0xFFFFFFC0  }
0x101: {  	v4 =	vld [tilespmem:s28+$0x0];
	_ =	sdelay $0x2  }
0x102: {  	s18 =	sand.u32 $0xF, s26  }
0x103: {  	v5 =	vmov s18  }
0x104: {  	vm0 =	veq.s32 v5, v0;
	v4 =	vxor.u32 $0x80000000, v4  }
0x105: {  	v4 =	vnsel vm0, $0x80000000, v4  }
0x106: {  	(xrf0) =	vmax.scan.msk.u32 $0xffff, v4;
	_ =	sdelay $0x5  }
0x107: {  	v4, _, _ =	vpop (xrf0)  }
0x108: {  	(v2sf) =	vpush v4, $0xF;
	_ =	sdelay $0xe  }
0x109: {  	s29 =	spop (v2sf)  }
0x10a: {  	s18 =	sshll.u32 s29, $0x4  }
0x10b: {  	s19 =	simm.s32 $0x1;
	s30 =	sand.u32 $0x1FFFFF80, s18  }
0x10c: {  	s31 =	sand.u32 $0x30, s19;
	s18 =	simm.s32 $0x80;
	s20 =	sadd.s32 s3, s30  }
0x10d: {  	[tilespmem:s18], [sflag:$0x1] =	stream.linear.gather [hbm4b:s20+s1], $0x400, $0x38;
	[tilespmem:$0x12080] =	vst v63  }
0x10e: {  	s20 =	simm.s32 $0x2;
	v4 =	vld [tilespmem:s31+$0x0]  }
.LBB2_14:
0x10f: {  	p0 =	sne.s32 s20, $0x3F;
	_ =	sdelay $0x1  }
0x110: {  	s21 =	sand.u32 $0xF, s19;
	s19 =	smov.u32 s20  }
0x111: {  	v5 =	vmov s21  }
0x112: {  	vm0 =	veq.s32 v5, v0;
	v4 =	vxor.u32 $0x80000000, v4  }
0x113: {  	v4 =	vnsel vm0, $0x80000000, v4  }
0x114: {  	(xrf0) =	vmax.scan.msk.u32 $0xffff, v4;
	_ =	sdelay $0x5  }
0x115: {  	v4, _, _ =	vpop (xrf0)  }
0x116: {  	(v2sf) =	vpush v4, $0xF;
	_ =	sdelay $0xe  }
0x117: {  	s21 =	spop (v2sf)  }
.Ltmp6:
0x118: {  	s21 =	sshll.u32 s21, $0x4;
	(pc) =	sbr.rel @p0 .LBB2_14-.Ltmp6, $4  }
0x119: {  	s21 =	sand.u32 $0x1FFFFF80, s21  }
0x11a: {  	s22 =	sand.u32 $0x30, s20;
	s18 =	sadd.s32 $0x400, s18;
	s21 =	sadd.s32 s3, s21  }
0x11b: {  	[tilespmem:s18], [sflag:$0x1] =	stream.linear.gather [hbm4b:s21+s1], $0x400, $0x38;
	[tilespmem:$0x12080] =	vst v63  }
0x11c: {  	s20 =	sadd.s32 $0x1, s20;
	v4 =	vld [tilespmem:s22+$0x0]  }
0x11d: {  	_ =	sdelay $0x1  }
0x11e: {  	s19 =	sand.u32 $0xF, s19  }
0x11f: {  	v5 =	vmov s19  }
0x120: {  	vm0 =	veq.s32 v5, v0;
	v4 =	vxor.u32 $0x80000000, v4  }
0x121: {  	v4 =	vnsel vm0, $0x80000000, v4  }
0x122: {  	(xrf0) =	vmax.scan.msk.u32 $0xffff, v4;
	_ =	sdelay $0x5  }
0x123: {  	v4, _, _ =	vpop (xrf0)  }
0x124: {  	(v2sf) =	vpush v4, $0xF;
	_ =	sdelay $0xe  }
0x125: {  	s31 =	spop (v2sf)  }
0x126: {  	s19 =	sshll.u32 s31, $0x4  }
0x127: {  	s19 =	sand.u32 $0x1FFFFF80, s19  }
0x128: {  	s18 =	sadd.s32 $0x400, s18;
	s19 =	sadd.s32 s3, s19  }
0x129: {  	[tilespmem:s18], [sflag:$0x1] =	stream.linear.gather [hbm4b:s19+s1], $0x400, $0x38;
	[tilespmem:$0x12080] =	vst v63  }
0x12a: {  	s18 =	simm.s32 $0x40  }
.LBB2_16:
0x12b: {  	p0 =	sne.s32 s18, $0x1  }
.Ltmp7:
0x12c: {  	_ = 	snop;
	(pc) =	sbr.rel @p0 .LBB2_16-.Ltmp7, $4  }
0x12d: {  	_ = 	snop  }
0x12e: {  	_ =	swait.ge [sflag:s14], $0x400  }
0x12f: {  	[sflag:s14] =	ssyncset.done $0x0  }
0x130: {  	s18 =	sadd.s32 $0xFFFFFFFF, s18;
	[sflag:s14] =	ssyncadd.s32 $0xFFFFFC00  }
0x131: {  	s18 =	simm.s32 $0x0  }
0x132: {  	s19 =	sand.u32 $0x30, s18  }
0x133: {  	v4 =	vld [tilespmem:s19+$0x0];
	_ =	sdelay $0x3  }
0x134: {  	v5 =	vmov s18  }
0x135: {  	v4 =	vperm.xlane v4, v5;
	_ =	sdelay $0x1  }
0x136: {  	v4 =	vshll.u32 v4, $0x7  }
0x137: {  	s31 =	simm.s32 $0x0;
	v4 =	vand.u32 $0x380, v4  }
0x138: {  	v4 =	vor.u32 s31, v4  }
0x139: {  	v5 =	vor.u32 v0, v4;
	_ =	sdelay $0x4  }
0x13a: {  	v5 =	vld.idx.msk [tilespmem:v5+s15+$0x0], $0xffff  }
0x13b: {  	v6 =	vor.u32 v1, v4;
	_ =	sdelay $0x2  }
0x13c: {  	s18 =	simm.s32 $0x100A0  }
0x13d: {  	[tilespmem:s18+$0xFFFFFFE0] =	vst v5  }
0x13e: {  	v5 =	vld.idx.msk [tilespmem:v6+s15+$0x0], $0xffff  }
0x13f: {  	v6 =	vor.u32 v2, v4;
	_ =	sdelay $0x3  }
0x140: {  	[tilespmem:s18+$0xFFFFFFF0] =	vst v5  }
0x141: {  	v5 =	vld.idx.msk [tilespmem:v6+s15+$0x0], $0xffff  }
0x142: {  	v4 =	vor.u32 v3, v4;
	_ =	sdelay $0x3  }
0x143: {  	[tilespmem:s18+$0x0] =	vst v5  }
0x144: {  	s20 =	simm.s32 $0x2;
	s19 =	simm.s32 $0x1;
	v4 =	vld.idx.msk [tilespmem:v4+s15+$0x0], $0xffff  }
.LBB2_18:
0x145: {  	_ =	sdelay $0x2  }
0x146: {  	s21 =	sand.u32 $0x30, s19  }
0x147: {  	s22 =	smov.u32 s20;
	s23 =	sadd.s32 $0x1, s20;
	[tilespmem:s18+$0x10] =	vst v4;
	s18 =	sadd.s32 $0x80, s18  }
0x148: {  	p0 =	sne.s32 s20, $0x3F;
	v4 =	vld [tilespmem:s21+$0x0];
	_ =	sdelay $0x3  }
0x149: {  	v5 =	vmov s19  }
0x14a: {  	v4 =	vperm.xlane v4, v5;
	_ =	sdelay $0x1  }
0x14b: {  	v4 =	vshll.u32 v4, $0x7  }
0x14c: {  	s20 =	sshll.u32 s19, $0xA;
	s19 =	smov.u32 s22;
	v4 =	vand.u32 $0x380, v4  }
0x14d: {  	v4 =	vor.u32 s20, v4  }
0x14e: {  	v5 =	vor.u32 v0, v4;
	_ =	sdelay $0x4  }
0x14f: {  	v5 =	vld.idx.msk [tilespmem:v5+s15+$0x0], $0xffff;
	_ =	sdelay $0x1  }
0x150: {  	v6 =	vor.u32 v1, v4;
	_ =	sdelay $0x3  }
0x151: {  	[tilespmem:s18+$0xFFFFFFE0] =	vst v5  }
0x152: {  	v5 =	vld.idx.msk [tilespmem:v6+s15+$0x0], $0xffff;
	_ =	sdelay $0x1  }
0x153: {  	v6 =	vor.u32 v2, v4;
	_ =	sdelay $0x3  }
0x154: {  	[tilespmem:s18+$0xFFFFFFF0] =	vst v5  }
0x155: {  	v5 =	vld.idx.msk [tilespmem:v6+s15+$0x0], $0xffff;
	_ =	sdelay $0x1  }
0x156: {  	v4 =	vor.u32 v3, v4  }
.Ltmp8:
0x157: {  	(pc) =	sbr.rel @p0 .LBB2_18-.Ltmp8, $3  }
0x158: {  	_ =	sdelay $0x1  }
0x159: {  	[tilespmem:s18+$0x0] =	vst v5  }
0x15a: {  	s20 =	smov.u32 s23;
	v4 =	vld.idx.msk [tilespmem:v4+s15+$0x0], $0xffff  }
0x15b: {  	_ =	sdelay $0x3  }
0x15c: {  	s20 =	sand.u32 $0x30, s19;
	[tilespmem:s18+$0x10] =	vst v4  }
0x15d: {  	v4 =	vld [tilespmem:s20+$0x0];
	_ =	sdelay $0x3  }
0x15e: {  	v5 =	vmov s19  }
0x15f: {  	v4 =	vperm.xlane v4, v5;
	_ =	sdelay $0x1  }
0x160: {  	v4 =	vshll.u32 v4, $0x7  }
0x161: {  	s24 =	sshll.u32 s19, $0xA;
	v4 =	vand.u32 $0x380, v4  }
0x162: {  	v4 =	vor.u32 s24, v4  }
0x163: {  	v5 =	vor.u32 v0, v4;
	_ =	sdelay $0x4  }
0x164: {  	v5 =	vld.idx.msk [tilespmem:v5+s15+$0x0], $0xffff  }
0x165: {  	v6 =	vor.u32 v1, v4;
	_ =	sdelay $0x2  }
0x166: {  	s25 =	sadd.s32 $0x80, s18  }
0x167: {  	[tilespmem:s25+$0xFFFFFFE0] =	vst v5  }
0x168: {  	v5 =	vld.idx.msk [tilespmem:v6+s15+$0x0], $0xffff  }
0x169: {  	v6 =	vor.u32 v2, v4;
	_ =	sdelay $0x3  }
0x16a: {  	[tilespmem:s25+$0xFFFFFFF0] =	vst v5  }
0x16b: {  	v5 =	vld.idx.msk [tilespmem:v6+s15+$0x0], $0xffff  }
0x16c: {  	v4 =	vor.u32 v3, v4;
	_ =	sdelay $0x3  }
0x16d: {  	[tilespmem:s25+$0x0] =	vst v5  }
0x16e: {  	v4 =	vld.idx.msk [tilespmem:v4+s15+$0x0], $0xffff;
	_ =	sdelay $0x4  }
0x16f: {  	s26 =	simm.s32 $0x0;
	[tilespmem:s25+$0x10] =	vst v4  }
0x170: {  	[hbm4b:s9+s26] =	stream.linear.scatter [tilespmem:s16], [sflag:$0x2], $0x2000, $0x38;
	[tilespmem:$0x12080] =	vst v63  }
0x171: {  	_ =	swait.ge [sflag:s13], $0x2000  }
0x172: {  	[sflag:s13] =	ssyncset.done $0x0  }
0x173: {  	[sflag:s13] =	ssyncadd.s32 $0xFFFFE000  }
0x174: {  	[tilespmem:s26], [sflag:$0x2] =	stream.linear.gather [hbm4b:s10+s26], $0x40, $0x38;
	[tilespmem:$0x12080] =	vst v63  }
0x175: {  	_ =	swait.ge [sflag:s13], $0x40  }
0x176: {  	[sflag:s13] =	ssyncset.done $0x0  }
0x177: {  	s28 =	sand.u32 $0x30, s26;
	[sflag:s13] =	ssyncadd.s32 $0xFFFFFFC0  }
0x178: {  	v4 =	vld [tilespmem:s28+$0x0];
	_ =	sdelay $0x2  }
0x179: {  	s18 =	sand.u32 $0xF, s26  }
0x17a: {  	v5 =	vmov s18  }
0x17b: {  	vm0 =	veq.s32 v5, v0;
	v4 =	vxor.u32 $0x80000000, v4  }
0x17c: {  	v4 =	vnsel vm0, $0x80000000, v4  }
0x17d: {  	(xrf0) =	vmax.scan.msk.u32 $0xffff, v4;
	_ =	sdelay $0x5  }
0x17e: {  	v4, _, _ =	vpop (xrf0)  }
0x17f: {  	(v2sf) =	vpush v4, $0xF;
	_ =	sdelay $0xe  }
0x180: {  	s29 =	spop (v2sf)  }
0x181: {  	s18 =	sshll.u32 s29, $0x4  }
0x182: {  	s19 =	simm.s32 $0x1;
	s30 =	sand.u32 $0x1FFFFF80, s18  }
0x183: {  	s31 =	sand.u32 $0x30, s19;
	s18 =	simm.s32 $0x80;
	s20 =	sadd.s32 s3, s30  }
0x184: {  	[tilespmem:s18], [sflag:$0x1] =	stream.linear.gather [hbm4b:s20+s1], $0x400, $0x38;
	[tilespmem:$0x12080] =	vst v63  }
0x185: {  	s20 =	simm.s32 $0x2;
	v4 =	vld [tilespmem:s31+$0x0]  }
.LBB2_20:
0x186: {  	p0 =	sne.s32 s20, $0x3F;
	_ =	sdelay $0x1  }
0x187: {  	s21 =	sand.u32 $0xF, s19;
	s19 =	smov.u32 s20  }
0x188: {  	v5 =	vmov s21  }
0x189: {  	vm0 =	veq.s32 v5, v0;
	v4 =	vxor.u32 $0x80000000, v4  }
0x18a: {  	v4 =	vnsel vm0, $0x80000000, v4  }
0x18b: {  	(xrf0) =	vmax.scan.msk.u32 $0xffff, v4;
	_ =	sdelay $0x5  }
0x18c: {  	v4, _, _ =	vpop (xrf0)  }
0x18d: {  	(v2sf) =	vpush v4, $0xF;
	_ =	sdelay $0xe  }
0x18e: {  	s21 =	spop (v2sf)  }
.Ltmp9:
0x18f: {  	s21 =	sshll.u32 s21, $0x4;
	(pc) =	sbr.rel @p0 .LBB2_20-.Ltmp9, $4  }
0x190: {  	s21 =	sand.u32 $0x1FFFFF80, s21  }
0x191: {  	s22 =	sand.u32 $0x30, s20;
	s18 =	sadd.s32 $0x400, s18;
	s21 =	sadd.s32 s3, s21  }
0x192: {  	[tilespmem:s18], [sflag:$0x1] =	stream.linear.gather [hbm4b:s21+s1], $0x400, $0x38;
	[tilespmem:$0x12080] =	vst v63  }
0x193: {  	s20 =	sadd.s32 $0x1, s20;
	v4 =	vld [tilespmem:s22+$0x0]  }
0x194: {  	_ =	sdelay $0x1  }
0x195: {  	s19 =	sand.u32 $0xF, s19  }
0x196: {  	v5 =	vmov s19  }
0x197: {  	vm0 =	veq.s32 v5, v0;
	v4 =	vxor.u32 $0x80000000, v4  }
0x198: {  	v4 =	vnsel vm0, $0x80000000, v4  }
0x199: {  	(xrf0) =	vmax.scan.msk.u32 $0xffff, v4;
	_ =	sdelay $0x5  }
0x19a: {  	v4, _, _ =	vpop (xrf0)  }
0x19b: {  	(v2sf) =	vpush v4, $0xF;
	_ =	sdelay $0xe  }
0x19c: {  	s31 =	spop (v2sf)  }
0x19d: {  	s19 =	sshll.u32 s31, $0x4  }
0x19e: {  	s19 =	sand.u32 $0x1FFFFF80, s19  }
0x19f: {  	s18 =	sadd.s32 $0x400, s18;
	s19 =	sadd.s32 s3, s19  }
0x1a0: {  	[tilespmem:s18], [sflag:$0x1] =	stream.linear.gather [hbm4b:s19+s1], $0x400, $0x38;
	[tilespmem:$0x12080] =	vst v63  }
0x1a1: {  	s18 =	simm.s32 $0x40  }
.LBB2_22:
0x1a2: {  	p0 =	sne.s32 s18, $0x1  }
.Ltmp10:
0x1a3: {  	_ = 	snop;
	(pc) =	sbr.rel @p0 .LBB2_22-.Ltmp10, $4  }
0x1a4: {  	_ = 	snop  }
0x1a5: {  	_ =	swait.ge [sflag:s14], $0x400  }
0x1a6: {  	[sflag:s14] =	ssyncset.done $0x0  }
0x1a7: {  	s18 =	sadd.s32 $0xFFFFFFFF, s18;
	[sflag:s14] =	ssyncadd.s32 $0xFFFFFC00  }
0x1a8: {  	s18 =	simm.s32 $0x0  }
0x1a9: {  	s19 =	sand.u32 $0x30, s18  }
0x1aa: {  	v4 =	vld [tilespmem:s19+$0x0];
	_ =	sdelay $0x3  }
0x1ab: {  	v5 =	vmov s18  }
0x1ac: {  	v4 =	vperm.xlane v4, v5;
	_ =	sdelay $0x1  }
0x1ad: {  	v4 =	vshll.u32 v4, $0x7  }
0x1ae: {  	s31 =	simm.s32 $0x0;
	v4 =	vand.u32 $0x380, v4  }
0x1af: {  	v4 =	vor.u32 s31, v4  }
0x1b0: {  	v5 =	vor.u32 v0, v4;
	_ =	sdelay $0x4  }
0x1b1: {  	v5 =	vld.idx.msk [tilespmem:v5+s15+$0x0], $0xffff  }
0x1b2: {  	v6 =	vor.u32 v1, v4;
	_ =	sdelay $0x2  }
0x1b3: {  	s18 =	simm.s32 $0x100A0  }
0x1b4: {  	[tilespmem:s18+$0xFFFFFFE0] =	vst v5  }
0x1b5: {  	v5 =	vld.idx.msk [tilespmem:v6+s15+$0x0], $0xffff  }
0x1b6: {  	v6 =	vor.u32 v2, v4;
	_ =	sdelay $0x3  }
0x1b7: {  	[tilespmem:s18+$0xFFFFFFF0] =	vst v5  }
0x1b8: {  	v5 =	vld.idx.msk [tilespmem:v6+s15+$0x0], $0xffff  }
0x1b9: {  	v4 =	vor.u32 v3, v4;
	_ =	sdelay $0x3  }
0x1ba: {  	[tilespmem:s18+$0x0] =	vst v5  }
0x1bb: {  	s20 =	simm.s32 $0x2;
	s19 =	simm.s32 $0x1;
	v4 =	vld.idx.msk [tilespmem:v4+s15+$0x0], $0xffff  }
.LBB2_24:
0x1bc: {  	_ =	sdelay $0x2  }
0x1bd: {  	s21 =	sand.u32 $0x30, s19  }
0x1be: {  	s22 =	smov.u32 s20;
	s23 =	sadd.s32 $0x1, s20;
	[tilespmem:s18+$0x10] =	vst v4;
	s18 =	sadd.s32 $0x80, s18  }
0x1bf: {  	p0 =	sne.s32 s20, $0x3F;
	v4 =	vld [tilespmem:s21+$0x0];
	_ =	sdelay $0x3  }
0x1c0: {  	v5 =	vmov s19  }
0x1c1: {  	v4 =	vperm.xlane v4, v5;
	_ =	sdelay $0x1  }
0x1c2: {  	v4 =	vshll.u32 v4, $0x7  }
0x1c3: {  	s20 =	sshll.u32 s19, $0xA;
	s19 =	smov.u32 s22;
	v4 =	vand.u32 $0x380, v4  }
0x1c4: {  	v4 =	vor.u32 s20, v4  }
0x1c5: {  	v5 =	vor.u32 v0, v4;
	_ =	sdelay $0x4  }
0x1c6: {  	v5 =	vld.idx.msk [tilespmem:v5+s15+$0x0], $0xffff;
	_ =	sdelay $0x1  }
0x1c7: {  	v6 =	vor.u32 v1, v4;
	_ =	sdelay $0x3  }
0x1c8: {  	[tilespmem:s18+$0xFFFFFFE0] =	vst v5  }
0x1c9: {  	v5 =	vld.idx.msk [tilespmem:v6+s15+$0x0], $0xffff;
	_ =	sdelay $0x1  }
0x1ca: {  	v6 =	vor.u32 v2, v4;
	_ =	sdelay $0x3  }
0x1cb: {  	[tilespmem:s18+$0xFFFFFFF0] =	vst v5  }
0x1cc: {  	v5 =	vld.idx.msk [tilespmem:v6+s15+$0x0], $0xffff;
	_ =	sdelay $0x1  }
0x1cd: {  	v4 =	vor.u32 v3, v4  }
.Ltmp11:
0x1ce: {  	(pc) =	sbr.rel @p0 .LBB2_24-.Ltmp11, $3  }
0x1cf: {  	_ =	sdelay $0x1  }
0x1d0: {  	[tilespmem:s18+$0x0] =	vst v5  }
0x1d1: {  	s20 =	smov.u32 s23;
	v4 =	vld.idx.msk [tilespmem:v4+s15+$0x0], $0xffff  }
0x1d2: {  	_ =	sdelay $0x3  }
0x1d3: {  	s20 =	sand.u32 $0x30, s19;
	[tilespmem:s18+$0x10] =	vst v4  }
0x1d4: {  	v4 =	vld [tilespmem:s20+$0x0];
	_ =	sdelay $0x3  }
0x1d5: {  	v5 =	vmov s19  }
0x1d6: {  	v4 =	vperm.xlane v4, v5;
	_ =	sdelay $0x1  }
0x1d7: {  	v4 =	vshll.u32 v4, $0x7  }
0x1d8: {  	s30 =	sshll.u32 s19, $0xA;
	v4 =	vand.u32 $0x380, v4  }
0x1d9: {  	v4 =	vor.u32 s30, v4  }
0x1da: {  	v5 =	vor.u32 v0, v4;
	_ =	sdelay $0x4  }
0x1db: {  	v5 =	vld.idx.msk [tilespmem:v5+s15+$0x0], $0xffff  }
0x1dc: {  	v6 =	vor.u32 v1, v4;
	_ =	sdelay $0x2  }
0x1dd: {  	s31 =	sadd.s32 $0x80, s18  }
0x1de: {  	[tilespmem:s31+$0xFFFFFFE0] =	vst v5  }
0x1df: {  	v5 =	vld.idx.msk [tilespmem:v6+s15+$0x0], $0xffff  }
0x1e0: {  	v63 =	vor.u32 v2, v4;
	_ =	sdelay $0x3  }
0x1e1: {  	[tilespmem:s31+$0xFFFFFFF0] =	vst v5  }
0x1e2: {  	v5 =	vld.idx.msk [tilespmem:v63+s15+$0x0], $0xffff  }
0x1e3: {  	v4 =	vor.u32 v3, v4;
	_ =	sdelay $0x3  }
0x1e4: {  	[tilespmem:s31+$0x0] =	vst v5  }
0x1e5: {  	v4 =	vld.idx.msk [tilespmem:v4+s15+$0x0], $0xffff;
	_ =	sdelay $0x2  }
0x1e6: {  	s17 =	sadd.s32 $0x1, s17  }
0x1e7: {  	p0 =	sne.s32 s17, s12  }
.Ltmp12:
0x1e8: {  	[tilespmem:s31+$0x10] =	vst v4;
	(pc) =	sbr.rel @p0 .LBB2_1-.Ltmp12, $4  }
0x1e9: {  	[hbm4b:s11+s1] =	stream.linear.scatter [tilespmem:s16], [sflag:$0x2], $0x2000, $0x38;
	[tilespmem:$0x12080] =	vst v63  }
0x1ea: {  	_ =	swait.ge [sflag:s13], $0x2000  }
0x1eb: {  	[sflag:s13] =	ssyncset.done $0x0  }
0x1ec: {  	[sflag:s13] =	ssyncadd.s32 $0xFFFFE000  }
0x1ed: {  	_ =	sfence.sel $0x180000  }
0x1ee: {  	[bflag:$0x0] =	sbarrier.arrive $0xFFFF  }
0x1ef: {  	p0 =	sne.s32 s2, $0x0;
	_ =	strace $0x90000047  }
0x1f0: {  	s0 =	sadd.s32 @!p0 $0x100000, s0;
	[bflag:$0x2] =	sbarrier.arrive $0xFFFF  }
0x1f1: {  	[sflag:s0] =	ssyncadd.tile.s32 @!p0 $0x1;
	_ =	shalt  }
.Lfunc_end2:
_tile_overlayer_lowered:
.L_overlay_start_2:
0x1f2: {  	(tag) =	ssettag $0x2  }
0x1f3: {  	s0 =	rddreg [dreg:$0x0];
	s2 =	stileid.u32  }
0x1f4: {  	s1 =	rddreg [dreg:$0x1];
	p0 =	sne.s32 s2, $0x0  }
0x1f5: {  	s3 =	rddreg [dreg:$0x2];
	[bflag:$0x3] =	sbarrier.arrive $0xFFFF;
	s2 =	simm.s32 @!p0 $0x1C02  }
0x1f6: {  	[timem:s3], [sflag:s2] =	dma.local @!p0 [hbm:s0], s1  }
0x1f7: {  	s0 =	simm.s32 @!p0 $0x2  }
0x1f8: {  	_ =	swait.ge @!p0 [sflag:s0], s1  }
0x1f9: {  	s1 =	ssub.s32 @!p0 $0x0, s1;
	[sflag:s0] =	ssyncset.done @!p0 $0x0  }
0x1fa: {  	[sflag:s0] =	ssyncadd.s32 @!p0 s1  }
0x1fb: {  	[bflag:$0x3] =	sbarrier.arrive $0xFFFF  }
0x1fc: {  	_ =	shalt  }

</sc_bundles>
